<compile_context>
chip_gen: v7x
topology: tpu7x:2x2x1
jax: 0.10.2.dev20260603
libtpu: 0.0.44.dev20260713+nightly
codegen_flags: <defaults>
</compile_context>

<pallas_src>
import functools

import jax
import jax.numpy as jnp
from jax import lax
from jax.experimental import pallas as pl
from jax.experimental.pallas import tpu as pltpu
from jax.experimental.pallas import tpu_sc as plsc

B = 16384
D = 32
NC = 2
NS = 16
NW = NC * NS
BPW = B // NW
NCHUNK = 4
CHUNK = BPW // NCHUNK
VPC = CHUNK // 16
SLOTS = 8
NGRP = BPW // 16


def _body(user_hbm, item_hbm, ut_hbm, it_hbm, out_hbm,
          oidx_u, oidx_v, buf_u, buf_v, out_v, sem_idx, sem_col):
    wid = lax.axis_index("s") * NC + lax.axis_index("c")
    base = wid * BPW

    idx_cps = []
    for j in range(NCHUNK):
        idx_cps.append(pltpu.async_copy(
            user_hbm.at[pl.ds(base + j * CHUNK, CHUNK)], oidx_u.at[j], sem_idx))
        idx_cps.append(pltpu.async_copy(
            item_hbm.at[pl.ds(base + j * CHUNK, CHUNK)], oidx_v.at[j], sem_idx))
    for cp in idx_cps:
        cp.wait()

    lane = lax.iota(jnp.int32, 16)

    def idx_vecs(g):
        j = g // VPC
        off = (g % VPC) * 16
        return oidx_u[j, pl.ds(off, 16)], oidx_v[j, pl.ds(off, 16)]

    def extract(vec, i):
        return jnp.sum(jnp.where(lane == i, vec, 0))

    def fire(cu, cv, s):
        cu_blk = pl.multiple_of((cu >> 7) * 128, 128)
        cv_blk = pl.multiple_of((cv >> 7) * 128, 128)
        pltpu.async_copy(
            ut_hbm.at[:, pl.ds(cu_blk, 128)], buf_u.at[s], sem_col)
        pltpu.async_copy(
            it_hbm.at[:, pl.ds(cv_blk, 128)], buf_v.at[s], sem_col)

    iu0, iv0 = idx_vecs(0)
    for i in range(SLOTS):
        fire(extract(iu0, i), extract(iv0, i), i)

    def group(g, carry):
        iu, iv = idx_vecs(g)
        iu_next, iv_next = idx_vecs((g + 1) % NGRP)
        acc = jnp.zeros((16,), jnp.float32)
        for i in range(16):
            r = g * 16 + i
            s = r % SLOTS
            pltpu.make_async_copy(
                ut_hbm.at[:, pl.ds(0, 128)], buf_u.at[s], sem_col).wait()
            pltpu.make_async_copy(
                it_hbm.at[:, pl.ds(0, 128)], buf_v.at[s], sem_col).wait()
            cu = extract(iu, i)
            cv = extract(iv, i)
            cu_lo = jnp.full((16,), cu & 127, jnp.int32)
            cv_lo = jnp.full((16,), cv & 127, jnp.int32)
            svec = jnp.full((16,), s, jnp.int32)
            u0 = plsc.load_gather(buf_u, [svec, lane, cu_lo])
            u1 = plsc.load_gather(buf_u, [svec, lane + 16, cu_lo])
            v0 = plsc.load_gather(buf_v, [svec, lane, cv_lo])
            v1 = plsc.load_gather(buf_v, [svec, lane + 16, cv_lo])
            total = jnp.sum(u0 * v0 + u1 * v1)
            acc = jnp.where(lane == i, total, acc)

            @pl.when(r + SLOTS < BPW)
            def _():
                if i < 16 - SLOTS:
                    cu_n = extract(iu, i + SLOTS)
                    cv_n = extract(iv, i + SLOTS)
                else:
                    cu_n = extract(iu_next, i + SLOTS - 16)
                    cv_n = extract(iv_next, i + SLOTS - 16)
                fire(cu_n, cv_n, s)

        out_v[pl.ds(g * 16, 16)] = acc
        return carry

    lax.fori_loop(0, NGRP, group, 0)
    pltpu.sync_copy(out_v, out_hbm.at[pl.ds(base, BPW)])


@functools.partial(
    pl.kernel,
    out_type=jax.ShapeDtypeStruct((B,), jnp.float32),
    mesh=plsc.VectorSubcoreMesh(core_axis_name="c", subcore_axis_name="s"),
    compiler_params=pltpu.CompilerParams(needs_layout_passes=False),
    scratch_types=[
        pltpu.VMEM((NCHUNK, CHUNK), jnp.int32),
        pltpu.VMEM((NCHUNK, CHUNK), jnp.int32),
        pltpu.VMEM((SLOTS, D, 128), jnp.float32),
        pltpu.VMEM((SLOTS, D, 128), jnp.float32),
        pltpu.VMEM((BPW,), jnp.float32),
        pltpu.SemaphoreType.DMA,
        pltpu.SemaphoreType.DMA,
    ],
)
def _dot_kernel(user_hbm, item_hbm, ut_hbm, it_hbm, out_hbm,
                oidx_u, oidx_v, buf_u, buf_v, out_v, sem_idx, sem_col):
    _body(user_hbm, item_hbm, ut_hbm, it_hbm, out_hbm,
          oidx_u, oidx_v, buf_u, buf_v, out_v, sem_idx, sem_col)


def kernel(user, item, user_table, item_table):
    return _dot_kernel(user.astype(jnp.int32), item.astype(jnp.int32),
                       user_table.T, item_table.T)

# --- scband reference (transcript-rebuilt; emitter-appended) ---
"""Pipeline reference for scband-matrix-factorization-25228637897342 (READ-ONLY COPY).

The authoritative reference and input builder live on the scoring server;
editing this copy changes nothing except your own understanding.
"""

import jax, jax.numpy as jnp
import numpy as np

N_USERS = 1000000
N_ITEMS = 1000000
EMBED_DIM = 32
BATCH = 16384

def setup_inputs(seed: int = 0) -> dict:
    key = jax.random.key(seed)
    k1, k2, k3, k4 = jax.random.split(key, 4)
    user = jax.random.randint(k1, (BATCH,), 0, N_USERS, dtype=jnp.int64 if jax.config.jax_enable_x64 else jnp.int32)
    item = jax.random.randint(k2, (BATCH,), 0, N_ITEMS, dtype=jnp.int64 if jax.config.jax_enable_x64 else jnp.int32)
    user_table = jax.random.normal(k3, (N_USERS, EMBED_DIM), dtype=jnp.float32)
    item_table = jax.random.normal(k4, (N_ITEMS, EMBED_DIM), dtype=jnp.float32)
    return {"user": user, "item": item, "user_table": user_table, "item_table": item_table}

def reference(user, item, user_table, item_table):
    u = jnp.take(user_table, user, axis=0)
    v = jnp.take(item_table, item, axis=0)
    return (u * v).sum(axis=1)

if __name__ == "__main__":
    import jax
    _d = setup_inputs()
    print(jax.jit(kernel)(*tuple(_d.values())))

</pallas_src>

<mosaic_0001>
#map = affine_map<(d0, d1) -> (0)>
#map1 = affine_map<(d0, d1) -> (0, 0)>
module attributes {stable_mosaic.version = 14 : i64} {
  func.func @_dot_kernel(%arg0: i32, %arg1: i32, %arg2: memref<16384xi32, #tpu.memory_space<hbm>>, %arg3: memref<16384xi32, #tpu.memory_space<hbm>>, %arg4: memref<32x1000000xf32, #tpu.memory_space<hbm>>, %arg5: memref<32x1000000xf32, #tpu.memory_space<hbm>>, %arg6: memref<16384xf32, #tpu.memory_space<hbm>>, %arg7: memref<4x128xi32, #tpu.memory_space<vmem>>, %arg8: memref<4x128xi32, #tpu.memory_space<vmem>>, %arg9: memref<8x32x128xf32, #tpu.memory_space<vmem>>, %arg10: memref<8x32x128xf32, #tpu.memory_space<vmem>>, %arg11: memref<512xf32, #tpu.memory_space<vmem>>, %arg12: memref<!tpu.dma_semaphore, #tpu.memory_space<semaphore_mem>>, %arg13: memref<!tpu.dma_semaphore, #tpu.memory_space<semaphore_mem>>) attributes {dimension_semantics = [#tpu.dimension_semantics<core_parallel>, #tpu.dimension_semantics<subcore_parallel>], iteration_bounds = array<i64: 2, 16>, scalar_prefetch = 0 : i64, scratch_operands = 7 : i64, tpu.core_type = #tpu.core_type<sc_vector_subcore>, window_params = [{transform_indices = #map}, {transform_indices = #map}, {transform_indices = #map1}, {transform_indices = #map1}, {transform_indices = #map}]} {
    %mul3A = arith.constant 2 : i32
    %mul3A_0 = arith.muli %arg1, %mul3A : i32
    %add3A = arith.addi %mul3A_0, %arg0 : i32
    %mul3A_1 = arith.constant 512 : i32
    %mul3A_2 = arith.muli %add3A, %mul3A_1 : i32
    %add3A_3 = arith.constant 0 : i32
    %add3A_4 = arith.addi %mul3A_2, %add3A_3 : i32
    %dma_start3A = arith.constant 0 : i32
    %dma_start3A_5 = arith.constant 0 : i32
    %dma_start3A_6 = tpu.memref_slice %arg7[%dma_start3A, %dma_start3A_5] : memref<4x128xi32, #tpu.memory_space<vmem>> -> memref<1x128xi32, #tpu.memory_space<vmem>>
    %dma_start3A_7 = tpu.memref_squeeze %dma_start3A_6 : memref<1x128xi32, #tpu.memory_space<vmem>> -> memref<128xi32, #tpu.memory_space<vmem>>
    %dma_start3A_8 = tpu.memref_slice %arg2[%add3A_4] : memref<16384xi32, #tpu.memory_space<hbm>> -> memref<128xi32, #tpu.memory_space<hbm>>
    %dma_start3A_9 = arith.constant 0 : i32
    %dma_start3A_10 = tpu.memref_slice %arg7[%dma_start3A, %dma_start3A_9] : memref<4x128xi32, #tpu.memory_space<vmem>> -> memref<1x128xi32, #tpu.memory_space<vmem>>
    %dma_start3A_11 = tpu.memref_squeeze %dma_start3A_10 : memref<1x128xi32, #tpu.memory_space<vmem>> -> memref<128xi32, #tpu.memory_space<vmem>>
    %dma_start3A_12 = tpu.memref_slice %arg2[%add3A_4] : memref<16384xi32, #tpu.memory_space<hbm>> -> memref<128xi32, #tpu.memory_space<hbm>>
    tpu.enqueue_dma source(%dma_start3A_12 : memref<128xi32, #tpu.memory_space<hbm>>) target(%dma_start3A_11 : memref<128xi32, #tpu.memory_space<vmem>>) target_semaphore(%arg12 : memref<!tpu.dma_semaphore, #tpu.memory_space<semaphore_mem>>)
    %add3A_13 = arith.constant 0 : i32
    %add3A_14 = arith.addi %mul3A_2, %add3A_13 : i32
    %dma_start3A_15 = arith.constant 0 : i32
    %dma_start3A_16 = arith.constant 0 : i32
    %dma_start3A_17 = tpu.memref_slice %arg8[%dma_start3A_15, %dma_start3A_16] : memref<4x128xi32, #tpu.memory_space<vmem>> -> memref<1x128xi32, #tpu.memory_space<vmem>>
    %dma_start3A_18 = tpu.memref_squeeze %dma_start3A_17 : memref<1x128xi32, #tpu.memory_space<vmem>> -> memref<128xi32, #tpu.memory_space<vmem>>
    %dma_start3A_19 = tpu.memref_slice %arg3[%add3A_14] : memref<16384xi32, #tpu.memory_space<hbm>> -> memref<128xi32, #tpu.memory_space<hbm>>
    %dma_start3A_20 = arith.constant 0 : i32
    %dma_start3A_21 = tpu.memref_slice %arg8[%dma_start3A_15, %dma_start3A_20] : memref<4x128xi32, #tpu.memory_space<vmem>> -> memref<1x128xi32, #tpu.memory_space<vmem>>
    %dma_start3A_22 = tpu.memref_squeeze %dma_start3A_21 : memref<1x128xi32, #tpu.memory_space<vmem>> -> memref<128xi32, #tpu.memory_space<vmem>>
    %dma_start3A_23 = tpu.memref_slice %arg3[%add3A_14] : memref<16384xi32, #tpu.memory_space<hbm>> -> memref<128xi32, #tpu.memory_space<hbm>>
    tpu.enqueue_dma source(%dma_start3A_23 : memref<128xi32, #tpu.memory_space<hbm>>) target(%dma_start3A_22 : memref<128xi32, #tpu.memory_space<vmem>>) target_semaphore(%arg12 : memref<!tpu.dma_semaphore, #tpu.memory_space<semaphore_mem>>)
    %add3A_24 = arith.constant 128 : i32
    %add3A_25 = arith.addi %mul3A_2, %add3A_24 : i32
    %dma_start3A_26 = arith.constant 1 : i32
    %dma_start3A_27 = arith.constant 0 : i32
    %dma_start3A_28 = tpu.memref_slice %arg7[%dma_start3A_26, %dma_start3A_27] : memref<4x128xi32, #tpu.memory_space<vmem>> -> memref<1x128xi32, #tpu.memory_space<vmem>>
    %dma_start3A_29 = tpu.memref_squeeze %dma_start3A_28 : memref<1x128xi32, #tpu.memory_space<vmem>> -> memref<128xi32, #tpu.memory_space<vmem>>
    %dma_start3A_30 = tpu.memref_slice %arg2[%add3A_25] : memref<16384xi32, #tpu.memory_space<hbm>> -> memref<128xi32, #tpu.memory_space<hbm>>
    %dma_start3A_31 = arith.constant 0 : i32
    %dma_start3A_32 = tpu.memref_slice %arg7[%dma_start3A_26, %dma_start3A_31] : memref<4x128xi32, #tpu.memory_space<vmem>> -> memref<1x128xi32, #tpu.memory_space<vmem>>
    %dma_start3A_33 = tpu.memref_squeeze %dma_start3A_32 : memref<1x128xi32, #tpu.memory_space<vmem>> -> memref<128xi32, #tpu.memory_space<vmem>>
    %dma_start3A_34 = tpu.memref_slice %arg2[%add3A_25] : memref<16384xi32, #tpu.memory_space<hbm>> -> memref<128xi32, #tpu.memory_space<hbm>>
    tpu.enqueue_dma source(%dma_start3A_34 : memref<128xi32, #tpu.memory_space<hbm>>) target(%dma_start3A_33 : memref<128xi32, #tpu.memory_space<vmem>>) target_semaphore(%arg12 : memref<!tpu.dma_semaphore, #tpu.memory_space<semaphore_mem>>)
    %add3A_35 = arith.constant 128 : i32
    %add3A_36 = arith.addi %mul3A_2, %add3A_35 : i32
    %dma_start3A_37 = arith.constant 1 : i32
    %dma_start3A_38 = arith.constant 0 : i32
    %dma_start3A_39 = tpu.memref_slice %arg8[%dma_start3A_37, %dma_start3A_38] : memref<4x128xi32, #tpu.memory_space<vmem>> -> memref<1x128xi32, #tpu.memory_space<vmem>>
    %dma_start3A_40 = tpu.memref_squeeze %dma_start3A_39 : memref<1x128xi32, #tpu.memory_space<vmem>> -> memref<128xi32, #tpu.memory_space<vmem>>
    %dma_start3A_41 = tpu.memref_slice %arg3[%add3A_36] : memref<16384xi32, #tpu.memory_space<hbm>> -> memref<128xi32, #tpu.memory_space<hbm>>
    %dma_start3A_42 = arith.constant 0 : i32
    %dma_start3A_43 = tpu.memref_slice %arg8[%dma_start3A_37, %dma_start3A_42] : memref<4x128xi32, #tpu.memory_space<vmem>> -> memref<1x128xi32, #tpu.memory_space<vmem>>
    %dma_start3A_44 = tpu.memref_squeeze %dma_start3A_43 : memref<1x128xi32, #tpu.memory_space<vmem>> -> memref<128xi32, #tpu.memory_space<vmem>>
    %dma_start3A_45 = tpu.memref_slice %arg3[%add3A_36] : memref<16384xi32, #tpu.memory_space<hbm>> -> memref<128xi32, #tpu.memory_space<hbm>>
    tpu.enqueue_dma source(%dma_start3A_45 : memref<128xi32, #tpu.memory_space<hbm>>) target(%dma_start3A_44 : memref<128xi32, #tpu.memory_space<vmem>>) target_semaphore(%arg12 : memref<!tpu.dma_semaphore, #tpu.memory_space<semaphore_mem>>)
    %add3A_46 = arith.constant 256 : i32
    %add3A_47 = arith.addi %mul3A_2, %add3A_46 : i32
    %dma_start3A_48 = arith.constant 2 : i32
    %dma_start3A_49 = arith.constant 0 : i32
    %dma_start3A_50 = tpu.memref_slice %arg7[%dma_start3A_48, %dma_start3A_49] : memref<4x128xi32, #tpu.memory_space<vmem>> -> memref<1x128xi32, #tpu.memory_space<vmem>>
    %dma_start3A_51 = tpu.memref_squeeze %dma_start3A_50 : memref<1x128xi32, #tpu.memory_space<vmem>> -> memref<128xi32, #tpu.memory_space<vmem>>
    %dma_start3A_52 = tpu.memref_slice %arg2[%add3A_47] : memref<16384xi32, #tpu.memory_space<hbm>> -> memref<128xi32, #tpu.memory_space<hbm>>
    %dma_start3A_53 = arith.constant 0 : i32
    %dma_start3A_54 = tpu.memref_slice %arg7[%dma_start3A_48, %dma_start3A_53] : memref<4x128xi32, #tpu.memory_space<vmem>> -> memref<1x128xi32, #tpu.memory_space<vmem>>
    %dma_start3A_55 = tpu.memref_squeeze %dma_start3A_54 : memref<1x128xi32, #tpu.memory_space<vmem>> -> memref<128xi32, #tpu.memory_space<vmem>>
    %dma_start3A_56 = tpu.memref_slice %arg2[%add3A_47] : memref<16384xi32, #tpu.memory_space<hbm>> -> memref<128xi32, #tpu.memory_space<hbm>>
    tpu.enqueue_dma source(%dma_start3A_56 : memref<128xi32, #tpu.memory_space<hbm>>) target(%dma_start3A_55 : memref<128xi32, #tpu.memory_space<vmem>>) target_semaphore(%arg12 : memref<!tpu.dma_semaphore, #tpu.memory_space<semaphore_mem>>)
    %add3A_57 = arith.constant 256 : i32
    %add3A_58 = arith.addi %mul3A_2, %add3A_57 : i32
    %dma_start3A_59 = arith.constant 2 : i32
    %dma_start3A_60 = arith.constant 0 : i32
    %dma_start3A_61 = tpu.memref_slice %arg8[%dma_start3A_59, %dma_start3A_60] : memref<4x128xi32, #tpu.memory_space<vmem>> -> memref<1x128xi32, #tpu.memory_space<vmem>>
    %dma_start3A_62 = tpu.memref_squeeze %dma_start3A_61 : memref<1x128xi32, #tpu.memory_space<vmem>> -> memref<128xi32, #tpu.memory_space<vmem>>
    %dma_start3A_63 = tpu.memref_slice %arg3[%add3A_58] : memref<16384xi32, #tpu.memory_space<hbm>> -> memref<128xi32, #tpu.memory_space<hbm>>
    %dma_start3A_64 = arith.constant 0 : i32
    %dma_start3A_65 = tpu.memref_slice %arg8[%dma_start3A_59, %dma_start3A_64] : memref<4x128xi32, #tpu.memory_space<vmem>> -> memref<1x128xi32, #tpu.memory_space<vmem>>
    %dma_start3A_66 = tpu.memref_squeeze %dma_start3A_65 : memref<1x128xi32, #tpu.memory_space<vmem>> -> memref<128xi32, #tpu.memory_space<vmem>>
    %dma_start3A_67 = tpu.memref_slice %arg3[%add3A_58] : memref<16384xi32, #tpu.memory_space<hbm>> -> memref<128xi32, #tpu.memory_space<hbm>>
    tpu.enqueue_dma source(%dma_start3A_67 : memref<128xi32, #tpu.memory_space<hbm>>) target(%dma_start3A_66 : memref<128xi32, #tpu.memory_space<vmem>>) target_semaphore(%arg12 : memref<!tpu.dma_semaphore, #tpu.memory_space<semaphore_mem>>)
    %add3A_68 = arith.constant 384 : i32
    %add3A_69 = arith.addi %mul3A_2, %add3A_68 : i32
    %dma_start3A_70 = arith.constant 3 : i32
    %dma_start3A_71 = arith.constant 0 : i32
    %dma_start3A_72 = tpu.memref_slice %arg7[%dma_start3A_70, %dma_start3A_71] : memref<4x128xi32, #tpu.memory_space<vmem>> -> memref<1x128xi32, #tpu.memory_space<vmem>>
    %dma_start3A_73 = tpu.memref_squeeze %dma_start3A_72 : memref<1x128xi32, #tpu.memory_space<vmem>> -> memref<128xi32, #tpu.memory_space<vmem>>
    %dma_start3A_74 = tpu.memref_slice %arg2[%add3A_69] : memref<16384xi32, #tpu.memory_space<hbm>> -> memref<128xi32, #tpu.memory_space<hbm>>
    %dma_start3A_75 = arith.constant 0 : i32
    %dma_start3A_76 = tpu.memref_slice %arg7[%dma_start3A_70, %dma_start3A_75] : memref<4x128xi32, #tpu.memory_space<vmem>> -> memref<1x128xi32, #tpu.memory_space<vmem>>
    %dma_start3A_77 = tpu.memref_squeeze %dma_start3A_76 : memref<1x128xi32, #tpu.memory_space<vmem>> -> memref<128xi32, #tpu.memory_space<vmem>>
    %dma_start3A_78 = tpu.memref_slice %arg2[%add3A_69] : memref<16384xi32, #tpu.memory_space<hbm>> -> memref<128xi32, #tpu.memory_space<hbm>>
    tpu.enqueue_dma source(%dma_start3A_78 : memref<128xi32, #tpu.memory_space<hbm>>) target(%dma_start3A_77 : memref<128xi32, #tpu.memory_space<vmem>>) target_semaphore(%arg12 : memref<!tpu.dma_semaphore, #tpu.memory_space<semaphore_mem>>)
    %add3A_79 = arith.constant 384 : i32
    %add3A_80 = arith.addi %mul3A_2, %add3A_79 : i32
    %dma_start3A_81 = arith.constant 3 : i32
    %dma_start3A_82 = arith.constant 0 : i32
    %dma_start3A_83 = tpu.memref_slice %arg8[%dma_start3A_81, %dma_start3A_82] : memref<4x128xi32, #tpu.memory_space<vmem>> -> memref<1x128xi32, #tpu.memory_space<vmem>>
    %dma_start3A_84 = tpu.memref_squeeze %dma_start3A_83 : memref<1x128xi32, #tpu.memory_space<vmem>> -> memref<128xi32, #tpu.memory_space<vmem>>
    %dma_start3A_85 = tpu.memref_slice %arg3[%add3A_80] : memref<16384xi32, #tpu.memory_space<hbm>> -> memref<128xi32, #tpu.memory_space<hbm>>
    %dma_start3A_86 = arith.constant 0 : i32
    %dma_start3A_87 = tpu.memref_slice %arg8[%dma_start3A_81, %dma_start3A_86] : memref<4x128xi32, #tpu.memory_space<vmem>> -> memref<1x128xi32, #tpu.memory_space<vmem>>
    %dma_start3A_88 = tpu.memref_squeeze %dma_start3A_87 : memref<1x128xi32, #tpu.memory_space<vmem>> -> memref<128xi32, #tpu.memory_space<vmem>>
    %dma_start3A_89 = tpu.memref_slice %arg3[%add3A_80] : memref<16384xi32, #tpu.memory_space<hbm>> -> memref<128xi32, #tpu.memory_space<hbm>>
    tpu.enqueue_dma source(%dma_start3A_89 : memref<128xi32, #tpu.memory_space<hbm>>) target(%dma_start3A_88 : memref<128xi32, #tpu.memory_space<vmem>>) target_semaphore(%arg12 : memref<!tpu.dma_semaphore, #tpu.memory_space<semaphore_mem>>)
    %dma_wait3A = arith.constant 0 : i32
    %dma_wait3A_90 = arith.constant 0 : i32
    %dma_wait3A_91 = tpu.memref_slice %arg7[%dma_wait3A, %dma_wait3A_90] : memref<4x128xi32, #tpu.memory_space<vmem>> -> memref<1x128xi32, #tpu.memory_space<vmem>>
    %dma_wait3A_92 = tpu.memref_squeeze %dma_wait3A_91 : memref<1x128xi32, #tpu.memory_space<vmem>> -> memref<128xi32, #tpu.memory_space<vmem>>
    %dma_wait3A_93 = tpu.memref_slice %arg2[%add3A_4] : memref<16384xi32, #tpu.memory_space<hbm>> -> memref<128xi32, #tpu.memory_space<hbm>>
    %dma_wait3A_94 = arith.constant 0 : i32
    %dma_wait3A_95 = tpu.memref_slice %arg7[%dma_wait3A, %dma_wait3A_94] : memref<4x128xi32, #tpu.memory_space<vmem>> -> memref<1x128xi32, #tpu.memory_space<vmem>>
    %dma_wait3A_96 = tpu.memref_squeeze %dma_wait3A_95 : memref<1x128xi32, #tpu.memory_space<vmem>> -> memref<128xi32, #tpu.memory_space<vmem>>
    %dma_wait3A_97 = tpu.memref_slice %arg2[%add3A_4] : memref<16384xi32, #tpu.memory_space<hbm>> -> memref<128xi32, #tpu.memory_space<hbm>>
    tpu.wait_dma2 semaphore(%arg12 : memref<!tpu.dma_semaphore, #tpu.memory_space<semaphore_mem>>) src(%dma_wait3A_97 : memref<128xi32, #tpu.memory_space<hbm>>) dst(%dma_wait3A_96 : memref<128xi32, #tpu.memory_space<vmem>>)
    %dma_wait3A_98 = arith.constant 0 : i32
    %dma_wait3A_99 = arith.constant 0 : i32
    %dma_wait3A_100 = tpu.memref_slice %arg8[%dma_wait3A_98, %dma_wait3A_99] : memref<4x128xi32, #tpu.memory_space<vmem>> -> memref<1x128xi32, #tpu.memory_space<vmem>>
    %dma_wait3A_101 = tpu.memref_squeeze %dma_wait3A_100 : memref<1x128xi32, #tpu.memory_space<vmem>> -> memref<128xi32, #tpu.memory_space<vmem>>
    %dma_wait3A_102 = tpu.memref_slice %arg3[%add3A_14] : memref<16384xi32, #tpu.memory_space<hbm>> -> memref<128xi32, #tpu.memory_space<hbm>>
    %dma_wait3A_103 = arith.constant 0 : i32
    %dma_wait3A_104 = tpu.memref_slice %arg8[%dma_wait3A_98, %dma_wait3A_103] : memref<4x128xi32, #tpu.memory_space<vmem>> -> memref<1x128xi32, #tpu.memory_space<vmem>>
    %dma_wait3A_105 = tpu.memref_squeeze %dma_wait3A_104 : memref<1x128xi32, #tpu.memory_space<vmem>> -> memref<128xi32, #tpu.memory_space<vmem>>
    %dma_wait3A_106 = tpu.memref_slice %arg3[%add3A_14] : memref<16384xi32, #tpu.memory_space<hbm>> -> memref<128xi32, #tpu.memory_space<hbm>>
    tpu.wait_dma2 semaphore(%arg12 : memref<!tpu.dma_semaphore, #tpu.memory_space<semaphore_mem>>) src(%dma_wait3A_106 : memref<128xi32, #tpu.memory_space<hbm>>) dst(%dma_wait3A_105 : memref<128xi32, #tpu.memory_space<vmem>>)
    %dma_wait3A_107 = arith.constant 1 : i32
    %dma_wait3A_108 = arith.constant 0 : i32
    %dma_wait3A_109 = tpu.memref_slice %arg7[%dma_wait3A_107, %dma_wait3A_108] : memref<4x128xi32, #tpu.memory_space<vmem>> -> memref<1x128xi32, #tpu.memory_space<vmem>>
    %dma_wait3A_110 = tpu.memref_squeeze %dma_wait3A_109 : memref<1x128xi32, #tpu.memory_space<vmem>> -> memref<128xi32, #tpu.memory_space<vmem>>
    %dma_wait3A_111 = tpu.memref_slice %arg2[%add3A_25] : memref<16384xi32, #tpu.memory_space<hbm>> -> memref<128xi32, #tpu.memory_space<hbm>>
    %dma_wait3A_112 = arith.constant 0 : i32
    %dma_wait3A_113 = tpu.memref_slice %arg7[%dma_wait3A_107, %dma_wait3A_112] : memref<4x128xi32, #tpu.memory_space<vmem>> -> memref<1x128xi32, #tpu.memory_space<vmem>>
    %dma_wait3A_114 = tpu.memref_squeeze %dma_wait3A_113 : memref<1x128xi32, #tpu.memory_space<vmem>> -> memref<128xi32, #tpu.memory_space<vmem>>
    %dma_wait3A_115 = tpu.memref_slice %arg2[%add3A_25] : memref<16384xi32, #tpu.memory_space<hbm>> -> memref<128xi32, #tpu.memory_space<hbm>>
    tpu.wait_dma2 semaphore(%arg12 : memref<!tpu.dma_semaphore, #tpu.memory_space<semaphore_mem>>) src(%dma_wait3A_115 : memref<128xi32, #tpu.memory_space<hbm>>) dst(%dma_wait3A_114 : memref<128xi32, #tpu.memory_space<vmem>>)
    %dma_wait3A_116 = arith.constant 1 : i32
    %dma_wait3A_117 = arith.constant 0 : i32
    %dma_wait3A_118 = tpu.memref_slice %arg8[%dma_wait3A_116, %dma_wait3A_117] : memref<4x128xi32, #tpu.memory_space<vmem>> -> memref<1x128xi32, #tpu.memory_space<vmem>>
    %dma_wait3A_119 = tpu.memref_squeeze %dma_wait3A_118 : memref<1x128xi32, #tpu.memory_space<vmem>> -> memref<128xi32, #tpu.memory_space<vmem>>
    %dma_wait3A_120 = tpu.memref_slice %arg3[%add3A_36] : memref<16384xi32, #tpu.memory_space<hbm>> -> memref<128xi32, #tpu.memory_space<hbm>>
    %dma_wait3A_121 = arith.constant 0 : i32
    %dma_wait3A_122 = tpu.memref_slice %arg8[%dma_wait3A_116, %dma_wait3A_121] : memref<4x128xi32, #tpu.memory_space<vmem>> -> memref<1x128xi32, #tpu.memory_space<vmem>>
    %dma_wait3A_123 = tpu.memref_squeeze %dma_wait3A_122 : memref<1x128xi32, #tpu.memory_space<vmem>> -> memref<128xi32, #tpu.memory_space<vmem>>
    %dma_wait3A_124 = tpu.memref_slice %arg3[%add3A_36] : memref<16384xi32, #tpu.memory_space<hbm>> -> memref<128xi32, #tpu.memory_space<hbm>>
    tpu.wait_dma2 semaphore(%arg12 : memref<!tpu.dma_semaphore, #tpu.memory_space<semaphore_mem>>) src(%dma_wait3A_124 : memref<128xi32, #tpu.memory_space<hbm>>) dst(%dma_wait3A_123 : memref<128xi32, #tpu.memory_space<vmem>>)
    %dma_wait3A_125 = arith.constant 2 : i32
    %dma_wait3A_126 = arith.constant 0 : i32
    %dma_wait3A_127 = tpu.memref_slice %arg7[%dma_wait3A_125, %dma_wait3A_126] : memref<4x128xi32, #tpu.memory_space<vmem>> -> memref<1x128xi32, #tpu.memory_space<vmem>>
    %dma_wait3A_128 = tpu.memref_squeeze %dma_wait3A_127 : memref<1x128xi32, #tpu.memory_space<vmem>> -> memref<128xi32, #tpu.memory_space<vmem>>
    %dma_wait3A_129 = tpu.memref_slice %arg2[%add3A_47] : memref<16384xi32, #tpu.memory_space<hbm>> -> memref<128xi32, #tpu.memory_space<hbm>>
    %dma_wait3A_130 = arith.constant 0 : i32
    %dma_wait3A_131 = tpu.memref_slice %arg7[%dma_wait3A_125, %dma_wait3A_130] : memref<4x128xi32, #tpu.memory_space<vmem>> -> memref<1x128xi32, #tpu.memory_space<vmem>>
    %dma_wait3A_132 = tpu.memref_squeeze %dma_wait3A_131 : memref<1x128xi32, #tpu.memory_space<vmem>> -> memref<128xi32, #tpu.memory_space<vmem>>
    %dma_wait3A_133 = tpu.memref_slice %arg2[%add3A_47] : memref<16384xi32, #tpu.memory_space<hbm>> -> memref<128xi32, #tpu.memory_space<hbm>>
    tpu.wait_dma2 semaphore(%arg12 : memref<!tpu.dma_semaphore, #tpu.memory_space<semaphore_mem>>) src(%dma_wait3A_133 : memref<128xi32, #tpu.memory_space<hbm>>) dst(%dma_wait3A_132 : memref<128xi32, #tpu.memory_space<vmem>>)
    %dma_wait3A_134 = arith.constant 2 : i32
    %dma_wait3A_135 = arith.constant 0 : i32
    %dma_wait3A_136 = tpu.memref_slice %arg8[%dma_wait3A_134, %dma_wait3A_135] : memref<4x128xi32, #tpu.memory_space<vmem>> -> memref<1x128xi32, #tpu.memory_space<vmem>>
    %dma_wait3A_137 = tpu.memref_squeeze %dma_wait3A_136 : memref<1x128xi32, #tpu.memory_space<vmem>> -> memref<128xi32, #tpu.memory_space<vmem>>
    %dma_wait3A_138 = tpu.memref_slice %arg3[%add3A_58] : memref<16384xi32, #tpu.memory_space<hbm>> -> memref<128xi32, #tpu.memory_space<hbm>>
    %dma_wait3A_139 = arith.constant 0 : i32
    %dma_wait3A_140 = tpu.memref_slice %arg8[%dma_wait3A_134, %dma_wait3A_139] : memref<4x128xi32, #tpu.memory_space<vmem>> -> memref<1x128xi32, #tpu.memory_space<vmem>>
    %dma_wait3A_141 = tpu.memref_squeeze %dma_wait3A_140 : memref<1x128xi32, #tpu.memory_space<vmem>> -> memref<128xi32, #tpu.memory_space<vmem>>
    %dma_wait3A_142 = tpu.memref_slice %arg3[%add3A_58] : memref<16384xi32, #tpu.memory_space<hbm>> -> memref<128xi32, #tpu.memory_space<hbm>>
    tpu.wait_dma2 semaphore(%arg12 : memref<!tpu.dma_semaphore, #tpu.memory_space<semaphore_mem>>) src(%dma_wait3A_142 : memref<128xi32, #tpu.memory_space<hbm>>) dst(%dma_wait3A_141 : memref<128xi32, #tpu.memory_space<vmem>>)
    %dma_wait3A_143 = arith.constant 3 : i32
    %dma_wait3A_144 = arith.constant 0 : i32
    %dma_wait3A_145 = tpu.memref_slice %arg7[%dma_wait3A_143, %dma_wait3A_144] : memref<4x128xi32, #tpu.memory_space<vmem>> -> memref<1x128xi32, #tpu.memory_space<vmem>>
    %dma_wait3A_146 = tpu.memref_squeeze %dma_wait3A_145 : memref<1x128xi32, #tpu.memory_space<vmem>> -> memref<128xi32, #tpu.memory_space<vmem>>
    %dma_wait3A_147 = tpu.memref_slice %arg2[%add3A_69] : memref<16384xi32, #tpu.memory_space<hbm>> -> memref<128xi32, #tpu.memory_space<hbm>>
    %dma_wait3A_148 = arith.constant 0 : i32
    %dma_wait3A_149 = tpu.memref_slice %arg7[%dma_wait3A_143, %dma_wait3A_148] : memref<4x128xi32, #tpu.memory_space<vmem>> -> memref<1x128xi32, #tpu.memory_space<vmem>>
    %dma_wait3A_150 = tpu.memref_squeeze %dma_wait3A_149 : memref<1x128xi32, #tpu.memory_space<vmem>> -> memref<128xi32, #tpu.memory_space<vmem>>
    %dma_wait3A_151 = tpu.memref_slice %arg2[%add3A_69] : memref<16384xi32, #tpu.memory_space<hbm>> -> memref<128xi32, #tpu.memory_space<hbm>>
    tpu.wait_dma2 semaphore(%arg12 : memref<!tpu.dma_semaphore, #tpu.memory_space<semaphore_mem>>) src(%dma_wait3A_151 : memref<128xi32, #tpu.memory_space<hbm>>) dst(%dma_wait3A_150 : memref<128xi32, #tpu.memory_space<vmem>>)
    %dma_wait3A_152 = arith.constant 3 : i32
    %dma_wait3A_153 = arith.constant 0 : i32
    %dma_wait3A_154 = tpu.memref_slice %arg8[%dma_wait3A_152, %dma_wait3A_153] : memref<4x128xi32, #tpu.memory_space<vmem>> -> memref<1x128xi32, #tpu.memory_space<vmem>>
    %dma_wait3A_155 = tpu.memref_squeeze %dma_wait3A_154 : memref<1x128xi32, #tpu.memory_space<vmem>> -> memref<128xi32, #tpu.memory_space<vmem>>
    %dma_wait3A_156 = tpu.memref_slice %arg3[%add3A_80] : memref<16384xi32, #tpu.memory_space<hbm>> -> memref<128xi32, #tpu.memory_space<hbm>>
    %dma_wait3A_157 = arith.constant 0 : i32
    %dma_wait3A_158 = tpu.memref_slice %arg8[%dma_wait3A_152, %dma_wait3A_157] : memref<4x128xi32, #tpu.memory_space<vmem>> -> memref<1x128xi32, #tpu.memory_space<vmem>>
    %dma_wait3A_159 = tpu.memref_squeeze %dma_wait3A_158 : memref<1x128xi32, #tpu.memory_space<vmem>> -> memref<128xi32, #tpu.memory_space<vmem>>
    %dma_wait3A_160 = tpu.memref_slice %arg3[%add3A_80] : memref<16384xi32, #tpu.memory_space<hbm>> -> memref<128xi32, #tpu.memory_space<hbm>>
    tpu.wait_dma2 semaphore(%arg12 : memref<!tpu.dma_semaphore, #tpu.memory_space<semaphore_mem>>) src(%dma_wait3A_160 : memref<128xi32, #tpu.memory_space<hbm>>) dst(%dma_wait3A_159 : memref<128xi32, #tpu.memory_space<vmem>>)
    %iota3A = tpu.iota {dimensions = array<i32: 0>} : vector<16xi32>
    %get3A = arith.constant 0 : i32
    %get3A_161 = arith.index_cast %get3A : i32 to index
    %get3A_162 = arith.constant 0 : index
    %get3A_163 = tpu.vector_load %arg7[%get3A_161, %get3A_162] {strides = array<i32>} : memref<4x128xi32, #tpu.memory_space<vmem>>, vector<16xi32>,
    %get3A_164 = arith.constant 0 : i32
    %get3A_165 = arith.index_cast %get3A_164 : i32 to index
    %get3A_166 = arith.constant 0 : index
    %get3A_167 = tpu.vector_load %arg8[%get3A_165, %get3A_166] {strides = array<i32>} : memref<4x128xi32, #tpu.memory_space<vmem>>, vector<16xi32>,
    %eq3A = arith.constant 0 : i32
    %eq3A_168 = vector.broadcast %eq3A : i32 to vector<16xi32>
    %eq3A_169 = arith.cmpi eq, %iota3A, %eq3A_168 : vector<16xi32>
    %jit3A = arith.constant 0 : i32
    %broadcast_in_dim3A = vector.broadcast %jit3A : i32 to vector<16xi32>
    %select_n3A = arith.select %eq3A_169, %get3A_163, %broadcast_in_dim3A : vector<16xi1>, vector<16xi32>
    %reduce_sum3A = arith.constant true
    %reduce_sum3A_170 = vector.broadcast %reduce_sum3A : i1 to vector<16xi1>
    %reduce_sum3A_171 = tpu.scan <sum>, %select_n3A masked %reduce_sum3A_170 : vector<16xi32>, vector<16xi1> -> vector<16xi32>
    %reduce_sum3A_172 = vector.extract %reduce_sum3A_171[15] : i32 from vector<16xi32>
    %eq3A_173 = arith.constant 0 : i32
    %eq3A_174 = vector.broadcast %eq3A_173 : i32 to vector<16xi32>
    %eq3A_175 = arith.cmpi eq, %iota3A, %eq3A_174 : vector<16xi32>
    %jit3A_176 = arith.constant 0 : i32
    %broadcast_in_dim3A_177 = vector.broadcast %jit3A_176 : i32 to vector<16xi32>
    %select_n3A_178 = arith.select %eq3A_175, %get3A_167, %broadcast_in_dim3A_177 : vector<16xi1>, vector<16xi32>
    %reduce_sum3A_179 = arith.constant true
    %reduce_sum3A_180 = vector.broadcast %reduce_sum3A_179 : i1 to vector<16xi1>
    %reduce_sum3A_181 = tpu.scan <sum>, %select_n3A_178 masked %reduce_sum3A_180 : vector<16xi32>, vector<16xi1> -> vector<16xi32>
    %reduce_sum3A_182 = vector.extract %reduce_sum3A_181[15] : i32 from vector<16xi32>
    %shift_right_arithmetic3A = arith.constant 7 : i32
    %shift_right_arithmetic3A_183 = arith.shrsi %reduce_sum3A_172, %shift_right_arithmetic3A : i32
    %mul3A_184 = arith.constant 128 : i32
    %mul3A_185 = arith.muli %shift_right_arithmetic3A_183, %mul3A_184 : i32
    %multiple_of3A = tpu.assume_multiple %mul3A_185, 128 : i32
    %shift_right_arithmetic3A_186 = arith.constant 7 : i32
    %shift_right_arithmetic3A_187 = arith.shrsi %reduce_sum3A_182, %shift_right_arithmetic3A_186 : i32
    %mul3A_188 = arith.constant 128 : i32
    %mul3A_189 = arith.muli %shift_right_arithmetic3A_187, %mul3A_188 : i32
    %multiple_of3A_190 = tpu.assume_multiple %mul3A_189, 128 : i32
    %dma_start3A_191 = arith.constant 0 : i32
    %dma_start3A_192 = arith.constant 0 : i32
    %dma_start3A_193 = arith.constant 0 : i32
    %dma_start3A_194 = tpu.memref_slice %arg9[%dma_start3A_191, %dma_start3A_192, %dma_start3A_193] : memref<8x32x128xf32, #tpu.memory_space<vmem>> -> memref<1x32x128xf32, #tpu.memory_space<vmem>>
    %dma_start3A_195 = tpu.memref_squeeze %dma_start3A_194 : memref<1x32x128xf32, #tpu.memory_space<vmem>> -> memref<32x128xf32, #tpu.memory_space<vmem>>
    %dma_start3A_196 = arith.constant 0 : i32
    %dma_start3A_197 = tpu.memref_slice %arg4[%dma_start3A_196, %multiple_of3A] : memref<32x1000000xf32, #tpu.memory_space<hbm>> -> memref<32x128xf32, #tpu.memory_space<hbm>>
    %dma_start3A_198 = arith.constant 0 : i32
    %dma_start3A_199 = arith.constant 0 : i32
    %dma_start3A_200 = tpu.memref_slice %arg9[%dma_start3A_191, %dma_start3A_198, %dma_start3A_199] : memref<8x32x128xf32, #tpu.memory_space<vmem>> -> memref<1x32x128xf32, #tpu.memory_space<vmem>>
    %dma_start3A_201 = tpu.memref_squeeze %dma_start3A_200 : memref<1x32x128xf32, #tpu.memory_space<vmem>> -> memref<32x128xf32, #tpu.memory_space<vmem>>
    %dma_start3A_202 = arith.constant 0 : i32
    %dma_start3A_203 = tpu.memref_slice %arg4[%dma_start3A_202, %multiple_of3A] : memref<32x1000000xf32, #tpu.memory_space<hbm>> -> memref<32x128xf32, #tpu.memory_space<hbm>>
    tpu.enqueue_dma source(%dma_start3A_203 : memref<32x128xf32, #tpu.memory_space<hbm>>) target(%dma_start3A_201 : memref<32x128xf32, #tpu.memory_space<vmem>>) target_semaphore(%arg13 : memref<!tpu.dma_semaphore, #tpu.memory_space<semaphore_mem>>)
    %dma_start3A_204 = arith.constant 0 : i32
    %dma_start3A_205 = arith.constant 0 : i32
    %dma_start3A_206 = arith.constant 0 : i32
    %dma_start3A_207 = tpu.memref_slice %arg10[%dma_start3A_204, %dma_start3A_205, %dma_start3A_206] : memref<8x32x128xf32, #tpu.memory_space<vmem>> -> memref<1x32x128xf32, #tpu.memory_space<vmem>>
    %dma_start3A_208 = tpu.memref_squeeze %dma_start3A_207 : memref<1x32x128xf32, #tpu.memory_space<vmem>> -> memref<32x128xf32, #tpu.memory_space<vmem>>
    %dma_start3A_209 = arith.constant 0 : i32
    %dma_start3A_210 = tpu.memref_slice %arg5[%dma_start3A_209, %multiple_of3A_190] : memref<32x1000000xf32, #tpu.memory_space<hbm>> -> memref<32x128xf32, #tpu.memory_space<hbm>>
    %dma_start3A_211 = arith.constant 0 : i32
    %dma_start3A_212 = arith.constant 0 : i32
    %dma_start3A_213 = tpu.memref_slice %arg10[%dma_start3A_204, %dma_start3A_211, %dma_start3A_212] : memref<8x32x128xf32, #tpu.memory_space<vmem>> -> memref<1x32x128xf32, #tpu.memory_space<vmem>>
    %dma_start3A_214 = tpu.memref_squeeze %dma_start3A_213 : memref<1x32x128xf32, #tpu.memory_space<vmem>> -> memref<32x128xf32, #tpu.memory_space<vmem>>
    %dma_start3A_215 = arith.constant 0 : i32
    %dma_start3A_216 = tpu.memref_slice %arg5[%dma_start3A_215, %multiple_of3A_190] : memref<32x1000000xf32, #tpu.memory_space<hbm>> -> memref<32x128xf32, #tpu.memory_space<hbm>>
    tpu.enqueue_dma source(%dma_start3A_216 : memref<32x128xf32, #tpu.memory_space<hbm>>) target(%dma_start3A_214 : memref<32x128xf32, #tpu.memory_space<vmem>>) target_semaphore(%arg13 : memref<!tpu.dma_semaphore, #tpu.memory_space<semaphore_mem>>)
    %eq3A_217 = arith.constant 1 : i32
    %eq3A_218 = vector.broadcast %eq3A_217 : i32 to vector<16xi32>
    %eq3A_219 = arith.cmpi eq, %iota3A, %eq3A_218 : vector<16xi32>
    %jit3A_220 = arith.constant 0 : i32
    %broadcast_in_dim3A_221 = vector.broadcast %jit3A_220 : i32 to vector<16xi32>
    %select_n3A_222 = arith.select %eq3A_219, %get3A_163, %broadcast_in_dim3A_221 : vector<16xi1>, vector<16xi32>
    %reduce_sum3A_223 = arith.constant true
    %reduce_sum3A_224 = vector.broadcast %reduce_sum3A_223 : i1 to vector<16xi1>
    %reduce_sum3A_225 = tpu.scan <sum>, %select_n3A_222 masked %reduce_sum3A_224 : vector<16xi32>, vector<16xi1> -> vector<16xi32>
    %reduce_sum3A_226 = vector.extract %reduce_sum3A_225[15] : i32 from vector<16xi32>
    %eq3A_227 = arith.constant 1 : i32
    %eq3A_228 = vector.broadcast %eq3A_227 : i32 to vector<16xi32>
    %eq3A_229 = arith.cmpi eq, %iota3A, %eq3A_228 : vector<16xi32>
    %jit3A_230 = arith.constant 0 : i32
    %broadcast_in_dim3A_231 = vector.broadcast %jit3A_230 : i32 to vector<16xi32>
    %select_n3A_232 = arith.select %eq3A_229, %get3A_167, %broadcast_in_dim3A_231 : vector<16xi1>, vector<16xi32>
    %reduce_sum3A_233 = arith.constant true
    %reduce_sum3A_234 = vector.broadcast %reduce_sum3A_233 : i1 to vector<16xi1>
    %reduce_sum3A_235 = tpu.scan <sum>, %select_n3A_232 masked %reduce_sum3A_234 : vector<16xi32>, vector<16xi1> -> vector<16xi32>
    %reduce_sum3A_236 = vector.extract %reduce_sum3A_235[15] : i32 from vector<16xi32>
    %shift_right_arithmetic3A_237 = arith.constant 7 : i32
    %shift_right_arithmetic3A_238 = arith.shrsi %reduce_sum3A_226, %shift_right_arithmetic3A_237 : i32
    %mul3A_239 = arith.constant 128 : i32
    %mul3A_240 = arith.muli %shift_right_arithmetic3A_238, %mul3A_239 : i32
    %multiple_of3A_241 = tpu.assume_multiple %mul3A_240, 128 : i32
    %shift_right_arithmetic3A_242 = arith.constant 7 : i32
    %shift_right_arithmetic3A_243 = arith.shrsi %reduce_sum3A_236, %shift_right_arithmetic3A_242 : i32
    %mul3A_244 = arith.constant 128 : i32
    %mul3A_245 = arith.muli %shift_right_arithmetic3A_243, %mul3A_244 : i32
    %multiple_of3A_246 = tpu.assume_multiple %mul3A_245, 128 : i32
    %dma_start3A_247 = arith.constant 1 : i32
    %dma_start3A_248 = arith.constant 0 : i32
    %dma_start3A_249 = arith.constant 0 : i32
    %dma_start3A_250 = tpu.memref_slice %arg9[%dma_start3A_247, %dma_start3A_248, %dma_start3A_249] : memref<8x32x128xf32, #tpu.memory_space<vmem>> -> memref<1x32x128xf32, #tpu.memory_space<vmem>>
    %dma_start3A_251 = tpu.memref_squeeze %dma_start3A_250 : memref<1x32x128xf32, #tpu.memory_space<vmem>> -> memref<32x128xf32, #tpu.memory_space<vmem>>
    %dma_start3A_252 = arith.constant 0 : i32
    %dma_start3A_253 = tpu.memref_slice %arg4[%dma_start3A_252, %multiple_of3A_241] : memref<32x1000000xf32, #tpu.memory_space<hbm>> -> memref<32x128xf32, #tpu.memory_space<hbm>>
    %dma_start3A_254 = arith.constant 0 : i32
    %dma_start3A_255 = arith.constant 0 : i32
    %dma_start3A_256 = tpu.memref_slice %arg9[%dma_start3A_247, %dma_start3A_254, %dma_start3A_255] : memref<8x32x128xf32, #tpu.memory_space<vmem>> -> memref<1x32x128xf32, #tpu.memory_space<vmem>>
    %dma_start3A_257 = tpu.memref_squeeze %dma_start3A_256 : memref<1x32x128xf32, #tpu.memory_space<vmem>> -> memref<32x128xf32, #tpu.memory_space<vmem>>
    %dma_start3A_258 = arith.constant 0 : i32
    %dma_start3A_259 = tpu.memref_slice %arg4[%dma_start3A_258, %multiple_of3A_241] : memref<32x1000000xf32, #tpu.memory_space<hbm>> -> memref<32x128xf32, #tpu.memory_space<hbm>>
    tpu.enqueue_dma source(%dma_start3A_259 : memref<32x128xf32, #tpu.memory_space<hbm>>) target(%dma_start3A_257 : memref<32x128xf32, #tpu.memory_space<vmem>>) target_semaphore(%arg13 : memref<!tpu.dma_semaphore, #tpu.memory_space<semaphore_mem>>)
    %dma_start3A_260 = arith.constant 1 : i32
    %dma_start3A_261 = arith.constant 0 : i32
    %dma_start3A_262 = arith.constant 0 : i32
    %dma_start3A_263 = tpu.memref_slice %arg10[%dma_start3A_260, %dma_start3A_261, %dma_start3A_262] : memref<8x32x128xf32, #tpu.memory_space<vmem>> -> memref<1x32x128xf32, #tpu.memory_space<vmem>>
    %dma_start3A_264 = tpu.memref_squeeze %dma_start3A_263 : memref<1x32x128xf32, #tpu.memory_space<vmem>> -> memref<32x128xf32, #tpu.memory_space<vmem>>
    %dma_start3A_265 = arith.constant 0 : i32
    %dma_start3A_266 = tpu.memref_slice %arg5[%dma_start3A_265, %multiple_of3A_246] : memref<32x1000000xf32, #tpu.memory_space<hbm>> -> memref<32x128xf32, #tpu.memory_space<hbm>>
    %dma_start3A_267 = arith.constant 0 : i32
    %dma_start3A_268 = arith.constant 0 : i32
    %dma_start3A_269 = tpu.memref_slice %arg10[%dma_start3A_260, %dma_start3A_267, %dma_start3A_268] : memref<8x32x128xf32, #tpu.memory_space<vmem>> -> memref<1x32x128xf32, #tpu.memory_space<vmem>>
    %dma_start3A_270 = tpu.memref_squeeze %dma_start3A_269 : memref<1x32x128xf32, #tpu.memory_space<vmem>> -> memref<32x128xf32, #tpu.memory_space<vmem>>
    %dma_start3A_271 = arith.constant 0 : i32
    %dma_start3A_272 = tpu.memref_slice %arg5[%dma_start3A_271, %multiple_of3A_246] : memref<32x1000000xf32, #tpu.memory_space<hbm>> -> memref<32x128xf32, #tpu.memory_space<hbm>>
    tpu.enqueue_dma source(%dma_start3A_272 : memref<32x128xf32, #tpu.memory_space<hbm>>) target(%dma_start3A_270 : memref<32x128xf32, #tpu.memory_space<vmem>>) target_semaphore(%arg13 : memref<!tpu.dma_semaphore, #tpu.memory_space<semaphore_mem>>)
    %eq3A_273 = arith.constant 2 : i32
    %eq3A_274 = vector.broadcast %eq3A_273 : i32 to vector<16xi32>
    %eq3A_275 = arith.cmpi eq, %iota3A, %eq3A_274 : vector<16xi32>
    %jit3A_276 = arith.constant 0 : i32
    %broadcast_in_dim3A_277 = vector.broadcast %jit3A_276 : i32 to vector<16xi32>
    %select_n3A_278 = arith.select %eq3A_275, %get3A_163, %broadcast_in_dim3A_277 : vector<16xi1>, vector<16xi32>
    %reduce_sum3A_279 = arith.constant true
    %reduce_sum3A_280 = vector.broadcast %reduce_sum3A_279 : i1 to vector<16xi1>
    %reduce_sum3A_281 = tpu.scan <sum>, %select_n3A_278 masked %reduce_sum3A_280 : vector<16xi32>, vector<16xi1> -> vector<16xi32>
    %reduce_sum3A_282 = vector.extract %reduce_sum3A_281[15] : i32 from vector<16xi32>
    %eq3A_283 = arith.constant 2 : i32
    %eq3A_284 = vector.broadcast %eq3A_283 : i32 to vector<16xi32>
    %eq3A_285 = arith.cmpi eq, %iota3A, %eq3A_284 : vector<16xi32>
    %jit3A_286 = arith.constant 0 : i32
    %broadcast_in_dim3A_287 = vector.broadcast %jit3A_286 : i32 to vector<16xi32>
    %select_n3A_288 = arith.select %eq3A_285, %get3A_167, %broadcast_in_dim3A_287 : vector<16xi1>, vector<16xi32>
    %reduce_sum3A_289 = arith.constant true
    %reduce_sum3A_290 = vector.broadcast %reduce_sum3A_289 : i1 to vector<16xi1>
    %reduce_sum3A_291 = tpu.scan <sum>, %select_n3A_288 masked %reduce_sum3A_290 : vector<16xi32>, vector<16xi1> -> vector<16xi32>
    %reduce_sum3A_292 = vector.extract %reduce_sum3A_291[15] : i32 from vector<16xi32>
    %shift_right_arithmetic3A_293 = arith.constant 7 : i32
    %shift_right_arithmetic3A_294 = arith.shrsi %reduce_sum3A_282, %shift_right_arithmetic3A_293 : i32
    %mul3A_295 = arith.constant 128 : i32
    %mul3A_296 = arith.muli %shift_right_arithmetic3A_294, %mul3A_295 : i32
    %multiple_of3A_297 = tpu.assume_multiple %mul3A_296, 128 : i32
    %shift_right_arithmetic3A_298 = arith.constant 7 : i32
    %shift_right_arithmetic3A_299 = arith.shrsi %reduce_sum3A_292, %shift_right_arithmetic3A_298 : i32
    %mul3A_300 = arith.constant 128 : i32
    %mul3A_301 = arith.muli %shift_right_arithmetic3A_299, %mul3A_300 : i32
    %multiple_of3A_302 = tpu.assume_multiple %mul3A_301, 128 : i32
    %dma_start3A_303 = arith.constant 2 : i32
    %dma_start3A_304 = arith.constant 0 : i32
    %dma_start3A_305 = arith.constant 0 : i32
    %dma_start3A_306 = tpu.memref_slice %arg9[%dma_start3A_303, %dma_start3A_304, %dma_start3A_305] : memref<8x32x128xf32, #tpu.memory_space<vmem>> -> memref<1x32x128xf32, #tpu.memory_space<vmem>>
    %dma_start3A_307 = tpu.memref_squeeze %dma_start3A_306 : memref<1x32x128xf32, #tpu.memory_space<vmem>> -> memref<32x128xf32, #tpu.memory_space<vmem>>
    %dma_start3A_308 = arith.constant 0 : i32
    %dma_start3A_309 = tpu.memref_slice %arg4[%dma_start3A_308, %multiple_of3A_297] : memref<32x1000000xf32, #tpu.memory_space<hbm>> -> memref<32x128xf32, #tpu.memory_space<hbm>>
    %dma_start3A_310 = arith.constant 0 : i32
    %dma_start3A_311 = arith.constant 0 : i32
    %dma_start3A_312 = tpu.memref_slice %arg9[%dma_start3A_303, %dma_start3A_310, %dma_start3A_311] : memref<8x32x128xf32, #tpu.memory_space<vmem>> -> memref<1x32x128xf32, #tpu.memory_space<vmem>>
    %dma_start3A_313 = tpu.memref_squeeze %dma_start3A_312 : memref<1x32x128xf32, #tpu.memory_space<vmem>> -> memref<32x128xf32, #tpu.memory_space<vmem>>
    %dma_start3A_314 = arith.constant 0 : i32
    %dma_start3A_315 = tpu.memref_slice %arg4[%dma_start3A_314, %multiple_of3A_297] : memref<32x1000000xf32, #tpu.memory_space<hbm>> -> memref<32x128xf32, #tpu.memory_space<hbm>>
    tpu.enqueue_dma source(%dma_start3A_315 : memref<32x128xf32, #tpu.memory_space<hbm>>) target(%dma_start3A_313 : memref<32x128xf32, #tpu.memory_space<vmem>>) target_semaphore(%arg13 : memref<!tpu.dma_semaphore, #tpu.memory_space<semaphore_mem>>)
    %dma_start3A_316 = arith.constant 2 : i32
    %dma_start3A_317 = arith.constant 0 : i32
    %dma_start3A_318 = arith.constant 0 : i32
    %dma_start3A_319 = tpu.memref_slice %arg10[%dma_start3A_316, %dma_start3A_317, %dma_start3A_318] : memref<8x32x128xf32, #tpu.memory_space<vmem>> -> memref<1x32x128xf32, #tpu.memory_space<vmem>>
    %dma_start3A_320 = tpu.memref_squeeze %dma_start3A_319 : memref<1x32x128xf32, #tpu.memory_space<vmem>> -> memref<32x128xf32, #tpu.memory_space<vmem>>
    %dma_start3A_321 = arith.constant 0 : i32
    %dma_start3A_322 = tpu.memref_slice %arg5[%dma_start3A_321, %multiple_of3A_302] : memref<32x1000000xf32, #tpu.memory_space<hbm>> -> memref<32x128xf32, #tpu.memory_space<hbm>>
    %dma_start3A_323 = arith.constant 0 : i32
    %dma_start3A_324 = arith.constant 0 : i32
    %dma_start3A_325 = tpu.memref_slice %arg10[%dma_start3A_316, %dma_start3A_323, %dma_start3A_324] : memref<8x32x128xf32, #tpu.memory_space<vmem>> -> memref<1x32x128xf32, #tpu.memory_space<vmem>>
    %dma_start3A_326 = tpu.memref_squeeze %dma_start3A_325 : memref<1x32x128xf32, #tpu.memory_space<vmem>> -> memref<32x128xf32, #tpu.memory_space<vmem>>
    %dma_start3A_327 = arith.constant 0 : i32
    %dma_start3A_328 = tpu.memref_slice %arg5[%dma_start3A_327, %multiple_of3A_302] : memref<32x1000000xf32, #tpu.memory_space<hbm>> -> memref<32x128xf32, #tpu.memory_space<hbm>>
    tpu.enqueue_dma source(%dma_start3A_328 : memref<32x128xf32, #tpu.memory_space<hbm>>) target(%dma_start3A_326 : memref<32x128xf32, #tpu.memory_space<vmem>>) target_semaphore(%arg13 : memref<!tpu.dma_semaphore, #tpu.memory_space<semaphore_mem>>)
    %eq3A_329 = arith.constant 3 : i32
    %eq3A_330 = vector.broadcast %eq3A_329 : i32 to vector<16xi32>
    %eq3A_331 = arith.cmpi eq, %iota3A, %eq3A_330 : vector<16xi32>
    %jit3A_332 = arith.constant 0 : i32
    %broadcast_in_dim3A_333 = vector.broadcast %jit3A_332 : i32 to vector<16xi32>
    %select_n3A_334 = arith.select %eq3A_331, %get3A_163, %broadcast_in_dim3A_333 : vector<16xi1>, vector<16xi32>
    %reduce_sum3A_335 = arith.constant true
    %reduce_sum3A_336 = vector.broadcast %reduce_sum3A_335 : i1 to vector<16xi1>
    %reduce_sum3A_337 = tpu.scan <sum>, %select_n3A_334 masked %reduce_sum3A_336 : vector<16xi32>, vector<16xi1> -> vector<16xi32>
    %reduce_sum3A_338 = vector.extract %reduce_sum3A_337[15] : i32 from vector<16xi32>
    %eq3A_339 = arith.constant 3 : i32
    %eq3A_340 = vector.broadcast %eq3A_339 : i32 to vector<16xi32>
    %eq3A_341 = arith.cmpi eq, %iota3A, %eq3A_340 : vector<16xi32>
    %jit3A_342 = arith.constant 0 : i32
    %broadcast_in_dim3A_343 = vector.broadcast %jit3A_342 : i32 to vector<16xi32>
    %select_n3A_344 = arith.select %eq3A_341, %get3A_167, %broadcast_in_dim3A_343 : vector<16xi1>, vector<16xi32>
    %reduce_sum3A_345 = arith.constant true
    %reduce_sum3A_346 = vector.broadcast %reduce_sum3A_345 : i1 to vector<16xi1>
    %reduce_sum3A_347 = tpu.scan <sum>, %select_n3A_344 masked %reduce_sum3A_346 : vector<16xi32>, vector<16xi1> -> vector<16xi32>
    %reduce_sum3A_348 = vector.extract %reduce_sum3A_347[15] : i32 from vector<16xi32>
    %shift_right_arithmetic3A_349 = arith.constant 7 : i32
    %shift_right_arithmetic3A_350 = arith.shrsi %reduce_sum3A_338, %shift_right_arithmetic3A_349 : i32
    %mul3A_351 = arith.constant 128 : i32
    %mul3A_352 = arith.muli %shift_right_arithmetic3A_350, %mul3A_351 : i32
    %multiple_of3A_353 = tpu.assume_multiple %mul3A_352, 128 : i32
    %shift_right_arithmetic3A_354 = arith.constant 7 : i32
    %shift_right_arithmetic3A_355 = arith.shrsi %reduce_sum3A_348, %shift_right_arithmetic3A_354 : i32
    %mul3A_356 = arith.constant 128 : i32
    %mul3A_357 = arith.muli %shift_right_arithmetic3A_355, %mul3A_356 : i32
    %multiple_of3A_358 = tpu.assume_multiple %mul3A_357, 128 : i32
    %dma_start3A_359 = arith.constant 3 : i32
    %dma_start3A_360 = arith.constant 0 : i32
    %dma_start3A_361 = arith.constant 0 : i32
    %dma_start3A_362 = tpu.memref_slice %arg9[%dma_start3A_359, %dma_start3A_360, %dma_start3A_361] : memref<8x32x128xf32, #tpu.memory_space<vmem>> -> memref<1x32x128xf32, #tpu.memory_space<vmem>>
    %dma_start3A_363 = tpu.memref_squeeze %dma_start3A_362 : memref<1x32x128xf32, #tpu.memory_space<vmem>> -> memref<32x128xf32, #tpu.memory_space<vmem>>
    %dma_start3A_364 = arith.constant 0 : i32
    %dma_start3A_365 = tpu.memref_slice %arg4[%dma_start3A_364, %multiple_of3A_353] : memref<32x1000000xf32, #tpu.memory_space<hbm>> -> memref<32x128xf32, #tpu.memory_space<hbm>>
    %dma_start3A_366 = arith.constant 0 : i32
    %dma_start3A_367 = arith.constant 0 : i32
    %dma_start3A_368 = tpu.memref_slice %arg9[%dma_start3A_359, %dma_start3A_366, %dma_start3A_367] : memref<8x32x128xf32, #tpu.memory_space<vmem>> -> memref<1x32x128xf32, #tpu.memory_space<vmem>>
    %dma_start3A_369 = tpu.memref_squeeze %dma_start3A_368 : memref<1x32x128xf32, #tpu.memory_space<vmem>> -> memref<32x128xf32, #tpu.memory_space<vmem>>
    %dma_start3A_370 = arith.constant 0 : i32
    %dma_start3A_371 = tpu.memref_slice %arg4[%dma_start3A_370, %multiple_of3A_353] : memref<32x1000000xf32, #tpu.memory_space<hbm>> -> memref<32x128xf32, #tpu.memory_space<hbm>>
    tpu.enqueue_dma source(%dma_start3A_371 : memref<32x128xf32, #tpu.memory_space<hbm>>) target(%dma_start3A_369 : memref<32x128xf32, #tpu.memory_space<vmem>>) target_semaphore(%arg13 : memref<!tpu.dma_semaphore, #tpu.memory_space<semaphore_mem>>)
    %dma_start3A_372 = arith.constant 3 : i32
    %dma_start3A_373 = arith.constant 0 : i32
    %dma_start3A_374 = arith.constant 0 : i32
    %dma_start3A_375 = tpu.memref_slice %arg10[%dma_start3A_372, %dma_start3A_373, %dma_start3A_374] : memref<8x32x128xf32, #tpu.memory_space<vmem>> -> memref<1x32x128xf32, #tpu.memory_space<vmem>>
    %dma_start3A_376 = tpu.memref_squeeze %dma_start3A_375 : memref<1x32x128xf32, #tpu.memory_space<vmem>> -> memref<32x128xf32, #tpu.memory_space<vmem>>
    %dma_start3A_377 = arith.constant 0 : i32
    %dma_start3A_378 = tpu.memref_slice %arg5[%dma_start3A_377, %multiple_of3A_358] : memref<32x1000000xf32, #tpu.memory_space<hbm>> -> memref<32x128xf32, #tpu.memory_space<hbm>>
    %dma_start3A_379 = arith.constant 0 : i32
    %dma_start3A_380 = arith.constant 0 : i32
    %dma_start3A_381 = tpu.memref_slice %arg10[%dma_start3A_372, %dma_start3A_379, %dma_start3A_380] : memref<8x32x128xf32, #tpu.memory_space<vmem>> -> memref<1x32x128xf32, #tpu.memory_space<vmem>>
    %dma_start3A_382 = tpu.memref_squeeze %dma_start3A_381 : memref<1x32x128xf32, #tpu.memory_space<vmem>> -> memref<32x128xf32, #tpu.memory_space<vmem>>
    %dma_start3A_383 = arith.constant 0 : i32
    %dma_start3A_384 = tpu.memref_slice %arg5[%dma_start3A_383, %multiple_of3A_358] : memref<32x1000000xf32, #tpu.memory_space<hbm>> -> memref<32x128xf32, #tpu.memory_space<hbm>>
    tpu.enqueue_dma source(%dma_start3A_384 : memref<32x128xf32, #tpu.memory_space<hbm>>) target(%dma_start3A_382 : memref<32x128xf32, #tpu.memory_space<vmem>>) target_semaphore(%arg13 : memref<!tpu.dma_semaphore, #tpu.memory_space<semaphore_mem>>)
    %eq3A_385 = arith.constant 4 : i32
    %eq3A_386 = vector.broadcast %eq3A_385 : i32 to vector<16xi32>
    %eq3A_387 = arith.cmpi eq, %iota3A, %eq3A_386 : vector<16xi32>
    %jit3A_388 = arith.constant 0 : i32
    %broadcast_in_dim3A_389 = vector.broadcast %jit3A_388 : i32 to vector<16xi32>
    %select_n3A_390 = arith.select %eq3A_387, %get3A_163, %broadcast_in_dim3A_389 : vector<16xi1>, vector<16xi32>
    %reduce_sum3A_391 = arith.constant true
    %reduce_sum3A_392 = vector.broadcast %reduce_sum3A_391 : i1 to vector<16xi1>
    %reduce_sum3A_393 = tpu.scan <sum>, %select_n3A_390 masked %reduce_sum3A_392 : vector<16xi32>, vector<16xi1> -> vector<16xi32>
    %reduce_sum3A_394 = vector.extract %reduce_sum3A_393[15] : i32 from vector<16xi32>
    %eq3A_395 = arith.constant 4 : i32
    %eq3A_396 = vector.broadcast %eq3A_395 : i32 to vector<16xi32>
    %eq3A_397 = arith.cmpi eq, %iota3A, %eq3A_396 : vector<16xi32>
    %jit3A_398 = arith.constant 0 : i32
    %broadcast_in_dim3A_399 = vector.broadcast %jit3A_398 : i32 to vector<16xi32>
    %select_n3A_400 = arith.select %eq3A_397, %get3A_167, %broadcast_in_dim3A_399 : vector<16xi1>, vector<16xi32>
    %reduce_sum3A_401 = arith.constant true
    %reduce_sum3A_402 = vector.broadcast %reduce_sum3A_401 : i1 to vector<16xi1>
    %reduce_sum3A_403 = tpu.scan <sum>, %select_n3A_400 masked %reduce_sum3A_402 : vector<16xi32>, vector<16xi1> -> vector<16xi32>
    %reduce_sum3A_404 = vector.extract %reduce_sum3A_403[15] : i32 from vector<16xi32>
    %shift_right_arithmetic3A_405 = arith.constant 7 : i32
    %shift_right_arithmetic3A_406 = arith.shrsi %reduce_sum3A_394, %shift_right_arithmetic3A_405 : i32
    %mul3A_407 = arith.constant 128 : i32
    %mul3A_408 = arith.muli %shift_right_arithmetic3A_406, %mul3A_407 : i32
    %multiple_of3A_409 = tpu.assume_multiple %mul3A_408, 128 : i32
    %shift_right_arithmetic3A_410 = arith.constant 7 : i32
    %shift_right_arithmetic3A_411 = arith.shrsi %reduce_sum3A_404, %shift_right_arithmetic3A_410 : i32
    %mul3A_412 = arith.constant 128 : i32
    %mul3A_413 = arith.muli %shift_right_arithmetic3A_411, %mul3A_412 : i32
    %multiple_of3A_414 = tpu.assume_multiple %mul3A_413, 128 : i32
    %dma_start3A_415 = arith.constant 4 : i32
    %dma_start3A_416 = arith.constant 0 : i32
    %dma_start3A_417 = arith.constant 0 : i32
    %dma_start3A_418 = tpu.memref_slice %arg9[%dma_start3A_415, %dma_start3A_416, %dma_start3A_417] : memref<8x32x128xf32, #tpu.memory_space<vmem>> -> memref<1x32x128xf32, #tpu.memory_space<vmem>>
    %dma_start3A_419 = tpu.memref_squeeze %dma_start3A_418 : memref<1x32x128xf32, #tpu.memory_space<vmem>> -> memref<32x128xf32, #tpu.memory_space<vmem>>
    %dma_start3A_420 = arith.constant 0 : i32
    %dma_start3A_421 = tpu.memref_slice %arg4[%dma_start3A_420, %multiple_of3A_409] : memref<32x1000000xf32, #tpu.memory_space<hbm>> -> memref<32x128xf32, #tpu.memory_space<hbm>>
    %dma_start3A_422 = arith.constant 0 : i32
    %dma_start3A_423 = arith.constant 0 : i32
    %dma_start3A_424 = tpu.memref_slice %arg9[%dma_start3A_415, %dma_start3A_422, %dma_start3A_423] : memref<8x32x128xf32, #tpu.memory_space<vmem>> -> memref<1x32x128xf32, #tpu.memory_space<vmem>>
    %dma_start3A_425 = tpu.memref_squeeze %dma_start3A_424 : memref<1x32x128xf32, #tpu.memory_space<vmem>> -> memref<32x128xf32, #tpu.memory_space<vmem>>
    %dma_start3A_426 = arith.constant 0 : i32
    %dma_start3A_427 = tpu.memref_slice %arg4[%dma_start3A_426, %multiple_of3A_409] : memref<32x1000000xf32, #tpu.memory_space<hbm>> -> memref<32x128xf32, #tpu.memory_space<hbm>>
    tpu.enqueue_dma source(%dma_start3A_427 : memref<32x128xf32, #tpu.memory_space<hbm>>) target(%dma_start3A_425 : memref<32x128xf32, #tpu.memory_space<vmem>>) target_semaphore(%arg13 : memref<!tpu.dma_semaphore, #tpu.memory_space<semaphore_mem>>)
    %dma_start3A_428 = arith.constant 4 : i32
    %dma_start3A_429 = arith.constant 0 : i32
    %dma_start3A_430 = arith.constant 0 : i32
    %dma_start3A_431 = tpu.memref_slice %arg10[%dma_start3A_428, %dma_start3A_429, %dma_start3A_430] : memref<8x32x128xf32, #tpu.memory_space<vmem>> -> memref<1x32x128xf32, #tpu.memory_space<vmem>>
    %dma_start3A_432 = tpu.memref_squeeze %dma_start3A_431 : memref<1x32x128xf32, #tpu.memory_space<vmem>> -> memref<32x128xf32, #tpu.memory_space<vmem>>
    %dma_start3A_433 = arith.constant 0 : i32
    %dma_start3A_434 = tpu.memref_slice %arg5[%dma_start3A_433, %multiple_of3A_414] : memref<32x1000000xf32, #tpu.memory_space<hbm>> -> memref<32x128xf32, #tpu.memory_space<hbm>>
    %dma_start3A_435 = arith.constant 0 : i32
    %dma_start3A_436 = arith.constant 0 : i32
    %dma_start3A_437 = tpu.memref_slice %arg10[%dma_start3A_428, %dma_start3A_435, %dma_start3A_436] : memref<8x32x128xf32, #tpu.memory_space<vmem>> -> memref<1x32x128xf32, #tpu.memory_space<vmem>>
    %dma_start3A_438 = tpu.memref_squeeze %dma_start3A_437 : memref<1x32x128xf32, #tpu.memory_space<vmem>> -> memref<32x128xf32, #tpu.memory_space<vmem>>
    %dma_start3A_439 = arith.constant 0 : i32
    %dma_start3A_440 = tpu.memref_slice %arg5[%dma_start3A_439, %multiple_of3A_414] : memref<32x1000000xf32, #tpu.memory_space<hbm>> -> memref<32x128xf32, #tpu.memory_space<hbm>>
    tpu.enqueue_dma source(%dma_start3A_440 : memref<32x128xf32, #tpu.memory_space<hbm>>) target(%dma_start3A_438 : memref<32x128xf32, #tpu.memory_space<vmem>>) target_semaphore(%arg13 : memref<!tpu.dma_semaphore, #tpu.memory_space<semaphore_mem>>)
    %eq3A_441 = arith.constant 5 : i32
    %eq3A_442 = vector.broadcast %eq3A_441 : i32 to vector<16xi32>
    %eq3A_443 = arith.cmpi eq, %iota3A, %eq3A_442 : vector<16xi32>
    %jit3A_444 = arith.constant 0 : i32
    %broadcast_in_dim3A_445 = vector.broadcast %jit3A_444 : i32 to vector<16xi32>
    %select_n3A_446 = arith.select %eq3A_443, %get3A_163, %broadcast_in_dim3A_445 : vector<16xi1>, vector<16xi32>
    %reduce_sum3A_447 = arith.constant true
    %reduce_sum3A_448 = vector.broadcast %reduce_sum3A_447 : i1 to vector<16xi1>
    %reduce_sum3A_449 = tpu.scan <sum>, %select_n3A_446 masked %reduce_sum3A_448 : vector<16xi32>, vector<16xi1> -> vector<16xi32>
    %reduce_sum3A_450 = vector.extract %reduce_sum3A_449[15] : i32 from vector<16xi32>
    %eq3A_451 = arith.constant 5 : i32
    %eq3A_452 = vector.broadcast %eq3A_451 : i32 to vector<16xi32>
    %eq3A_453 = arith.cmpi eq, %iota3A, %eq3A_452 : vector<16xi32>
    %jit3A_454 = arith.constant 0 : i32
    %broadcast_in_dim3A_455 = vector.broadcast %jit3A_454 : i32 to vector<16xi32>
    %select_n3A_456 = arith.select %eq3A_453, %get3A_167, %broadcast_in_dim3A_455 : vector<16xi1>, vector<16xi32>
    %reduce_sum3A_457 = arith.constant true
    %reduce_sum3A_458 = vector.broadcast %reduce_sum3A_457 : i1 to vector<16xi1>
    %reduce_sum3A_459 = tpu.scan <sum>, %select_n3A_456 masked %reduce_sum3A_458 : vector<16xi32>, vector<16xi1> -> vector<16xi32>
    %reduce_sum3A_460 = vector.extract %reduce_sum3A_459[15] : i32 from vector<16xi32>
    %shift_right_arithmetic3A_461 = arith.constant 7 : i32
    %shift_right_arithmetic3A_462 = arith.shrsi %reduce_sum3A_450, %shift_right_arithmetic3A_461 : i32
    %mul3A_463 = arith.constant 128 : i32
    %mul3A_464 = arith.muli %shift_right_arithmetic3A_462, %mul3A_463 : i32
    %multiple_of3A_465 = tpu.assume_multiple %mul3A_464, 128 : i32
    %shift_right_arithmetic3A_466 = arith.constant 7 : i32
    %shift_right_arithmetic3A_467 = arith.shrsi %reduce_sum3A_460, %shift_right_arithmetic3A_466 : i32
    %mul3A_468 = arith.constant 128 : i32
    %mul3A_469 = arith.muli %shift_right_arithmetic3A_467, %mul3A_468 : i32
    %multiple_of3A_470 = tpu.assume_multiple %mul3A_469, 128 : i32
    %dma_start3A_471 = arith.constant 5 : i32
    %dma_start3A_472 = arith.constant 0 : i32
    %dma_start3A_473 = arith.constant 0 : i32
    %dma_start3A_474 = tpu.memref_slice %arg9[%dma_start3A_471, %dma_start3A_472, %dma_start3A_473] : memref<8x32x128xf32, #tpu.memory_space<vmem>> -> memref<1x32x128xf32, #tpu.memory_space<vmem>>
    %dma_start3A_475 = tpu.memref_squeeze %dma_start3A_474 : memref<1x32x128xf32, #tpu.memory_space<vmem>> -> memref<32x128xf32, #tpu.memory_space<vmem>>
    %dma_start3A_476 = arith.constant 0 : i32
    %dma_start3A_477 = tpu.memref_slice %arg4[%dma_start3A_476, %multiple_of3A_465] : memref<32x1000000xf32, #tpu.memory_space<hbm>> -> memref<32x128xf32, #tpu.memory_space<hbm>>
    %dma_start3A_478 = arith.constant 0 : i32
    %dma_start3A_479 = arith.constant 0 : i32
    %dma_start3A_480 = tpu.memref_slice %arg9[%dma_start3A_471, %dma_start3A_478, %dma_start3A_479] : memref<8x32x128xf32, #tpu.memory_space<vmem>> -> memref<1x32x128xf32, #tpu.memory_space<vmem>>
    %dma_start3A_481 = tpu.memref_squeeze %dma_start3A_480 : memref<1x32x128xf32, #tpu.memory_space<vmem>> -> memref<32x128xf32, #tpu.memory_space<vmem>>
    %dma_start3A_482 = arith.constant 0 : i32
    %dma_start3A_483 = tpu.memref_slice %arg4[%dma_start3A_482, %multiple_of3A_465] : memref<32x1000000xf32, #tpu.memory_space<hbm>> -> memref<32x128xf32, #tpu.memory_space<hbm>>
    tpu.enqueue_dma source(%dma_start3A_483 : memref<32x128xf32, #tpu.memory_space<hbm>>) target(%dma_start3A_481 : memref<32x128xf32, #tpu.memory_space<vmem>>) target_semaphore(%arg13 : memref<!tpu.dma_semaphore, #tpu.memory_space<semaphore_mem>>)
    %dma_start3A_484 = arith.constant 5 : i32
    %dma_start3A_485 = arith.constant 0 : i32
    %dma_start3A_486 = arith.constant 0 : i32
    %dma_start3A_487 = tpu.memref_slice %arg10[%dma_start3A_484, %dma_start3A_485, %dma_start3A_486] : memref<8x32x128xf32, #tpu.memory_space<vmem>> -> memref<1x32x128xf32, #tpu.memory_space<vmem>>
    %dma_start3A_488 = tpu.memref_squeeze %dma_start3A_487 : memref<1x32x128xf32, #tpu.memory_space<vmem>> -> memref<32x128xf32, #tpu.memory_space<vmem>>
    %dma_start3A_489 = arith.constant 0 : i32
    %dma_start3A_490 = tpu.memref_slice %arg5[%dma_start3A_489, %multiple_of3A_470] : memref<32x1000000xf32, #tpu.memory_space<hbm>> -> memref<32x128xf32, #tpu.memory_space<hbm>>
    %dma_start3A_491 = arith.constant 0 : i32
    %dma_start3A_492 = arith.constant 0 : i32
    %dma_start3A_493 = tpu.memref_slice %arg10[%dma_start3A_484, %dma_start3A_491, %dma_start3A_492] : memref<8x32x128xf32, #tpu.memory_space<vmem>> -> memref<1x32x128xf32, #tpu.memory_space<vmem>>
    %dma_start3A_494 = tpu.memref_squeeze %dma_start3A_493 : memref<1x32x128xf32, #tpu.memory_space<vmem>> -> memref<32x128xf32, #tpu.memory_space<vmem>>
    %dma_start3A_495 = arith.constant 0 : i32
    %dma_start3A_496 = tpu.memref_slice %arg5[%dma_start3A_495, %multiple_of3A_470] : memref<32x1000000xf32, #tpu.memory_space<hbm>> -> memref<32x128xf32, #tpu.memory_space<hbm>>
    tpu.enqueue_dma source(%dma_start3A_496 : memref<32x128xf32, #tpu.memory_space<hbm>>) target(%dma_start3A_494 : memref<32x128xf32, #tpu.memory_space<vmem>>) target_semaphore(%arg13 : memref<!tpu.dma_semaphore, #tpu.memory_space<semaphore_mem>>)
    %eq3A_497 = arith.constant 6 : i32
    %eq3A_498 = vector.broadcast %eq3A_497 : i32 to vector<16xi32>
    %eq3A_499 = arith.cmpi eq, %iota3A, %eq3A_498 : vector<16xi32>
    %jit3A_500 = arith.constant 0 : i32
    %broadcast_in_dim3A_501 = vector.broadcast %jit3A_500 : i32 to vector<16xi32>
    %select_n3A_502 = arith.select %eq3A_499, %get3A_163, %broadcast_in_dim3A_501 : vector<16xi1>, vector<16xi32>
    %reduce_sum3A_503 = arith.constant true
    %reduce_sum3A_504 = vector.broadcast %reduce_sum3A_503 : i1 to vector<16xi1>
    %reduce_sum3A_505 = tpu.scan <sum>, %select_n3A_502 masked %reduce_sum3A_504 : vector<16xi32>, vector<16xi1> -> vector<16xi32>
    %reduce_sum3A_506 = vector.extract %reduce_sum3A_505[15] : i32 from vector<16xi32>
    %eq3A_507 = arith.constant 6 : i32
    %eq3A_508 = vector.broadcast %eq3A_507 : i32 to vector<16xi32>
    %eq3A_509 = arith.cmpi eq, %iota3A, %eq3A_508 : vector<16xi32>
    %jit3A_510 = arith.constant 0 : i32
    %broadcast_in_dim3A_511 = vector.broadcast %jit3A_510 : i32 to vector<16xi32>
    %select_n3A_512 = arith.select %eq3A_509, %get3A_167, %broadcast_in_dim3A_511 : vector<16xi1>, vector<16xi32>
    %reduce_sum3A_513 = arith.constant true
    %reduce_sum3A_514 = vector.broadcast %reduce_sum3A_513 : i1 to vector<16xi1>
    %reduce_sum3A_515 = tpu.scan <sum>, %select_n3A_512 masked %reduce_sum3A_514 : vector<16xi32>, vector<16xi1> -> vector<16xi32>
    %reduce_sum3A_516 = vector.extract %reduce_sum3A_515[15] : i32 from vector<16xi32>
    %shift_right_arithmetic3A_517 = arith.constant 7 : i32
    %shift_right_arithmetic3A_518 = arith.shrsi %reduce_sum3A_506, %shift_right_arithmetic3A_517 : i32
    %mul3A_519 = arith.constant 128 : i32
    %mul3A_520 = arith.muli %shift_right_arithmetic3A_518, %mul3A_519 : i32
    %multiple_of3A_521 = tpu.assume_multiple %mul3A_520, 128 : i32
    %shift_right_arithmetic3A_522 = arith.constant 7 : i32
    %shift_right_arithmetic3A_523 = arith.shrsi %reduce_sum3A_516, %shift_right_arithmetic3A_522 : i32
    %mul3A_524 = arith.constant 128 : i32
    %mul3A_525 = arith.muli %shift_right_arithmetic3A_523, %mul3A_524 : i32
    %multiple_of3A_526 = tpu.assume_multiple %mul3A_525, 128 : i32
    %dma_start3A_527 = arith.constant 6 : i32
    %dma_start3A_528 = arith.constant 0 : i32
    %dma_start3A_529 = arith.constant 0 : i32
    %dma_start3A_530 = tpu.memref_slice %arg9[%dma_start3A_527, %dma_start3A_528, %dma_start3A_529] : memref<8x32x128xf32, #tpu.memory_space<vmem>> -> memref<1x32x128xf32, #tpu.memory_space<vmem>>
    %dma_start3A_531 = tpu.memref_squeeze %dma_start3A_530 : memref<1x32x128xf32, #tpu.memory_space<vmem>> -> memref<32x128xf32, #tpu.memory_space<vmem>>
    %dma_start3A_532 = arith.constant 0 : i32
    %dma_start3A_533 = tpu.memref_slice %arg4[%dma_start3A_532, %multiple_of3A_521] : memref<32x1000000xf32, #tpu.memory_space<hbm>> -> memref<32x128xf32, #tpu.memory_space<hbm>>
    %dma_start3A_534 = arith.constant 0 : i32
    %dma_start3A_535 = arith.constant 0 : i32
    %dma_start3A_536 = tpu.memref_slice %arg9[%dma_start3A_527, %dma_start3A_534, %dma_start3A_535] : memref<8x32x128xf32, #tpu.memory_space<vmem>> -> memref<1x32x128xf32, #tpu.memory_space<vmem>>
    %dma_start3A_537 = tpu.memref_squeeze %dma_start3A_536 : memref<1x32x128xf32, #tpu.memory_space<vmem>> -> memref<32x128xf32, #tpu.memory_space<vmem>>
    %dma_start3A_538 = arith.constant 0 : i32
    %dma_start3A_539 = tpu.memref_slice %arg4[%dma_start3A_538, %multiple_of3A_521] : memref<32x1000000xf32, #tpu.memory_space<hbm>> -> memref<32x128xf32, #tpu.memory_space<hbm>>
    tpu.enqueue_dma source(%dma_start3A_539 : memref<32x128xf32, #tpu.memory_space<hbm>>) target(%dma_start3A_537 : memref<32x128xf32, #tpu.memory_space<vmem>>) target_semaphore(%arg13 : memref<!tpu.dma_semaphore, #tpu.memory_space<semaphore_mem>>)
    %dma_start3A_540 = arith.constant 6 : i32
    %dma_start3A_541 = arith.constant 0 : i32
    %dma_start3A_542 = arith.constant 0 : i32
    %dma_start3A_543 = tpu.memref_slice %arg10[%dma_start3A_540, %dma_start3A_541, %dma_start3A_542] : memref<8x32x128xf32, #tpu.memory_space<vmem>> -> memref<1x32x128xf32, #tpu.memory_space<vmem>>
    %dma_start3A_544 = tpu.memref_squeeze %dma_start3A_543 : memref<1x32x128xf32, #tpu.memory_space<vmem>> -> memref<32x128xf32, #tpu.memory_space<vmem>>
    %dma_start3A_545 = arith.constant 0 : i32
    %dma_start3A_546 = tpu.memref_slice %arg5[%dma_start3A_545, %multiple_of3A_526] : memref<32x1000000xf32, #tpu.memory_space<hbm>> -> memref<32x128xf32, #tpu.memory_space<hbm>>
    %dma_start3A_547 = arith.constant 0 : i32
    %dma_start3A_548 = arith.constant 0 : i32
    %dma_start3A_549 = tpu.memref_slice %arg10[%dma_start3A_540, %dma_start3A_547, %dma_start3A_548] : memref<8x32x128xf32, #tpu.memory_space<vmem>> -> memref<1x32x128xf32, #tpu.memory_space<vmem>>
    %dma_start3A_550 = tpu.memref_squeeze %dma_start3A_549 : memref<1x32x128xf32, #tpu.memory_space<vmem>> -> memref<32x128xf32, #tpu.memory_space<vmem>>
    %dma_start3A_551 = arith.constant 0 : i32
    %dma_start3A_552 = tpu.memref_slice %arg5[%dma_start3A_551, %multiple_of3A_526] : memref<32x1000000xf32, #tpu.memory_space<hbm>> -> memref<32x128xf32, #tpu.memory_space<hbm>>
    tpu.enqueue_dma source(%dma_start3A_552 : memref<32x128xf32, #tpu.memory_space<hbm>>) target(%dma_start3A_550 : memref<32x128xf32, #tpu.memory_space<vmem>>) target_semaphore(%arg13 : memref<!tpu.dma_semaphore, #tpu.memory_space<semaphore_mem>>)
    %eq3A_553 = arith.constant 7 : i32
    %eq3A_554 = vector.broadcast %eq3A_553 : i32 to vector<16xi32>
    %eq3A_555 = arith.cmpi eq, %iota3A, %eq3A_554 : vector<16xi32>
    %jit3A_556 = arith.constant 0 : i32
    %broadcast_in_dim3A_557 = vector.broadcast %jit3A_556 : i32 to vector<16xi32>
    %select_n3A_558 = arith.select %eq3A_555, %get3A_163, %broadcast_in_dim3A_557 : vector<16xi1>, vector<16xi32>
    %reduce_sum3A_559 = arith.constant true
    %reduce_sum3A_560 = vector.broadcast %reduce_sum3A_559 : i1 to vector<16xi1>
    %reduce_sum3A_561 = tpu.scan <sum>, %select_n3A_558 masked %reduce_sum3A_560 : vector<16xi32>, vector<16xi1> -> vector<16xi32>
    %reduce_sum3A_562 = vector.extract %reduce_sum3A_561[15] : i32 from vector<16xi32>
    %eq3A_563 = arith.constant 7 : i32
    %eq3A_564 = vector.broadcast %eq3A_563 : i32 to vector<16xi32>
    %eq3A_565 = arith.cmpi eq, %iota3A, %eq3A_564 : vector<16xi32>
    %jit3A_566 = arith.constant 0 : i32
    %broadcast_in_dim3A_567 = vector.broadcast %jit3A_566 : i32 to vector<16xi32>
    %select_n3A_568 = arith.select %eq3A_565, %get3A_167, %broadcast_in_dim3A_567 : vector<16xi1>, vector<16xi32>
    %reduce_sum3A_569 = arith.constant true
    %reduce_sum3A_570 = vector.broadcast %reduce_sum3A_569 : i1 to vector<16xi1>
    %reduce_sum3A_571 = tpu.scan <sum>, %select_n3A_568 masked %reduce_sum3A_570 : vector<16xi32>, vector<16xi1> -> vector<16xi32>
    %reduce_sum3A_572 = vector.extract %reduce_sum3A_571[15] : i32 from vector<16xi32>
    %shift_right_arithmetic3A_573 = arith.constant 7 : i32
    %shift_right_arithmetic3A_574 = arith.shrsi %reduce_sum3A_562, %shift_right_arithmetic3A_573 : i32
    %mul3A_575 = arith.constant 128 : i32
    %mul3A_576 = arith.muli %shift_right_arithmetic3A_574, %mul3A_575 : i32
    %multiple_of3A_577 = tpu.assume_multiple %mul3A_576, 128 : i32
    %shift_right_arithmetic3A_578 = arith.constant 7 : i32
    %shift_right_arithmetic3A_579 = arith.shrsi %reduce_sum3A_572, %shift_right_arithmetic3A_578 : i32
    %mul3A_580 = arith.constant 128 : i32
    %mul3A_581 = arith.muli %shift_right_arithmetic3A_579, %mul3A_580 : i32
    %multiple_of3A_582 = tpu.assume_multiple %mul3A_581, 128 : i32
    %dma_start3A_583 = arith.constant 7 : i32
    %dma_start3A_584 = arith.constant 0 : i32
    %dma_start3A_585 = arith.constant 0 : i32
    %dma_start3A_586 = tpu.memref_slice %arg9[%dma_start3A_583, %dma_start3A_584, %dma_start3A_585] : memref<8x32x128xf32, #tpu.memory_space<vmem>> -> memref<1x32x128xf32, #tpu.memory_space<vmem>>
    %dma_start3A_587 = tpu.memref_squeeze %dma_start3A_586 : memref<1x32x128xf32, #tpu.memory_space<vmem>> -> memref<32x128xf32, #tpu.memory_space<vmem>>
    %dma_start3A_588 = arith.constant 0 : i32
    %dma_start3A_589 = tpu.memref_slice %arg4[%dma_start3A_588, %multiple_of3A_577] : memref<32x1000000xf32, #tpu.memory_space<hbm>> -> memref<32x128xf32, #tpu.memory_space<hbm>>
    %dma_start3A_590 = arith.constant 0 : i32
    %dma_start3A_591 = arith.constant 0 : i32
    %dma_start3A_592 = tpu.memref_slice %arg9[%dma_start3A_583, %dma_start3A_590, %dma_start3A_591] : memref<8x32x128xf32, #tpu.memory_space<vmem>> -> memref<1x32x128xf32, #tpu.memory_space<vmem>>
    %dma_start3A_593 = tpu.memref_squeeze %dma_start3A_592 : memref<1x32x128xf32, #tpu.memory_space<vmem>> -> memref<32x128xf32, #tpu.memory_space<vmem>>
    %dma_start3A_594 = arith.constant 0 : i32
    %dma_start3A_595 = tpu.memref_slice %arg4[%dma_start3A_594, %multiple_of3A_577] : memref<32x1000000xf32, #tpu.memory_space<hbm>> -> memref<32x128xf32, #tpu.memory_space<hbm>>
    tpu.enqueue_dma source(%dma_start3A_595 : memref<32x128xf32, #tpu.memory_space<hbm>>) target(%dma_start3A_593 : memref<32x128xf32, #tpu.memory_space<vmem>>) target_semaphore(%arg13 : memref<!tpu.dma_semaphore, #tpu.memory_space<semaphore_mem>>)
    %dma_start3A_596 = arith.constant 7 : i32
    %dma_start3A_597 = arith.constant 0 : i32
    %dma_start3A_598 = arith.constant 0 : i32
    %dma_start3A_599 = tpu.memref_slice %arg10[%dma_start3A_596, %dma_start3A_597, %dma_start3A_598] : memref<8x32x128xf32, #tpu.memory_space<vmem>> -> memref<1x32x128xf32, #tpu.memory_space<vmem>>
    %dma_start3A_600 = tpu.memref_squeeze %dma_start3A_599 : memref<1x32x128xf32, #tpu.memory_space<vmem>> -> memref<32x128xf32, #tpu.memory_space<vmem>>
    %dma_start3A_601 = arith.constant 0 : i32
    %dma_start3A_602 = tpu.memref_slice %arg5[%dma_start3A_601, %multiple_of3A_582] : memref<32x1000000xf32, #tpu.memory_space<hbm>> -> memref<32x128xf32, #tpu.memory_space<hbm>>
    %dma_start3A_603 = arith.constant 0 : i32
    %dma_start3A_604 = arith.constant 0 : i32
    %dma_start3A_605 = tpu.memref_slice %arg10[%dma_start3A_596, %dma_start3A_603, %dma_start3A_604] : memref<8x32x128xf32, #tpu.memory_space<vmem>> -> memref<1x32x128xf32, #tpu.memory_space<vmem>>
    %dma_start3A_606 = tpu.memref_squeeze %dma_start3A_605 : memref<1x32x128xf32, #tpu.memory_space<vmem>> -> memref<32x128xf32, #tpu.memory_space<vmem>>
    %dma_start3A_607 = arith.constant 0 : i32
    %dma_start3A_608 = tpu.memref_slice %arg5[%dma_start3A_607, %multiple_of3A_582] : memref<32x1000000xf32, #tpu.memory_space<hbm>> -> memref<32x128xf32, #tpu.memory_space<hbm>>
    tpu.enqueue_dma source(%dma_start3A_608 : memref<32x128xf32, #tpu.memory_space<hbm>>) target(%dma_start3A_606 : memref<32x128xf32, #tpu.memory_space<vmem>>) target_semaphore(%arg13 : memref<!tpu.dma_semaphore, #tpu.memory_space<semaphore_mem>>)
    %scan3A = arith.constant 0 : i32
    %scan3A_609 = arith.constant 0 : i32
    %scan3A_610 = arith.constant 32 : i32
    %scan3A_611 = arith.addi %scan3A_609, %scan3A_610 : i32
    %scan3A_612 = arith.constant 1 : i32
    scf.for %scan3A_614 = %scan3A_609 to %scan3A_611 step %scan3A_612  : i32 {
      %jit3A_615 = arith.constant 8 : i32
      %div3A = arith.divsi %scan3A_614, %jit3A_615 : i32
      %sign3A = arith.constant 0 : i32
      %sign3A_616 = arith.cmpi sgt, %scan3A_614, %sign3A : i32
      %sign3A_617 = arith.extui %sign3A_616 : i1 to i32
      %sign3A_618 = arith.constant 0 : i32
      %sign3A_619 = arith.cmpi slt, %scan3A_614, %sign3A_618 : i32
      %sign3A_620 = arith.extui %sign3A_619 : i1 to i32
      %sign3A_621 = arith.subi %sign3A_617, %sign3A_620 : i32
      %sign3A_622 = arith.constant 0 : i32
      %sign3A_623 = arith.cmpi sgt, %jit3A_615, %sign3A_622 : i32
      %sign3A_624 = arith.extui %sign3A_623 : i1 to i32
      %sign3A_625 = arith.constant 0 : i32
      %sign3A_626 = arith.cmpi slt, %jit3A_615, %sign3A_625 : i32
      %sign3A_627 = arith.extui %sign3A_626 : i1 to i32
      %sign3A_628 = arith.subi %sign3A_624, %sign3A_627 : i32
      %ne3A = arith.cmpi ne, %sign3A_621, %sign3A_628 : i32
      %rem3A = arith.remsi %scan3A_614, %jit3A_615 : i32
      %ne3A_629 = arith.constant 0 : i32
      %ne3A_630 = arith.cmpi ne, %rem3A, %ne3A_629 : i32
      %and3A = arith.andi %ne3A, %ne3A_630 : i1
      %sub3A = arith.constant 1 : i32
      %sub3A_631 = arith.subi %div3A, %sub3A : i32
      %select_n3A_632 = arith.select %and3A, %sub3A_631, %div3A : i32
      %jit3A_633 = arith.constant 8 : i32
      %eq3A_634 = arith.constant 0 : i32
      %eq3A_635 = arith.cmpi eq, %jit3A_633, %eq3A_634 : i32
      %jit3A_636 = arith.constant 1 : i32
      %select_n3A_637 = arith.select %eq3A_635, %jit3A_636, %jit3A_633 : i32
      %rem3A_638 = arith.remsi %scan3A_614, %select_n3A_637 : i32
      %ne3A_639 = arith.constant 0 : i32
      %ne3A_640 = arith.cmpi ne, %rem3A_638, %ne3A_639 : i32
      %lt3A = arith.constant 0 : i32
      %lt3A_641 = arith.cmpi slt, %rem3A_638, %lt3A : i32
      %lt3A_642 = arith.constant 0 : i32
      %lt3A_643 = arith.cmpi slt, %select_n3A_637, %lt3A_642 : i32
      %ne3A_644 = arith.xori %lt3A_641, %lt3A_643 : i1
      %and3A_645 = arith.andi %ne3A_644, %ne3A_640 : i1
      %add3A_646 = arith.addi %rem3A_638, %select_n3A_637 : i32
      %select_n3A_647 = arith.select %and3A_645, %add3A_646, %rem3A_638 : i32
      %mul3A_648 = arith.constant 16 : i32
      %mul3A_649 = arith.muli %select_n3A_647, %mul3A_648 : i32
      %get3A_650 = arith.index_cast %select_n3A_632 : i32 to index
      %get3A_651 = arith.index_cast %mul3A_649 : i32 to index
      %get3A_652 = tpu.vector_load %arg7[%get3A_650, %get3A_651] {strides = array<i32>} : memref<4x128xi32, #tpu.memory_space<vmem>>, vector<16xi32>,
      %get3A_653 = arith.index_cast %select_n3A_632 : i32 to index
      %get3A_654 = arith.index_cast %mul3A_649 : i32 to index
      %get3A_655 = tpu.vector_load %arg8[%get3A_653, %get3A_654] {strides = array<i32>} : memref<4x128xi32, #tpu.memory_space<vmem>>, vector<16xi32>,
      %add3A_656 = arith.constant 1 : i32
      %add3A_657 = arith.addi %scan3A_614, %add3A_656 : i32
      %jit3A_658 = arith.constant 32 : i32
      %eq3A_659 = arith.constant 0 : i32
      %eq3A_660 = arith.cmpi eq, %jit3A_658, %eq3A_659 : i32
      %jit3A_661 = arith.constant 1 : i32
      %select_n3A_662 = arith.select %eq3A_660, %jit3A_661, %jit3A_658 : i32
      %rem3A_663 = arith.remsi %add3A_657, %select_n3A_662 : i32
      %ne3A_664 = arith.constant 0 : i32
      %ne3A_665 = arith.cmpi ne, %rem3A_663, %ne3A_664 : i32
      %lt3A_666 = arith.constant 0 : i32
      %lt3A_667 = arith.cmpi slt, %rem3A_663, %lt3A_666 : i32
      %lt3A_668 = arith.constant 0 : i32
      %lt3A_669 = arith.cmpi slt, %select_n3A_662, %lt3A_668 : i32
      %ne3A_670 = arith.xori %lt3A_667, %lt3A_669 : i1
      %and3A_671 = arith.andi %ne3A_670, %ne3A_665 : i1
      %add3A_672 = arith.addi %rem3A_663, %select_n3A_662 : i32
      %select_n3A_673 = arith.select %and3A_671, %add3A_672, %rem3A_663 : i32
      %jit3A_674 = arith.constant 8 : i32
      %div3A_675 = arith.divsi %select_n3A_673, %jit3A_674 : i32
      %sign3A_676 = arith.constant 0 : i32
      %sign3A_677 = arith.cmpi sgt, %select_n3A_673, %sign3A_676 : i32
      %sign3A_678 = arith.extui %sign3A_677 : i1 to i32
      %sign3A_679 = arith.constant 0 : i32
      %sign3A_680 = arith.cmpi slt, %select_n3A_673, %sign3A_679 : i32
      %sign3A_681 = arith.extui %sign3A_680 : i1 to i32
      %sign3A_682 = arith.subi %sign3A_678, %sign3A_681 : i32
      %sign3A_683 = arith.constant 0 : i32
      %sign3A_684 = arith.cmpi sgt, %jit3A_674, %sign3A_683 : i32
      %sign3A_685 = arith.extui %sign3A_684 : i1 to i32
      %sign3A_686 = arith.constant 0 : i32
      %sign3A_687 = arith.cmpi slt, %jit3A_674, %sign3A_686 : i32
      %sign3A_688 = arith.extui %sign3A_687 : i1 to i32
      %sign3A_689 = arith.subi %sign3A_685, %sign3A_688 : i32
      %ne3A_690 = arith.cmpi ne, %sign3A_682, %sign3A_689 : i32
      %rem3A_691 = arith.remsi %select_n3A_673, %jit3A_674 : i32
      %ne3A_692 = arith.constant 0 : i32
      %ne3A_693 = arith.cmpi ne, %rem3A_691, %ne3A_692 : i32
      %and3A_694 = arith.andi %ne3A_690, %ne3A_693 : i1
      %sub3A_695 = arith.constant 1 : i32
      %sub3A_696 = arith.subi %div3A_675, %sub3A_695 : i32
      %select_n3A_697 = arith.select %and3A_694, %sub3A_696, %div3A_675 : i32
      %jit3A_698 = arith.constant 8 : i32
      %eq3A_699 = arith.constant 0 : i32
      %eq3A_700 = arith.cmpi eq, %jit3A_698, %eq3A_699 : i32
      %jit3A_701 = arith.constant 1 : i32
      %select_n3A_702 = arith.select %eq3A_700, %jit3A_701, %jit3A_698 : i32
      %rem3A_703 = arith.remsi %select_n3A_673, %select_n3A_702 : i32
      %ne3A_704 = arith.constant 0 : i32
      %ne3A_705 = arith.cmpi ne, %rem3A_703, %ne3A_704 : i32
      %lt3A_706 = arith.constant 0 : i32
      %lt3A_707 = arith.cmpi slt, %rem3A_703, %lt3A_706 : i32
      %lt3A_708 = arith.constant 0 : i32
      %lt3A_709 = arith.cmpi slt, %select_n3A_702, %lt3A_708 : i32
      %ne3A_710 = arith.xori %lt3A_707, %lt3A_709 : i1
      %and3A_711 = arith.andi %ne3A_710, %ne3A_705 : i1
      %add3A_712 = arith.addi %rem3A_703, %select_n3A_702 : i32
      %select_n3A_713 = arith.select %and3A_711, %add3A_712, %rem3A_703 : i32
      %mul3A_714 = arith.constant 16 : i32
      %mul3A_715 = arith.muli %select_n3A_713, %mul3A_714 : i32
      %get3A_716 = arith.index_cast %select_n3A_697 : i32 to index
      %get3A_717 = arith.index_cast %mul3A_715 : i32 to index
      %get3A_718 = tpu.vector_load %arg7[%get3A_716, %get3A_717] {strides = array<i32>} : memref<4x128xi32, #tpu.memory_space<vmem>>, vector<16xi32>,
      %get3A_719 = arith.index_cast %select_n3A_697 : i32 to index
      %get3A_720 = arith.index_cast %mul3A_715 : i32 to index
      %get3A_721 = tpu.vector_load %arg8[%get3A_719, %get3A_720] {strides = array<i32>} : memref<4x128xi32, #tpu.memory_space<vmem>>, vector<16xi32>,
      %broadcast_in_dim3A_722 = arith.constant 0.000000e+00 : f32
      %broadcast_in_dim3A_723 = vector.broadcast %broadcast_in_dim3A_722 : f32 to vector<16xf32>
      %mul3A_724 = arith.constant 16 : i32
      %mul3A_725 = arith.muli %scan3A_614, %mul3A_724 : i32
      %add3A_726 = arith.constant 0 : i32
      %add3A_727 = arith.addi %mul3A_725, %add3A_726 : i32
      %jit3A_728 = arith.constant 8 : i32
      %eq3A_729 = arith.constant 0 : i32
      %eq3A_730 = arith.cmpi eq, %jit3A_728, %eq3A_729 : i32
      %jit3A_731 = arith.constant 1 : i32
      %select_n3A_732 = arith.select %eq3A_730, %jit3A_731, %jit3A_728 : i32
      %rem3A_733 = arith.remsi %add3A_727, %select_n3A_732 : i32
      %ne3A_734 = arith.constant 0 : i32
      %ne3A_735 = arith.cmpi ne, %rem3A_733, %ne3A_734 : i32
      %lt3A_736 = arith.constant 0 : i32
      %lt3A_737 = arith.cmpi slt, %rem3A_733, %lt3A_736 : i32
      %lt3A_738 = arith.constant 0 : i32
      %lt3A_739 = arith.cmpi slt, %select_n3A_732, %lt3A_738 : i32
      %ne3A_740 = arith.xori %lt3A_737, %lt3A_739 : i1
      %and3A_741 = arith.andi %ne3A_740, %ne3A_735 : i1
      %add3A_742 = arith.addi %rem3A_733, %select_n3A_732 : i32
      %select_n3A_743 = arith.select %and3A_741, %add3A_742, %rem3A_733 : i32
      %dma_wait3A_744 = arith.constant 0 : i32
      %dma_wait3A_745 = arith.constant 0 : i32
      %dma_wait3A_746 = tpu.memref_slice %arg9[%select_n3A_743, %dma_wait3A_744, %dma_wait3A_745] : memref<8x32x128xf32, #tpu.memory_space<vmem>> -> memref<1x32x128xf32, #tpu.memory_space<vmem>>
      %dma_wait3A_747 = tpu.memref_squeeze %dma_wait3A_746 : memref<1x32x128xf32, #tpu.memory_space<vmem>> -> memref<32x128xf32, #tpu.memory_space<vmem>>
      %dma_wait3A_748 = arith.constant 0 : i32
      %dma_wait3A_749 = arith.constant 0 : i32
      %dma_wait3A_750 = tpu.memref_slice %arg4[%dma_wait3A_748, %dma_wait3A_749] : memref<32x1000000xf32, #tpu.memory_space<hbm>> -> memref<32x128xf32, #tpu.memory_space<hbm>>
      %dma_wait3A_751 = arith.constant 0 : i32
      %dma_wait3A_752 = arith.constant 0 : i32
      %dma_wait3A_753 = tpu.memref_slice %arg9[%select_n3A_743, %dma_wait3A_751, %dma_wait3A_752] : memref<8x32x128xf32, #tpu.memory_space<vmem>> -> memref<1x32x128xf32, #tpu.memory_space<vmem>>
      %dma_wait3A_754 = tpu.memref_squeeze %dma_wait3A_753 : memref<1x32x128xf32, #tpu.memory_space<vmem>> -> memref<32x128xf32, #tpu.memory_space<vmem>>
      %dma_wait3A_755 = arith.constant 0 : i32
      %dma_wait3A_756 = arith.constant 0 : i32
      %dma_wait3A_757 = tpu.memref_slice %arg4[%dma_wait3A_755, %dma_wait3A_756] : memref<32x1000000xf32, #tpu.memory_space<hbm>> -> memref<32x128xf32, #tpu.memory_space<hbm>>
      tpu.wait_dma2 semaphore(%arg13 : memref<!tpu.dma_semaphore, #tpu.memory_space<semaphore_mem>>) src(%dma_wait3A_757 : memref<32x128xf32, #tpu.memory_space<hbm>>) dst(%dma_wait3A_754 : memref<32x128xf32, #tpu.memory_space<vmem>>)
      %dma_wait3A_758 = arith.constant 0 : i32
      %dma_wait3A_759 = arith.constant 0 : i32
      %dma_wait3A_760 = tpu.memref_slice %arg10[%select_n3A_743, %dma_wait3A_758, %dma_wait3A_759] : memref<8x32x128xf32, #tpu.memory_space<vmem>> -> memref<1x32x128xf32, #tpu.memory_space<vmem>>
      %dma_wait3A_761 = tpu.memref_squeeze %dma_wait3A_760 : memref<1x32x128xf32, #tpu.memory_space<vmem>> -> memref<32x128xf32, #tpu.memory_space<vmem>>
      %dma_wait3A_762 = arith.constant 0 : i32
      %dma_wait3A_763 = arith.constant 0 : i32
      %dma_wait3A_764 = tpu.memref_slice %arg5[%dma_wait3A_762, %dma_wait3A_763] : memref<32x1000000xf32, #tpu.memory_space<hbm>> -> memref<32x128xf32, #tpu.memory_space<hbm>>
      %dma_wait3A_765 = arith.constant 0 : i32
      %dma_wait3A_766 = arith.constant 0 : i32
      %dma_wait3A_767 = tpu.memref_slice %arg10[%select_n3A_743, %dma_wait3A_765, %dma_wait3A_766] : memref<8x32x128xf32, #tpu.memory_space<vmem>> -> memref<1x32x128xf32, #tpu.memory_space<vmem>>
      %dma_wait3A_768 = tpu.memref_squeeze %dma_wait3A_767 : memref<1x32x128xf32, #tpu.memory_space<vmem>> -> memref<32x128xf32, #tpu.memory_space<vmem>>
      %dma_wait3A_769 = arith.constant 0 : i32
      %dma_wait3A_770 = arith.constant 0 : i32
      %dma_wait3A_771 = tpu.memref_slice %arg5[%dma_wait3A_769, %dma_wait3A_770] : memref<32x1000000xf32, #tpu.memory_space<hbm>> -> memref<32x128xf32, #tpu.memory_space<hbm>>
      tpu.wait_dma2 semaphore(%arg13 : memref<!tpu.dma_semaphore, #tpu.memory_space<semaphore_mem>>) src(%dma_wait3A_771 : memref<32x128xf32, #tpu.memory_space<hbm>>) dst(%dma_wait3A_768 : memref<32x128xf32, #tpu.memory_space<vmem>>)
      %eq3A_772 = arith.constant 0 : i32
      %eq3A_773 = vector.broadcast %eq3A_772 : i32 to vector<16xi32>
      %eq3A_774 = arith.cmpi eq, %iota3A, %eq3A_773 : vector<16xi32>
      %jit3A_775 = arith.constant 0 : i32
      %broadcast_in_dim3A_776 = vector.broadcast %jit3A_775 : i32 to vector<16xi32>
      %select_n3A_777 = arith.select %eq3A_774, %get3A_652, %broadcast_in_dim3A_776 : vector<16xi1>, vector<16xi32>
      %reduce_sum3A_778 = arith.constant true
      %reduce_sum3A_779 = vector.broadcast %reduce_sum3A_778 : i1 to vector<16xi1>
      %reduce_sum3A_780 = tpu.scan <sum>, %select_n3A_777 masked %reduce_sum3A_779 : vector<16xi32>, vector<16xi1> -> vector<16xi32>
      %reduce_sum3A_781 = vector.extract %reduce_sum3A_780[15] : i32 from vector<16xi32>
      %eq3A_782 = arith.constant 0 : i32
      %eq3A_783 = vector.broadcast %eq3A_782 : i32 to vector<16xi32>
      %eq3A_784 = arith.cmpi eq, %iota3A, %eq3A_783 : vector<16xi32>
      %jit3A_785 = arith.constant 0 : i32
      %broadcast_in_dim3A_786 = vector.broadcast %jit3A_785 : i32 to vector<16xi32>
      %select_n3A_787 = arith.select %eq3A_784, %get3A_655, %broadcast_in_dim3A_786 : vector<16xi1>, vector<16xi32>
      %reduce_sum3A_788 = arith.constant true
      %reduce_sum3A_789 = vector.broadcast %reduce_sum3A_788 : i1 to vector<16xi1>
      %reduce_sum3A_790 = tpu.scan <sum>, %select_n3A_787 masked %reduce_sum3A_789 : vector<16xi32>, vector<16xi1> -> vector<16xi32>
      %reduce_sum3A_791 = vector.extract %reduce_sum3A_790[15] : i32 from vector<16xi32>
      %and3A_792 = arith.constant 127 : i32
      %and3A_793 = arith.andi %reduce_sum3A_781, %and3A_792 : i32
      %broadcast_in_dim3A_794 = vector.broadcast %and3A_793 : i32 to vector<16xi32>
      %and3A_795 = arith.constant 127 : i32
      %and3A_796 = arith.andi %reduce_sum3A_791, %and3A_795 : i32
      %broadcast_in_dim3A_797 = vector.broadcast %and3A_796 : i32 to vector<16xi32>
      %broadcast_in_dim3A_798 = vector.broadcast %select_n3A_743 : i32 to vector<16xi32>
      %gather3A = tpu.vector_load_idx %arg9[%broadcast_in_dim3A_798, %iota3A, %broadcast_in_dim3A_794] : memref<8x32x128xf32, #tpu.memory_space<vmem>>[vector<16xi32>, vector<16xi32>, vector<16xi32>], vector<16xf32>,
      %add3A_799 = arith.constant 16 : i32
      %add3A_800 = vector.broadcast %add3A_799 : i32 to vector<16xi32>
      %add3A_801 = arith.addi %iota3A, %add3A_800 : vector<16xi32>
      %gather3A_802 = tpu.vector_load_idx %arg9[%broadcast_in_dim3A_798, %add3A_801, %broadcast_in_dim3A_794] : memref<8x32x128xf32, #tpu.memory_space<vmem>>[vector<16xi32>, vector<16xi32>, vector<16xi32>], vector<16xf32>,
      %gather3A_803 = tpu.vector_load_idx %arg10[%broadcast_in_dim3A_798, %iota3A, %broadcast_in_dim3A_797] : memref<8x32x128xf32, #tpu.memory_space<vmem>>[vector<16xi32>, vector<16xi32>, vector<16xi32>], vector<16xf32>,
      %add3A_804 = arith.constant 16 : i32
      %add3A_805 = vector.broadcast %add3A_804 : i32 to vector<16xi32>
      %add3A_806 = arith.addi %iota3A, %add3A_805 : vector<16xi32>
      %gather3A_807 = tpu.vector_load_idx %arg10[%broadcast_in_dim3A_798, %add3A_806, %broadcast_in_dim3A_797] : memref<8x32x128xf32, #tpu.memory_space<vmem>>[vector<16xi32>, vector<16xi32>, vector<16xi32>], vector<16xf32>,
      %mul3A_808 = arith.mulf %gather3A, %gather3A_803 : vector<16xf32>
      %mul3A_809 = arith.mulf %gather3A_802, %gather3A_807 : vector<16xf32>
      %add3A_810 = arith.addf %mul3A_808, %mul3A_809 : vector<16xf32>
      %reduce_sum3A_811 = arith.constant true
      %reduce_sum3A_812 = vector.broadcast %reduce_sum3A_811 : i1 to vector<16xi1>
      %reduce_sum3A_813 = tpu.scan <sum>, %add3A_810 masked %reduce_sum3A_812 : vector<16xf32>, vector<16xi1> -> vector<16xf32>
      %reduce_sum3A_814 = vector.extract %reduce_sum3A_813[15] : f32 from vector<16xf32>
      %eq3A_815 = arith.constant 0 : i32
      %eq3A_816 = vector.broadcast %eq3A_815 : i32 to vector<16xi32>
      %eq3A_817 = arith.cmpi eq, %iota3A, %eq3A_816 : vector<16xi32>
      %broadcast_in_dim3A_818 = vector.broadcast %reduce_sum3A_814 : f32 to vector<16xf32>
      %select_n3A_819 = arith.select %eq3A_817, %broadcast_in_dim3A_818, %broadcast_in_dim3A_723 : vector<16xi1>, vector<16xf32>
      %add3A_820 = arith.constant 8 : i32
      %add3A_821 = arith.addi %add3A_727, %add3A_820 : i32
      %lt3A_822 = arith.constant 512 : i32
      %lt3A_823 = arith.cmpi slt, %add3A_821, %lt3A_822 : i32
      %convert_element_type3A = arith.extui %lt3A_823 : i1 to i32
      %cond3A = arith.constant 0 : i32
      %cond3A_824 = arith.cmpi ne, %convert_element_type3A, %cond3A : i32
      scf.if %cond3A_824 {
        %eq3A_2388 = arith.constant 8 : i32
        %eq3A_2389 = vector.broadcast %eq3A_2388 : i32 to vector<16xi32>
        %eq3A_2390 = arith.cmpi eq, %iota3A, %eq3A_2389 : vector<16xi32>
        %jit3A_2391 = arith.constant 0 : i32
        %broadcast_in_dim3A_2392 = vector.broadcast %jit3A_2391 : i32 to vector<16xi32>
        %select_n3A_2393 = arith.select %eq3A_2390, %get3A_652, %broadcast_in_dim3A_2392 : vector<16xi1>, vector<16xi32>
        %reduce_sum3A_2394 = arith.constant true
        %reduce_sum3A_2395 = vector.broadcast %reduce_sum3A_2394 : i1 to vector<16xi1>
        %reduce_sum3A_2396 = tpu.scan <sum>, %select_n3A_2393 masked %reduce_sum3A_2395 : vector<16xi32>, vector<16xi1> -> vector<16xi32>
        %reduce_sum3A_2397 = vector.extract %reduce_sum3A_2396[15] : i32 from vector<16xi32>
        %eq3A_2398 = arith.constant 8 : i32
        %eq3A_2399 = vector.broadcast %eq3A_2398 : i32 to vector<16xi32>
        %eq3A_2400 = arith.cmpi eq, %iota3A, %eq3A_2399 : vector<16xi32>
        %jit3A_2401 = arith.constant 0 : i32
        %broadcast_in_dim3A_2402 = vector.broadcast %jit3A_2401 : i32 to vector<16xi32>
        %select_n3A_2403 = arith.select %eq3A_2400, %get3A_655, %broadcast_in_dim3A_2402 : vector<16xi1>, vector<16xi32>
        %reduce_sum3A_2404 = arith.constant true
        %reduce_sum3A_2405 = vector.broadcast %reduce_sum3A_2404 : i1 to vector<16xi1>
        %reduce_sum3A_2406 = tpu.scan <sum>, %select_n3A_2403 masked %reduce_sum3A_2405 : vector<16xi32>, vector<16xi1> -> vector<16xi32>
        %reduce_sum3A_2407 = vector.extract %reduce_sum3A_2406[15] : i32 from vector<16xi32>
        %shift_right_arithmetic3A_2408 = arith.constant 7 : i32
        %shift_right_arithmetic3A_2409 = arith.shrsi %reduce_sum3A_2397, %shift_right_arithmetic3A_2408 : i32
        %mul3A_2410 = arith.constant 128 : i32
        %mul3A_2411 = arith.muli %shift_right_arithmetic3A_2409, %mul3A_2410 : i32
        %multiple_of3A_2412 = tpu.assume_multiple %mul3A_2411, 128 : i32
        %shift_right_arithmetic3A_2413 = arith.constant 7 : i32
        %shift_right_arithmetic3A_2414 = arith.shrsi %reduce_sum3A_2407, %shift_right_arithmetic3A_2413 : i32
        %mul3A_2415 = arith.constant 128 : i32
        %mul3A_2416 = arith.muli %shift_right_arithmetic3A_2414, %mul3A_2415 : i32
        %multiple_of3A_2417 = tpu.assume_multiple %mul3A_2416, 128 : i32
        %dma_start3A_2418 = arith.constant 0 : i32
        %dma_start3A_2419 = arith.constant 0 : i32
        %dma_start3A_2420 = tpu.memref_slice %arg9[%select_n3A_743, %dma_start3A_2418, %dma_start3A_2419] : memref<8x32x128xf32, #tpu.memory_space<vmem>> -> memref<1x32x128xf32, #tpu.memory_space<vmem>>
        %dma_start3A_2421 = tpu.memref_squeeze %dma_start3A_2420 : memref<1x32x128xf32, #tpu.memory_space<vmem>> -> memref<32x128xf32, #tpu.memory_space<vmem>>
        %dma_start3A_2422 = arith.constant 0 : i32
        %dma_start3A_2423 = tpu.memref_slice %arg4[%dma_start3A_2422, %multiple_of3A_2412] : memref<32x1000000xf32, #tpu.memory_space<hbm>> -> memref<32x128xf32, #tpu.memory_space<hbm>>
        %dma_start3A_2424 = arith.constant 0 : i32
        %dma_start3A_2425 = arith.constant 0 : i32
        %dma_start3A_2426 = tpu.memref_slice %arg9[%select_n3A_743, %dma_start3A_2424, %dma_start3A_2425] : memref<8x32x128xf32, #tpu.memory_space<vmem>> -> memref<1x32x128xf32, #tpu.memory_space<vmem>>
        %dma_start3A_2427 = tpu.memref_squeeze %dma_start3A_2426 : memref<1x32x128xf32, #tpu.memory_space<vmem>> -> memref<32x128xf32, #tpu.memory_space<vmem>>
        %dma_start3A_2428 = arith.constant 0 : i32
        %dma_start3A_2429 = tpu.memref_slice %arg4[%dma_start3A_2428, %multiple_of3A_2412] : memref<32x1000000xf32, #tpu.memory_space<hbm>> -> memref<32x128xf32, #tpu.memory_space<hbm>>
        tpu.enqueue_dma source(%dma_start3A_2429 : memref<32x128xf32, #tpu.memory_space<hbm>>) target(%dma_start3A_2427 : memref<32x128xf32, #tpu.memory_space<vmem>>) target_semaphore(%arg13 : memref<!tpu.dma_semaphore, #tpu.memory_space<semaphore_mem>>)
        %dma_start3A_2430 = arith.constant 0 : i32
        %dma_start3A_2431 = arith.constant 0 : i32
        %dma_start3A_2432 = tpu.memref_slice %arg10[%select_n3A_743, %dma_start3A_2430, %dma_start3A_2431] : memref<8x32x128xf32, #tpu.memory_space<vmem>> -> memref<1x32x128xf32, #tpu.memory_space<vmem>>
        %dma_start3A_2433 = tpu.memref_squeeze %dma_start3A_2432 : memref<1x32x128xf32, #tpu.memory_space<vmem>> -> memref<32x128xf32, #tpu.memory_space<vmem>>
        %dma_start3A_2434 = arith.constant 0 : i32
        %dma_start3A_2435 = tpu.memref_slice %arg5[%dma_start3A_2434, %multiple_of3A_2417] : memref<32x1000000xf32, #tpu.memory_space<hbm>> -> memref<32x128xf32, #tpu.memory_space<hbm>>
        %dma_start3A_2436 = arith.constant 0 : i32
        %dma_start3A_2437 = arith.constant 0 : i32
        %dma_start3A_2438 = tpu.memref_slice %arg10[%select_n3A_743, %dma_start3A_2436, %dma_start3A_2437] : memref<8x32x128xf32, #tpu.memory_space<vmem>> -> memref<1x32x128xf32, #tpu.memory_space<vmem>>
        %dma_start3A_2439 = tpu.memref_squeeze %dma_start3A_2438 : memref<1x32x128xf32, #tpu.memory_space<vmem>> -> memref<32x128xf32, #tpu.memory_space<vmem>>
        %dma_start3A_2440 = arith.constant 0 : i32
        %dma_start3A_2441 = tpu.memref_slice %arg5[%dma_start3A_2440, %multiple_of3A_2417] : memref<32x1000000xf32, #tpu.memory_space<hbm>> -> memref<32x128xf32, #tpu.memory_space<hbm>>
        tpu.enqueue_dma source(%dma_start3A_2441 : memref<32x128xf32, #tpu.memory_space<hbm>>) target(%dma_start3A_2439 : memref<32x128xf32, #tpu.memory_space<vmem>>) target_semaphore(%arg13 : memref<!tpu.dma_semaphore, #tpu.memory_space<semaphore_mem>>)
      } else {
      }
      %mul3A_825 = arith.constant 16 : i32
      %mul3A_826 = arith.muli %scan3A_614, %mul3A_825 : i32
      %add3A_827 = arith.constant 1 : i32
      %add3A_828 = arith.addi %mul3A_826, %add3A_827 : i32
      %jit3A_829 = arith.constant 8 : i32
      %eq3A_830 = arith.constant 0 : i32
      %eq3A_831 = arith.cmpi eq, %jit3A_829, %eq3A_830 : i32
      %jit3A_832 = arith.constant 1 : i32
      %select_n3A_833 = arith.select %eq3A_831, %jit3A_832, %jit3A_829 : i32
      %rem3A_834 = arith.remsi %add3A_828, %select_n3A_833 : i32
      %ne3A_835 = arith.constant 0 : i32
      %ne3A_836 = arith.cmpi ne, %rem3A_834, %ne3A_835 : i32
      %lt3A_837 = arith.constant 0 : i32
      %lt3A_838 = arith.cmpi slt, %rem3A_834, %lt3A_837 : i32
      %lt3A_839 = arith.constant 0 : i32
      %lt3A_840 = arith.cmpi slt, %select_n3A_833, %lt3A_839 : i32
      %ne3A_841 = arith.xori %lt3A_838, %lt3A_840 : i1
      %and3A_842 = arith.andi %ne3A_841, %ne3A_836 : i1
      %add3A_843 = arith.addi %rem3A_834, %select_n3A_833 : i32
      %select_n3A_844 = arith.select %and3A_842, %add3A_843, %rem3A_834 : i32
      %dma_wait3A_845 = arith.constant 0 : i32
      %dma_wait3A_846 = arith.constant 0 : i32
      %dma_wait3A_847 = tpu.memref_slice %arg9[%select_n3A_844, %dma_wait3A_845, %dma_wait3A_846] : memref<8x32x128xf32, #tpu.memory_space<vmem>> -> memref<1x32x128xf32, #tpu.memory_space<vmem>>
      %dma_wait3A_848 = tpu.memref_squeeze %dma_wait3A_847 : memref<1x32x128xf32, #tpu.memory_space<vmem>> -> memref<32x128xf32, #tpu.memory_space<vmem>>
      %dma_wait3A_849 = arith.constant 0 : i32
      %dma_wait3A_850 = arith.constant 0 : i32
      %dma_wait3A_851 = tpu.memref_slice %arg4[%dma_wait3A_849, %dma_wait3A_850] : memref<32x1000000xf32, #tpu.memory_space<hbm>> -> memref<32x128xf32, #tpu.memory_space<hbm>>
      %dma_wait3A_852 = arith.constant 0 : i32
      %dma_wait3A_853 = arith.constant 0 : i32
      %dma_wait3A_854 = tpu.memref_slice %arg9[%select_n3A_844, %dma_wait3A_852, %dma_wait3A_853] : memref<8x32x128xf32, #tpu.memory_space<vmem>> -> memref<1x32x128xf32, #tpu.memory_space<vmem>>
      %dma_wait3A_855 = tpu.memref_squeeze %dma_wait3A_854 : memref<1x32x128xf32, #tpu.memory_space<vmem>> -> memref<32x128xf32, #tpu.memory_space<vmem>>
      %dma_wait3A_856 = arith.constant 0 : i32
      %dma_wait3A_857 = arith.constant 0 : i32
      %dma_wait3A_858 = tpu.memref_slice %arg4[%dma_wait3A_856, %dma_wait3A_857] : memref<32x1000000xf32, #tpu.memory_space<hbm>> -> memref<32x128xf32, #tpu.memory_space<hbm>>
      tpu.wait_dma2 semaphore(%arg13 : memref<!tpu.dma_semaphore, #tpu.memory_space<semaphore_mem>>) src(%dma_wait3A_858 : memref<32x128xf32, #tpu.memory_space<hbm>>) dst(%dma_wait3A_855 : memref<32x128xf32, #tpu.memory_space<vmem>>)
      %dma_wait3A_859 = arith.constant 0 : i32
      %dma_wait3A_860 = arith.constant 0 : i32
      %dma_wait3A_861 = tpu.memref_slice %arg10[%select_n3A_844, %dma_wait3A_859, %dma_wait3A_860] : memref<8x32x128xf32, #tpu.memory_space<vmem>> -> memref<1x32x128xf32, #tpu.memory_space<vmem>>
      %dma_wait3A_862 = tpu.memref_squeeze %dma_wait3A_861 : memref<1x32x128xf32, #tpu.memory_space<vmem>> -> memref<32x128xf32, #tpu.memory_space<vmem>>
      %dma_wait3A_863 = arith.constant 0 : i32
      %dma_wait3A_864 = arith.constant 0 : i32
      %dma_wait3A_865 = tpu.memref_slice %arg5[%dma_wait3A_863, %dma_wait3A_864] : memref<32x1000000xf32, #tpu.memory_space<hbm>> -> memref<32x128xf32, #tpu.memory_space<hbm>>
      %dma_wait3A_866 = arith.constant 0 : i32
      %dma_wait3A_867 = arith.constant 0 : i32
      %dma_wait3A_868 = tpu.memref_slice %arg10[%select_n3A_844, %dma_wait3A_866, %dma_wait3A_867] : memref<8x32x128xf32, #tpu.memory_space<vmem>> -> memref<1x32x128xf32, #tpu.memory_space<vmem>>
      %dma_wait3A_869 = tpu.memref_squeeze %dma_wait3A_868 : memref<1x32x128xf32, #tpu.memory_space<vmem>> -> memref<32x128xf32, #tpu.memory_space<vmem>>
      %dma_wait3A_870 = arith.constant 0 : i32
      %dma_wait3A_871 = arith.constant 0 : i32
      %dma_wait3A_872 = tpu.memref_slice %arg5[%dma_wait3A_870, %dma_wait3A_871] : memref<32x1000000xf32, #tpu.memory_space<hbm>> -> memref<32x128xf32, #tpu.memory_space<hbm>>
      tpu.wait_dma2 semaphore(%arg13 : memref<!tpu.dma_semaphore, #tpu.memory_space<semaphore_mem>>) src(%dma_wait3A_872 : memref<32x128xf32, #tpu.memory_space<hbm>>) dst(%dma_wait3A_869 : memref<32x128xf32, #tpu.memory_space<vmem>>)
      %eq3A_873 = arith.constant 1 : i32
      %eq3A_874 = vector.broadcast %eq3A_873 : i32 to vector<16xi32>
      %eq3A_875 = arith.cmpi eq, %iota3A, %eq3A_874 : vector<16xi32>
      %jit3A_876 = arith.constant 0 : i32
      %broadcast_in_dim3A_877 = vector.broadcast %jit3A_876 : i32 to vector<16xi32>
      %select_n3A_878 = arith.select %eq3A_875, %get3A_652, %broadcast_in_dim3A_877 : vector<16xi1>, vector<16xi32>
      %reduce_sum3A_879 = arith.constant true
      %reduce_sum3A_880 = vector.broadcast %reduce_sum3A_879 : i1 to vector<16xi1>
      %reduce_sum3A_881 = tpu.scan <sum>, %select_n3A_878 masked %reduce_sum3A_880 : vector<16xi32>, vector<16xi1> -> vector<16xi32>
      %reduce_sum3A_882 = vector.extract %reduce_sum3A_881[15] : i32 from vector<16xi32>
      %eq3A_883 = arith.constant 1 : i32
      %eq3A_884 = vector.broadcast %eq3A_883 : i32 to vector<16xi32>
      %eq3A_885 = arith.cmpi eq, %iota3A, %eq3A_884 : vector<16xi32>
      %jit3A_886 = arith.constant 0 : i32
      %broadcast_in_dim3A_887 = vector.broadcast %jit3A_886 : i32 to vector<16xi32>
      %select_n3A_888 = arith.select %eq3A_885, %get3A_655, %broadcast_in_dim3A_887 : vector<16xi1>, vector<16xi32>
      %reduce_sum3A_889 = arith.constant true
      %reduce_sum3A_890 = vector.broadcast %reduce_sum3A_889 : i1 to vector<16xi1>
      %reduce_sum3A_891 = tpu.scan <sum>, %select_n3A_888 masked %reduce_sum3A_890 : vector<16xi32>, vector<16xi1> -> vector<16xi32>
      %reduce_sum3A_892 = vector.extract %reduce_sum3A_891[15] : i32 from vector<16xi32>
      %and3A_893 = arith.constant 127 : i32
      %and3A_894 = arith.andi %reduce_sum3A_882, %and3A_893 : i32
      %broadcast_in_dim3A_895 = vector.broadcast %and3A_894 : i32 to vector<16xi32>
      %and3A_896 = arith.constant 127 : i32
      %and3A_897 = arith.andi %reduce_sum3A_892, %and3A_896 : i32
      %broadcast_in_dim3A_898 = vector.broadcast %and3A_897 : i32 to vector<16xi32>
      %broadcast_in_dim3A_899 = vector.broadcast %select_n3A_844 : i32 to vector<16xi32>
      %gather3A_900 = tpu.vector_load_idx %arg9[%broadcast_in_dim3A_899, %iota3A, %broadcast_in_dim3A_895] : memref<8x32x128xf32, #tpu.memory_space<vmem>>[vector<16xi32>, vector<16xi32>, vector<16xi32>], vector<16xf32>,
      %add3A_901 = arith.constant 16 : i32
      %add3A_902 = vector.broadcast %add3A_901 : i32 to vector<16xi32>
      %add3A_903 = arith.addi %iota3A, %add3A_902 : vector<16xi32>
      %gather3A_904 = tpu.vector_load_idx %arg9[%broadcast_in_dim3A_899, %add3A_903, %broadcast_in_dim3A_895] : memref<8x32x128xf32, #tpu.memory_space<vmem>>[vector<16xi32>, vector<16xi32>, vector<16xi32>], vector<16xf32>,
      %gather3A_905 = tpu.vector_load_idx %arg10[%broadcast_in_dim3A_899, %iota3A, %broadcast_in_dim3A_898] : memref<8x32x128xf32, #tpu.memory_space<vmem>>[vector<16xi32>, vector<16xi32>, vector<16xi32>], vector<16xf32>,
      %add3A_906 = arith.constant 16 : i32
      %add3A_907 = vector.broadcast %add3A_906 : i32 to vector<16xi32>
      %add3A_908 = arith.addi %iota3A, %add3A_907 : vector<16xi32>
      %gather3A_909 = tpu.vector_load_idx %arg10[%broadcast_in_dim3A_899, %add3A_908, %broadcast_in_dim3A_898] : memref<8x32x128xf32, #tpu.memory_space<vmem>>[vector<16xi32>, vector<16xi32>, vector<16xi32>], vector<16xf32>,
      %mul3A_910 = arith.mulf %gather3A_900, %gather3A_905 : vector<16xf32>
      %mul3A_911 = arith.mulf %gather3A_904, %gather3A_909 : vector<16xf32>
      %add3A_912 = arith.addf %mul3A_910, %mul3A_911 : vector<16xf32>
      %reduce_sum3A_913 = arith.constant true
      %reduce_sum3A_914 = vector.broadcast %reduce_sum3A_913 : i1 to vector<16xi1>
      %reduce_sum3A_915 = tpu.scan <sum>, %add3A_912 masked %reduce_sum3A_914 : vector<16xf32>, vector<16xi1> -> vector<16xf32>
      %reduce_sum3A_916 = vector.extract %reduce_sum3A_915[15] : f32 from vector<16xf32>
      %eq3A_917 = arith.constant 1 : i32
      %eq3A_918 = vector.broadcast %eq3A_917 : i32 to vector<16xi32>
      %eq3A_919 = arith.cmpi eq, %iota3A, %eq3A_918 : vector<16xi32>
      %broadcast_in_dim3A_920 = vector.broadcast %reduce_sum3A_916 : f32 to vector<16xf32>
      %select_n3A_921 = arith.select %eq3A_919, %broadcast_in_dim3A_920, %select_n3A_819 : vector<16xi1>, vector<16xf32>
      %add3A_922 = arith.constant 8 : i32
      %add3A_923 = arith.addi %add3A_828, %add3A_922 : i32
      %lt3A_924 = arith.constant 512 : i32
      %lt3A_925 = arith.cmpi slt, %add3A_923, %lt3A_924 : i32
      %convert_element_type3A_926 = arith.extui %lt3A_925 : i1 to i32
      %cond3A_927 = arith.constant 0 : i32
      %cond3A_928 = arith.cmpi ne, %convert_element_type3A_926, %cond3A_927 : i32
      scf.if %cond3A_928 {
        %eq3A_2388 = arith.constant 9 : i32
        %eq3A_2389 = vector.broadcast %eq3A_2388 : i32 to vector<16xi32>
        %eq3A_2390 = arith.cmpi eq, %iota3A, %eq3A_2389 : vector<16xi32>
        %jit3A_2391 = arith.constant 0 : i32
        %broadcast_in_dim3A_2392 = vector.broadcast %jit3A_2391 : i32 to vector<16xi32>
        %select_n3A_2393 = arith.select %eq3A_2390, %get3A_652, %broadcast_in_dim3A_2392 : vector<16xi1>, vector<16xi32>
        %reduce_sum3A_2394 = arith.constant true
        %reduce_sum3A_2395 = vector.broadcast %reduce_sum3A_2394 : i1 to vector<16xi1>
        %reduce_sum3A_2396 = tpu.scan <sum>, %select_n3A_2393 masked %reduce_sum3A_2395 : vector<16xi32>, vector<16xi1> -> vector<16xi32>
        %reduce_sum3A_2397 = vector.extract %reduce_sum3A_2396[15] : i32 from vector<16xi32>
        %eq3A_2398 = arith.constant 9 : i32
        %eq3A_2399 = vector.broadcast %eq3A_2398 : i32 to vector<16xi32>
        %eq3A_2400 = arith.cmpi eq, %iota3A, %eq3A_2399 : vector<16xi32>
        %jit3A_2401 = arith.constant 0 : i32
        %broadcast_in_dim3A_2402 = vector.broadcast %jit3A_2401 : i32 to vector<16xi32>
        %select_n3A_2403 = arith.select %eq3A_2400, %get3A_655, %broadcast_in_dim3A_2402 : vector<16xi1>, vector<16xi32>
        %reduce_sum3A_2404 = arith.constant true
        %reduce_sum3A_2405 = vector.broadcast %reduce_sum3A_2404 : i1 to vector<16xi1>
        %reduce_sum3A_2406 = tpu.scan <sum>, %select_n3A_2403 masked %reduce_sum3A_2405 : vector<16xi32>, vector<16xi1> -> vector<16xi32>
        %reduce_sum3A_2407 = vector.extract %reduce_sum3A_2406[15] : i32 from vector<16xi32>
        %shift_right_arithmetic3A_2408 = arith.constant 7 : i32
        %shift_right_arithmetic3A_2409 = arith.shrsi %reduce_sum3A_2397, %shift_right_arithmetic3A_2408 : i32
        %mul3A_2410 = arith.constant 128 : i32
        %mul3A_2411 = arith.muli %shift_right_arithmetic3A_2409, %mul3A_2410 : i32
        %multiple_of3A_2412 = tpu.assume_multiple %mul3A_2411, 128 : i32
        %shift_right_arithmetic3A_2413 = arith.constant 7 : i32
        %shift_right_arithmetic3A_2414 = arith.shrsi %reduce_sum3A_2407, %shift_right_arithmetic3A_2413 : i32
        %mul3A_2415 = arith.constant 128 : i32
        %mul3A_2416 = arith.muli %shift_right_arithmetic3A_2414, %mul3A_2415 : i32
        %multiple_of3A_2417 = tpu.assume_multiple %mul3A_2416, 128 : i32
        %dma_start3A_2418 = arith.constant 0 : i32
        %dma_start3A_2419 = arith.constant 0 : i32
        %dma_start3A_2420 = tpu.memref_slice %arg9[%select_n3A_844, %dma_start3A_2418, %dma_start3A_2419] : memref<8x32x128xf32, #tpu.memory_space<vmem>> -> memref<1x32x128xf32, #tpu.memory_space<vmem>>
        %dma_start3A_2421 = tpu.memref_squeeze %dma_start3A_2420 : memref<1x32x128xf32, #tpu.memory_space<vmem>> -> memref<32x128xf32, #tpu.memory_space<vmem>>
        %dma_start3A_2422 = arith.constant 0 : i32
        %dma_start3A_2423 = tpu.memref_slice %arg4[%dma_start3A_2422, %multiple_of3A_2412] : memref<32x1000000xf32, #tpu.memory_space<hbm>> -> memref<32x128xf32, #tpu.memory_space<hbm>>
        %dma_start3A_2424 = arith.constant 0 : i32
        %dma_start3A_2425 = arith.constant 0 : i32
        %dma_start3A_2426 = tpu.memref_slice %arg9[%select_n3A_844, %dma_start3A_2424, %dma_start3A_2425] : memref<8x32x128xf32, #tpu.memory_space<vmem>> -> memref<1x32x128xf32, #tpu.memory_space<vmem>>
        %dma_start3A_2427 = tpu.memref_squeeze %dma_start3A_2426 : memref<1x32x128xf32, #tpu.memory_space<vmem>> -> memref<32x128xf32, #tpu.memory_space<vmem>>
        %dma_start3A_2428 = arith.constant 0 : i32
        %dma_start3A_2429 = tpu.memref_slice %arg4[%dma_start3A_2428, %multiple_of3A_2412] : memref<32x1000000xf32, #tpu.memory_space<hbm>> -> memref<32x128xf32, #tpu.memory_space<hbm>>
        tpu.enqueue_dma source(%dma_start3A_2429 : memref<32x128xf32, #tpu.memory_space<hbm>>) target(%dma_start3A_2427 : memref<32x128xf32, #tpu.memory_space<vmem>>) target_semaphore(%arg13 : memref<!tpu.dma_semaphore, #tpu.memory_space<semaphore_mem>>)
        %dma_start3A_2430 = arith.constant 0 : i32
        %dma_start3A_2431 = arith.constant 0 : i32
        %dma_start3A_2432 = tpu.memref_slice %arg10[%select_n3A_844, %dma_start3A_2430, %dma_start3A_2431] : memref<8x32x128xf32, #tpu.memory_space<vmem>> -> memref<1x32x128xf32, #tpu.memory_space<vmem>>
        %dma_start3A_2433 = tpu.memref_squeeze %dma_start3A_2432 : memref<1x32x128xf32, #tpu.memory_space<vmem>> -> memref<32x128xf32, #tpu.memory_space<vmem>>
        %dma_start3A_2434 = arith.constant 0 : i32
        %dma_start3A_2435 = tpu.memref_slice %arg5[%dma_start3A_2434, %multiple_of3A_2417] : memref<32x1000000xf32, #tpu.memory_space<hbm>> -> memref<32x128xf32, #tpu.memory_space<hbm>>
        %dma_start3A_2436 = arith.constant 0 : i32
        %dma_start3A_2437 = arith.constant 0 : i32
        %dma_start3A_2438 = tpu.memref_slice %arg10[%select_n3A_844, %dma_start3A_2436, %dma_start3A_2437] : memref<8x32x128xf32, #tpu.memory_space<vmem>> -> memref<1x32x128xf32, #tpu.memory_space<vmem>>
        %dma_start3A_2439 = tpu.memref_squeeze %dma_start3A_2438 : memref<1x32x128xf32, #tpu.memory_space<vmem>> -> memref<32x128xf32, #tpu.memory_space<vmem>>
        %dma_start3A_2440 = arith.constant 0 : i32
        %dma_start3A_2441 = tpu.memref_slice %arg5[%dma_start3A_2440, %multiple_of3A_2417] : memref<32x1000000xf32, #tpu.memory_space<hbm>> -> memref<32x128xf32, #tpu.memory_space<hbm>>
        tpu.enqueue_dma source(%dma_start3A_2441 : memref<32x128xf32, #tpu.memory_space<hbm>>) target(%dma_start3A_2439 : memref<32x128xf32, #tpu.memory_space<vmem>>) target_semaphore(%arg13 : memref<!tpu.dma_semaphore, #tpu.memory_space<semaphore_mem>>)
      } else {
      }
      %mul3A_929 = arith.constant 16 : i32
      %mul3A_930 = arith.muli %scan3A_614, %mul3A_929 : i32
      %add3A_931 = arith.constant 2 : i32
      %add3A_932 = arith.addi %mul3A_930, %add3A_931 : i32
      %jit3A_933 = arith.constant 8 : i32
      %eq3A_934 = arith.constant 0 : i32
      %eq3A_935 = arith.cmpi eq, %jit3A_933, %eq3A_934 : i32
      %jit3A_936 = arith.constant 1 : i32
      %select_n3A_937 = arith.select %eq3A_935, %jit3A_936, %jit3A_933 : i32
      %rem3A_938 = arith.remsi %add3A_932, %select_n3A_937 : i32
      %ne3A_939 = arith.constant 0 : i32
      %ne3A_940 = arith.cmpi ne, %rem3A_938, %ne3A_939 : i32
      %lt3A_941 = arith.constant 0 : i32
      %lt3A_942 = arith.cmpi slt, %rem3A_938, %lt3A_941 : i32
      %lt3A_943 = arith.constant 0 : i32
      %lt3A_944 = arith.cmpi slt, %select_n3A_937, %lt3A_943 : i32
      %ne3A_945 = arith.xori %lt3A_942, %lt3A_944 : i1
      %and3A_946 = arith.andi %ne3A_945, %ne3A_940 : i1
      %add3A_947 = arith.addi %rem3A_938, %select_n3A_937 : i32
      %select_n3A_948 = arith.select %and3A_946, %add3A_947, %rem3A_938 : i32
      %dma_wait3A_949 = arith.constant 0 : i32
      %dma_wait3A_950 = arith.constant 0 : i32
      %dma_wait3A_951 = tpu.memref_slice %arg9[%select_n3A_948, %dma_wait3A_949, %dma_wait3A_950] : memref<8x32x128xf32, #tpu.memory_space<vmem>> -> memref<1x32x128xf32, #tpu.memory_space<vmem>>
      %dma_wait3A_952 = tpu.memref_squeeze %dma_wait3A_951 : memref<1x32x128xf32, #tpu.memory_space<vmem>> -> memref<32x128xf32, #tpu.memory_space<vmem>>
      %dma_wait3A_953 = arith.constant 0 : i32
      %dma_wait3A_954 = arith.constant 0 : i32
      %dma_wait3A_955 = tpu.memref_slice %arg4[%dma_wait3A_953, %dma_wait3A_954] : memref<32x1000000xf32, #tpu.memory_space<hbm>> -> memref<32x128xf32, #tpu.memory_space<hbm>>
      %dma_wait3A_956 = arith.constant 0 : i32
      %dma_wait3A_957 = arith.constant 0 : i32
      %dma_wait3A_958 = tpu.memref_slice %arg9[%select_n3A_948, %dma_wait3A_956, %dma_wait3A_957] : memref<8x32x128xf32, #tpu.memory_space<vmem>> -> memref<1x32x128xf32, #tpu.memory_space<vmem>>
      %dma_wait3A_959 = tpu.memref_squeeze %dma_wait3A_958 : memref<1x32x128xf32, #tpu.memory_space<vmem>> -> memref<32x128xf32, #tpu.memory_space<vmem>>
      %dma_wait3A_960 = arith.constant 0 : i32
      %dma_wait3A_961 = arith.constant 0 : i32
      %dma_wait3A_962 = tpu.memref_slice %arg4[%dma_wait3A_960, %dma_wait3A_961] : memref<32x1000000xf32, #tpu.memory_space<hbm>> -> memref<32x128xf32, #tpu.memory_space<hbm>>
      tpu.wait_dma2 semaphore(%arg13 : memref<!tpu.dma_semaphore, #tpu.memory_space<semaphore_mem>>) src(%dma_wait3A_962 : memref<32x128xf32, #tpu.memory_space<hbm>>) dst(%dma_wait3A_959 : memref<32x128xf32, #tpu.memory_space<vmem>>)
      %dma_wait3A_963 = arith.constant 0 : i32
      %dma_wait3A_964 = arith.constant 0 : i32
      %dma_wait3A_965 = tpu.memref_slice %arg10[%select_n3A_948, %dma_wait3A_963, %dma_wait3A_964] : memref<8x32x128xf32, #tpu.memory_space<vmem>> -> memref<1x32x128xf32, #tpu.memory_space<vmem>>
      %dma_wait3A_966 = tpu.memref_squeeze %dma_wait3A_965 : memref<1x32x128xf32, #tpu.memory_space<vmem>> -> memref<32x128xf32, #tpu.memory_space<vmem>>
      %dma_wait3A_967 = arith.constant 0 : i32
      %dma_wait3A_968 = arith.constant 0 : i32
      %dma_wait3A_969 = tpu.memref_slice %arg5[%dma_wait3A_967, %dma_wait3A_968] : memref<32x1000000xf32, #tpu.memory_space<hbm>> -> memref<32x128xf32, #tpu.memory_space<hbm>>
      %dma_wait3A_970 = arith.constant 0 : i32
      %dma_wait3A_971 = arith.constant 0 : i32
      %dma_wait3A_972 = tpu.memref_slice %arg10[%select_n3A_948, %dma_wait3A_970, %dma_wait3A_971] : memref<8x32x128xf32, #tpu.memory_space<vmem>> -> memref<1x32x128xf32, #tpu.memory_space<vmem>>
      %dma_wait3A_973 = tpu.memref_squeeze %dma_wait3A_972 : memref<1x32x128xf32, #tpu.memory_space<vmem>> -> memref<32x128xf32, #tpu.memory_space<vmem>>
      %dma_wait3A_974 = arith.constant 0 : i32
      %dma_wait3A_975 = arith.constant 0 : i32
      %dma_wait3A_976 = tpu.memref_slice %arg5[%dma_wait3A_974, %dma_wait3A_975] : memref<32x1000000xf32, #tpu.memory_space<hbm>> -> memref<32x128xf32, #tpu.memory_space<hbm>>
      tpu.wait_dma2 semaphore(%arg13 : memref<!tpu.dma_semaphore, #tpu.memory_space<semaphore_mem>>) src(%dma_wait3A_976 : memref<32x128xf32, #tpu.memory_space<hbm>>) dst(%dma_wait3A_973 : memref<32x128xf32, #tpu.memory_space<vmem>>)
      %eq3A_977 = arith.constant 2 : i32
      %eq3A_978 = vector.broadcast %eq3A_977 : i32 to vector<16xi32>
      %eq3A_979 = arith.cmpi eq, %iota3A, %eq3A_978 : vector<16xi32>
      %jit3A_980 = arith.constant 0 : i32
      %broadcast_in_dim3A_981 = vector.broadcast %jit3A_980 : i32 to vector<16xi32>
      %select_n3A_982 = arith.select %eq3A_979, %get3A_652, %broadcast_in_dim3A_981 : vector<16xi1>, vector<16xi32>
      %reduce_sum3A_983 = arith.constant true
      %reduce_sum3A_984 = vector.broadcast %reduce_sum3A_983 : i1 to vector<16xi1>
      %reduce_sum3A_985 = tpu.scan <sum>, %select_n3A_982 masked %reduce_sum3A_984 : vector<16xi32>, vector<16xi1> -> vector<16xi32>
      %reduce_sum3A_986 = vector.extract %reduce_sum3A_985[15] : i32 from vector<16xi32>
      %eq3A_987 = arith.constant 2 : i32
      %eq3A_988 = vector.broadcast %eq3A_987 : i32 to vector<16xi32>
      %eq3A_989 = arith.cmpi eq, %iota3A, %eq3A_988 : vector<16xi32>
      %jit3A_990 = arith.constant 0 : i32
      %broadcast_in_dim3A_991 = vector.broadcast %jit3A_990 : i32 to vector<16xi32>
      %select_n3A_992 = arith.select %eq3A_989, %get3A_655, %broadcast_in_dim3A_991 : vector<16xi1>, vector<16xi32>
      %reduce_sum3A_993 = arith.constant true
      %reduce_sum3A_994 = vector.broadcast %reduce_sum3A_993 : i1 to vector<16xi1>
      %reduce_sum3A_995 = tpu.scan <sum>, %select_n3A_992 masked %reduce_sum3A_994 : vector<16xi32>, vector<16xi1> -> vector<16xi32>
      %reduce_sum3A_996 = vector.extract %reduce_sum3A_995[15] : i32 from vector<16xi32>
      %and3A_997 = arith.constant 127 : i32
      %and3A_998 = arith.andi %reduce_sum3A_986, %and3A_997 : i32
      %broadcast_in_dim3A_999 = vector.broadcast %and3A_998 : i32 to vector<16xi32>
      %and3A_1000 = arith.constant 127 : i32
      %and3A_1001 = arith.andi %reduce_sum3A_996, %and3A_1000 : i32
      %broadcast_in_dim3A_1002 = vector.broadcast %and3A_1001 : i32 to vector<16xi32>
      %broadcast_in_dim3A_1003 = vector.broadcast %select_n3A_948 : i32 to vector<16xi32>
      %gather3A_1004 = tpu.vector_load_idx %arg9[%broadcast_in_dim3A_1003, %iota3A, %broadcast_in_dim3A_999] : memref<8x32x128xf32, #tpu.memory_space<vmem>>[vector<16xi32>, vector<16xi32>, vector<16xi32>], vector<16xf32>,
      %add3A_1005 = arith.constant 16 : i32
      %add3A_1006 = vector.broadcast %add3A_1005 : i32 to vector<16xi32>
      %add3A_1007 = arith.addi %iota3A, %add3A_1006 : vector<16xi32>
      %gather3A_1008 = tpu.vector_load_idx %arg9[%broadcast_in_dim3A_1003, %add3A_1007, %broadcast_in_dim3A_999] : memref<8x32x128xf32, #tpu.memory_space<vmem>>[vector<16xi32>, vector<16xi32>, vector<16xi32>], vector<16xf32>,
      %gather3A_1009 = tpu.vector_load_idx %arg10[%broadcast_in_dim3A_1003, %iota3A, %broadcast_in_dim3A_1002] : memref<8x32x128xf32, #tpu.memory_space<vmem>>[vector<16xi32>, vector<16xi32>, vector<16xi32>], vector<16xf32>,
      %add3A_1010 = arith.constant 16 : i32
      %add3A_1011 = vector.broadcast %add3A_1010 : i32 to vector<16xi32>
      %add3A_1012 = arith.addi %iota3A, %add3A_1011 : vector<16xi32>
      %gather3A_1013 = tpu.vector_load_idx %arg10[%broadcast_in_dim3A_1003, %add3A_1012, %broadcast_in_dim3A_1002] : memref<8x32x128xf32, #tpu.memory_space<vmem>>[vector<16xi32>, vector<16xi32>, vector<16xi32>], vector<16xf32>,
      %mul3A_1014 = arith.mulf %gather3A_1004, %gather3A_1009 : vector<16xf32>
      %mul3A_1015 = arith.mulf %gather3A_1008, %gather3A_1013 : vector<16xf32>
      %add3A_1016 = arith.addf %mul3A_1014, %mul3A_1015 : vector<16xf32>
      %reduce_sum3A_1017 = arith.constant true
      %reduce_sum3A_1018 = vector.broadcast %reduce_sum3A_1017 : i1 to vector<16xi1>
      %reduce_sum3A_1019 = tpu.scan <sum>, %add3A_1016 masked %reduce_sum3A_1018 : vector<16xf32>, vector<16xi1> -> vector<16xf32>
      %reduce_sum3A_1020 = vector.extract %reduce_sum3A_1019[15] : f32 from vector<16xf32>
      %eq3A_1021 = arith.constant 2 : i32
      %eq3A_1022 = vector.broadcast %eq3A_1021 : i32 to vector<16xi32>
      %eq3A_1023 = arith.cmpi eq, %iota3A, %eq3A_1022 : vector<16xi32>
      %broadcast_in_dim3A_1024 = vector.broadcast %reduce_sum3A_1020 : f32 to vector<16xf32>
      %select_n3A_1025 = arith.select %eq3A_1023, %broadcast_in_dim3A_1024, %select_n3A_921 : vector<16xi1>, vector<16xf32>
      %add3A_1026 = arith.constant 8 : i32
      %add3A_1027 = arith.addi %add3A_932, %add3A_1026 : i32
      %lt3A_1028 = arith.constant 512 : i32
      %lt3A_1029 = arith.cmpi slt, %add3A_1027, %lt3A_1028 : i32
      %convert_element_type3A_1030 = arith.extui %lt3A_1029 : i1 to i32
      %cond3A_1031 = arith.constant 0 : i32
      %cond3A_1032 = arith.cmpi ne, %convert_element_type3A_1030, %cond3A_1031 : i32
      scf.if %cond3A_1032 {
        %eq3A_2388 = arith.constant 10 : i32
        %eq3A_2389 = vector.broadcast %eq3A_2388 : i32 to vector<16xi32>
        %eq3A_2390 = arith.cmpi eq, %iota3A, %eq3A_2389 : vector<16xi32>
        %jit3A_2391 = arith.constant 0 : i32
        %broadcast_in_dim3A_2392 = vector.broadcast %jit3A_2391 : i32 to vector<16xi32>
        %select_n3A_2393 = arith.select %eq3A_2390, %get3A_652, %broadcast_in_dim3A_2392 : vector<16xi1>, vector<16xi32>
        %reduce_sum3A_2394 = arith.constant true
        %reduce_sum3A_2395 = vector.broadcast %reduce_sum3A_2394 : i1 to vector<16xi1>
        %reduce_sum3A_2396 = tpu.scan <sum>, %select_n3A_2393 masked %reduce_sum3A_2395 : vector<16xi32>, vector<16xi1> -> vector<16xi32>
        %reduce_sum3A_2397 = vector.extract %reduce_sum3A_2396[15] : i32 from vector<16xi32>
        %eq3A_2398 = arith.constant 10 : i32
        %eq3A_2399 = vector.broadcast %eq3A_2398 : i32 to vector<16xi32>
        %eq3A_2400 = arith.cmpi eq, %iota3A, %eq3A_2399 : vector<16xi32>
        %jit3A_2401 = arith.constant 0 : i32
        %broadcast_in_dim3A_2402 = vector.broadcast %jit3A_2401 : i32 to vector<16xi32>
        %select_n3A_2403 = arith.select %eq3A_2400, %get3A_655, %broadcast_in_dim3A_2402 : vector<16xi1>, vector<16xi32>
        %reduce_sum3A_2404 = arith.constant true
        %reduce_sum3A_2405 = vector.broadcast %reduce_sum3A_2404 : i1 to vector<16xi1>
        %reduce_sum3A_2406 = tpu.scan <sum>, %select_n3A_2403 masked %reduce_sum3A_2405 : vector<16xi32>, vector<16xi1> -> vector<16xi32>
        %reduce_sum3A_2407 = vector.extract %reduce_sum3A_2406[15] : i32 from vector<16xi32>
        %shift_right_arithmetic3A_2408 = arith.constant 7 : i32
        %shift_right_arithmetic3A_2409 = arith.shrsi %reduce_sum3A_2397, %shift_right_arithmetic3A_2408 : i32
        %mul3A_2410 = arith.constant 128 : i32
        %mul3A_2411 = arith.muli %shift_right_arithmetic3A_2409, %mul3A_2410 : i32
        %multiple_of3A_2412 = tpu.assume_multiple %mul3A_2411, 128 : i32
        %shift_right_arithmetic3A_2413 = arith.constant 7 : i32
        %shift_right_arithmetic3A_2414 = arith.shrsi %reduce_sum3A_2407, %shift_right_arithmetic3A_2413 : i32
        %mul3A_2415 = arith.constant 128 : i32
        %mul3A_2416 = arith.muli %shift_right_arithmetic3A_2414, %mul3A_2415 : i32
        %multiple_of3A_2417 = tpu.assume_multiple %mul3A_2416, 128 : i32
        %dma_start3A_2418 = arith.constant 0 : i32
        %dma_start3A_2419 = arith.constant 0 : i32
        %dma_start3A_2420 = tpu.memref_slice %arg9[%select_n3A_948, %dma_start3A_2418, %dma_start3A_2419] : memref<8x32x128xf32, #tpu.memory_space<vmem>> -> memref<1x32x128xf32, #tpu.memory_space<vmem>>
        %dma_start3A_2421 = tpu.memref_squeeze %dma_start3A_2420 : memref<1x32x128xf32, #tpu.memory_space<vmem>> -> memref<32x128xf32, #tpu.memory_space<vmem>>
        %dma_start3A_2422 = arith.constant 0 : i32
        %dma_start3A_2423 = tpu.memref_slice %arg4[%dma_start3A_2422, %multiple_of3A_2412] : memref<32x1000000xf32, #tpu.memory_space<hbm>> -> memref<32x128xf32, #tpu.memory_space<hbm>>
        %dma_start3A_2424 = arith.constant 0 : i32
        %dma_start3A_2425 = arith.constant 0 : i32
        %dma_start3A_2426 = tpu.memref_slice %arg9[%select_n3A_948, %dma_start3A_2424, %dma_start3A_2425] : memref<8x32x128xf32, #tpu.memory_space<vmem>> -> memref<1x32x128xf32, #tpu.memory_space<vmem>>
        %dma_start3A_2427 = tpu.memref_squeeze %dma_start3A_2426 : memref<1x32x128xf32, #tpu.memory_space<vmem>> -> memref<32x128xf32, #tpu.memory_space<vmem>>
        %dma_start3A_2428 = arith.constant 0 : i32
        %dma_start3A_2429 = tpu.memref_slice %arg4[%dma_start3A_2428, %multiple_of3A_2412] : memref<32x1000000xf32, #tpu.memory_space<hbm>> -> memref<32x128xf32, #tpu.memory_space<hbm>>
        tpu.enqueue_dma source(%dma_start3A_2429 : memref<32x128xf32, #tpu.memory_space<hbm>>) target(%dma_start3A_2427 : memref<32x128xf32, #tpu.memory_space<vmem>>) target_semaphore(%arg13 : memref<!tpu.dma_semaphore, #tpu.memory_space<semaphore_mem>>)
        %dma_start3A_2430 = arith.constant 0 : i32
        %dma_start3A_2431 = arith.constant 0 : i32
        %dma_start3A_2432 = tpu.memref_slice %arg10[%select_n3A_948, %dma_start3A_2430, %dma_start3A_2431] : memref<8x32x128xf32, #tpu.memory_space<vmem>> -> memref<1x32x128xf32, #tpu.memory_space<vmem>>
        %dma_start3A_2433 = tpu.memref_squeeze %dma_start3A_2432 : memref<1x32x128xf32, #tpu.memory_space<vmem>> -> memref<32x128xf32, #tpu.memory_space<vmem>>
        %dma_start3A_2434 = arith.constant 0 : i32
        %dma_start3A_2435 = tpu.memref_slice %arg5[%dma_start3A_2434, %multiple_of3A_2417] : memref<32x1000000xf32, #tpu.memory_space<hbm>> -> memref<32x128xf32, #tpu.memory_space<hbm>>
        %dma_start3A_2436 = arith.constant 0 : i32
        %dma_start3A_2437 = arith.constant 0 : i32
        %dma_start3A_2438 = tpu.memref_slice %arg10[%select_n3A_948, %dma_start3A_2436, %dma_start3A_2437] : memref<8x32x128xf32, #tpu.memory_space<vmem>> -> memref<1x32x128xf32, #tpu.memory_space<vmem>>
        %dma_start3A_2439 = tpu.memref_squeeze %dma_start3A_2438 : memref<1x32x128xf32, #tpu.memory_space<vmem>> -> memref<32x128xf32, #tpu.memory_space<vmem>>
        %dma_start3A_2440 = arith.constant 0 : i32
        %dma_start3A_2441 = tpu.memref_slice %arg5[%dma_start3A_2440, %multiple_of3A_2417] : memref<32x1000000xf32, #tpu.memory_space<hbm>> -> memref<32x128xf32, #tpu.memory_space<hbm>>
        tpu.enqueue_dma source(%dma_start3A_2441 : memref<32x128xf32, #tpu.memory_space<hbm>>) target(%dma_start3A_2439 : memref<32x128xf32, #tpu.memory_space<vmem>>) target_semaphore(%arg13 : memref<!tpu.dma_semaphore, #tpu.memory_space<semaphore_mem>>)
      } else {
      }
      %mul3A_1033 = arith.constant 16 : i32
      %mul3A_1034 = arith.muli %scan3A_614, %mul3A_1033 : i32
      %add3A_1035 = arith.constant 3 : i32
      %add3A_1036 = arith.addi %mul3A_1034, %add3A_1035 : i32
      %jit3A_1037 = arith.constant 8 : i32
      %eq3A_1038 = arith.constant 0 : i32
      %eq3A_1039 = arith.cmpi eq, %jit3A_1037, %eq3A_1038 : i32
      %jit3A_1040 = arith.constant 1 : i32
      %select_n3A_1041 = arith.select %eq3A_1039, %jit3A_1040, %jit3A_1037 : i32
      %rem3A_1042 = arith.remsi %add3A_1036, %select_n3A_1041 : i32
      %ne3A_1043 = arith.constant 0 : i32
      %ne3A_1044 = arith.cmpi ne, %rem3A_1042, %ne3A_1043 : i32
      %lt3A_1045 = arith.constant 0 : i32
      %lt3A_1046 = arith.cmpi slt, %rem3A_1042, %lt3A_1045 : i32
      %lt3A_1047 = arith.constant 0 : i32
      %lt3A_1048 = arith.cmpi slt, %select_n3A_1041, %lt3A_1047 : i32
      %ne3A_1049 = arith.xori %lt3A_1046, %lt3A_1048 : i1
      %and3A_1050 = arith.andi %ne3A_1049, %ne3A_1044 : i1
      %add3A_1051 = arith.addi %rem3A_1042, %select_n3A_1041 : i32
      %select_n3A_1052 = arith.select %and3A_1050, %add3A_1051, %rem3A_1042 : i32
      %dma_wait3A_1053 = arith.constant 0 : i32
      %dma_wait3A_1054 = arith.constant 0 : i32
      %dma_wait3A_1055 = tpu.memref_slice %arg9[%select_n3A_1052, %dma_wait3A_1053, %dma_wait3A_1054] : memref<8x32x128xf32, #tpu.memory_space<vmem>> -> memref<1x32x128xf32, #tpu.memory_space<vmem>>
      %dma_wait3A_1056 = tpu.memref_squeeze %dma_wait3A_1055 : memref<1x32x128xf32, #tpu.memory_space<vmem>> -> memref<32x128xf32, #tpu.memory_space<vmem>>
      %dma_wait3A_1057 = arith.constant 0 : i32
      %dma_wait3A_1058 = arith.constant 0 : i32
      %dma_wait3A_1059 = tpu.memref_slice %arg4[%dma_wait3A_1057, %dma_wait3A_1058] : memref<32x1000000xf32, #tpu.memory_space<hbm>> -> memref<32x128xf32, #tpu.memory_space<hbm>>
      %dma_wait3A_1060 = arith.constant 0 : i32
      %dma_wait3A_1061 = arith.constant 0 : i32
      %dma_wait3A_1062 = tpu.memref_slice %arg9[%select_n3A_1052, %dma_wait3A_1060, %dma_wait3A_1061] : memref<8x32x128xf32, #tpu.memory_space<vmem>> -> memref<1x32x128xf32, #tpu.memory_space<vmem>>
      %dma_wait3A_1063 = tpu.memref_squeeze %dma_wait3A_1062 : memref<1x32x128xf32, #tpu.memory_space<vmem>> -> memref<32x128xf32, #tpu.memory_space<vmem>>
      %dma_wait3A_1064 = arith.constant 0 : i32
      %dma_wait3A_1065 = arith.constant 0 : i32
      %dma_wait3A_1066 = tpu.memref_slice %arg4[%dma_wait3A_1064, %dma_wait3A_1065] : memref<32x1000000xf32, #tpu.memory_space<hbm>> -> memref<32x128xf32, #tpu.memory_space<hbm>>
      tpu.wait_dma2 semaphore(%arg13 : memref<!tpu.dma_semaphore, #tpu.memory_space<semaphore_mem>>) src(%dma_wait3A_1066 : memref<32x128xf32, #tpu.memory_space<hbm>>) dst(%dma_wait3A_1063 : memref<32x128xf32, #tpu.memory_space<vmem>>)
      %dma_wait3A_1067 = arith.constant 0 : i32
      %dma_wait3A_1068 = arith.constant 0 : i32
      %dma_wait3A_1069 = tpu.memref_slice %arg10[%select_n3A_1052, %dma_wait3A_1067, %dma_wait3A_1068] : memref<8x32x128xf32, #tpu.memory_space<vmem>> -> memref<1x32x128xf32, #tpu.memory_space<vmem>>
      %dma_wait3A_1070 = tpu.memref_squeeze %dma_wait3A_1069 : memref<1x32x128xf32, #tpu.memory_space<vmem>> -> memref<32x128xf32, #tpu.memory_space<vmem>>
      %dma_wait3A_1071 = arith.constant 0 : i32
      %dma_wait3A_1072 = arith.constant 0 : i32
      %dma_wait3A_1073 = tpu.memref_slice %arg5[%dma_wait3A_1071, %dma_wait3A_1072] : memref<32x1000000xf32, #tpu.memory_space<hbm>> -> memref<32x128xf32, #tpu.memory_space<hbm>>
      %dma_wait3A_1074 = arith.constant 0 : i32
      %dma_wait3A_1075 = arith.constant 0 : i32
      %dma_wait3A_1076 = tpu.memref_slice %arg10[%select_n3A_1052, %dma_wait3A_1074, %dma_wait3A_1075] : memref<8x32x128xf32, #tpu.memory_space<vmem>> -> memref<1x32x128xf32, #tpu.memory_space<vmem>>
      %dma_wait3A_1077 = tpu.memref_squeeze %dma_wait3A_1076 : memref<1x32x128xf32, #tpu.memory_space<vmem>> -> memref<32x128xf32, #tpu.memory_space<vmem>>
      %dma_wait3A_1078 = arith.constant 0 : i32
      %dma_wait3A_1079 = arith.constant 0 : i32
      %dma_wait3A_1080 = tpu.memref_slice %arg5[%dma_wait3A_1078, %dma_wait3A_1079] : memref<32x1000000xf32, #tpu.memory_space<hbm>> -> memref<32x128xf32, #tpu.memory_space<hbm>>
      tpu.wait_dma2 semaphore(%arg13 : memref<!tpu.dma_semaphore, #tpu.memory_space<semaphore_mem>>) src(%dma_wait3A_1080 : memref<32x128xf32, #tpu.memory_space<hbm>>) dst(%dma_wait3A_1077 : memref<32x128xf32, #tpu.memory_space<vmem>>)
      %eq3A_1081 = arith.constant 3 : i32
      %eq3A_1082 = vector.broadcast %eq3A_1081 : i32 to vector<16xi32>
      %eq3A_1083 = arith.cmpi eq, %iota3A, %eq3A_1082 : vector<16xi32>
      %jit3A_1084 = arith.constant 0 : i32
      %broadcast_in_dim3A_1085 = vector.broadcast %jit3A_1084 : i32 to vector<16xi32>
      %select_n3A_1086 = arith.select %eq3A_1083, %get3A_652, %broadcast_in_dim3A_1085 : vector<16xi1>, vector<16xi32>
      %reduce_sum3A_1087 = arith.constant true
      %reduce_sum3A_1088 = vector.broadcast %reduce_sum3A_1087 : i1 to vector<16xi1>
      %reduce_sum3A_1089 = tpu.scan <sum>, %select_n3A_1086 masked %reduce_sum3A_1088 : vector<16xi32>, vector<16xi1> -> vector<16xi32>
      %reduce_sum3A_1090 = vector.extract %reduce_sum3A_1089[15] : i32 from vector<16xi32>
      %eq3A_1091 = arith.constant 3 : i32
      %eq3A_1092 = vector.broadcast %eq3A_1091 : i32 to vector<16xi32>
      %eq3A_1093 = arith.cmpi eq, %iota3A, %eq3A_1092 : vector<16xi32>
      %jit3A_1094 = arith.constant 0 : i32
      %broadcast_in_dim3A_1095 = vector.broadcast %jit3A_1094 : i32 to vector<16xi32>
      %select_n3A_1096 = arith.select %eq3A_1093, %get3A_655, %broadcast_in_dim3A_1095 : vector<16xi1>, vector<16xi32>
      %reduce_sum3A_1097 = arith.constant true
      %reduce_sum3A_1098 = vector.broadcast %reduce_sum3A_1097 : i1 to vector<16xi1>
      %reduce_sum3A_1099 = tpu.scan <sum>, %select_n3A_1096 masked %reduce_sum3A_1098 : vector<16xi32>, vector<16xi1> -> vector<16xi32>
      %reduce_sum3A_1100 = vector.extract %reduce_sum3A_1099[15] : i32 from vector<16xi32>
      %and3A_1101 = arith.constant 127 : i32
      %and3A_1102 = arith.andi %reduce_sum3A_1090, %and3A_1101 : i32
      %broadcast_in_dim3A_1103 = vector.broadcast %and3A_1102 : i32 to vector<16xi32>
      %and3A_1104 = arith.constant 127 : i32
      %and3A_1105 = arith.andi %reduce_sum3A_1100, %and3A_1104 : i32
      %broadcast_in_dim3A_1106 = vector.broadcast %and3A_1105 : i32 to vector<16xi32>
      %broadcast_in_dim3A_1107 = vector.broadcast %select_n3A_1052 : i32 to vector<16xi32>
      %gather3A_1108 = tpu.vector_load_idx %arg9[%broadcast_in_dim3A_1107, %iota3A, %broadcast_in_dim3A_1103] : memref<8x32x128xf32, #tpu.memory_space<vmem>>[vector<16xi32>, vector<16xi32>, vector<16xi32>], vector<16xf32>,
      %add3A_1109 = arith.constant 16 : i32
      %add3A_1110 = vector.broadcast %add3A_1109 : i32 to vector<16xi32>
      %add3A_1111 = arith.addi %iota3A, %add3A_1110 : vector<16xi32>
      %gather3A_1112 = tpu.vector_load_idx %arg9[%broadcast_in_dim3A_1107, %add3A_1111, %broadcast_in_dim3A_1103] : memref<8x32x128xf32, #tpu.memory_space<vmem>>[vector<16xi32>, vector<16xi32>, vector<16xi32>], vector<16xf32>,
      %gather3A_1113 = tpu.vector_load_idx %arg10[%broadcast_in_dim3A_1107, %iota3A, %broadcast_in_dim3A_1106] : memref<8x32x128xf32, #tpu.memory_space<vmem>>[vector<16xi32>, vector<16xi32>, vector<16xi32>], vector<16xf32>,
      %add3A_1114 = arith.constant 16 : i32
      %add3A_1115 = vector.broadcast %add3A_1114 : i32 to vector<16xi32>
      %add3A_1116 = arith.addi %iota3A, %add3A_1115 : vector<16xi32>
      %gather3A_1117 = tpu.vector_load_idx %arg10[%broadcast_in_dim3A_1107, %add3A_1116, %broadcast_in_dim3A_1106] : memref<8x32x128xf32, #tpu.memory_space<vmem>>[vector<16xi32>, vector<16xi32>, vector<16xi32>], vector<16xf32>,
      %mul3A_1118 = arith.mulf %gather3A_1108, %gather3A_1113 : vector<16xf32>
      %mul3A_1119 = arith.mulf %gather3A_1112, %gather3A_1117 : vector<16xf32>
      %add3A_1120 = arith.addf %mul3A_1118, %mul3A_1119 : vector<16xf32>
      %reduce_sum3A_1121 = arith.constant true
      %reduce_sum3A_1122 = vector.broadcast %reduce_sum3A_1121 : i1 to vector<16xi1>
      %reduce_sum3A_1123 = tpu.scan <sum>, %add3A_1120 masked %reduce_sum3A_1122 : vector<16xf32>, vector<16xi1> -> vector<16xf32>
      %reduce_sum3A_1124 = vector.extract %reduce_sum3A_1123[15] : f32 from vector<16xf32>
      %eq3A_1125 = arith.constant 3 : i32
      %eq3A_1126 = vector.broadcast %eq3A_1125 : i32 to vector<16xi32>
      %eq3A_1127 = arith.cmpi eq, %iota3A, %eq3A_1126 : vector<16xi32>
      %broadcast_in_dim3A_1128 = vector.broadcast %reduce_sum3A_1124 : f32 to vector<16xf32>
      %select_n3A_1129 = arith.select %eq3A_1127, %broadcast_in_dim3A_1128, %select_n3A_1025 : vector<16xi1>, vector<16xf32>
      %add3A_1130 = arith.constant 8 : i32
      %add3A_1131 = arith.addi %add3A_1036, %add3A_1130 : i32
      %lt3A_1132 = arith.constant 512 : i32
      %lt3A_1133 = arith.cmpi slt, %add3A_1131, %lt3A_1132 : i32
      %convert_element_type3A_1134 = arith.extui %lt3A_1133 : i1 to i32
      %cond3A_1135 = arith.constant 0 : i32
      %cond3A_1136 = arith.cmpi ne, %convert_element_type3A_1134, %cond3A_1135 : i32
      scf.if %cond3A_1136 {
        %eq3A_2388 = arith.constant 11 : i32
        %eq3A_2389 = vector.broadcast %eq3A_2388 : i32 to vector<16xi32>
        %eq3A_2390 = arith.cmpi eq, %iota3A, %eq3A_2389 : vector<16xi32>
        %jit3A_2391 = arith.constant 0 : i32
        %broadcast_in_dim3A_2392 = vector.broadcast %jit3A_2391 : i32 to vector<16xi32>
        %select_n3A_2393 = arith.select %eq3A_2390, %get3A_652, %broadcast_in_dim3A_2392 : vector<16xi1>, vector<16xi32>
        %reduce_sum3A_2394 = arith.constant true
        %reduce_sum3A_2395 = vector.broadcast %reduce_sum3A_2394 : i1 to vector<16xi1>
        %reduce_sum3A_2396 = tpu.scan <sum>, %select_n3A_2393 masked %reduce_sum3A_2395 : vector<16xi32>, vector<16xi1> -> vector<16xi32>
        %reduce_sum3A_2397 = vector.extract %reduce_sum3A_2396[15] : i32 from vector<16xi32>
        %eq3A_2398 = arith.constant 11 : i32
        %eq3A_2399 = vector.broadcast %eq3A_2398 : i32 to vector<16xi32>
        %eq3A_2400 = arith.cmpi eq, %iota3A, %eq3A_2399 : vector<16xi32>
        %jit3A_2401 = arith.constant 0 : i32
        %broadcast_in_dim3A_2402 = vector.broadcast %jit3A_2401 : i32 to vector<16xi32>
        %select_n3A_2403 = arith.select %eq3A_2400, %get3A_655, %broadcast_in_dim3A_2402 : vector<16xi1>, vector<16xi32>
        %reduce_sum3A_2404 = arith.constant true
        %reduce_sum3A_2405 = vector.broadcast %reduce_sum3A_2404 : i1 to vector<16xi1>
        %reduce_sum3A_2406 = tpu.scan <sum>, %select_n3A_2403 masked %reduce_sum3A_2405 : vector<16xi32>, vector<16xi1> -> vector<16xi32>
        %reduce_sum3A_2407 = vector.extract %reduce_sum3A_2406[15] : i32 from vector<16xi32>
        %shift_right_arithmetic3A_2408 = arith.constant 7 : i32
        %shift_right_arithmetic3A_2409 = arith.shrsi %reduce_sum3A_2397, %shift_right_arithmetic3A_2408 : i32
        %mul3A_2410 = arith.constant 128 : i32
        %mul3A_2411 = arith.muli %shift_right_arithmetic3A_2409, %mul3A_2410 : i32
        %multiple_of3A_2412 = tpu.assume_multiple %mul3A_2411, 128 : i32
        %shift_right_arithmetic3A_2413 = arith.constant 7 : i32
        %shift_right_arithmetic3A_2414 = arith.shrsi %reduce_sum3A_2407, %shift_right_arithmetic3A_2413 : i32
        %mul3A_2415 = arith.constant 128 : i32
        %mul3A_2416 = arith.muli %shift_right_arithmetic3A_2414, %mul3A_2415 : i32
        %multiple_of3A_2417 = tpu.assume_multiple %mul3A_2416, 128 : i32
        %dma_start3A_2418 = arith.constant 0 : i32
        %dma_start3A_2419 = arith.constant 0 : i32
        %dma_start3A_2420 = tpu.memref_slice %arg9[%select_n3A_1052, %dma_start3A_2418, %dma_start3A_2419] : memref<8x32x128xf32, #tpu.memory_space<vmem>> -> memref<1x32x128xf32, #tpu.memory_space<vmem>>
        %dma_start3A_2421 = tpu.memref_squeeze %dma_start3A_2420 : memref<1x32x128xf32, #tpu.memory_space<vmem>> -> memref<32x128xf32, #tpu.memory_space<vmem>>
        %dma_start3A_2422 = arith.constant 0 : i32
        %dma_start3A_2423 = tpu.memref_slice %arg4[%dma_start3A_2422, %multiple_of3A_2412] : memref<32x1000000xf32, #tpu.memory_space<hbm>> -> memref<32x128xf32, #tpu.memory_space<hbm>>
        %dma_start3A_2424 = arith.constant 0 : i32
        %dma_start3A_2425 = arith.constant 0 : i32
        %dma_start3A_2426 = tpu.memref_slice %arg9[%select_n3A_1052, %dma_start3A_2424, %dma_start3A_2425] : memref<8x32x128xf32, #tpu.memory_space<vmem>> -> memref<1x32x128xf32, #tpu.memory_space<vmem>>
        %dma_start3A_2427 = tpu.memref_squeeze %dma_start3A_2426 : memref<1x32x128xf32, #tpu.memory_space<vmem>> -> memref<32x128xf32, #tpu.memory_space<vmem>>
        %dma_start3A_2428 = arith.constant 0 : i32
        %dma_start3A_2429 = tpu.memref_slice %arg4[%dma_start3A_2428, %multiple_of3A_2412] : memref<32x1000000xf32, #tpu.memory_space<hbm>> -> memref<32x128xf32, #tpu.memory_space<hbm>>
        tpu.enqueue_dma source(%dma_start3A_2429 : memref<32x128xf32, #tpu.memory_space<hbm>>) target(%dma_start3A_2427 : memref<32x128xf32, #tpu.memory_space<vmem>>) target_semaphore(%arg13 : memref<!tpu.dma_semaphore, #tpu.memory_space<semaphore_mem>>)
        %dma_start3A_2430 = arith.constant 0 : i32
        %dma_start3A_2431 = arith.constant 0 : i32
        %dma_start3A_2432 = tpu.memref_slice %arg10[%select_n3A_1052, %dma_start3A_2430, %dma_start3A_2431] : memref<8x32x128xf32, #tpu.memory_space<vmem>> -> memref<1x32x128xf32, #tpu.memory_space<vmem>>
        %dma_start3A_2433 = tpu.memref_squeeze %dma_start3A_2432 : memref<1x32x128xf32, #tpu.memory_space<vmem>> -> memref<32x128xf32, #tpu.memory_space<vmem>>
        %dma_start3A_2434 = arith.constant 0 : i32
        %dma_start3A_2435 = tpu.memref_slice %arg5[%dma_start3A_2434, %multiple_of3A_2417] : memref<32x1000000xf32, #tpu.memory_space<hbm>> -> memref<32x128xf32, #tpu.memory_space<hbm>>
        %dma_start3A_2436 = arith.constant 0 : i32
        %dma_start3A_2437 = arith.constant 0 : i32
        %dma_start3A_2438 = tpu.memref_slice %arg10[%select_n3A_1052, %dma_start3A_2436, %dma_start3A_2437] : memref<8x32x128xf32, #tpu.memory_space<vmem>> -> memref<1x32x128xf32, #tpu.memory_space<vmem>>
        %dma_start3A_2439 = tpu.memref_squeeze %dma_start3A_2438 : memref<1x32x128xf32, #tpu.memory_space<vmem>> -> memref<32x128xf32, #tpu.memory_space<vmem>>
        %dma_start3A_2440 = arith.constant 0 : i32
        %dma_start3A_2441 = tpu.memref_slice %arg5[%dma_start3A_2440, %multiple_of3A_2417] : memref<32x1000000xf32, #tpu.memory_space<hbm>> -> memref<32x128xf32, #tpu.memory_space<hbm>>
        tpu.enqueue_dma source(%dma_start3A_2441 : memref<32x128xf32, #tpu.memory_space<hbm>>) target(%dma_start3A_2439 : memref<32x128xf32, #tpu.memory_space<vmem>>) target_semaphore(%arg13 : memref<!tpu.dma_semaphore, #tpu.memory_space<semaphore_mem>>)
      } else {
      }
      %mul3A_1137 = arith.constant 16 : i32
      %mul3A_1138 = arith.muli %scan3A_614, %mul3A_1137 : i32
      %add3A_1139 = arith.constant 4 : i32
      %add3A_1140 = arith.addi %mul3A_1138, %add3A_1139 : i32
      %jit3A_1141 = arith.constant 8 : i32
      %eq3A_1142 = arith.constant 0 : i32
      %eq3A_1143 = arith.cmpi eq, %jit3A_1141, %eq3A_1142 : i32
      %jit3A_1144 = arith.constant 1 : i32
      %select_n3A_1145 = arith.select %eq3A_1143, %jit3A_1144, %jit3A_1141 : i32
      %rem3A_1146 = arith.remsi %add3A_1140, %select_n3A_1145 : i32
      %ne3A_1147 = arith.constant 0 : i32
      %ne3A_1148 = arith.cmpi ne, %rem3A_1146, %ne3A_1147 : i32
      %lt3A_1149 = arith.constant 0 : i32
      %lt3A_1150 = arith.cmpi slt, %rem3A_1146, %lt3A_1149 : i32
      %lt3A_1151 = arith.constant 0 : i32
      %lt3A_1152 = arith.cmpi slt, %select_n3A_1145, %lt3A_1151 : i32
      %ne3A_1153 = arith.xori %lt3A_1150, %lt3A_1152 : i1
      %and3A_1154 = arith.andi %ne3A_1153, %ne3A_1148 : i1
      %add3A_1155 = arith.addi %rem3A_1146, %select_n3A_1145 : i32
      %select_n3A_1156 = arith.select %and3A_1154, %add3A_1155, %rem3A_1146 : i32
      %dma_wait3A_1157 = arith.constant 0 : i32
      %dma_wait3A_1158 = arith.constant 0 : i32
      %dma_wait3A_1159 = tpu.memref_slice %arg9[%select_n3A_1156, %dma_wait3A_1157, %dma_wait3A_1158] : memref<8x32x128xf32, #tpu.memory_space<vmem>> -> memref<1x32x128xf32, #tpu.memory_space<vmem>>
      %dma_wait3A_1160 = tpu.memref_squeeze %dma_wait3A_1159 : memref<1x32x128xf32, #tpu.memory_space<vmem>> -> memref<32x128xf32, #tpu.memory_space<vmem>>
      %dma_wait3A_1161 = arith.constant 0 : i32
      %dma_wait3A_1162 = arith.constant 0 : i32
      %dma_wait3A_1163 = tpu.memref_slice %arg4[%dma_wait3A_1161, %dma_wait3A_1162] : memref<32x1000000xf32, #tpu.memory_space<hbm>> -> memref<32x128xf32, #tpu.memory_space<hbm>>
      %dma_wait3A_1164 = arith.constant 0 : i32
      %dma_wait3A_1165 = arith.constant 0 : i32
      %dma_wait3A_1166 = tpu.memref_slice %arg9[%select_n3A_1156, %dma_wait3A_1164, %dma_wait3A_1165] : memref<8x32x128xf32, #tpu.memory_space<vmem>> -> memref<1x32x128xf32, #tpu.memory_space<vmem>>
      %dma_wait3A_1167 = tpu.memref_squeeze %dma_wait3A_1166 : memref<1x32x128xf32, #tpu.memory_space<vmem>> -> memref<32x128xf32, #tpu.memory_space<vmem>>
      %dma_wait3A_1168 = arith.constant 0 : i32
      %dma_wait3A_1169 = arith.constant 0 : i32
      %dma_wait3A_1170 = tpu.memref_slice %arg4[%dma_wait3A_1168, %dma_wait3A_1169] : memref<32x1000000xf32, #tpu.memory_space<hbm>> -> memref<32x128xf32, #tpu.memory_space<hbm>>
      tpu.wait_dma2 semaphore(%arg13 : memref<!tpu.dma_semaphore, #tpu.memory_space<semaphore_mem>>) src(%dma_wait3A_1170 : memref<32x128xf32, #tpu.memory_space<hbm>>) dst(%dma_wait3A_1167 : memref<32x128xf32, #tpu.memory_space<vmem>>)
      %dma_wait3A_1171 = arith.constant 0 : i32
      %dma_wait3A_1172 = arith.constant 0 : i32
      %dma_wait3A_1173 = tpu.memref_slice %arg10[%select_n3A_1156, %dma_wait3A_1171, %dma_wait3A_1172] : memref<8x32x128xf32, #tpu.memory_space<vmem>> -> memref<1x32x128xf32, #tpu.memory_space<vmem>>
      %dma_wait3A_1174 = tpu.memref_squeeze %dma_wait3A_1173 : memref<1x32x128xf32, #tpu.memory_space<vmem>> -> memref<32x128xf32, #tpu.memory_space<vmem>>
      %dma_wait3A_1175 = arith.constant 0 : i32
      %dma_wait3A_1176 = arith.constant 0 : i32
      %dma_wait3A_1177 = tpu.memref_slice %arg5[%dma_wait3A_1175, %dma_wait3A_1176] : memref<32x1000000xf32, #tpu.memory_space<hbm>> -> memref<32x128xf32, #tpu.memory_space<hbm>>
      %dma_wait3A_1178 = arith.constant 0 : i32
      %dma_wait3A_1179 = arith.constant 0 : i32
      %dma_wait3A_1180 = tpu.memref_slice %arg10[%select_n3A_1156, %dma_wait3A_1178, %dma_wait3A_1179] : memref<8x32x128xf32, #tpu.memory_space<vmem>> -> memref<1x32x128xf32, #tpu.memory_space<vmem>>
      %dma_wait3A_1181 = tpu.memref_squeeze %dma_wait3A_1180 : memref<1x32x128xf32, #tpu.memory_space<vmem>> -> memref<32x128xf32, #tpu.memory_space<vmem>>
      %dma_wait3A_1182 = arith.constant 0 : i32
      %dma_wait3A_1183 = arith.constant 0 : i32
      %dma_wait3A_1184 = tpu.memref_slice %arg5[%dma_wait3A_1182, %dma_wait3A_1183] : memref<32x1000000xf32, #tpu.memory_space<hbm>> -> memref<32x128xf32, #tpu.memory_space<hbm>>
      tpu.wait_dma2 semaphore(%arg13 : memref<!tpu.dma_semaphore, #tpu.memory_space<semaphore_mem>>) src(%dma_wait3A_1184 : memref<32x128xf32, #tpu.memory_space<hbm>>) dst(%dma_wait3A_1181 : memref<32x128xf32, #tpu.memory_space<vmem>>)
      %eq3A_1185 = arith.constant 4 : i32
      %eq3A_1186 = vector.broadcast %eq3A_1185 : i32 to vector<16xi32>
      %eq3A_1187 = arith.cmpi eq, %iota3A, %eq3A_1186 : vector<16xi32>
      %jit3A_1188 = arith.constant 0 : i32
      %broadcast_in_dim3A_1189 = vector.broadcast %jit3A_1188 : i32 to vector<16xi32>
      %select_n3A_1190 = arith.select %eq3A_1187, %get3A_652, %broadcast_in_dim3A_1189 : vector<16xi1>, vector<16xi32>
      %reduce_sum3A_1191 = arith.constant true
      %reduce_sum3A_1192 = vector.broadcast %reduce_sum3A_1191 : i1 to vector<16xi1>
      %reduce_sum3A_1193 = tpu.scan <sum>, %select_n3A_1190 masked %reduce_sum3A_1192 : vector<16xi32>, vector<16xi1> -> vector<16xi32>
      %reduce_sum3A_1194 = vector.extract %reduce_sum3A_1193[15] : i32 from vector<16xi32>
      %eq3A_1195 = arith.constant 4 : i32
      %eq3A_1196 = vector.broadcast %eq3A_1195 : i32 to vector<16xi32>
      %eq3A_1197 = arith.cmpi eq, %iota3A, %eq3A_1196 : vector<16xi32>
      %jit3A_1198 = arith.constant 0 : i32
      %broadcast_in_dim3A_1199 = vector.broadcast %jit3A_1198 : i32 to vector<16xi32>
      %select_n3A_1200 = arith.select %eq3A_1197, %get3A_655, %broadcast_in_dim3A_1199 : vector<16xi1>, vector<16xi32>
      %reduce_sum3A_1201 = arith.constant true
      %reduce_sum3A_1202 = vector.broadcast %reduce_sum3A_1201 : i1 to vector<16xi1>
      %reduce_sum3A_1203 = tpu.scan <sum>, %select_n3A_1200 masked %reduce_sum3A_1202 : vector<16xi32>, vector<16xi1> -> vector<16xi32>
      %reduce_sum3A_1204 = vector.extract %reduce_sum3A_1203[15] : i32 from vector<16xi32>
      %and3A_1205 = arith.constant 127 : i32
      %and3A_1206 = arith.andi %reduce_sum3A_1194, %and3A_1205 : i32
      %broadcast_in_dim3A_1207 = vector.broadcast %and3A_1206 : i32 to vector<16xi32>
      %and3A_1208 = arith.constant 127 : i32
      %and3A_1209 = arith.andi %reduce_sum3A_1204, %and3A_1208 : i32
      %broadcast_in_dim3A_1210 = vector.broadcast %and3A_1209 : i32 to vector<16xi32>
      %broadcast_in_dim3A_1211 = vector.broadcast %select_n3A_1156 : i32 to vector<16xi32>
      %gather3A_1212 = tpu.vector_load_idx %arg9[%broadcast_in_dim3A_1211, %iota3A, %broadcast_in_dim3A_1207] : memref<8x32x128xf32, #tpu.memory_space<vmem>>[vector<16xi32>, vector<16xi32>, vector<16xi32>], vector<16xf32>,
      %add3A_1213 = arith.constant 16 : i32
      %add3A_1214 = vector.broadcast %add3A_1213 : i32 to vector<16xi32>
      %add3A_1215 = arith.addi %iota3A, %add3A_1214 : vector<16xi32>
      %gather3A_1216 = tpu.vector_load_idx %arg9[%broadcast_in_dim3A_1211, %add3A_1215, %broadcast_in_dim3A_1207] : memref<8x32x128xf32, #tpu.memory_space<vmem>>[vector<16xi32>, vector<16xi32>, vector<16xi32>], vector<16xf32>,
      %gather3A_1217 = tpu.vector_load_idx %arg10[%broadcast_in_dim3A_1211, %iota3A, %broadcast_in_dim3A_1210] : memref<8x32x128xf32, #tpu.memory_space<vmem>>[vector<16xi32>, vector<16xi32>, vector<16xi32>], vector<16xf32>,
      %add3A_1218 = arith.constant 16 : i32
      %add3A_1219 = vector.broadcast %add3A_1218 : i32 to vector<16xi32>
      %add3A_1220 = arith.addi %iota3A, %add3A_1219 : vector<16xi32>
      %gather3A_1221 = tpu.vector_load_idx %arg10[%broadcast_in_dim3A_1211, %add3A_1220, %broadcast_in_dim3A_1210] : memref<8x32x128xf32, #tpu.memory_space<vmem>>[vector<16xi32>, vector<16xi32>, vector<16xi32>], vector<16xf32>,
      %mul3A_1222 = arith.mulf %gather3A_1212, %gather3A_1217 : vector<16xf32>
      %mul3A_1223 = arith.mulf %gather3A_1216, %gather3A_1221 : vector<16xf32>
      %add3A_1224 = arith.addf %mul3A_1222, %mul3A_1223 : vector<16xf32>
      %reduce_sum3A_1225 = arith.constant true
      %reduce_sum3A_1226 = vector.broadcast %reduce_sum3A_1225 : i1 to vector<16xi1>
      %reduce_sum3A_1227 = tpu.scan <sum>, %add3A_1224 masked %reduce_sum3A_1226 : vector<16xf32>, vector<16xi1> -> vector<16xf32>
      %reduce_sum3A_1228 = vector.extract %reduce_sum3A_1227[15] : f32 from vector<16xf32>
      %eq3A_1229 = arith.constant 4 : i32
      %eq3A_1230 = vector.broadcast %eq3A_1229 : i32 to vector<16xi32>
      %eq3A_1231 = arith.cmpi eq, %iota3A, %eq3A_1230 : vector<16xi32>
      %broadcast_in_dim3A_1232 = vector.broadcast %reduce_sum3A_1228 : f32 to vector<16xf32>
      %select_n3A_1233 = arith.select %eq3A_1231, %broadcast_in_dim3A_1232, %select_n3A_1129 : vector<16xi1>, vector<16xf32>
      %add3A_1234 = arith.constant 8 : i32
      %add3A_1235 = arith.addi %add3A_1140, %add3A_1234 : i32
      %lt3A_1236 = arith.constant 512 : i32
      %lt3A_1237 = arith.cmpi slt, %add3A_1235, %lt3A_1236 : i32
      %convert_element_type3A_1238 = arith.extui %lt3A_1237 : i1 to i32
      %cond3A_1239 = arith.constant 0 : i32
      %cond3A_1240 = arith.cmpi ne, %convert_element_type3A_1238, %cond3A_1239 : i32
      scf.if %cond3A_1240 {
        %eq3A_2388 = arith.constant 12 : i32
        %eq3A_2389 = vector.broadcast %eq3A_2388 : i32 to vector<16xi32>
        %eq3A_2390 = arith.cmpi eq, %iota3A, %eq3A_2389 : vector<16xi32>
        %jit3A_2391 = arith.constant 0 : i32
        %broadcast_in_dim3A_2392 = vector.broadcast %jit3A_2391 : i32 to vector<16xi32>
        %select_n3A_2393 = arith.select %eq3A_2390, %get3A_652, %broadcast_in_dim3A_2392 : vector<16xi1>, vector<16xi32>
        %reduce_sum3A_2394 = arith.constant true
        %reduce_sum3A_2395 = vector.broadcast %reduce_sum3A_2394 : i1 to vector<16xi1>
        %reduce_sum3A_2396 = tpu.scan <sum>, %select_n3A_2393 masked %reduce_sum3A_2395 : vector<16xi32>, vector<16xi1> -> vector<16xi32>
        %reduce_sum3A_2397 = vector.extract %reduce_sum3A_2396[15] : i32 from vector<16xi32>
        %eq3A_2398 = arith.constant 12 : i32
        %eq3A_2399 = vector.broadcast %eq3A_2398 : i32 to vector<16xi32>
        %eq3A_2400 = arith.cmpi eq, %iota3A, %eq3A_2399 : vector<16xi32>
        %jit3A_2401 = arith.constant 0 : i32
        %broadcast_in_dim3A_2402 = vector.broadcast %jit3A_2401 : i32 to vector<16xi32>
        %select_n3A_2403 = arith.select %eq3A_2400, %get3A_655, %broadcast_in_dim3A_2402 : vector<16xi1>, vector<16xi32>
        %reduce_sum3A_2404 = arith.constant true
        %reduce_sum3A_2405 = vector.broadcast %reduce_sum3A_2404 : i1 to vector<16xi1>
        %reduce_sum3A_2406 = tpu.scan <sum>, %select_n3A_2403 masked %reduce_sum3A_2405 : vector<16xi32>, vector<16xi1> -> vector<16xi32>
        %reduce_sum3A_2407 = vector.extract %reduce_sum3A_2406[15] : i32 from vector<16xi32>
        %shift_right_arithmetic3A_2408 = arith.constant 7 : i32
        %shift_right_arithmetic3A_2409 = arith.shrsi %reduce_sum3A_2397, %shift_right_arithmetic3A_2408 : i32
        %mul3A_2410 = arith.constant 128 : i32
        %mul3A_2411 = arith.muli %shift_right_arithmetic3A_2409, %mul3A_2410 : i32
        %multiple_of3A_2412 = tpu.assume_multiple %mul3A_2411, 128 : i32
        %shift_right_arithmetic3A_2413 = arith.constant 7 : i32
        %shift_right_arithmetic3A_2414 = arith.shrsi %reduce_sum3A_2407, %shift_right_arithmetic3A_2413 : i32
        %mul3A_2415 = arith.constant 128 : i32
        %mul3A_2416 = arith.muli %shift_right_arithmetic3A_2414, %mul3A_2415 : i32
        %multiple_of3A_2417 = tpu.assume_multiple %mul3A_2416, 128 : i32
        %dma_start3A_2418 = arith.constant 0 : i32
        %dma_start3A_2419 = arith.constant 0 : i32
        %dma_start3A_2420 = tpu.memref_slice %arg9[%select_n3A_1156, %dma_start3A_2418, %dma_start3A_2419] : memref<8x32x128xf32, #tpu.memory_space<vmem>> -> memref<1x32x128xf32, #tpu.memory_space<vmem>>
        %dma_start3A_2421 = tpu.memref_squeeze %dma_start3A_2420 : memref<1x32x128xf32, #tpu.memory_space<vmem>> -> memref<32x128xf32, #tpu.memory_space<vmem>>
        %dma_start3A_2422 = arith.constant 0 : i32
        %dma_start3A_2423 = tpu.memref_slice %arg4[%dma_start3A_2422, %multiple_of3A_2412] : memref<32x1000000xf32, #tpu.memory_space<hbm>> -> memref<32x128xf32, #tpu.memory_space<hbm>>
        %dma_start3A_2424 = arith.constant 0 : i32
        %dma_start3A_2425 = arith.constant 0 : i32
        %dma_start3A_2426 = tpu.memref_slice %arg9[%select_n3A_1156, %dma_start3A_2424, %dma_start3A_2425] : memref<8x32x128xf32, #tpu.memory_space<vmem>> -> memref<1x32x128xf32, #tpu.memory_space<vmem>>
        %dma_start3A_2427 = tpu.memref_squeeze %dma_start3A_2426 : memref<1x32x128xf32, #tpu.memory_space<vmem>> -> memref<32x128xf32, #tpu.memory_space<vmem>>
        %dma_start3A_2428 = arith.constant 0 : i32
        %dma_start3A_2429 = tpu.memref_slice %arg4[%dma_start3A_2428, %multiple_of3A_2412] : memref<32x1000000xf32, #tpu.memory_space<hbm>> -> memref<32x128xf32, #tpu.memory_space<hbm>>
        tpu.enqueue_dma source(%dma_start3A_2429 : memref<32x128xf32, #tpu.memory_space<hbm>>) target(%dma_start3A_2427 : memref<32x128xf32, #tpu.memory_space<vmem>>) target_semaphore(%arg13 : memref<!tpu.dma_semaphore, #tpu.memory_space<semaphore_mem>>)
        %dma_start3A_2430 = arith.constant 0 : i32
        %dma_start3A_2431 = arith.constant 0 : i32
        %dma_start3A_2432 = tpu.memref_slice %arg10[%select_n3A_1156, %dma_start3A_2430, %dma_start3A_2431] : memref<8x32x128xf32, #tpu.memory_space<vmem>> -> memref<1x32x128xf32, #tpu.memory_space<vmem>>
        %dma_start3A_2433 = tpu.memref_squeeze %dma_start3A_2432 : memref<1x32x128xf32, #tpu.memory_space<vmem>> -> memref<32x128xf32, #tpu.memory_space<vmem>>
        %dma_start3A_2434 = arith.constant 0 : i32
        %dma_start3A_2435 = tpu.memref_slice %arg5[%dma_start3A_2434, %multiple_of3A_2417] : memref<32x1000000xf32, #tpu.memory_space<hbm>> -> memref<32x128xf32, #tpu.memory_space<hbm>>
        %dma_start3A_2436 = arith.constant 0 : i32
        %dma_start3A_2437 = arith.constant 0 : i32
        %dma_start3A_2438 = tpu.memref_slice %arg10[%select_n3A_1156, %dma_start3A_2436, %dma_start3A_2437] : memref<8x32x128xf32, #tpu.memory_space<vmem>> -> memref<1x32x128xf32, #tpu.memory_space<vmem>>
        %dma_start3A_2439 = tpu.memref_squeeze %dma_start3A_2438 : memref<1x32x128xf32, #tpu.memory_space<vmem>> -> memref<32x128xf32, #tpu.memory_space<vmem>>
        %dma_start3A_2440 = arith.constant 0 : i32
        %dma_start3A_2441 = tpu.memref_slice %arg5[%dma_start3A_2440, %multiple_of3A_2417] : memref<32x1000000xf32, #tpu.memory_space<hbm>> -> memref<32x128xf32, #tpu.memory_space<hbm>>
        tpu.enqueue_dma source(%dma_start3A_2441 : memref<32x128xf32, #tpu.memory_space<hbm>>) target(%dma_start3A_2439 : memref<32x128xf32, #tpu.memory_space<vmem>>) target_semaphore(%arg13 : memref<!tpu.dma_semaphore, #tpu.memory_space<semaphore_mem>>)
      } else {
      }
      %mul3A_1241 = arith.constant 16 : i32
      %mul3A_1242 = arith.muli %scan3A_614, %mul3A_1241 : i32
      %add3A_1243 = arith.constant 5 : i32
      %add3A_1244 = arith.addi %mul3A_1242, %add3A_1243 : i32
      %jit3A_1245 = arith.constant 8 : i32
      %eq3A_1246 = arith.constant 0 : i32
      %eq3A_1247 = arith.cmpi eq, %jit3A_1245, %eq3A_1246 : i32
      %jit3A_1248 = arith.constant 1 : i32
      %select_n3A_1249 = arith.select %eq3A_1247, %jit3A_1248, %jit3A_1245 : i32
      %rem3A_1250 = arith.remsi %add3A_1244, %select_n3A_1249 : i32
      %ne3A_1251 = arith.constant 0 : i32
      %ne3A_1252 = arith.cmpi ne, %rem3A_1250, %ne3A_1251 : i32
      %lt3A_1253 = arith.constant 0 : i32
      %lt3A_1254 = arith.cmpi slt, %rem3A_1250, %lt3A_1253 : i32
      %lt3A_1255 = arith.constant 0 : i32
      %lt3A_1256 = arith.cmpi slt, %select_n3A_1249, %lt3A_1255 : i32
      %ne3A_1257 = arith.xori %lt3A_1254, %lt3A_1256 : i1
      %and3A_1258 = arith.andi %ne3A_1257, %ne3A_1252 : i1
      %add3A_1259 = arith.addi %rem3A_1250, %select_n3A_1249 : i32
      %select_n3A_1260 = arith.select %and3A_1258, %add3A_1259, %rem3A_1250 : i32
      %dma_wait3A_1261 = arith.constant 0 : i32
      %dma_wait3A_1262 = arith.constant 0 : i32
      %dma_wait3A_1263 = tpu.memref_slice %arg9[%select_n3A_1260, %dma_wait3A_1261, %dma_wait3A_1262] : memref<8x32x128xf32, #tpu.memory_space<vmem>> -> memref<1x32x128xf32, #tpu.memory_space<vmem>>
      %dma_wait3A_1264 = tpu.memref_squeeze %dma_wait3A_1263 : memref<1x32x128xf32, #tpu.memory_space<vmem>> -> memref<32x128xf32, #tpu.memory_space<vmem>>
      %dma_wait3A_1265 = arith.constant 0 : i32
      %dma_wait3A_1266 = arith.constant 0 : i32
      %dma_wait3A_1267 = tpu.memref_slice %arg4[%dma_wait3A_1265, %dma_wait3A_1266] : memref<32x1000000xf32, #tpu.memory_space<hbm>> -> memref<32x128xf32, #tpu.memory_space<hbm>>
      %dma_wait3A_1268 = arith.constant 0 : i32
      %dma_wait3A_1269 = arith.constant 0 : i32
      %dma_wait3A_1270 = tpu.memref_slice %arg9[%select_n3A_1260, %dma_wait3A_1268, %dma_wait3A_1269] : memref<8x32x128xf32, #tpu.memory_space<vmem>> -> memref<1x32x128xf32, #tpu.memory_space<vmem>>
      %dma_wait3A_1271 = tpu.memref_squeeze %dma_wait3A_1270 : memref<1x32x128xf32, #tpu.memory_space<vmem>> -> memref<32x128xf32, #tpu.memory_space<vmem>>
      %dma_wait3A_1272 = arith.constant 0 : i32
      %dma_wait3A_1273 = arith.constant 0 : i32
      %dma_wait3A_1274 = tpu.memref_slice %arg4[%dma_wait3A_1272, %dma_wait3A_1273] : memref<32x1000000xf32, #tpu.memory_space<hbm>> -> memref<32x128xf32, #tpu.memory_space<hbm>>
      tpu.wait_dma2 semaphore(%arg13 : memref<!tpu.dma_semaphore, #tpu.memory_space<semaphore_mem>>) src(%dma_wait3A_1274 : memref<32x128xf32, #tpu.memory_space<hbm>>) dst(%dma_wait3A_1271 : memref<32x128xf32, #tpu.memory_space<vmem>>)
      %dma_wait3A_1275 = arith.constant 0 : i32
      %dma_wait3A_1276 = arith.constant 0 : i32
      %dma_wait3A_1277 = tpu.memref_slice %arg10[%select_n3A_1260, %dma_wait3A_1275, %dma_wait3A_1276] : memref<8x32x128xf32, #tpu.memory_space<vmem>> -> memref<1x32x128xf32, #tpu.memory_space<vmem>>
      %dma_wait3A_1278 = tpu.memref_squeeze %dma_wait3A_1277 : memref<1x32x128xf32, #tpu.memory_space<vmem>> -> memref<32x128xf32, #tpu.memory_space<vmem>>
      %dma_wait3A_1279 = arith.constant 0 : i32
      %dma_wait3A_1280 = arith.constant 0 : i32
      %dma_wait3A_1281 = tpu.memref_slice %arg5[%dma_wait3A_1279, %dma_wait3A_1280] : memref<32x1000000xf32, #tpu.memory_space<hbm>> -> memref<32x128xf32, #tpu.memory_space<hbm>>
      %dma_wait3A_1282 = arith.constant 0 : i32
      %dma_wait3A_1283 = arith.constant 0 : i32
      %dma_wait3A_1284 = tpu.memref_slice %arg10[%select_n3A_1260, %dma_wait3A_1282, %dma_wait3A_1283] : memref<8x32x128xf32, #tpu.memory_space<vmem>> -> memref<1x32x128xf32, #tpu.memory_space<vmem>>
      %dma_wait3A_1285 = tpu.memref_squeeze %dma_wait3A_1284 : memref<1x32x128xf32, #tpu.memory_space<vmem>> -> memref<32x128xf32, #tpu.memory_space<vmem>>
      %dma_wait3A_1286 = arith.constant 0 : i32
      %dma_wait3A_1287 = arith.constant 0 : i32
      %dma_wait3A_1288 = tpu.memref_slice %arg5[%dma_wait3A_1286, %dma_wait3A_1287] : memref<32x1000000xf32, #tpu.memory_space<hbm>> -> memref<32x128xf32, #tpu.memory_space<hbm>>
      tpu.wait_dma2 semaphore(%arg13 : memref<!tpu.dma_semaphore, #tpu.memory_space<semaphore_mem>>) src(%dma_wait3A_1288 : memref<32x128xf32, #tpu.memory_space<hbm>>) dst(%dma_wait3A_1285 : memref<32x128xf32, #tpu.memory_space<vmem>>)
      %eq3A_1289 = arith.constant 5 : i32
      %eq3A_1290 = vector.broadcast %eq3A_1289 : i32 to vector<16xi32>
      %eq3A_1291 = arith.cmpi eq, %iota3A, %eq3A_1290 : vector<16xi32>
      %jit3A_1292 = arith.constant 0 : i32
      %broadcast_in_dim3A_1293 = vector.broadcast %jit3A_1292 : i32 to vector<16xi32>
      %select_n3A_1294 = arith.select %eq3A_1291, %get3A_652, %broadcast_in_dim3A_1293 : vector<16xi1>, vector<16xi32>
      %reduce_sum3A_1295 = arith.constant true
      %reduce_sum3A_1296 = vector.broadcast %reduce_sum3A_1295 : i1 to vector<16xi1>
      %reduce_sum3A_1297 = tpu.scan <sum>, %select_n3A_1294 masked %reduce_sum3A_1296 : vector<16xi32>, vector<16xi1> -> vector<16xi32>
      %reduce_sum3A_1298 = vector.extract %reduce_sum3A_1297[15] : i32 from vector<16xi32>
      %eq3A_1299 = arith.constant 5 : i32
      %eq3A_1300 = vector.broadcast %eq3A_1299 : i32 to vector<16xi32>
      %eq3A_1301 = arith.cmpi eq, %iota3A, %eq3A_1300 : vector<16xi32>
      %jit3A_1302 = arith.constant 0 : i32
      %broadcast_in_dim3A_1303 = vector.broadcast %jit3A_1302 : i32 to vector<16xi32>
      %select_n3A_1304 = arith.select %eq3A_1301, %get3A_655, %broadcast_in_dim3A_1303 : vector<16xi1>, vector<16xi32>
      %reduce_sum3A_1305 = arith.constant true
      %reduce_sum3A_1306 = vector.broadcast %reduce_sum3A_1305 : i1 to vector<16xi1>
      %reduce_sum3A_1307 = tpu.scan <sum>, %select_n3A_1304 masked %reduce_sum3A_1306 : vector<16xi32>, vector<16xi1> -> vector<16xi32>
      %reduce_sum3A_1308 = vector.extract %reduce_sum3A_1307[15] : i32 from vector<16xi32>
      %and3A_1309 = arith.constant 127 : i32
      %and3A_1310 = arith.andi %reduce_sum3A_1298, %and3A_1309 : i32
      %broadcast_in_dim3A_1311 = vector.broadcast %and3A_1310 : i32 to vector<16xi32>
      %and3A_1312 = arith.constant 127 : i32
      %and3A_1313 = arith.andi %reduce_sum3A_1308, %and3A_1312 : i32
      %broadcast_in_dim3A_1314 = vector.broadcast %and3A_1313 : i32 to vector<16xi32>
      %broadcast_in_dim3A_1315 = vector.broadcast %select_n3A_1260 : i32 to vector<16xi32>
      %gather3A_1316 = tpu.vector_load_idx %arg9[%broadcast_in_dim3A_1315, %iota3A, %broadcast_in_dim3A_1311] : memref<8x32x128xf32, #tpu.memory_space<vmem>>[vector<16xi32>, vector<16xi32>, vector<16xi32>], vector<16xf32>,
      %add3A_1317 = arith.constant 16 : i32
      %add3A_1318 = vector.broadcast %add3A_1317 : i32 to vector<16xi32>
      %add3A_1319 = arith.addi %iota3A, %add3A_1318 : vector<16xi32>
      %gather3A_1320 = tpu.vector_load_idx %arg9[%broadcast_in_dim3A_1315, %add3A_1319, %broadcast_in_dim3A_1311] : memref<8x32x128xf32, #tpu.memory_space<vmem>>[vector<16xi32>, vector<16xi32>, vector<16xi32>], vector<16xf32>,
      %gather3A_1321 = tpu.vector_load_idx %arg10[%broadcast_in_dim3A_1315, %iota3A, %broadcast_in_dim3A_1314] : memref<8x32x128xf32, #tpu.memory_space<vmem>>[vector<16xi32>, vector<16xi32>, vector<16xi32>], vector<16xf32>,
      %add3A_1322 = arith.constant 16 : i32
      %add3A_1323 = vector.broadcast %add3A_1322 : i32 to vector<16xi32>
      %add3A_1324 = arith.addi %iota3A, %add3A_1323 : vector<16xi32>
      %gather3A_1325 = tpu.vector_load_idx %arg10[%broadcast_in_dim3A_1315, %add3A_1324, %broadcast_in_dim3A_1314] : memref<8x32x128xf32, #tpu.memory_space<vmem>>[vector<16xi32>, vector<16xi32>, vector<16xi32>], vector<16xf32>,
      %mul3A_1326 = arith.mulf %gather3A_1316, %gather3A_1321 : vector<16xf32>
      %mul3A_1327 = arith.mulf %gather3A_1320, %gather3A_1325 : vector<16xf32>
      %add3A_1328 = arith.addf %mul3A_1326, %mul3A_1327 : vector<16xf32>
      %reduce_sum3A_1329 = arith.constant true
      %reduce_sum3A_1330 = vector.broadcast %reduce_sum3A_1329 : i1 to vector<16xi1>
      %reduce_sum3A_1331 = tpu.scan <sum>, %add3A_1328 masked %reduce_sum3A_1330 : vector<16xf32>, vector<16xi1> -> vector<16xf32>
      %reduce_sum3A_1332 = vector.extract %reduce_sum3A_1331[15] : f32 from vector<16xf32>
      %eq3A_1333 = arith.constant 5 : i32
      %eq3A_1334 = vector.broadcast %eq3A_1333 : i32 to vector<16xi32>
      %eq3A_1335 = arith.cmpi eq, %iota3A, %eq3A_1334 : vector<16xi32>
      %broadcast_in_dim3A_1336 = vector.broadcast %reduce_sum3A_1332 : f32 to vector<16xf32>
      %select_n3A_1337 = arith.select %eq3A_1335, %broadcast_in_dim3A_1336, %select_n3A_1233 : vector<16xi1>, vector<16xf32>
      %add3A_1338 = arith.constant 8 : i32
      %add3A_1339 = arith.addi %add3A_1244, %add3A_1338 : i32
      %lt3A_1340 = arith.constant 512 : i32
      %lt3A_1341 = arith.cmpi slt, %add3A_1339, %lt3A_1340 : i32
      %convert_element_type3A_1342 = arith.extui %lt3A_1341 : i1 to i32
      %cond3A_1343 = arith.constant 0 : i32
      %cond3A_1344 = arith.cmpi ne, %convert_element_type3A_1342, %cond3A_1343 : i32
      scf.if %cond3A_1344 {
        %eq3A_2388 = arith.constant 13 : i32
        %eq3A_2389 = vector.broadcast %eq3A_2388 : i32 to vector<16xi32>
        %eq3A_2390 = arith.cmpi eq, %iota3A, %eq3A_2389 : vector<16xi32>
        %jit3A_2391 = arith.constant 0 : i32
        %broadcast_in_dim3A_2392 = vector.broadcast %jit3A_2391 : i32 to vector<16xi32>
        %select_n3A_2393 = arith.select %eq3A_2390, %get3A_652, %broadcast_in_dim3A_2392 : vector<16xi1>, vector<16xi32>
        %reduce_sum3A_2394 = arith.constant true
        %reduce_sum3A_2395 = vector.broadcast %reduce_sum3A_2394 : i1 to vector<16xi1>
        %reduce_sum3A_2396 = tpu.scan <sum>, %select_n3A_2393 masked %reduce_sum3A_2395 : vector<16xi32>, vector<16xi1> -> vector<16xi32>
        %reduce_sum3A_2397 = vector.extract %reduce_sum3A_2396[15] : i32 from vector<16xi32>
        %eq3A_2398 = arith.constant 13 : i32
        %eq3A_2399 = vector.broadcast %eq3A_2398 : i32 to vector<16xi32>
        %eq3A_2400 = arith.cmpi eq, %iota3A, %eq3A_2399 : vector<16xi32>
        %jit3A_2401 = arith.constant 0 : i32
        %broadcast_in_dim3A_2402 = vector.broadcast %jit3A_2401 : i32 to vector<16xi32>
        %select_n3A_2403 = arith.select %eq3A_2400, %get3A_655, %broadcast_in_dim3A_2402 : vector<16xi1>, vector<16xi32>
        %reduce_sum3A_2404 = arith.constant true
        %reduce_sum3A_2405 = vector.broadcast %reduce_sum3A_2404 : i1 to vector<16xi1>
        %reduce_sum3A_2406 = tpu.scan <sum>, %select_n3A_2403 masked %reduce_sum3A_2405 : vector<16xi32>, vector<16xi1> -> vector<16xi32>
        %reduce_sum3A_2407 = vector.extract %reduce_sum3A_2406[15] : i32 from vector<16xi32>
        %shift_right_arithmetic3A_2408 = arith.constant 7 : i32
        %shift_right_arithmetic3A_2409 = arith.shrsi %reduce_sum3A_2397, %shift_right_arithmetic3A_2408 : i32
        %mul3A_2410 = arith.constant 128 : i32
        %mul3A_2411 = arith.muli %shift_right_arithmetic3A_2409, %mul3A_2410 : i32
        %multiple_of3A_2412 = tpu.assume_multiple %mul3A_2411, 128 : i32
        %shift_right_arithmetic3A_2413 = arith.constant 7 : i32
        %shift_right_arithmetic3A_2414 = arith.shrsi %reduce_sum3A_2407, %shift_right_arithmetic3A_2413 : i32
        %mul3A_2415 = arith.constant 128 : i32
        %mul3A_2416 = arith.muli %shift_right_arithmetic3A_2414, %mul3A_2415 : i32
        %multiple_of3A_2417 = tpu.assume_multiple %mul3A_2416, 128 : i32
        %dma_start3A_2418 = arith.constant 0 : i32
        %dma_start3A_2419 = arith.constant 0 : i32
        %dma_start3A_2420 = tpu.memref_slice %arg9[%select_n3A_1260, %dma_start3A_2418, %dma_start3A_2419] : memref<8x32x128xf32, #tpu.memory_space<vmem>> -> memref<1x32x128xf32, #tpu.memory_space<vmem>>
        %dma_start3A_2421 = tpu.memref_squeeze %dma_start3A_2420 : memref<1x32x128xf32, #tpu.memory_space<vmem>> -> memref<32x128xf32, #tpu.memory_space<vmem>>
        %dma_start3A_2422 = arith.constant 0 : i32
        %dma_start3A_2423 = tpu.memref_slice %arg4[%dma_start3A_2422, %multiple_of3A_2412] : memref<32x1000000xf32, #tpu.memory_space<hbm>> -> memref<32x128xf32, #tpu.memory_space<hbm>>
        %dma_start3A_2424 = arith.constant 0 : i32
        %dma_start3A_2425 = arith.constant 0 : i32
        %dma_start3A_2426 = tpu.memref_slice %arg9[%select_n3A_1260, %dma_start3A_2424, %dma_start3A_2425] : memref<8x32x128xf32, #tpu.memory_space<vmem>> -> memref<1x32x128xf32, #tpu.memory_space<vmem>>
        %dma_start3A_2427 = tpu.memref_squeeze %dma_start3A_2426 : memref<1x32x128xf32, #tpu.memory_space<vmem>> -> memref<32x128xf32, #tpu.memory_space<vmem>>
        %dma_start3A_2428 = arith.constant 0 : i32
        %dma_start3A_2429 = tpu.memref_slice %arg4[%dma_start3A_2428, %multiple_of3A_2412] : memref<32x1000000xf32, #tpu.memory_space<hbm>> -> memref<32x128xf32, #tpu.memory_space<hbm>>
        tpu.enqueue_dma source(%dma_start3A_2429 : memref<32x128xf32, #tpu.memory_space<hbm>>) target(%dma_start3A_2427 : memref<32x128xf32, #tpu.memory_space<vmem>>) target_semaphore(%arg13 : memref<!tpu.dma_semaphore, #tpu.memory_space<semaphore_mem>>)
        %dma_start3A_2430 = arith.constant 0 : i32
        %dma_start3A_2431 = arith.constant 0 : i32
        %dma_start3A_2432 = tpu.memref_slice %arg10[%select_n3A_1260, %dma_start3A_2430, %dma_start3A_2431] : memref<8x32x128xf32, #tpu.memory_space<vmem>> -> memref<1x32x128xf32, #tpu.memory_space<vmem>>
        %dma_start3A_2433 = tpu.memref_squeeze %dma_start3A_2432 : memref<1x32x128xf32, #tpu.memory_space<vmem>> -> memref<32x128xf32, #tpu.memory_space<vmem>>
        %dma_start3A_2434 = arith.constant 0 : i32
        %dma_start3A_2435 = tpu.memref_slice %arg5[%dma_start3A_2434, %multiple_of3A_2417] : memref<32x1000000xf32, #tpu.memory_space<hbm>> -> memref<32x128xf32, #tpu.memory_space<hbm>>
        %dma_start3A_2436 = arith.constant 0 : i32
        %dma_start3A_2437 = arith.constant 0 : i32
        %dma_start3A_2438 = tpu.memref_slice %arg10[%select_n3A_1260, %dma_start3A_2436, %dma_start3A_2437] : memref<8x32x128xf32, #tpu.memory_space<vmem>> -> memref<1x32x128xf32, #tpu.memory_space<vmem>>
        %dma_start3A_2439 = tpu.memref_squeeze %dma_start3A_2438 : memref<1x32x128xf32, #tpu.memory_space<vmem>> -> memref<32x128xf32, #tpu.memory_space<vmem>>
        %dma_start3A_2440 = arith.constant 0 : i32
        %dma_start3A_2441 = tpu.memref_slice %arg5[%dma_start3A_2440, %multiple_of3A_2417] : memref<32x1000000xf32, #tpu.memory_space<hbm>> -> memref<32x128xf32, #tpu.memory_space<hbm>>
        tpu.enqueue_dma source(%dma_start3A_2441 : memref<32x128xf32, #tpu.memory_space<hbm>>) target(%dma_start3A_2439 : memref<32x128xf32, #tpu.memory_space<vmem>>) target_semaphore(%arg13 : memref<!tpu.dma_semaphore, #tpu.memory_space<semaphore_mem>>)
      } else {
      }
      %mul3A_1345 = arith.constant 16 : i32
      %mul3A_1346 = arith.muli %scan3A_614, %mul3A_1345 : i32
      %add3A_1347 = arith.constant 6 : i32
      %add3A_1348 = arith.addi %mul3A_1346, %add3A_1347 : i32
      %jit3A_1349 = arith.constant 8 : i32
      %eq3A_1350 = arith.constant 0 : i32
      %eq3A_1351 = arith.cmpi eq, %jit3A_1349, %eq3A_1350 : i32
      %jit3A_1352 = arith.constant 1 : i32
      %select_n3A_1353 = arith.select %eq3A_1351, %jit3A_1352, %jit3A_1349 : i32
      %rem3A_1354 = arith.remsi %add3A_1348, %select_n3A_1353 : i32
      %ne3A_1355 = arith.constant 0 : i32
      %ne3A_1356 = arith.cmpi ne, %rem3A_1354, %ne3A_1355 : i32
      %lt3A_1357 = arith.constant 0 : i32
      %lt3A_1358 = arith.cmpi slt, %rem3A_1354, %lt3A_1357 : i32
      %lt3A_1359 = arith.constant 0 : i32
      %lt3A_1360 = arith.cmpi slt, %select_n3A_1353, %lt3A_1359 : i32
      %ne3A_1361 = arith.xori %lt3A_1358, %lt3A_1360 : i1
      %and3A_1362 = arith.andi %ne3A_1361, %ne3A_1356 : i1
      %add3A_1363 = arith.addi %rem3A_1354, %select_n3A_1353 : i32
      %select_n3A_1364 = arith.select %and3A_1362, %add3A_1363, %rem3A_1354 : i32
      %dma_wait3A_1365 = arith.constant 0 : i32
      %dma_wait3A_1366 = arith.constant 0 : i32
      %dma_wait3A_1367 = tpu.memref_slice %arg9[%select_n3A_1364, %dma_wait3A_1365, %dma_wait3A_1366] : memref<8x32x128xf32, #tpu.memory_space<vmem>> -> memref<1x32x128xf32, #tpu.memory_space<vmem>>
      %dma_wait3A_1368 = tpu.memref_squeeze %dma_wait3A_1367 : memref<1x32x128xf32, #tpu.memory_space<vmem>> -> memref<32x128xf32, #tpu.memory_space<vmem>>
      %dma_wait3A_1369 = arith.constant 0 : i32
      %dma_wait3A_1370 = arith.constant 0 : i32
      %dma_wait3A_1371 = tpu.memref_slice %arg4[%dma_wait3A_1369, %dma_wait3A_1370] : memref<32x1000000xf32, #tpu.memory_space<hbm>> -> memref<32x128xf32, #tpu.memory_space<hbm>>
      %dma_wait3A_1372 = arith.constant 0 : i32
      %dma_wait3A_1373 = arith.constant 0 : i32
      %dma_wait3A_1374 = tpu.memref_slice %arg9[%select_n3A_1364, %dma_wait3A_1372, %dma_wait3A_1373] : memref<8x32x128xf32, #tpu.memory_space<vmem>> -> memref<1x32x128xf32, #tpu.memory_space<vmem>>
      %dma_wait3A_1375 = tpu.memref_squeeze %dma_wait3A_1374 : memref<1x32x128xf32, #tpu.memory_space<vmem>> -> memref<32x128xf32, #tpu.memory_space<vmem>>
      %dma_wait3A_1376 = arith.constant 0 : i32
      %dma_wait3A_1377 = arith.constant 0 : i32
      %dma_wait3A_1378 = tpu.memref_slice %arg4[%dma_wait3A_1376, %dma_wait3A_1377] : memref<32x1000000xf32, #tpu.memory_space<hbm>> -> memref<32x128xf32, #tpu.memory_space<hbm>>
      tpu.wait_dma2 semaphore(%arg13 : memref<!tpu.dma_semaphore, #tpu.memory_space<semaphore_mem>>) src(%dma_wait3A_1378 : memref<32x128xf32, #tpu.memory_space<hbm>>) dst(%dma_wait3A_1375 : memref<32x128xf32, #tpu.memory_space<vmem>>)
      %dma_wait3A_1379 = arith.constant 0 : i32
      %dma_wait3A_1380 = arith.constant 0 : i32
      %dma_wait3A_1381 = tpu.memref_slice %arg10[%select_n3A_1364, %dma_wait3A_1379, %dma_wait3A_1380] : memref<8x32x128xf32, #tpu.memory_space<vmem>> -> memref<1x32x128xf32, #tpu.memory_space<vmem>>
      %dma_wait3A_1382 = tpu.memref_squeeze %dma_wait3A_1381 : memref<1x32x128xf32, #tpu.memory_space<vmem>> -> memref<32x128xf32, #tpu.memory_space<vmem>>
      %dma_wait3A_1383 = arith.constant 0 : i32
      %dma_wait3A_1384 = arith.constant 0 : i32
      %dma_wait3A_1385 = tpu.memref_slice %arg5[%dma_wait3A_1383, %dma_wait3A_1384] : memref<32x1000000xf32, #tpu.memory_space<hbm>> -> memref<32x128xf32, #tpu.memory_space<hbm>>
      %dma_wait3A_1386 = arith.constant 0 : i32
      %dma_wait3A_1387 = arith.constant 0 : i32
      %dma_wait3A_1388 = tpu.memref_slice %arg10[%select_n3A_1364, %dma_wait3A_1386, %dma_wait3A_1387] : memref<8x32x128xf32, #tpu.memory_space<vmem>> -> memref<1x32x128xf32, #tpu.memory_space<vmem>>
      %dma_wait3A_1389 = tpu.memref_squeeze %dma_wait3A_1388 : memref<1x32x128xf32, #tpu.memory_space<vmem>> -> memref<32x128xf32, #tpu.memory_space<vmem>>
      %dma_wait3A_1390 = arith.constant 0 : i32
      %dma_wait3A_1391 = arith.constant 0 : i32
      %dma_wait3A_1392 = tpu.memref_slice %arg5[%dma_wait3A_1390, %dma_wait3A_1391] : memref<32x1000000xf32, #tpu.memory_space<hbm>> -> memref<32x128xf32, #tpu.memory_space<hbm>>
      tpu.wait_dma2 semaphore(%arg13 : memref<!tpu.dma_semaphore, #tpu.memory_space<semaphore_mem>>) src(%dma_wait3A_1392 : memref<32x128xf32, #tpu.memory_space<hbm>>) dst(%dma_wait3A_1389 : memref<32x128xf32, #tpu.memory_space<vmem>>)
      %eq3A_1393 = arith.constant 6 : i32
      %eq3A_1394 = vector.broadcast %eq3A_1393 : i32 to vector<16xi32>
      %eq3A_1395 = arith.cmpi eq, %iota3A, %eq3A_1394 : vector<16xi32>
      %jit3A_1396 = arith.constant 0 : i32
      %broadcast_in_dim3A_1397 = vector.broadcast %jit3A_1396 : i32 to vector<16xi32>
      %select_n3A_1398 = arith.select %eq3A_1395, %get3A_652, %broadcast_in_dim3A_1397 : vector<16xi1>, vector<16xi32>
      %reduce_sum3A_1399 = arith.constant true
      %reduce_sum3A_1400 = vector.broadcast %reduce_sum3A_1399 : i1 to vector<16xi1>
      %reduce_sum3A_1401 = tpu.scan <sum>, %select_n3A_1398 masked %reduce_sum3A_1400 : vector<16xi32>, vector<16xi1> -> vector<16xi32>
      %reduce_sum3A_1402 = vector.extract %reduce_sum3A_1401[15] : i32 from vector<16xi32>
      %eq3A_1403 = arith.constant 6 : i32
      %eq3A_1404 = vector.broadcast %eq3A_1403 : i32 to vector<16xi32>
      %eq3A_1405 = arith.cmpi eq, %iota3A, %eq3A_1404 : vector<16xi32>
      %jit3A_1406 = arith.constant 0 : i32
      %broadcast_in_dim3A_1407 = vector.broadcast %jit3A_1406 : i32 to vector<16xi32>
      %select_n3A_1408 = arith.select %eq3A_1405, %get3A_655, %broadcast_in_dim3A_1407 : vector<16xi1>, vector<16xi32>
      %reduce_sum3A_1409 = arith.constant true
      %reduce_sum3A_1410 = vector.broadcast %reduce_sum3A_1409 : i1 to vector<16xi1>
      %reduce_sum3A_1411 = tpu.scan <sum>, %select_n3A_1408 masked %reduce_sum3A_1410 : vector<16xi32>, vector<16xi1> -> vector<16xi32>
      %reduce_sum3A_1412 = vector.extract %reduce_sum3A_1411[15] : i32 from vector<16xi32>
      %and3A_1413 = arith.constant 127 : i32
      %and3A_1414 = arith.andi %reduce_sum3A_1402, %and3A_1413 : i32
      %broadcast_in_dim3A_1415 = vector.broadcast %and3A_1414 : i32 to vector<16xi32>
      %and3A_1416 = arith.constant 127 : i32
      %and3A_1417 = arith.andi %reduce_sum3A_1412, %and3A_1416 : i32
      %broadcast_in_dim3A_1418 = vector.broadcast %and3A_1417 : i32 to vector<16xi32>
      %broadcast_in_dim3A_1419 = vector.broadcast %select_n3A_1364 : i32 to vector<16xi32>
      %gather3A_1420 = tpu.vector_load_idx %arg9[%broadcast_in_dim3A_1419, %iota3A, %broadcast_in_dim3A_1415] : memref<8x32x128xf32, #tpu.memory_space<vmem>>[vector<16xi32>, vector<16xi32>, vector<16xi32>], vector<16xf32>,
      %add3A_1421 = arith.constant 16 : i32
      %add3A_1422 = vector.broadcast %add3A_1421 : i32 to vector<16xi32>
      %add3A_1423 = arith.addi %iota3A, %add3A_1422 : vector<16xi32>
      %gather3A_1424 = tpu.vector_load_idx %arg9[%broadcast_in_dim3A_1419, %add3A_1423, %broadcast_in_dim3A_1415] : memref<8x32x128xf32, #tpu.memory_space<vmem>>[vector<16xi32>, vector<16xi32>, vector<16xi32>], vector<16xf32>,
      %gather3A_1425 = tpu.vector_load_idx %arg10[%broadcast_in_dim3A_1419, %iota3A, %broadcast_in_dim3A_1418] : memref<8x32x128xf32, #tpu.memory_space<vmem>>[vector<16xi32>, vector<16xi32>, vector<16xi32>], vector<16xf32>,
      %add3A_1426 = arith.constant 16 : i32
      %add3A_1427 = vector.broadcast %add3A_1426 : i32 to vector<16xi32>
      %add3A_1428 = arith.addi %iota3A, %add3A_1427 : vector<16xi32>
      %gather3A_1429 = tpu.vector_load_idx %arg10[%broadcast_in_dim3A_1419, %add3A_1428, %broadcast_in_dim3A_1418] : memref<8x32x128xf32, #tpu.memory_space<vmem>>[vector<16xi32>, vector<16xi32>, vector<16xi32>], vector<16xf32>,
      %mul3A_1430 = arith.mulf %gather3A_1420, %gather3A_1425 : vector<16xf32>
      %mul3A_1431 = arith.mulf %gather3A_1424, %gather3A_1429 : vector<16xf32>
      %add3A_1432 = arith.addf %mul3A_1430, %mul3A_1431 : vector<16xf32>
      %reduce_sum3A_1433 = arith.constant true
      %reduce_sum3A_1434 = vector.broadcast %reduce_sum3A_1433 : i1 to vector<16xi1>
      %reduce_sum3A_1435 = tpu.scan <sum>, %add3A_1432 masked %reduce_sum3A_1434 : vector<16xf32>, vector<16xi1> -> vector<16xf32>
      %reduce_sum3A_1436 = vector.extract %reduce_sum3A_1435[15] : f32 from vector<16xf32>
      %eq3A_1437 = arith.constant 6 : i32
      %eq3A_1438 = vector.broadcast %eq3A_1437 : i32 to vector<16xi32>
      %eq3A_1439 = arith.cmpi eq, %iota3A, %eq3A_1438 : vector<16xi32>
      %broadcast_in_dim3A_1440 = vector.broadcast %reduce_sum3A_1436 : f32 to vector<16xf32>
      %select_n3A_1441 = arith.select %eq3A_1439, %broadcast_in_dim3A_1440, %select_n3A_1337 : vector<16xi1>, vector<16xf32>
      %add3A_1442 = arith.constant 8 : i32
      %add3A_1443 = arith.addi %add3A_1348, %add3A_1442 : i32
      %lt3A_1444 = arith.constant 512 : i32
      %lt3A_1445 = arith.cmpi slt, %add3A_1443, %lt3A_1444 : i32
      %convert_element_type3A_1446 = arith.extui %lt3A_1445 : i1 to i32
      %cond3A_1447 = arith.constant 0 : i32
      %cond3A_1448 = arith.cmpi ne, %convert_element_type3A_1446, %cond3A_1447 : i32
      scf.if %cond3A_1448 {
        %eq3A_2388 = arith.constant 14 : i32
        %eq3A_2389 = vector.broadcast %eq3A_2388 : i32 to vector<16xi32>
        %eq3A_2390 = arith.cmpi eq, %iota3A, %eq3A_2389 : vector<16xi32>
        %jit3A_2391 = arith.constant 0 : i32
        %broadcast_in_dim3A_2392 = vector.broadcast %jit3A_2391 : i32 to vector<16xi32>
        %select_n3A_2393 = arith.select %eq3A_2390, %get3A_652, %broadcast_in_dim3A_2392 : vector<16xi1>, vector<16xi32>
        %reduce_sum3A_2394 = arith.constant true
        %reduce_sum3A_2395 = vector.broadcast %reduce_sum3A_2394 : i1 to vector<16xi1>
        %reduce_sum3A_2396 = tpu.scan <sum>, %select_n3A_2393 masked %reduce_sum3A_2395 : vector<16xi32>, vector<16xi1> -> vector<16xi32>
        %reduce_sum3A_2397 = vector.extract %reduce_sum3A_2396[15] : i32 from vector<16xi32>
        %eq3A_2398 = arith.constant 14 : i32
        %eq3A_2399 = vector.broadcast %eq3A_2398 : i32 to vector<16xi32>
        %eq3A_2400 = arith.cmpi eq, %iota3A, %eq3A_2399 : vector<16xi32>
        %jit3A_2401 = arith.constant 0 : i32
        %broadcast_in_dim3A_2402 = vector.broadcast %jit3A_2401 : i32 to vector<16xi32>
        %select_n3A_2403 = arith.select %eq3A_2400, %get3A_655, %broadcast_in_dim3A_2402 : vector<16xi1>, vector<16xi32>
        %reduce_sum3A_2404 = arith.constant true
        %reduce_sum3A_2405 = vector.broadcast %reduce_sum3A_2404 : i1 to vector<16xi1>
        %reduce_sum3A_2406 = tpu.scan <sum>, %select_n3A_2403 masked %reduce_sum3A_2405 : vector<16xi32>, vector<16xi1> -> vector<16xi32>
        %reduce_sum3A_2407 = vector.extract %reduce_sum3A_2406[15] : i32 from vector<16xi32>
        %shift_right_arithmetic3A_2408 = arith.constant 7 : i32
        %shift_right_arithmetic3A_2409 = arith.shrsi %reduce_sum3A_2397, %shift_right_arithmetic3A_2408 : i32
        %mul3A_2410 = arith.constant 128 : i32
        %mul3A_2411 = arith.muli %shift_right_arithmetic3A_2409, %mul3A_2410 : i32
        %multiple_of3A_2412 = tpu.assume_multiple %mul3A_2411, 128 : i32
        %shift_right_arithmetic3A_2413 = arith.constant 7 : i32
        %shift_right_arithmetic3A_2414 = arith.shrsi %reduce_sum3A_2407, %shift_right_arithmetic3A_2413 : i32
        %mul3A_2415 = arith.constant 128 : i32
        %mul3A_2416 = arith.muli %shift_right_arithmetic3A_2414, %mul3A_2415 : i32
        %multiple_of3A_2417 = tpu.assume_multiple %mul3A_2416, 128 : i32
        %dma_start3A_2418 = arith.constant 0 : i32
        %dma_start3A_2419 = arith.constant 0 : i32
        %dma_start3A_2420 = tpu.memref_slice %arg9[%select_n3A_1364, %dma_start3A_2418, %dma_start3A_2419] : memref<8x32x128xf32, #tpu.memory_space<vmem>> -> memref<1x32x128xf32, #tpu.memory_space<vmem>>
        %dma_start3A_2421 = tpu.memref_squeeze %dma_start3A_2420 : memref<1x32x128xf32, #tpu.memory_space<vmem>> -> memref<32x128xf32, #tpu.memory_space<vmem>>
        %dma_start3A_2422 = arith.constant 0 : i32
        %dma_start3A_2423 = tpu.memref_slice %arg4[%dma_start3A_2422, %multiple_of3A_2412] : memref<32x1000000xf32, #tpu.memory_space<hbm>> -> memref<32x128xf32, #tpu.memory_space<hbm>>
        %dma_start3A_2424 = arith.constant 0 : i32
        %dma_start3A_2425 = arith.constant 0 : i32
        %dma_start3A_2426 = tpu.memref_slice %arg9[%select_n3A_1364, %dma_start3A_2424, %dma_start3A_2425] : memref<8x32x128xf32, #tpu.memory_space<vmem>> -> memref<1x32x128xf32, #tpu.memory_space<vmem>>
        %dma_start3A_2427 = tpu.memref_squeeze %dma_start3A_2426 : memref<1x32x128xf32, #tpu.memory_space<vmem>> -> memref<32x128xf32, #tpu.memory_space<vmem>>
        %dma_start3A_2428 = arith.constant 0 : i32
        %dma_start3A_2429 = tpu.memref_slice %arg4[%dma_start3A_2428, %multiple_of3A_2412] : memref<32x1000000xf32, #tpu.memory_space<hbm>> -> memref<32x128xf32, #tpu.memory_space<hbm>>
        tpu.enqueue_dma source(%dma_start3A_2429 : memref<32x128xf32, #tpu.memory_space<hbm>>) target(%dma_start3A_2427 : memref<32x128xf32, #tpu.memory_space<vmem>>) target_semaphore(%arg13 : memref<!tpu.dma_semaphore, #tpu.memory_space<semaphore_mem>>)
        %dma_start3A_2430 = arith.constant 0 : i32
        %dma_start3A_2431 = arith.constant 0 : i32
        %dma_start3A_2432 = tpu.memref_slice %arg10[%select_n3A_1364, %dma_start3A_2430, %dma_start3A_2431] : memref<8x32x128xf32, #tpu.memory_space<vmem>> -> memref<1x32x128xf32, #tpu.memory_space<vmem>>
        %dma_start3A_2433 = tpu.memref_squeeze %dma_start3A_2432 : memref<1x32x128xf32, #tpu.memory_space<vmem>> -> memref<32x128xf32, #tpu.memory_space<vmem>>
        %dma_start3A_2434 = arith.constant 0 : i32
        %dma_start3A_2435 = tpu.memref_slice %arg5[%dma_start3A_2434, %multiple_of3A_2417] : memref<32x1000000xf32, #tpu.memory_space<hbm>> -> memref<32x128xf32, #tpu.memory_space<hbm>>
        %dma_start3A_2436 = arith.constant 0 : i32
        %dma_start3A_2437 = arith.constant 0 : i32
        %dma_start3A_2438 = tpu.memref_slice %arg10[%select_n3A_1364, %dma_start3A_2436, %dma_start3A_2437] : memref<8x32x128xf32, #tpu.memory_space<vmem>> -> memref<1x32x128xf32, #tpu.memory_space<vmem>>
        %dma_start3A_2439 = tpu.memref_squeeze %dma_start3A_2438 : memref<1x32x128xf32, #tpu.memory_space<vmem>> -> memref<32x128xf32, #tpu.memory_space<vmem>>
        %dma_start3A_2440 = arith.constant 0 : i32
        %dma_start3A_2441 = tpu.memref_slice %arg5[%dma_start3A_2440, %multiple_of3A_2417] : memref<32x1000000xf32, #tpu.memory_space<hbm>> -> memref<32x128xf32, #tpu.memory_space<hbm>>
        tpu.enqueue_dma source(%dma_start3A_2441 : memref<32x128xf32, #tpu.memory_space<hbm>>) target(%dma_start3A_2439 : memref<32x128xf32, #tpu.memory_space<vmem>>) target_semaphore(%arg13 : memref<!tpu.dma_semaphore, #tpu.memory_space<semaphore_mem>>)
      } else {
      }
      %mul3A_1449 = arith.constant 16 : i32
      %mul3A_1450 = arith.muli %scan3A_614, %mul3A_1449 : i32
      %add3A_1451 = arith.constant 7 : i32
      %add3A_1452 = arith.addi %mul3A_1450, %add3A_1451 : i32
      %jit3A_1453 = arith.constant 8 : i32
      %eq3A_1454 = arith.constant 0 : i32
      %eq3A_1455 = arith.cmpi eq, %jit3A_1453, %eq3A_1454 : i32
      %jit3A_1456 = arith.constant 1 : i32
      %select_n3A_1457 = arith.select %eq3A_1455, %jit3A_1456, %jit3A_1453 : i32
      %rem3A_1458 = arith.remsi %add3A_1452, %select_n3A_1457 : i32
      %ne3A_1459 = arith.constant 0 : i32
      %ne3A_1460 = arith.cmpi ne, %rem3A_1458, %ne3A_1459 : i32
      %lt3A_1461 = arith.constant 0 : i32
      %lt3A_1462 = arith.cmpi slt, %rem3A_1458, %lt3A_1461 : i32
      %lt3A_1463 = arith.constant 0 : i32
      %lt3A_1464 = arith.cmpi slt, %select_n3A_1457, %lt3A_1463 : i32
      %ne3A_1465 = arith.xori %lt3A_1462, %lt3A_1464 : i1
      %and3A_1466 = arith.andi %ne3A_1465, %ne3A_1460 : i1
      %add3A_1467 = arith.addi %rem3A_1458, %select_n3A_1457 : i32
      %select_n3A_1468 = arith.select %and3A_1466, %add3A_1467, %rem3A_1458 : i32
      %dma_wait3A_1469 = arith.constant 0 : i32
      %dma_wait3A_1470 = arith.constant 0 : i32
      %dma_wait3A_1471 = tpu.memref_slice %arg9[%select_n3A_1468, %dma_wait3A_1469, %dma_wait3A_1470] : memref<8x32x128xf32, #tpu.memory_space<vmem>> -> memref<1x32x128xf32, #tpu.memory_space<vmem>>
      %dma_wait3A_1472 = tpu.memref_squeeze %dma_wait3A_1471 : memref<1x32x128xf32, #tpu.memory_space<vmem>> -> memref<32x128xf32, #tpu.memory_space<vmem>>
      %dma_wait3A_1473 = arith.constant 0 : i32
      %dma_wait3A_1474 = arith.constant 0 : i32
      %dma_wait3A_1475 = tpu.memref_slice %arg4[%dma_wait3A_1473, %dma_wait3A_1474] : memref<32x1000000xf32, #tpu.memory_space<hbm>> -> memref<32x128xf32, #tpu.memory_space<hbm>>
      %dma_wait3A_1476 = arith.constant 0 : i32
      %dma_wait3A_1477 = arith.constant 0 : i32
      %dma_wait3A_1478 = tpu.memref_slice %arg9[%select_n3A_1468, %dma_wait3A_1476, %dma_wait3A_1477] : memref<8x32x128xf32, #tpu.memory_space<vmem>> -> memref<1x32x128xf32, #tpu.memory_space<vmem>>
      %dma_wait3A_1479 = tpu.memref_squeeze %dma_wait3A_1478 : memref<1x32x128xf32, #tpu.memory_space<vmem>> -> memref<32x128xf32, #tpu.memory_space<vmem>>
      %dma_wait3A_1480 = arith.constant 0 : i32
      %dma_wait3A_1481 = arith.constant 0 : i32
      %dma_wait3A_1482 = tpu.memref_slice %arg4[%dma_wait3A_1480, %dma_wait3A_1481] : memref<32x1000000xf32, #tpu.memory_space<hbm>> -> memref<32x128xf32, #tpu.memory_space<hbm>>
      tpu.wait_dma2 semaphore(%arg13 : memref<!tpu.dma_semaphore, #tpu.memory_space<semaphore_mem>>) src(%dma_wait3A_1482 : memref<32x128xf32, #tpu.memory_space<hbm>>) dst(%dma_wait3A_1479 : memref<32x128xf32, #tpu.memory_space<vmem>>)
      %dma_wait3A_1483 = arith.constant 0 : i32
      %dma_wait3A_1484 = arith.constant 0 : i32
      %dma_wait3A_1485 = tpu.memref_slice %arg10[%select_n3A_1468, %dma_wait3A_1483, %dma_wait3A_1484] : memref<8x32x128xf32, #tpu.memory_space<vmem>> -> memref<1x32x128xf32, #tpu.memory_space<vmem>>
      %dma_wait3A_1486 = tpu.memref_squeeze %dma_wait3A_1485 : memref<1x32x128xf32, #tpu.memory_space<vmem>> -> memref<32x128xf32, #tpu.memory_space<vmem>>
      %dma_wait3A_1487 = arith.constant 0 : i32
      %dma_wait3A_1488 = arith.constant 0 : i32
      %dma_wait3A_1489 = tpu.memref_slice %arg5[%dma_wait3A_1487, %dma_wait3A_1488] : memref<32x1000000xf32, #tpu.memory_space<hbm>> -> memref<32x128xf32, #tpu.memory_space<hbm>>
      %dma_wait3A_1490 = arith.constant 0 : i32
      %dma_wait3A_1491 = arith.constant 0 : i32
      %dma_wait3A_1492 = tpu.memref_slice %arg10[%select_n3A_1468, %dma_wait3A_1490, %dma_wait3A_1491] : memref<8x32x128xf32, #tpu.memory_space<vmem>> -> memref<1x32x128xf32, #tpu.memory_space<vmem>>
      %dma_wait3A_1493 = tpu.memref_squeeze %dma_wait3A_1492 : memref<1x32x128xf32, #tpu.memory_space<vmem>> -> memref<32x128xf32, #tpu.memory_space<vmem>>
      %dma_wait3A_1494 = arith.constant 0 : i32
      %dma_wait3A_1495 = arith.constant 0 : i32
      %dma_wait3A_1496 = tpu.memref_slice %arg5[%dma_wait3A_1494, %dma_wait3A_1495] : memref<32x1000000xf32, #tpu.memory_space<hbm>> -> memref<32x128xf32, #tpu.memory_space<hbm>>
      tpu.wait_dma2 semaphore(%arg13 : memref<!tpu.dma_semaphore, #tpu.memory_space<semaphore_mem>>) src(%dma_wait3A_1496 : memref<32x128xf32, #tpu.memory_space<hbm>>) dst(%dma_wait3A_1493 : memref<32x128xf32, #tpu.memory_space<vmem>>)
      %eq3A_1497 = arith.constant 7 : i32
      %eq3A_1498 = vector.broadcast %eq3A_1497 : i32 to vector<16xi32>
      %eq3A_1499 = arith.cmpi eq, %iota3A, %eq3A_1498 : vector<16xi32>
      %jit3A_1500 = arith.constant 0 : i32
      %broadcast_in_dim3A_1501 = vector.broadcast %jit3A_1500 : i32 to vector<16xi32>
      %select_n3A_1502 = arith.select %eq3A_1499, %get3A_652, %broadcast_in_dim3A_1501 : vector<16xi1>, vector<16xi32>
      %reduce_sum3A_1503 = arith.constant true
      %reduce_sum3A_1504 = vector.broadcast %reduce_sum3A_1503 : i1 to vector<16xi1>
      %reduce_sum3A_1505 = tpu.scan <sum>, %select_n3A_1502 masked %reduce_sum3A_1504 : vector<16xi32>, vector<16xi1> -> vector<16xi32>
      %reduce_sum3A_1506 = vector.extract %reduce_sum3A_1505[15] : i32 from vector<16xi32>
      %eq3A_1507 = arith.constant 7 : i32
      %eq3A_1508 = vector.broadcast %eq3A_1507 : i32 to vector<16xi32>
      %eq3A_1509 = arith.cmpi eq, %iota3A, %eq3A_1508 : vector<16xi32>
      %jit3A_1510 = arith.constant 0 : i32
      %broadcast_in_dim3A_1511 = vector.broadcast %jit3A_1510 : i32 to vector<16xi32>
      %select_n3A_1512 = arith.select %eq3A_1509, %get3A_655, %broadcast_in_dim3A_1511 : vector<16xi1>, vector<16xi32>
      %reduce_sum3A_1513 = arith.constant true
      %reduce_sum3A_1514 = vector.broadcast %reduce_sum3A_1513 : i1 to vector<16xi1>
      %reduce_sum3A_1515 = tpu.scan <sum>, %select_n3A_1512 masked %reduce_sum3A_1514 : vector<16xi32>, vector<16xi1> -> vector<16xi32>
      %reduce_sum3A_1516 = vector.extract %reduce_sum3A_1515[15] : i32 from vector<16xi32>
      %and3A_1517 = arith.constant 127 : i32
      %and3A_1518 = arith.andi %reduce_sum3A_1506, %and3A_1517 : i32
      %broadcast_in_dim3A_1519 = vector.broadcast %and3A_1518 : i32 to vector<16xi32>
      %and3A_1520 = arith.constant 127 : i32
      %and3A_1521 = arith.andi %reduce_sum3A_1516, %and3A_1520 : i32
      %broadcast_in_dim3A_1522 = vector.broadcast %and3A_1521 : i32 to vector<16xi32>
      %broadcast_in_dim3A_1523 = vector.broadcast %select_n3A_1468 : i32 to vector<16xi32>
      %gather3A_1524 = tpu.vector_load_idx %arg9[%broadcast_in_dim3A_1523, %iota3A, %broadcast_in_dim3A_1519] : memref<8x32x128xf32, #tpu.memory_space<vmem>>[vector<16xi32>, vector<16xi32>, vector<16xi32>], vector<16xf32>,
      %add3A_1525 = arith.constant 16 : i32
      %add3A_1526 = vector.broadcast %add3A_1525 : i32 to vector<16xi32>
      %add3A_1527 = arith.addi %iota3A, %add3A_1526 : vector<16xi32>
      %gather3A_1528 = tpu.vector_load_idx %arg9[%broadcast_in_dim3A_1523, %add3A_1527, %broadcast_in_dim3A_1519] : memref<8x32x128xf32, #tpu.memory_space<vmem>>[vector<16xi32>, vector<16xi32>, vector<16xi32>], vector<16xf32>,
      %gather3A_1529 = tpu.vector_load_idx %arg10[%broadcast_in_dim3A_1523, %iota3A, %broadcast_in_dim3A_1522] : memref<8x32x128xf32, #tpu.memory_space<vmem>>[vector<16xi32>, vector<16xi32>, vector<16xi32>], vector<16xf32>,
      %add3A_1530 = arith.constant 16 : i32
      %add3A_1531 = vector.broadcast %add3A_1530 : i32 to vector<16xi32>
      %add3A_1532 = arith.addi %iota3A, %add3A_1531 : vector<16xi32>
      %gather3A_1533 = tpu.vector_load_idx %arg10[%broadcast_in_dim3A_1523, %add3A_1532, %broadcast_in_dim3A_1522] : memref<8x32x128xf32, #tpu.memory_space<vmem>>[vector<16xi32>, vector<16xi32>, vector<16xi32>], vector<16xf32>,
      %mul3A_1534 = arith.mulf %gather3A_1524, %gather3A_1529 : vector<16xf32>
      %mul3A_1535 = arith.mulf %gather3A_1528, %gather3A_1533 : vector<16xf32>
      %add3A_1536 = arith.addf %mul3A_1534, %mul3A_1535 : vector<16xf32>
      %reduce_sum3A_1537 = arith.constant true
      %reduce_sum3A_1538 = vector.broadcast %reduce_sum3A_1537 : i1 to vector<16xi1>
      %reduce_sum3A_1539 = tpu.scan <sum>, %add3A_1536 masked %reduce_sum3A_1538 : vector<16xf32>, vector<16xi1> -> vector<16xf32>
      %reduce_sum3A_1540 = vector.extract %reduce_sum3A_1539[15] : f32 from vector<16xf32>
      %eq3A_1541 = arith.constant 7 : i32
      %eq3A_1542 = vector.broadcast %eq3A_1541 : i32 to vector<16xi32>
      %eq3A_1543 = arith.cmpi eq, %iota3A, %eq3A_1542 : vector<16xi32>
      %broadcast_in_dim3A_1544 = vector.broadcast %reduce_sum3A_1540 : f32 to vector<16xf32>
      %select_n3A_1545 = arith.select %eq3A_1543, %broadcast_in_dim3A_1544, %select_n3A_1441 : vector<16xi1>, vector<16xf32>
      %add3A_1546 = arith.constant 8 : i32
      %add3A_1547 = arith.addi %add3A_1452, %add3A_1546 : i32
      %lt3A_1548 = arith.constant 512 : i32
      %lt3A_1549 = arith.cmpi slt, %add3A_1547, %lt3A_1548 : i32
      %convert_element_type3A_1550 = arith.extui %lt3A_1549 : i1 to i32
      %cond3A_1551 = arith.constant 0 : i32
      %cond3A_1552 = arith.cmpi ne, %convert_element_type3A_1550, %cond3A_1551 : i32
      scf.if %cond3A_1552 {
        %eq3A_2388 = arith.constant 15 : i32
        %eq3A_2389 = vector.broadcast %eq3A_2388 : i32 to vector<16xi32>
        %eq3A_2390 = arith.cmpi eq, %iota3A, %eq3A_2389 : vector<16xi32>
        %jit3A_2391 = arith.constant 0 : i32
        %broadcast_in_dim3A_2392 = vector.broadcast %jit3A_2391 : i32 to vector<16xi32>
        %select_n3A_2393 = arith.select %eq3A_2390, %get3A_652, %broadcast_in_dim3A_2392 : vector<16xi1>, vector<16xi32>
        %reduce_sum3A_2394 = arith.constant true
        %reduce_sum3A_2395 = vector.broadcast %reduce_sum3A_2394 : i1 to vector<16xi1>
        %reduce_sum3A_2396 = tpu.scan <sum>, %select_n3A_2393 masked %reduce_sum3A_2395 : vector<16xi32>, vector<16xi1> -> vector<16xi32>
        %reduce_sum3A_2397 = vector.extract %reduce_sum3A_2396[15] : i32 from vector<16xi32>
        %eq3A_2398 = arith.constant 15 : i32
        %eq3A_2399 = vector.broadcast %eq3A_2398 : i32 to vector<16xi32>
        %eq3A_2400 = arith.cmpi eq, %iota3A, %eq3A_2399 : vector<16xi32>
        %jit3A_2401 = arith.constant 0 : i32
        %broadcast_in_dim3A_2402 = vector.broadcast %jit3A_2401 : i32 to vector<16xi32>
        %select_n3A_2403 = arith.select %eq3A_2400, %get3A_655, %broadcast_in_dim3A_2402 : vector<16xi1>, vector<16xi32>
        %reduce_sum3A_2404 = arith.constant true
        %reduce_sum3A_2405 = vector.broadcast %reduce_sum3A_2404 : i1 to vector<16xi1>
        %reduce_sum3A_2406 = tpu.scan <sum>, %select_n3A_2403 masked %reduce_sum3A_2405 : vector<16xi32>, vector<16xi1> -> vector<16xi32>
        %reduce_sum3A_2407 = vector.extract %reduce_sum3A_2406[15] : i32 from vector<16xi32>
        %shift_right_arithmetic3A_2408 = arith.constant 7 : i32
        %shift_right_arithmetic3A_2409 = arith.shrsi %reduce_sum3A_2397, %shift_right_arithmetic3A_2408 : i32
        %mul3A_2410 = arith.constant 128 : i32
        %mul3A_2411 = arith.muli %shift_right_arithmetic3A_2409, %mul3A_2410 : i32
        %multiple_of3A_2412 = tpu.assume_multiple %mul3A_2411, 128 : i32
        %shift_right_arithmetic3A_2413 = arith.constant 7 : i32
        %shift_right_arithmetic3A_2414 = arith.shrsi %reduce_sum3A_2407, %shift_right_arithmetic3A_2413 : i32
        %mul3A_2415 = arith.constant 128 : i32
        %mul3A_2416 = arith.muli %shift_right_arithmetic3A_2414, %mul3A_2415 : i32
        %multiple_of3A_2417 = tpu.assume_multiple %mul3A_2416, 128 : i32
        %dma_start3A_2418 = arith.constant 0 : i32
        %dma_start3A_2419 = arith.constant 0 : i32
        %dma_start3A_2420 = tpu.memref_slice %arg9[%select_n3A_1468, %dma_start3A_2418, %dma_start3A_2419] : memref<8x32x128xf32, #tpu.memory_space<vmem>> -> memref<1x32x128xf32, #tpu.memory_space<vmem>>
        %dma_start3A_2421 = tpu.memref_squeeze %dma_start3A_2420 : memref<1x32x128xf32, #tpu.memory_space<vmem>> -> memref<32x128xf32, #tpu.memory_space<vmem>>
        %dma_start3A_2422 = arith.constant 0 : i32
        %dma_start3A_2423 = tpu.memref_slice %arg4[%dma_start3A_2422, %multiple_of3A_2412] : memref<32x1000000xf32, #tpu.memory_space<hbm>> -> memref<32x128xf32, #tpu.memory_space<hbm>>
        %dma_start3A_2424 = arith.constant 0 : i32
        %dma_start3A_2425 = arith.constant 0 : i32
        %dma_start3A_2426 = tpu.memref_slice %arg9[%select_n3A_1468, %dma_start3A_2424, %dma_start3A_2425] : memref<8x32x128xf32, #tpu.memory_space<vmem>> -> memref<1x32x128xf32, #tpu.memory_space<vmem>>
        %dma_start3A_2427 = tpu.memref_squeeze %dma_start3A_2426 : memref<1x32x128xf32, #tpu.memory_space<vmem>> -> memref<32x128xf32, #tpu.memory_space<vmem>>
        %dma_start3A_2428 = arith.constant 0 : i32
        %dma_start3A_2429 = tpu.memref_slice %arg4[%dma_start3A_2428, %multiple_of3A_2412] : memref<32x1000000xf32, #tpu.memory_space<hbm>> -> memref<32x128xf32, #tpu.memory_space<hbm>>
        tpu.enqueue_dma source(%dma_start3A_2429 : memref<32x128xf32, #tpu.memory_space<hbm>>) target(%dma_start3A_2427 : memref<32x128xf32, #tpu.memory_space<vmem>>) target_semaphore(%arg13 : memref<!tpu.dma_semaphore, #tpu.memory_space<semaphore_mem>>)
        %dma_start3A_2430 = arith.constant 0 : i32
        %dma_start3A_2431 = arith.constant 0 : i32
        %dma_start3A_2432 = tpu.memref_slice %arg10[%select_n3A_1468, %dma_start3A_2430, %dma_start3A_2431] : memref<8x32x128xf32, #tpu.memory_space<vmem>> -> memref<1x32x128xf32, #tpu.memory_space<vmem>>
        %dma_start3A_2433 = tpu.memref_squeeze %dma_start3A_2432 : memref<1x32x128xf32, #tpu.memory_space<vmem>> -> memref<32x128xf32, #tpu.memory_space<vmem>>
        %dma_start3A_2434 = arith.constant 0 : i32
        %dma_start3A_2435 = tpu.memref_slice %arg5[%dma_start3A_2434, %multiple_of3A_2417] : memref<32x1000000xf32, #tpu.memory_space<hbm>> -> memref<32x128xf32, #tpu.memory_space<hbm>>
        %dma_start3A_2436 = arith.constant 0 : i32
        %dma_start3A_2437 = arith.constant 0 : i32
        %dma_start3A_2438 = tpu.memref_slice %arg10[%select_n3A_1468, %dma_start3A_2436, %dma_start3A_2437] : memref<8x32x128xf32, #tpu.memory_space<vmem>> -> memref<1x32x128xf32, #tpu.memory_space<vmem>>
        %dma_start3A_2439 = tpu.memref_squeeze %dma_start3A_2438 : memref<1x32x128xf32, #tpu.memory_space<vmem>> -> memref<32x128xf32, #tpu.memory_space<vmem>>
        %dma_start3A_2440 = arith.constant 0 : i32
        %dma_start3A_2441 = tpu.memref_slice %arg5[%dma_start3A_2440, %multiple_of3A_2417] : memref<32x1000000xf32, #tpu.memory_space<hbm>> -> memref<32x128xf32, #tpu.memory_space<hbm>>
        tpu.enqueue_dma source(%dma_start3A_2441 : memref<32x128xf32, #tpu.memory_space<hbm>>) target(%dma_start3A_2439 : memref<32x128xf32, #tpu.memory_space<vmem>>) target_semaphore(%arg13 : memref<!tpu.dma_semaphore, #tpu.memory_space<semaphore_mem>>)
      } else {
      }
      %mul3A_1553 = arith.constant 16 : i32
      %mul3A_1554 = arith.muli %scan3A_614, %mul3A_1553 : i32
      %add3A_1555 = arith.constant 8 : i32
      %add3A_1556 = arith.addi %mul3A_1554, %add3A_1555 : i32
      %jit3A_1557 = arith.constant 8 : i32
      %eq3A_1558 = arith.constant 0 : i32
      %eq3A_1559 = arith.cmpi eq, %jit3A_1557, %eq3A_1558 : i32
      %jit3A_1560 = arith.constant 1 : i32
      %select_n3A_1561 = arith.select %eq3A_1559, %jit3A_1560, %jit3A_1557 : i32
      %rem3A_1562 = arith.remsi %add3A_1556, %select_n3A_1561 : i32
      %ne3A_1563 = arith.constant 0 : i32
      %ne3A_1564 = arith.cmpi ne, %rem3A_1562, %ne3A_1563 : i32
      %lt3A_1565 = arith.constant 0 : i32
      %lt3A_1566 = arith.cmpi slt, %rem3A_1562, %lt3A_1565 : i32
      %lt3A_1567 = arith.constant 0 : i32
      %lt3A_1568 = arith.cmpi slt, %select_n3A_1561, %lt3A_1567 : i32
      %ne3A_1569 = arith.xori %lt3A_1566, %lt3A_1568 : i1
      %and3A_1570 = arith.andi %ne3A_1569, %ne3A_1564 : i1
      %add3A_1571 = arith.addi %rem3A_1562, %select_n3A_1561 : i32
      %select_n3A_1572 = arith.select %and3A_1570, %add3A_1571, %rem3A_1562 : i32
      %dma_wait3A_1573 = arith.constant 0 : i32
      %dma_wait3A_1574 = arith.constant 0 : i32
      %dma_wait3A_1575 = tpu.memref_slice %arg9[%select_n3A_1572, %dma_wait3A_1573, %dma_wait3A_1574] : memref<8x32x128xf32, #tpu.memory_space<vmem>> -> memref<1x32x128xf32, #tpu.memory_space<vmem>>
      %dma_wait3A_1576 = tpu.memref_squeeze %dma_wait3A_1575 : memref<1x32x128xf32, #tpu.memory_space<vmem>> -> memref<32x128xf32, #tpu.memory_space<vmem>>
      %dma_wait3A_1577 = arith.constant 0 : i32
      %dma_wait3A_1578 = arith.constant 0 : i32
      %dma_wait3A_1579 = tpu.memref_slice %arg4[%dma_wait3A_1577, %dma_wait3A_1578] : memref<32x1000000xf32, #tpu.memory_space<hbm>> -> memref<32x128xf32, #tpu.memory_space<hbm>>
      %dma_wait3A_1580 = arith.constant 0 : i32
      %dma_wait3A_1581 = arith.constant 0 : i32
      %dma_wait3A_1582 = tpu.memref_slice %arg9[%select_n3A_1572, %dma_wait3A_1580, %dma_wait3A_1581] : memref<8x32x128xf32, #tpu.memory_space<vmem>> -> memref<1x32x128xf32, #tpu.memory_space<vmem>>
      %dma_wait3A_1583 = tpu.memref_squeeze %dma_wait3A_1582 : memref<1x32x128xf32, #tpu.memory_space<vmem>> -> memref<32x128xf32, #tpu.memory_space<vmem>>
      %dma_wait3A_1584 = arith.constant 0 : i32
      %dma_wait3A_1585 = arith.constant 0 : i32
      %dma_wait3A_1586 = tpu.memref_slice %arg4[%dma_wait3A_1584, %dma_wait3A_1585] : memref<32x1000000xf32, #tpu.memory_space<hbm>> -> memref<32x128xf32, #tpu.memory_space<hbm>>
      tpu.wait_dma2 semaphore(%arg13 : memref<!tpu.dma_semaphore, #tpu.memory_space<semaphore_mem>>) src(%dma_wait3A_1586 : memref<32x128xf32, #tpu.memory_space<hbm>>) dst(%dma_wait3A_1583 : memref<32x128xf32, #tpu.memory_space<vmem>>)
      %dma_wait3A_1587 = arith.constant 0 : i32
      %dma_wait3A_1588 = arith.constant 0 : i32
      %dma_wait3A_1589 = tpu.memref_slice %arg10[%select_n3A_1572, %dma_wait3A_1587, %dma_wait3A_1588] : memref<8x32x128xf32, #tpu.memory_space<vmem>> -> memref<1x32x128xf32, #tpu.memory_space<vmem>>
      %dma_wait3A_1590 = tpu.memref_squeeze %dma_wait3A_1589 : memref<1x32x128xf32, #tpu.memory_space<vmem>> -> memref<32x128xf32, #tpu.memory_space<vmem>>
      %dma_wait3A_1591 = arith.constant 0 : i32
      %dma_wait3A_1592 = arith.constant 0 : i32
      %dma_wait3A_1593 = tpu.memref_slice %arg5[%dma_wait3A_1591, %dma_wait3A_1592] : memref<32x1000000xf32, #tpu.memory_space<hbm>> -> memref<32x128xf32, #tpu.memory_space<hbm>>
      %dma_wait3A_1594 = arith.constant 0 : i32
      %dma_wait3A_1595 = arith.constant 0 : i32
      %dma_wait3A_1596 = tpu.memref_slice %arg10[%select_n3A_1572, %dma_wait3A_1594, %dma_wait3A_1595] : memref<8x32x128xf32, #tpu.memory_space<vmem>> -> memref<1x32x128xf32, #tpu.memory_space<vmem>>
      %dma_wait3A_1597 = tpu.memref_squeeze %dma_wait3A_1596 : memref<1x32x128xf32, #tpu.memory_space<vmem>> -> memref<32x128xf32, #tpu.memory_space<vmem>>
      %dma_wait3A_1598 = arith.constant 0 : i32
      %dma_wait3A_1599 = arith.constant 0 : i32
      %dma_wait3A_1600 = tpu.memref_slice %arg5[%dma_wait3A_1598, %dma_wait3A_1599] : memref<32x1000000xf32, #tpu.memory_space<hbm>> -> memref<32x128xf32, #tpu.memory_space<hbm>>
      tpu.wait_dma2 semaphore(%arg13 : memref<!tpu.dma_semaphore, #tpu.memory_space<semaphore_mem>>) src(%dma_wait3A_1600 : memref<32x128xf32, #tpu.memory_space<hbm>>) dst(%dma_wait3A_1597 : memref<32x128xf32, #tpu.memory_space<vmem>>)
      %eq3A_1601 = arith.constant 8 : i32
      %eq3A_1602 = vector.broadcast %eq3A_1601 : i32 to vector<16xi32>
      %eq3A_1603 = arith.cmpi eq, %iota3A, %eq3A_1602 : vector<16xi32>
      %jit3A_1604 = arith.constant 0 : i32
      %broadcast_in_dim3A_1605 = vector.broadcast %jit3A_1604 : i32 to vector<16xi32>
      %select_n3A_1606 = arith.select %eq3A_1603, %get3A_652, %broadcast_in_dim3A_1605 : vector<16xi1>, vector<16xi32>
      %reduce_sum3A_1607 = arith.constant true
      %reduce_sum3A_1608 = vector.broadcast %reduce_sum3A_1607 : i1 to vector<16xi1>
      %reduce_sum3A_1609 = tpu.scan <sum>, %select_n3A_1606 masked %reduce_sum3A_1608 : vector<16xi32>, vector<16xi1> -> vector<16xi32>
      %reduce_sum3A_1610 = vector.extract %reduce_sum3A_1609[15] : i32 from vector<16xi32>
      %eq3A_1611 = arith.constant 8 : i32
      %eq3A_1612 = vector.broadcast %eq3A_1611 : i32 to vector<16xi32>
      %eq3A_1613 = arith.cmpi eq, %iota3A, %eq3A_1612 : vector<16xi32>
      %jit3A_1614 = arith.constant 0 : i32
      %broadcast_in_dim3A_1615 = vector.broadcast %jit3A_1614 : i32 to vector<16xi32>
      %select_n3A_1616 = arith.select %eq3A_1613, %get3A_655, %broadcast_in_dim3A_1615 : vector<16xi1>, vector<16xi32>
      %reduce_sum3A_1617 = arith.constant true
      %reduce_sum3A_1618 = vector.broadcast %reduce_sum3A_1617 : i1 to vector<16xi1>
      %reduce_sum3A_1619 = tpu.scan <sum>, %select_n3A_1616 masked %reduce_sum3A_1618 : vector<16xi32>, vector<16xi1> -> vector<16xi32>
      %reduce_sum3A_1620 = vector.extract %reduce_sum3A_1619[15] : i32 from vector<16xi32>
      %and3A_1621 = arith.constant 127 : i32
      %and3A_1622 = arith.andi %reduce_sum3A_1610, %and3A_1621 : i32
      %broadcast_in_dim3A_1623 = vector.broadcast %and3A_1622 : i32 to vector<16xi32>
      %and3A_1624 = arith.constant 127 : i32
      %and3A_1625 = arith.andi %reduce_sum3A_1620, %and3A_1624 : i32
      %broadcast_in_dim3A_1626 = vector.broadcast %and3A_1625 : i32 to vector<16xi32>
      %broadcast_in_dim3A_1627 = vector.broadcast %select_n3A_1572 : i32 to vector<16xi32>
      %gather3A_1628 = tpu.vector_load_idx %arg9[%broadcast_in_dim3A_1627, %iota3A, %broadcast_in_dim3A_1623] : memref<8x32x128xf32, #tpu.memory_space<vmem>>[vector<16xi32>, vector<16xi32>, vector<16xi32>], vector<16xf32>,
      %add3A_1629 = arith.constant 16 : i32
      %add3A_1630 = vector.broadcast %add3A_1629 : i32 to vector<16xi32>
      %add3A_1631 = arith.addi %iota3A, %add3A_1630 : vector<16xi32>
      %gather3A_1632 = tpu.vector_load_idx %arg9[%broadcast_in_dim3A_1627, %add3A_1631, %broadcast_in_dim3A_1623] : memref<8x32x128xf32, #tpu.memory_space<vmem>>[vector<16xi32>, vector<16xi32>, vector<16xi32>], vector<16xf32>,
      %gather3A_1633 = tpu.vector_load_idx %arg10[%broadcast_in_dim3A_1627, %iota3A, %broadcast_in_dim3A_1626] : memref<8x32x128xf32, #tpu.memory_space<vmem>>[vector<16xi32>, vector<16xi32>, vector<16xi32>], vector<16xf32>,
      %add3A_1634 = arith.constant 16 : i32
      %add3A_1635 = vector.broadcast %add3A_1634 : i32 to vector<16xi32>
      %add3A_1636 = arith.addi %iota3A, %add3A_1635 : vector<16xi32>
      %gather3A_1637 = tpu.vector_load_idx %arg10[%broadcast_in_dim3A_1627, %add3A_1636, %broadcast_in_dim3A_1626] : memref<8x32x128xf32, #tpu.memory_space<vmem>>[vector<16xi32>, vector<16xi32>, vector<16xi32>], vector<16xf32>,
      %mul3A_1638 = arith.mulf %gather3A_1628, %gather3A_1633 : vector<16xf32>
      %mul3A_1639 = arith.mulf %gather3A_1632, %gather3A_1637 : vector<16xf32>
      %add3A_1640 = arith.addf %mul3A_1638, %mul3A_1639 : vector<16xf32>
      %reduce_sum3A_1641 = arith.constant true
      %reduce_sum3A_1642 = vector.broadcast %reduce_sum3A_1641 : i1 to vector<16xi1>
      %reduce_sum3A_1643 = tpu.scan <sum>, %add3A_1640 masked %reduce_sum3A_1642 : vector<16xf32>, vector<16xi1> -> vector<16xf32>
      %reduce_sum3A_1644 = vector.extract %reduce_sum3A_1643[15] : f32 from vector<16xf32>
      %eq3A_1645 = arith.constant 8 : i32
      %eq3A_1646 = vector.broadcast %eq3A_1645 : i32 to vector<16xi32>
      %eq3A_1647 = arith.cmpi eq, %iota3A, %eq3A_1646 : vector<16xi32>
      %broadcast_in_dim3A_1648 = vector.broadcast %reduce_sum3A_1644 : f32 to vector<16xf32>
      %select_n3A_1649 = arith.select %eq3A_1647, %broadcast_in_dim3A_1648, %select_n3A_1545 : vector<16xi1>, vector<16xf32>
      %add3A_1650 = arith.constant 8 : i32
      %add3A_1651 = arith.addi %add3A_1556, %add3A_1650 : i32
      %lt3A_1652 = arith.constant 512 : i32
      %lt3A_1653 = arith.cmpi slt, %add3A_1651, %lt3A_1652 : i32
      %convert_element_type3A_1654 = arith.extui %lt3A_1653 : i1 to i32
      %cond3A_1655 = arith.constant 0 : i32
      %cond3A_1656 = arith.cmpi ne, %convert_element_type3A_1654, %cond3A_1655 : i32
      scf.if %cond3A_1656 {
        %eq3A_2388 = arith.constant 0 : i32
        %eq3A_2389 = vector.broadcast %eq3A_2388 : i32 to vector<16xi32>
        %eq3A_2390 = arith.cmpi eq, %iota3A, %eq3A_2389 : vector<16xi32>
        %jit3A_2391 = arith.constant 0 : i32
        %broadcast_in_dim3A_2392 = vector.broadcast %jit3A_2391 : i32 to vector<16xi32>
        %select_n3A_2393 = arith.select %eq3A_2390, %get3A_718, %broadcast_in_dim3A_2392 : vector<16xi1>, vector<16xi32>
        %reduce_sum3A_2394 = arith.constant true
        %reduce_sum3A_2395 = vector.broadcast %reduce_sum3A_2394 : i1 to vector<16xi1>
        %reduce_sum3A_2396 = tpu.scan <sum>, %select_n3A_2393 masked %reduce_sum3A_2395 : vector<16xi32>, vector<16xi1> -> vector<16xi32>
        %reduce_sum3A_2397 = vector.extract %reduce_sum3A_2396[15] : i32 from vector<16xi32>
        %eq3A_2398 = arith.constant 0 : i32
        %eq3A_2399 = vector.broadcast %eq3A_2398 : i32 to vector<16xi32>
        %eq3A_2400 = arith.cmpi eq, %iota3A, %eq3A_2399 : vector<16xi32>
        %jit3A_2401 = arith.constant 0 : i32
        %broadcast_in_dim3A_2402 = vector.broadcast %jit3A_2401 : i32 to vector<16xi32>
        %select_n3A_2403 = arith.select %eq3A_2400, %get3A_721, %broadcast_in_dim3A_2402 : vector<16xi1>, vector<16xi32>
        %reduce_sum3A_2404 = arith.constant true
        %reduce_sum3A_2405 = vector.broadcast %reduce_sum3A_2404 : i1 to vector<16xi1>
        %reduce_sum3A_2406 = tpu.scan <sum>, %select_n3A_2403 masked %reduce_sum3A_2405 : vector<16xi32>, vector<16xi1> -> vector<16xi32>
        %reduce_sum3A_2407 = vector.extract %reduce_sum3A_2406[15] : i32 from vector<16xi32>
        %shift_right_arithmetic3A_2408 = arith.constant 7 : i32
        %shift_right_arithmetic3A_2409 = arith.shrsi %reduce_sum3A_2397, %shift_right_arithmetic3A_2408 : i32
        %mul3A_2410 = arith.constant 128 : i32
        %mul3A_2411 = arith.muli %shift_right_arithmetic3A_2409, %mul3A_2410 : i32
        %multiple_of3A_2412 = tpu.assume_multiple %mul3A_2411, 128 : i32
        %shift_right_arithmetic3A_2413 = arith.constant 7 : i32
        %shift_right_arithmetic3A_2414 = arith.shrsi %reduce_sum3A_2407, %shift_right_arithmetic3A_2413 : i32
        %mul3A_2415 = arith.constant 128 : i32
        %mul3A_2416 = arith.muli %shift_right_arithmetic3A_2414, %mul3A_2415 : i32
        %multiple_of3A_2417 = tpu.assume_multiple %mul3A_2416, 128 : i32
        %dma_start3A_2418 = arith.constant 0 : i32
        %dma_start3A_2419 = arith.constant 0 : i32
        %dma_start3A_2420 = tpu.memref_slice %arg9[%select_n3A_1572, %dma_start3A_2418, %dma_start3A_2419] : memref<8x32x128xf32, #tpu.memory_space<vmem>> -> memref<1x32x128xf32, #tpu.memory_space<vmem>>
        %dma_start3A_2421 = tpu.memref_squeeze %dma_start3A_2420 : memref<1x32x128xf32, #tpu.memory_space<vmem>> -> memref<32x128xf32, #tpu.memory_space<vmem>>
        %dma_start3A_2422 = arith.constant 0 : i32
        %dma_start3A_2423 = tpu.memref_slice %arg4[%dma_start3A_2422, %multiple_of3A_2412] : memref<32x1000000xf32, #tpu.memory_space<hbm>> -> memref<32x128xf32, #tpu.memory_space<hbm>>
        %dma_start3A_2424 = arith.constant 0 : i32
        %dma_start3A_2425 = arith.constant 0 : i32
        %dma_start3A_2426 = tpu.memref_slice %arg9[%select_n3A_1572, %dma_start3A_2424, %dma_start3A_2425] : memref<8x32x128xf32, #tpu.memory_space<vmem>> -> memref<1x32x128xf32, #tpu.memory_space<vmem>>
        %dma_start3A_2427 = tpu.memref_squeeze %dma_start3A_2426 : memref<1x32x128xf32, #tpu.memory_space<vmem>> -> memref<32x128xf32, #tpu.memory_space<vmem>>
        %dma_start3A_2428 = arith.constant 0 : i32
        %dma_start3A_2429 = tpu.memref_slice %arg4[%dma_start3A_2428, %multiple_of3A_2412] : memref<32x1000000xf32, #tpu.memory_space<hbm>> -> memref<32x128xf32, #tpu.memory_space<hbm>>
        tpu.enqueue_dma source(%dma_start3A_2429 : memref<32x128xf32, #tpu.memory_space<hbm>>) target(%dma_start3A_2427 : memref<32x128xf32, #tpu.memory_space<vmem>>) target_semaphore(%arg13 : memref<!tpu.dma_semaphore, #tpu.memory_space<semaphore_mem>>)
        %dma_start3A_2430 = arith.constant 0 : i32
        %dma_start3A_2431 = arith.constant 0 : i32
        %dma_start3A_2432 = tpu.memref_slice %arg10[%select_n3A_1572, %dma_start3A_2430, %dma_start3A_2431] : memref<8x32x128xf32, #tpu.memory_space<vmem>> -> memref<1x32x128xf32, #tpu.memory_space<vmem>>
        %dma_start3A_2433 = tpu.memref_squeeze %dma_start3A_2432 : memref<1x32x128xf32, #tpu.memory_space<vmem>> -> memref<32x128xf32, #tpu.memory_space<vmem>>
        %dma_start3A_2434 = arith.constant 0 : i32
        %dma_start3A_2435 = tpu.memref_slice %arg5[%dma_start3A_2434, %multiple_of3A_2417] : memref<32x1000000xf32, #tpu.memory_space<hbm>> -> memref<32x128xf32, #tpu.memory_space<hbm>>
        %dma_start3A_2436 = arith.constant 0 : i32
        %dma_start3A_2437 = arith.constant 0 : i32
        %dma_start3A_2438 = tpu.memref_slice %arg10[%select_n3A_1572, %dma_start3A_2436, %dma_start3A_2437] : memref<8x32x128xf32, #tpu.memory_space<vmem>> -> memref<1x32x128xf32, #tpu.memory_space<vmem>>
        %dma_start3A_2439 = tpu.memref_squeeze %dma_start3A_2438 : memref<1x32x128xf32, #tpu.memory_space<vmem>> -> memref<32x128xf32, #tpu.memory_space<vmem>>
        %dma_start3A_2440 = arith.constant 0 : i32
        %dma_start3A_2441 = tpu.memref_slice %arg5[%dma_start3A_2440, %multiple_of3A_2417] : memref<32x1000000xf32, #tpu.memory_space<hbm>> -> memref<32x128xf32, #tpu.memory_space<hbm>>
        tpu.enqueue_dma source(%dma_start3A_2441 : memref<32x128xf32, #tpu.memory_space<hbm>>) target(%dma_start3A_2439 : memref<32x128xf32, #tpu.memory_space<vmem>>) target_semaphore(%arg13 : memref<!tpu.dma_semaphore, #tpu.memory_space<semaphore_mem>>)
      } else {
      }
      %mul3A_1657 = arith.constant 16 : i32
      %mul3A_1658 = arith.muli %scan3A_614, %mul3A_1657 : i32
      %add3A_1659 = arith.constant 9 : i32
      %add3A_1660 = arith.addi %mul3A_1658, %add3A_1659 : i32
      %jit3A_1661 = arith.constant 8 : i32
      %eq3A_1662 = arith.constant 0 : i32
      %eq3A_1663 = arith.cmpi eq, %jit3A_1661, %eq3A_1662 : i32
      %jit3A_1664 = arith.constant 1 : i32
      %select_n3A_1665 = arith.select %eq3A_1663, %jit3A_1664, %jit3A_1661 : i32
      %rem3A_1666 = arith.remsi %add3A_1660, %select_n3A_1665 : i32
      %ne3A_1667 = arith.constant 0 : i32
      %ne3A_1668 = arith.cmpi ne, %rem3A_1666, %ne3A_1667 : i32
      %lt3A_1669 = arith.constant 0 : i32
      %lt3A_1670 = arith.cmpi slt, %rem3A_1666, %lt3A_1669 : i32
      %lt3A_1671 = arith.constant 0 : i32
      %lt3A_1672 = arith.cmpi slt, %select_n3A_1665, %lt3A_1671 : i32
      %ne3A_1673 = arith.xori %lt3A_1670, %lt3A_1672 : i1
      %and3A_1674 = arith.andi %ne3A_1673, %ne3A_1668 : i1
      %add3A_1675 = arith.addi %rem3A_1666, %select_n3A_1665 : i32
      %select_n3A_1676 = arith.select %and3A_1674, %add3A_1675, %rem3A_1666 : i32
      %dma_wait3A_1677 = arith.constant 0 : i32
      %dma_wait3A_1678 = arith.constant 0 : i32
      %dma_wait3A_1679 = tpu.memref_slice %arg9[%select_n3A_1676, %dma_wait3A_1677, %dma_wait3A_1678] : memref<8x32x128xf32, #tpu.memory_space<vmem>> -> memref<1x32x128xf32, #tpu.memory_space<vmem>>
      %dma_wait3A_1680 = tpu.memref_squeeze %dma_wait3A_1679 : memref<1x32x128xf32, #tpu.memory_space<vmem>> -> memref<32x128xf32, #tpu.memory_space<vmem>>
      %dma_wait3A_1681 = arith.constant 0 : i32
      %dma_wait3A_1682 = arith.constant 0 : i32
      %dma_wait3A_1683 = tpu.memref_slice %arg4[%dma_wait3A_1681, %dma_wait3A_1682] : memref<32x1000000xf32, #tpu.memory_space<hbm>> -> memref<32x128xf32, #tpu.memory_space<hbm>>
      %dma_wait3A_1684 = arith.constant 0 : i32
      %dma_wait3A_1685 = arith.constant 0 : i32
      %dma_wait3A_1686 = tpu.memref_slice %arg9[%select_n3A_1676, %dma_wait3A_1684, %dma_wait3A_1685] : memref<8x32x128xf32, #tpu.memory_space<vmem>> -> memref<1x32x128xf32, #tpu.memory_space<vmem>>
      %dma_wait3A_1687 = tpu.memref_squeeze %dma_wait3A_1686 : memref<1x32x128xf32, #tpu.memory_space<vmem>> -> memref<32x128xf32, #tpu.memory_space<vmem>>
      %dma_wait3A_1688 = arith.constant 0 : i32
      %dma_wait3A_1689 = arith.constant 0 : i32
      %dma_wait3A_1690 = tpu.memref_slice %arg4[%dma_wait3A_1688, %dma_wait3A_1689] : memref<32x1000000xf32, #tpu.memory_space<hbm>> -> memref<32x128xf32, #tpu.memory_space<hbm>>
      tpu.wait_dma2 semaphore(%arg13 : memref<!tpu.dma_semaphore, #tpu.memory_space<semaphore_mem>>) src(%dma_wait3A_1690 : memref<32x128xf32, #tpu.memory_space<hbm>>) dst(%dma_wait3A_1687 : memref<32x128xf32, #tpu.memory_space<vmem>>)
      %dma_wait3A_1691 = arith.constant 0 : i32
      %dma_wait3A_1692 = arith.constant 0 : i32
      %dma_wait3A_1693 = tpu.memref_slice %arg10[%select_n3A_1676, %dma_wait3A_1691, %dma_wait3A_1692] : memref<8x32x128xf32, #tpu.memory_space<vmem>> -> memref<1x32x128xf32, #tpu.memory_space<vmem>>
      %dma_wait3A_1694 = tpu.memref_squeeze %dma_wait3A_1693 : memref<1x32x128xf32, #tpu.memory_space<vmem>> -> memref<32x128xf32, #tpu.memory_space<vmem>>
      %dma_wait3A_1695 = arith.constant 0 : i32
      %dma_wait3A_1696 = arith.constant 0 : i32
      %dma_wait3A_1697 = tpu.memref_slice %arg5[%dma_wait3A_1695, %dma_wait3A_1696] : memref<32x1000000xf32, #tpu.memory_space<hbm>> -> memref<32x128xf32, #tpu.memory_space<hbm>>
      %dma_wait3A_1698 = arith.constant 0 : i32
      %dma_wait3A_1699 = arith.constant 0 : i32
      %dma_wait3A_1700 = tpu.memref_slice %arg10[%select_n3A_1676, %dma_wait3A_1698, %dma_wait3A_1699] : memref<8x32x128xf32, #tpu.memory_space<vmem>> -> memref<1x32x128xf32, #tpu.memory_space<vmem>>
      %dma_wait3A_1701 = tpu.memref_squeeze %dma_wait3A_1700 : memref<1x32x128xf32, #tpu.memory_space<vmem>> -> memref<32x128xf32, #tpu.memory_space<vmem>>
      %dma_wait3A_1702 = arith.constant 0 : i32
      %dma_wait3A_1703 = arith.constant 0 : i32
      %dma_wait3A_1704 = tpu.memref_slice %arg5[%dma_wait3A_1702, %dma_wait3A_1703] : memref<32x1000000xf32, #tpu.memory_space<hbm>> -> memref<32x128xf32, #tpu.memory_space<hbm>>
      tpu.wait_dma2 semaphore(%arg13 : memref<!tpu.dma_semaphore, #tpu.memory_space<semaphore_mem>>) src(%dma_wait3A_1704 : memref<32x128xf32, #tpu.memory_space<hbm>>) dst(%dma_wait3A_1701 : memref<32x128xf32, #tpu.memory_space<vmem>>)
      %eq3A_1705 = arith.constant 9 : i32
      %eq3A_1706 = vector.broadcast %eq3A_1705 : i32 to vector<16xi32>
      %eq3A_1707 = arith.cmpi eq, %iota3A, %eq3A_1706 : vector<16xi32>
      %jit3A_1708 = arith.constant 0 : i32
      %broadcast_in_dim3A_1709 = vector.broadcast %jit3A_1708 : i32 to vector<16xi32>
      %select_n3A_1710 = arith.select %eq3A_1707, %get3A_652, %broadcast_in_dim3A_1709 : vector<16xi1>, vector<16xi32>
      %reduce_sum3A_1711 = arith.constant true
      %reduce_sum3A_1712 = vector.broadcast %reduce_sum3A_1711 : i1 to vector<16xi1>
      %reduce_sum3A_1713 = tpu.scan <sum>, %select_n3A_1710 masked %reduce_sum3A_1712 : vector<16xi32>, vector<16xi1> -> vector<16xi32>
      %reduce_sum3A_1714 = vector.extract %reduce_sum3A_1713[15] : i32 from vector<16xi32>
      %eq3A_1715 = arith.constant 9 : i32
      %eq3A_1716 = vector.broadcast %eq3A_1715 : i32 to vector<16xi32>
      %eq3A_1717 = arith.cmpi eq, %iota3A, %eq3A_1716 : vector<16xi32>
      %jit3A_1718 = arith.constant 0 : i32
      %broadcast_in_dim3A_1719 = vector.broadcast %jit3A_1718 : i32 to vector<16xi32>
      %select_n3A_1720 = arith.select %eq3A_1717, %get3A_655, %broadcast_in_dim3A_1719 : vector<16xi1>, vector<16xi32>
      %reduce_sum3A_1721 = arith.constant true
      %reduce_sum3A_1722 = vector.broadcast %reduce_sum3A_1721 : i1 to vector<16xi1>
      %reduce_sum3A_1723 = tpu.scan <sum>, %select_n3A_1720 masked %reduce_sum3A_1722 : vector<16xi32>, vector<16xi1> -> vector<16xi32>
      %reduce_sum3A_1724 = vector.extract %reduce_sum3A_1723[15] : i32 from vector<16xi32>
      %and3A_1725 = arith.constant 127 : i32
      %and3A_1726 = arith.andi %reduce_sum3A_1714, %and3A_1725 : i32
      %broadcast_in_dim3A_1727 = vector.broadcast %and3A_1726 : i32 to vector<16xi32>
      %and3A_1728 = arith.constant 127 : i32
      %and3A_1729 = arith.andi %reduce_sum3A_1724, %and3A_1728 : i32
      %broadcast_in_dim3A_1730 = vector.broadcast %and3A_1729 : i32 to vector<16xi32>
      %broadcast_in_dim3A_1731 = vector.broadcast %select_n3A_1676 : i32 to vector<16xi32>
      %gather3A_1732 = tpu.vector_load_idx %arg9[%broadcast_in_dim3A_1731, %iota3A, %broadcast_in_dim3A_1727] : memref<8x32x128xf32, #tpu.memory_space<vmem>>[vector<16xi32>, vector<16xi32>, vector<16xi32>], vector<16xf32>,
      %add3A_1733 = arith.constant 16 : i32
      %add3A_1734 = vector.broadcast %add3A_1733 : i32 to vector<16xi32>
      %add3A_1735 = arith.addi %iota3A, %add3A_1734 : vector<16xi32>
      %gather3A_1736 = tpu.vector_load_idx %arg9[%broadcast_in_dim3A_1731, %add3A_1735, %broadcast_in_dim3A_1727] : memref<8x32x128xf32, #tpu.memory_space<vmem>>[vector<16xi32>, vector<16xi32>, vector<16xi32>], vector<16xf32>,
      %gather3A_1737 = tpu.vector_load_idx %arg10[%broadcast_in_dim3A_1731, %iota3A, %broadcast_in_dim3A_1730] : memref<8x32x128xf32, #tpu.memory_space<vmem>>[vector<16xi32>, vector<16xi32>, vector<16xi32>], vector<16xf32>,
      %add3A_1738 = arith.constant 16 : i32
      %add3A_1739 = vector.broadcast %add3A_1738 : i32 to vector<16xi32>
      %add3A_1740 = arith.addi %iota3A, %add3A_1739 : vector<16xi32>
      %gather3A_1741 = tpu.vector_load_idx %arg10[%broadcast_in_dim3A_1731, %add3A_1740, %broadcast_in_dim3A_1730] : memref<8x32x128xf32, #tpu.memory_space<vmem>>[vector<16xi32>, vector<16xi32>, vector<16xi32>], vector<16xf32>,
      %mul3A_1742 = arith.mulf %gather3A_1732, %gather3A_1737 : vector<16xf32>
      %mul3A_1743 = arith.mulf %gather3A_1736, %gather3A_1741 : vector<16xf32>
      %add3A_1744 = arith.addf %mul3A_1742, %mul3A_1743 : vector<16xf32>
      %reduce_sum3A_1745 = arith.constant true
      %reduce_sum3A_1746 = vector.broadcast %reduce_sum3A_1745 : i1 to vector<16xi1>
      %reduce_sum3A_1747 = tpu.scan <sum>, %add3A_1744 masked %reduce_sum3A_1746 : vector<16xf32>, vector<16xi1> -> vector<16xf32>
      %reduce_sum3A_1748 = vector.extract %reduce_sum3A_1747[15] : f32 from vector<16xf32>
      %eq3A_1749 = arith.constant 9 : i32
      %eq3A_1750 = vector.broadcast %eq3A_1749 : i32 to vector<16xi32>
      %eq3A_1751 = arith.cmpi eq, %iota3A, %eq3A_1750 : vector<16xi32>
      %broadcast_in_dim3A_1752 = vector.broadcast %reduce_sum3A_1748 : f32 to vector<16xf32>
      %select_n3A_1753 = arith.select %eq3A_1751, %broadcast_in_dim3A_1752, %select_n3A_1649 : vector<16xi1>, vector<16xf32>
      %add3A_1754 = arith.constant 8 : i32
      %add3A_1755 = arith.addi %add3A_1660, %add3A_1754 : i32
      %lt3A_1756 = arith.constant 512 : i32
      %lt3A_1757 = arith.cmpi slt, %add3A_1755, %lt3A_1756 : i32
      %convert_element_type3A_1758 = arith.extui %lt3A_1757 : i1 to i32
      %cond3A_1759 = arith.constant 0 : i32
      %cond3A_1760 = arith.cmpi ne, %convert_element_type3A_1758, %cond3A_1759 : i32
      scf.if %cond3A_1760 {
        %eq3A_2388 = arith.constant 1 : i32
        %eq3A_2389 = vector.broadcast %eq3A_2388 : i32 to vector<16xi32>
        %eq3A_2390 = arith.cmpi eq, %iota3A, %eq3A_2389 : vector<16xi32>
        %jit3A_2391 = arith.constant 0 : i32
        %broadcast_in_dim3A_2392 = vector.broadcast %jit3A_2391 : i32 to vector<16xi32>
        %select_n3A_2393 = arith.select %eq3A_2390, %get3A_718, %broadcast_in_dim3A_2392 : vector<16xi1>, vector<16xi32>
        %reduce_sum3A_2394 = arith.constant true
        %reduce_sum3A_2395 = vector.broadcast %reduce_sum3A_2394 : i1 to vector<16xi1>
        %reduce_sum3A_2396 = tpu.scan <sum>, %select_n3A_2393 masked %reduce_sum3A_2395 : vector<16xi32>, vector<16xi1> -> vector<16xi32>
        %reduce_sum3A_2397 = vector.extract %reduce_sum3A_2396[15] : i32 from vector<16xi32>
        %eq3A_2398 = arith.constant 1 : i32
        %eq3A_2399 = vector.broadcast %eq3A_2398 : i32 to vector<16xi32>
        %eq3A_2400 = arith.cmpi eq, %iota3A, %eq3A_2399 : vector<16xi32>
        %jit3A_2401 = arith.constant 0 : i32
        %broadcast_in_dim3A_2402 = vector.broadcast %jit3A_2401 : i32 to vector<16xi32>
        %select_n3A_2403 = arith.select %eq3A_2400, %get3A_721, %broadcast_in_dim3A_2402 : vector<16xi1>, vector<16xi32>
        %reduce_sum3A_2404 = arith.constant true
        %reduce_sum3A_2405 = vector.broadcast %reduce_sum3A_2404 : i1 to vector<16xi1>
        %reduce_sum3A_2406 = tpu.scan <sum>, %select_n3A_2403 masked %reduce_sum3A_2405 : vector<16xi32>, vector<16xi1> -> vector<16xi32>
        %reduce_sum3A_2407 = vector.extract %reduce_sum3A_2406[15] : i32 from vector<16xi32>
        %shift_right_arithmetic3A_2408 = arith.constant 7 : i32
        %shift_right_arithmetic3A_2409 = arith.shrsi %reduce_sum3A_2397, %shift_right_arithmetic3A_2408 : i32
        %mul3A_2410 = arith.constant 128 : i32
        %mul3A_2411 = arith.muli %shift_right_arithmetic3A_2409, %mul3A_2410 : i32
        %multiple_of3A_2412 = tpu.assume_multiple %mul3A_2411, 128 : i32
        %shift_right_arithmetic3A_2413 = arith.constant 7 : i32
        %shift_right_arithmetic3A_2414 = arith.shrsi %reduce_sum3A_2407, %shift_right_arithmetic3A_2413 : i32
        %mul3A_2415 = arith.constant 128 : i32
        %mul3A_2416 = arith.muli %shift_right_arithmetic3A_2414, %mul3A_2415 : i32
        %multiple_of3A_2417 = tpu.assume_multiple %mul3A_2416, 128 : i32
        %dma_start3A_2418 = arith.constant 0 : i32
        %dma_start3A_2419 = arith.constant 0 : i32
        %dma_start3A_2420 = tpu.memref_slice %arg9[%select_n3A_1676, %dma_start3A_2418, %dma_start3A_2419] : memref<8x32x128xf32, #tpu.memory_space<vmem>> -> memref<1x32x128xf32, #tpu.memory_space<vmem>>
        %dma_start3A_2421 = tpu.memref_squeeze %dma_start3A_2420 : memref<1x32x128xf32, #tpu.memory_space<vmem>> -> memref<32x128xf32, #tpu.memory_space<vmem>>
        %dma_start3A_2422 = arith.constant 0 : i32
        %dma_start3A_2423 = tpu.memref_slice %arg4[%dma_start3A_2422, %multiple_of3A_2412] : memref<32x1000000xf32, #tpu.memory_space<hbm>> -> memref<32x128xf32, #tpu.memory_space<hbm>>
        %dma_start3A_2424 = arith.constant 0 : i32
        %dma_start3A_2425 = arith.constant 0 : i32
        %dma_start3A_2426 = tpu.memref_slice %arg9[%select_n3A_1676, %dma_start3A_2424, %dma_start3A_2425] : memref<8x32x128xf32, #tpu.memory_space<vmem>> -> memref<1x32x128xf32, #tpu.memory_space<vmem>>
        %dma_start3A_2427 = tpu.memref_squeeze %dma_start3A_2426 : memref<1x32x128xf32, #tpu.memory_space<vmem>> -> memref<32x128xf32, #tpu.memory_space<vmem>>
        %dma_start3A_2428 = arith.constant 0 : i32
        %dma_start3A_2429 = tpu.memref_slice %arg4[%dma_start3A_2428, %multiple_of3A_2412] : memref<32x1000000xf32, #tpu.memory_space<hbm>> -> memref<32x128xf32, #tpu.memory_space<hbm>>
        tpu.enqueue_dma source(%dma_start3A_2429 : memref<32x128xf32, #tpu.memory_space<hbm>>) target(%dma_start3A_2427 : memref<32x128xf32, #tpu.memory_space<vmem>>) target_semaphore(%arg13 : memref<!tpu.dma_semaphore, #tpu.memory_space<semaphore_mem>>)
        %dma_start3A_2430 = arith.constant 0 : i32
        %dma_start3A_2431 = arith.constant 0 : i32
        %dma_start3A_2432 = tpu.memref_slice %arg10[%select_n3A_1676, %dma_start3A_2430, %dma_start3A_2431] : memref<8x32x128xf32, #tpu.memory_space<vmem>> -> memref<1x32x128xf32, #tpu.memory_space<vmem>>
        %dma_start3A_2433 = tpu.memref_squeeze %dma_start3A_2432 : memref<1x32x128xf32, #tpu.memory_space<vmem>> -> memref<32x128xf32, #tpu.memory_space<vmem>>
        %dma_start3A_2434 = arith.constant 0 : i32
        %dma_start3A_2435 = tpu.memref_slice %arg5[%dma_start3A_2434, %multiple_of3A_2417] : memref<32x1000000xf32, #tpu.memory_space<hbm>> -> memref<32x128xf32, #tpu.memory_space<hbm>>
        %dma_start3A_2436 = arith.constant 0 : i32
        %dma_start3A_2437 = arith.constant 0 : i32
        %dma_start3A_2438 = tpu.memref_slice %arg10[%select_n3A_1676, %dma_start3A_2436, %dma_start3A_2437] : memref<8x32x128xf32, #tpu.memory_space<vmem>> -> memref<1x32x128xf32, #tpu.memory_space<vmem>>
        %dma_start3A_2439 = tpu.memref_squeeze %dma_start3A_2438 : memref<1x32x128xf32, #tpu.memory_space<vmem>> -> memref<32x128xf32, #tpu.memory_space<vmem>>
        %dma_start3A_2440 = arith.constant 0 : i32
        %dma_start3A_2441 = tpu.memref_slice %arg5[%dma_start3A_2440, %multiple_of3A_2417] : memref<32x1000000xf32, #tpu.memory_space<hbm>> -> memref<32x128xf32, #tpu.memory_space<hbm>>
        tpu.enqueue_dma source(%dma_start3A_2441 : memref<32x128xf32, #tpu.memory_space<hbm>>) target(%dma_start3A_2439 : memref<32x128xf32, #tpu.memory_space<vmem>>) target_semaphore(%arg13 : memref<!tpu.dma_semaphore, #tpu.memory_space<semaphore_mem>>)
      } else {
      }
      %mul3A_1761 = arith.constant 16 : i32
      %mul3A_1762 = arith.muli %scan3A_614, %mul3A_1761 : i32
      %add3A_1763 = arith.constant 10 : i32
      %add3A_1764 = arith.addi %mul3A_1762, %add3A_1763 : i32
      %jit3A_1765 = arith.constant 8 : i32
      %eq3A_1766 = arith.constant 0 : i32
      %eq3A_1767 = arith.cmpi eq, %jit3A_1765, %eq3A_1766 : i32
      %jit3A_1768 = arith.constant 1 : i32
      %select_n3A_1769 = arith.select %eq3A_1767, %jit3A_1768, %jit3A_1765 : i32
      %rem3A_1770 = arith.remsi %add3A_1764, %select_n3A_1769 : i32
      %ne3A_1771 = arith.constant 0 : i32
      %ne3A_1772 = arith.cmpi ne, %rem3A_1770, %ne3A_1771 : i32
      %lt3A_1773 = arith.constant 0 : i32
      %lt3A_1774 = arith.cmpi slt, %rem3A_1770, %lt3A_1773 : i32
      %lt3A_1775 = arith.constant 0 : i32
      %lt3A_1776 = arith.cmpi slt, %select_n3A_1769, %lt3A_1775 : i32
      %ne3A_1777 = arith.xori %lt3A_1774, %lt3A_1776 : i1
      %and3A_1778 = arith.andi %ne3A_1777, %ne3A_1772 : i1
      %add3A_1779 = arith.addi %rem3A_1770, %select_n3A_1769 : i32
      %select_n3A_1780 = arith.select %and3A_1778, %add3A_1779, %rem3A_1770 : i32
      %dma_wait3A_1781 = arith.constant 0 : i32
      %dma_wait3A_1782 = arith.constant 0 : i32
      %dma_wait3A_1783 = tpu.memref_slice %arg9[%select_n3A_1780, %dma_wait3A_1781, %dma_wait3A_1782] : memref<8x32x128xf32, #tpu.memory_space<vmem>> -> memref<1x32x128xf32, #tpu.memory_space<vmem>>
      %dma_wait3A_1784 = tpu.memref_squeeze %dma_wait3A_1783 : memref<1x32x128xf32, #tpu.memory_space<vmem>> -> memref<32x128xf32, #tpu.memory_space<vmem>>
      %dma_wait3A_1785 = arith.constant 0 : i32
      %dma_wait3A_1786 = arith.constant 0 : i32
      %dma_wait3A_1787 = tpu.memref_slice %arg4[%dma_wait3A_1785, %dma_wait3A_1786] : memref<32x1000000xf32, #tpu.memory_space<hbm>> -> memref<32x128xf32, #tpu.memory_space<hbm>>
      %dma_wait3A_1788 = arith.constant 0 : i32
      %dma_wait3A_1789 = arith.constant 0 : i32
      %dma_wait3A_1790 = tpu.memref_slice %arg9[%select_n3A_1780, %dma_wait3A_1788, %dma_wait3A_1789] : memref<8x32x128xf32, #tpu.memory_space<vmem>> -> memref<1x32x128xf32, #tpu.memory_space<vmem>>
      %dma_wait3A_1791 = tpu.memref_squeeze %dma_wait3A_1790 : memref<1x32x128xf32, #tpu.memory_space<vmem>> -> memref<32x128xf32, #tpu.memory_space<vmem>>
      %dma_wait3A_1792 = arith.constant 0 : i32
      %dma_wait3A_1793 = arith.constant 0 : i32
      %dma_wait3A_1794 = tpu.memref_slice %arg4[%dma_wait3A_1792, %dma_wait3A_1793] : memref<32x1000000xf32, #tpu.memory_space<hbm>> -> memref<32x128xf32, #tpu.memory_space<hbm>>
      tpu.wait_dma2 semaphore(%arg13 : memref<!tpu.dma_semaphore, #tpu.memory_space<semaphore_mem>>) src(%dma_wait3A_1794 : memref<32x128xf32, #tpu.memory_space<hbm>>) dst(%dma_wait3A_1791 : memref<32x128xf32, #tpu.memory_space<vmem>>)
      %dma_wait3A_1795 = arith.constant 0 : i32
      %dma_wait3A_1796 = arith.constant 0 : i32
      %dma_wait3A_1797 = tpu.memref_slice %arg10[%select_n3A_1780, %dma_wait3A_1795, %dma_wait3A_1796] : memref<8x32x128xf32, #tpu.memory_space<vmem>> -> memref<1x32x128xf32, #tpu.memory_space<vmem>>
      %dma_wait3A_1798 = tpu.memref_squeeze %dma_wait3A_1797 : memref<1x32x128xf32, #tpu.memory_space<vmem>> -> memref<32x128xf32, #tpu.memory_space<vmem>>
      %dma_wait3A_1799 = arith.constant 0 : i32
      %dma_wait3A_1800 = arith.constant 0 : i32
      %dma_wait3A_1801 = tpu.memref_slice %arg5[%dma_wait3A_1799, %dma_wait3A_1800] : memref<32x1000000xf32, #tpu.memory_space<hbm>> -> memref<32x128xf32, #tpu.memory_space<hbm>>
      %dma_wait3A_1802 = arith.constant 0 : i32
      %dma_wait3A_1803 = arith.constant 0 : i32
      %dma_wait3A_1804 = tpu.memref_slice %arg10[%select_n3A_1780, %dma_wait3A_1802, %dma_wait3A_1803] : memref<8x32x128xf32, #tpu.memory_space<vmem>> -> memref<1x32x128xf32, #tpu.memory_space<vmem>>
      %dma_wait3A_1805 = tpu.memref_squeeze %dma_wait3A_1804 : memref<1x32x128xf32, #tpu.memory_space<vmem>> -> memref<32x128xf32, #tpu.memory_space<vmem>>
      %dma_wait3A_1806 = arith.constant 0 : i32
      %dma_wait3A_1807 = arith.constant 0 : i32
      %dma_wait3A_1808 = tpu.memref_slice %arg5[%dma_wait3A_1806, %dma_wait3A_1807] : memref<32x1000000xf32, #tpu.memory_space<hbm>> -> memref<32x128xf32, #tpu.memory_space<hbm>>
      tpu.wait_dma2 semaphore(%arg13 : memref<!tpu.dma_semaphore, #tpu.memory_space<semaphore_mem>>) src(%dma_wait3A_1808 : memref<32x128xf32, #tpu.memory_space<hbm>>) dst(%dma_wait3A_1805 : memref<32x128xf32, #tpu.memory_space<vmem>>)
      %eq3A_1809 = arith.constant 10 : i32
      %eq3A_1810 = vector.broadcast %eq3A_1809 : i32 to vector<16xi32>
      %eq3A_1811 = arith.cmpi eq, %iota3A, %eq3A_1810 : vector<16xi32>
      %jit3A_1812 = arith.constant 0 : i32
      %broadcast_in_dim3A_1813 = vector.broadcast %jit3A_1812 : i32 to vector<16xi32>
      %select_n3A_1814 = arith.select %eq3A_1811, %get3A_652, %broadcast_in_dim3A_1813 : vector<16xi1>, vector<16xi32>
      %reduce_sum3A_1815 = arith.constant true
      %reduce_sum3A_1816 = vector.broadcast %reduce_sum3A_1815 : i1 to vector<16xi1>
      %reduce_sum3A_1817 = tpu.scan <sum>, %select_n3A_1814 masked %reduce_sum3A_1816 : vector<16xi32>, vector<16xi1> -> vector<16xi32>
      %reduce_sum3A_1818 = vector.extract %reduce_sum3A_1817[15] : i32 from vector<16xi32>
      %eq3A_1819 = arith.constant 10 : i32
      %eq3A_1820 = vector.broadcast %eq3A_1819 : i32 to vector<16xi32>
      %eq3A_1821 = arith.cmpi eq, %iota3A, %eq3A_1820 : vector<16xi32>
      %jit3A_1822 = arith.constant 0 : i32
      %broadcast_in_dim3A_1823 = vector.broadcast %jit3A_1822 : i32 to vector<16xi32>
      %select_n3A_1824 = arith.select %eq3A_1821, %get3A_655, %broadcast_in_dim3A_1823 : vector<16xi1>, vector<16xi32>
      %reduce_sum3A_1825 = arith.constant true
      %reduce_sum3A_1826 = vector.broadcast %reduce_sum3A_1825 : i1 to vector<16xi1>
      %reduce_sum3A_1827 = tpu.scan <sum>, %select_n3A_1824 masked %reduce_sum3A_1826 : vector<16xi32>, vector<16xi1> -> vector<16xi32>
      %reduce_sum3A_1828 = vector.extract %reduce_sum3A_1827[15] : i32 from vector<16xi32>
      %and3A_1829 = arith.constant 127 : i32
      %and3A_1830 = arith.andi %reduce_sum3A_1818, %and3A_1829 : i32
      %broadcast_in_dim3A_1831 = vector.broadcast %and3A_1830 : i32 to vector<16xi32>
      %and3A_1832 = arith.constant 127 : i32
      %and3A_1833 = arith.andi %reduce_sum3A_1828, %and3A_1832 : i32
      %broadcast_in_dim3A_1834 = vector.broadcast %and3A_1833 : i32 to vector<16xi32>
      %broadcast_in_dim3A_1835 = vector.broadcast %select_n3A_1780 : i32 to vector<16xi32>
      %gather3A_1836 = tpu.vector_load_idx %arg9[%broadcast_in_dim3A_1835, %iota3A, %broadcast_in_dim3A_1831] : memref<8x32x128xf32, #tpu.memory_space<vmem>>[vector<16xi32>, vector<16xi32>, vector<16xi32>], vector<16xf32>,
      %add3A_1837 = arith.constant 16 : i32
      %add3A_1838 = vector.broadcast %add3A_1837 : i32 to vector<16xi32>
      %add3A_1839 = arith.addi %iota3A, %add3A_1838 : vector<16xi32>
      %gather3A_1840 = tpu.vector_load_idx %arg9[%broadcast_in_dim3A_1835, %add3A_1839, %broadcast_in_dim3A_1831] : memref<8x32x128xf32, #tpu.memory_space<vmem>>[vector<16xi32>, vector<16xi32>, vector<16xi32>], vector<16xf32>,
      %gather3A_1841 = tpu.vector_load_idx %arg10[%broadcast_in_dim3A_1835, %iota3A, %broadcast_in_dim3A_1834] : memref<8x32x128xf32, #tpu.memory_space<vmem>>[vector<16xi32>, vector<16xi32>, vector<16xi32>], vector<16xf32>,
      %add3A_1842 = arith.constant 16 : i32
      %add3A_1843 = vector.broadcast %add3A_1842 : i32 to vector<16xi32>
      %add3A_1844 = arith.addi %iota3A, %add3A_1843 : vector<16xi32>
      %gather3A_1845 = tpu.vector_load_idx %arg10[%broadcast_in_dim3A_1835, %add3A_1844, %broadcast_in_dim3A_1834] : memref<8x32x128xf32, #tpu.memory_space<vmem>>[vector<16xi32>, vector<16xi32>, vector<16xi32>], vector<16xf32>,
      %mul3A_1846 = arith.mulf %gather3A_1836, %gather3A_1841 : vector<16xf32>
      %mul3A_1847 = arith.mulf %gather3A_1840, %gather3A_1845 : vector<16xf32>
      %add3A_1848 = arith.addf %mul3A_1846, %mul3A_1847 : vector<16xf32>
      %reduce_sum3A_1849 = arith.constant true
      %reduce_sum3A_1850 = vector.broadcast %reduce_sum3A_1849 : i1 to vector<16xi1>
      %reduce_sum3A_1851 = tpu.scan <sum>, %add3A_1848 masked %reduce_sum3A_1850 : vector<16xf32>, vector<16xi1> -> vector<16xf32>
      %reduce_sum3A_1852 = vector.extract %reduce_sum3A_1851[15] : f32 from vector<16xf32>
      %eq3A_1853 = arith.constant 10 : i32
      %eq3A_1854 = vector.broadcast %eq3A_1853 : i32 to vector<16xi32>
      %eq3A_1855 = arith.cmpi eq, %iota3A, %eq3A_1854 : vector<16xi32>
      %broadcast_in_dim3A_1856 = vector.broadcast %reduce_sum3A_1852 : f32 to vector<16xf32>
      %select_n3A_1857 = arith.select %eq3A_1855, %broadcast_in_dim3A_1856, %select_n3A_1753 : vector<16xi1>, vector<16xf32>
      %add3A_1858 = arith.constant 8 : i32
      %add3A_1859 = arith.addi %add3A_1764, %add3A_1858 : i32
      %lt3A_1860 = arith.constant 512 : i32
      %lt3A_1861 = arith.cmpi slt, %add3A_1859, %lt3A_1860 : i32
      %convert_element_type3A_1862 = arith.extui %lt3A_1861 : i1 to i32
      %cond3A_1863 = arith.constant 0 : i32
      %cond3A_1864 = arith.cmpi ne, %convert_element_type3A_1862, %cond3A_1863 : i32
      scf.if %cond3A_1864 {
        %eq3A_2388 = arith.constant 2 : i32
        %eq3A_2389 = vector.broadcast %eq3A_2388 : i32 to vector<16xi32>
        %eq3A_2390 = arith.cmpi eq, %iota3A, %eq3A_2389 : vector<16xi32>
        %jit3A_2391 = arith.constant 0 : i32
        %broadcast_in_dim3A_2392 = vector.broadcast %jit3A_2391 : i32 to vector<16xi32>
        %select_n3A_2393 = arith.select %eq3A_2390, %get3A_718, %broadcast_in_dim3A_2392 : vector<16xi1>, vector<16xi32>
        %reduce_sum3A_2394 = arith.constant true
        %reduce_sum3A_2395 = vector.broadcast %reduce_sum3A_2394 : i1 to vector<16xi1>
        %reduce_sum3A_2396 = tpu.scan <sum>, %select_n3A_2393 masked %reduce_sum3A_2395 : vector<16xi32>, vector<16xi1> -> vector<16xi32>
        %reduce_sum3A_2397 = vector.extract %reduce_sum3A_2396[15] : i32 from vector<16xi32>
        %eq3A_2398 = arith.constant 2 : i32
        %eq3A_2399 = vector.broadcast %eq3A_2398 : i32 to vector<16xi32>
        %eq3A_2400 = arith.cmpi eq, %iota3A, %eq3A_2399 : vector<16xi32>
        %jit3A_2401 = arith.constant 0 : i32
        %broadcast_in_dim3A_2402 = vector.broadcast %jit3A_2401 : i32 to vector<16xi32>
        %select_n3A_2403 = arith.select %eq3A_2400, %get3A_721, %broadcast_in_dim3A_2402 : vector<16xi1>, vector<16xi32>
        %reduce_sum3A_2404 = arith.constant true
        %reduce_sum3A_2405 = vector.broadcast %reduce_sum3A_2404 : i1 to vector<16xi1>
        %reduce_sum3A_2406 = tpu.scan <sum>, %select_n3A_2403 masked %reduce_sum3A_2405 : vector<16xi32>, vector<16xi1> -> vector<16xi32>
        %reduce_sum3A_2407 = vector.extract %reduce_sum3A_2406[15] : i32 from vector<16xi32>
        %shift_right_arithmetic3A_2408 = arith.constant 7 : i32
        %shift_right_arithmetic3A_2409 = arith.shrsi %reduce_sum3A_2397, %shift_right_arithmetic3A_2408 : i32
        %mul3A_2410 = arith.constant 128 : i32
        %mul3A_2411 = arith.muli %shift_right_arithmetic3A_2409, %mul3A_2410 : i32
        %multiple_of3A_2412 = tpu.assume_multiple %mul3A_2411, 128 : i32
        %shift_right_arithmetic3A_2413 = arith.constant 7 : i32
        %shift_right_arithmetic3A_2414 = arith.shrsi %reduce_sum3A_2407, %shift_right_arithmetic3A_2413 : i32
        %mul3A_2415 = arith.constant 128 : i32
        %mul3A_2416 = arith.muli %shift_right_arithmetic3A_2414, %mul3A_2415 : i32
        %multiple_of3A_2417 = tpu.assume_multiple %mul3A_2416, 128 : i32
        %dma_start3A_2418 = arith.constant 0 : i32
        %dma_start3A_2419 = arith.constant 0 : i32
        %dma_start3A_2420 = tpu.memref_slice %arg9[%select_n3A_1780, %dma_start3A_2418, %dma_start3A_2419] : memref<8x32x128xf32, #tpu.memory_space<vmem>> -> memref<1x32x128xf32, #tpu.memory_space<vmem>>
        %dma_start3A_2421 = tpu.memref_squeeze %dma_start3A_2420 : memref<1x32x128xf32, #tpu.memory_space<vmem>> -> memref<32x128xf32, #tpu.memory_space<vmem>>
        %dma_start3A_2422 = arith.constant 0 : i32
        %dma_start3A_2423 = tpu.memref_slice %arg4[%dma_start3A_2422, %multiple_of3A_2412] : memref<32x1000000xf32, #tpu.memory_space<hbm>> -> memref<32x128xf32, #tpu.memory_space<hbm>>
        %dma_start3A_2424 = arith.constant 0 : i32
        %dma_start3A_2425 = arith.constant 0 : i32
        %dma_start3A_2426 = tpu.memref_slice %arg9[%select_n3A_1780, %dma_start3A_2424, %dma_start3A_2425] : memref<8x32x128xf32, #tpu.memory_space<vmem>> -> memref<1x32x128xf32, #tpu.memory_space<vmem>>
        %dma_start3A_2427 = tpu.memref_squeeze %dma_start3A_2426 : memref<1x32x128xf32, #tpu.memory_space<vmem>> -> memref<32x128xf32, #tpu.memory_space<vmem>>
        %dma_start3A_2428 = arith.constant 0 : i32
        %dma_start3A_2429 = tpu.memref_slice %arg4[%dma_start3A_2428, %multiple_of3A_2412] : memref<32x1000000xf32, #tpu.memory_space<hbm>> -> memref<32x128xf32, #tpu.memory_space<hbm>>
        tpu.enqueue_dma source(%dma_start3A_2429 : memref<32x128xf32, #tpu.memory_space<hbm>>) target(%dma_start3A_2427 : memref<32x128xf32, #tpu.memory_space<vmem>>) target_semaphore(%arg13 : memref<!tpu.dma_semaphore, #tpu.memory_space<semaphore_mem>>)
        %dma_start3A_2430 = arith.constant 0 : i32
        %dma_start3A_2431 = arith.constant 0 : i32
        %dma_start3A_2432 = tpu.memref_slice %arg10[%select_n3A_1780, %dma_start3A_2430, %dma_start3A_2431] : memref<8x32x128xf32, #tpu.memory_space<vmem>> -> memref<1x32x128xf32, #tpu.memory_space<vmem>>
        %dma_start3A_2433 = tpu.memref_squeeze %dma_start3A_2432 : memref<1x32x128xf32, #tpu.memory_space<vmem>> -> memref<32x128xf32, #tpu.memory_space<vmem>>
        %dma_start3A_2434 = arith.constant 0 : i32
        %dma_start3A_2435 = tpu.memref_slice %arg5[%dma_start3A_2434, %multiple_of3A_2417] : memref<32x1000000xf32, #tpu.memory_space<hbm>> -> memref<32x128xf32, #tpu.memory_space<hbm>>
        %dma_start3A_2436 = arith.constant 0 : i32
        %dma_start3A_2437 = arith.constant 0 : i32
        %dma_start3A_2438 = tpu.memref_slice %arg10[%select_n3A_1780, %dma_start3A_2436, %dma_start3A_2437] : memref<8x32x128xf32, #tpu.memory_space<vmem>> -> memref<1x32x128xf32, #tpu.memory_space<vmem>>
        %dma_start3A_2439 = tpu.memref_squeeze %dma_start3A_2438 : memref<1x32x128xf32, #tpu.memory_space<vmem>> -> memref<32x128xf32, #tpu.memory_space<vmem>>
        %dma_start3A_2440 = arith.constant 0 : i32
        %dma_start3A_2441 = tpu.memref_slice %arg5[%dma_start3A_2440, %multiple_of3A_2417] : memref<32x1000000xf32, #tpu.memory_space<hbm>> -> memref<32x128xf32, #tpu.memory_space<hbm>>
        tpu.enqueue_dma source(%dma_start3A_2441 : memref<32x128xf32, #tpu.memory_space<hbm>>) target(%dma_start3A_2439 : memref<32x128xf32, #tpu.memory_space<vmem>>) target_semaphore(%arg13 : memref<!tpu.dma_semaphore, #tpu.memory_space<semaphore_mem>>)
      } else {
      }
      %mul3A_1865 = arith.constant 16 : i32
      %mul3A_1866 = arith.muli %scan3A_614, %mul3A_1865 : i32
      %add3A_1867 = arith.constant 11 : i32
      %add3A_1868 = arith.addi %mul3A_1866, %add3A_1867 : i32
      %jit3A_1869 = arith.constant 8 : i32
      %eq3A_1870 = arith.constant 0 : i32
      %eq3A_1871 = arith.cmpi eq, %jit3A_1869, %eq3A_1870 : i32
      %jit3A_1872 = arith.constant 1 : i32
      %select_n3A_1873 = arith.select %eq3A_1871, %jit3A_1872, %jit3A_1869 : i32
      %rem3A_1874 = arith.remsi %add3A_1868, %select_n3A_1873 : i32
      %ne3A_1875 = arith.constant 0 : i32
      %ne3A_1876 = arith.cmpi ne, %rem3A_1874, %ne3A_1875 : i32
      %lt3A_1877 = arith.constant 0 : i32
      %lt3A_1878 = arith.cmpi slt, %rem3A_1874, %lt3A_1877 : i32
      %lt3A_1879 = arith.constant 0 : i32
      %lt3A_1880 = arith.cmpi slt, %select_n3A_1873, %lt3A_1879 : i32
      %ne3A_1881 = arith.xori %lt3A_1878, %lt3A_1880 : i1
      %and3A_1882 = arith.andi %ne3A_1881, %ne3A_1876 : i1
      %add3A_1883 = arith.addi %rem3A_1874, %select_n3A_1873 : i32
      %select_n3A_1884 = arith.select %and3A_1882, %add3A_1883, %rem3A_1874 : i32
      %dma_wait3A_1885 = arith.constant 0 : i32
      %dma_wait3A_1886 = arith.constant 0 : i32
      %dma_wait3A_1887 = tpu.memref_slice %arg9[%select_n3A_1884, %dma_wait3A_1885, %dma_wait3A_1886] : memref<8x32x128xf32, #tpu.memory_space<vmem>> -> memref<1x32x128xf32, #tpu.memory_space<vmem>>
      %dma_wait3A_1888 = tpu.memref_squeeze %dma_wait3A_1887 : memref<1x32x128xf32, #tpu.memory_space<vmem>> -> memref<32x128xf32, #tpu.memory_space<vmem>>
      %dma_wait3A_1889 = arith.constant 0 : i32
      %dma_wait3A_1890 = arith.constant 0 : i32
      %dma_wait3A_1891 = tpu.memref_slice %arg4[%dma_wait3A_1889, %dma_wait3A_1890] : memref<32x1000000xf32, #tpu.memory_space<hbm>> -> memref<32x128xf32, #tpu.memory_space<hbm>>
      %dma_wait3A_1892 = arith.constant 0 : i32
      %dma_wait3A_1893 = arith.constant 0 : i32
      %dma_wait3A_1894 = tpu.memref_slice %arg9[%select_n3A_1884, %dma_wait3A_1892, %dma_wait3A_1893] : memref<8x32x128xf32, #tpu.memory_space<vmem>> -> memref<1x32x128xf32, #tpu.memory_space<vmem>>
      %dma_wait3A_1895 = tpu.memref_squeeze %dma_wait3A_1894 : memref<1x32x128xf32, #tpu.memory_space<vmem>> -> memref<32x128xf32, #tpu.memory_space<vmem>>
      %dma_wait3A_1896 = arith.constant 0 : i32
      %dma_wait3A_1897 = arith.constant 0 : i32
      %dma_wait3A_1898 = tpu.memref_slice %arg4[%dma_wait3A_1896, %dma_wait3A_1897] : memref<32x1000000xf32, #tpu.memory_space<hbm>> -> memref<32x128xf32, #tpu.memory_space<hbm>>
      tpu.wait_dma2 semaphore(%arg13 : memref<!tpu.dma_semaphore, #tpu.memory_space<semaphore_mem>>) src(%dma_wait3A_1898 : memref<32x128xf32, #tpu.memory_space<hbm>>) dst(%dma_wait3A_1895 : memref<32x128xf32, #tpu.memory_space<vmem>>)
      %dma_wait3A_1899 = arith.constant 0 : i32
      %dma_wait3A_1900 = arith.constant 0 : i32
      %dma_wait3A_1901 = tpu.memref_slice %arg10[%select_n3A_1884, %dma_wait3A_1899, %dma_wait3A_1900] : memref<8x32x128xf32, #tpu.memory_space<vmem>> -> memref<1x32x128xf32, #tpu.memory_space<vmem>>
      %dma_wait3A_1902 = tpu.memref_squeeze %dma_wait3A_1901 : memref<1x32x128xf32, #tpu.memory_space<vmem>> -> memref<32x128xf32, #tpu.memory_space<vmem>>
      %dma_wait3A_1903 = arith.constant 0 : i32
      %dma_wait3A_1904 = arith.constant 0 : i32
      %dma_wait3A_1905 = tpu.memref_slice %arg5[%dma_wait3A_1903, %dma_wait3A_1904] : memref<32x1000000xf32, #tpu.memory_space<hbm>> -> memref<32x128xf32, #tpu.memory_space<hbm>>
      %dma_wait3A_1906 = arith.constant 0 : i32
      %dma_wait3A_1907 = arith.constant 0 : i32
      %dma_wait3A_1908 = tpu.memref_slice %arg10[%select_n3A_1884, %dma_wait3A_1906, %dma_wait3A_1907] : memref<8x32x128xf32, #tpu.memory_space<vmem>> -> memref<1x32x128xf32, #tpu.memory_space<vmem>>
      %dma_wait3A_1909 = tpu.memref_squeeze %dma_wait3A_1908 : memref<1x32x128xf32, #tpu.memory_space<vmem>> -> memref<32x128xf32, #tpu.memory_space<vmem>>
      %dma_wait3A_1910 = arith.constant 0 : i32
      %dma_wait3A_1911 = arith.constant 0 : i32
      %dma_wait3A_1912 = tpu.memref_slice %arg5[%dma_wait3A_1910, %dma_wait3A_1911] : memref<32x1000000xf32, #tpu.memory_space<hbm>> -> memref<32x128xf32, #tpu.memory_space<hbm>>
      tpu.wait_dma2 semaphore(%arg13 : memref<!tpu.dma_semaphore, #tpu.memory_space<semaphore_mem>>) src(%dma_wait3A_1912 : memref<32x128xf32, #tpu.memory_space<hbm>>) dst(%dma_wait3A_1909 : memref<32x128xf32, #tpu.memory_space<vmem>>)
      %eq3A_1913 = arith.constant 11 : i32
      %eq3A_1914 = vector.broadcast %eq3A_1913 : i32 to vector<16xi32>
      %eq3A_1915 = arith.cmpi eq, %iota3A, %eq3A_1914 : vector<16xi32>
      %jit3A_1916 = arith.constant 0 : i32
      %broadcast_in_dim3A_1917 = vector.broadcast %jit3A_1916 : i32 to vector<16xi32>
      %select_n3A_1918 = arith.select %eq3A_1915, %get3A_652, %broadcast_in_dim3A_1917 : vector<16xi1>, vector<16xi32>
      %reduce_sum3A_1919 = arith.constant true
      %reduce_sum3A_1920 = vector.broadcast %reduce_sum3A_1919 : i1 to vector<16xi1>
      %reduce_sum3A_1921 = tpu.scan <sum>, %select_n3A_1918 masked %reduce_sum3A_1920 : vector<16xi32>, vector<16xi1> -> vector<16xi32>
      %reduce_sum3A_1922 = vector.extract %reduce_sum3A_1921[15] : i32 from vector<16xi32>
      %eq3A_1923 = arith.constant 11 : i32
      %eq3A_1924 = vector.broadcast %eq3A_1923 : i32 to vector<16xi32>
      %eq3A_1925 = arith.cmpi eq, %iota3A, %eq3A_1924 : vector<16xi32>
      %jit3A_1926 = arith.constant 0 : i32
      %broadcast_in_dim3A_1927 = vector.broadcast %jit3A_1926 : i32 to vector<16xi32>
      %select_n3A_1928 = arith.select %eq3A_1925, %get3A_655, %broadcast_in_dim3A_1927 : vector<16xi1>, vector<16xi32>
      %reduce_sum3A_1929 = arith.constant true
      %reduce_sum3A_1930 = vector.broadcast %reduce_sum3A_1929 : i1 to vector<16xi1>
      %reduce_sum3A_1931 = tpu.scan <sum>, %select_n3A_1928 masked %reduce_sum3A_1930 : vector<16xi32>, vector<16xi1> -> vector<16xi32>
      %reduce_sum3A_1932 = vector.extract %reduce_sum3A_1931[15] : i32 from vector<16xi32>
      %and3A_1933 = arith.constant 127 : i32
      %and3A_1934 = arith.andi %reduce_sum3A_1922, %and3A_1933 : i32
      %broadcast_in_dim3A_1935 = vector.broadcast %and3A_1934 : i32 to vector<16xi32>
      %and3A_1936 = arith.constant 127 : i32
      %and3A_1937 = arith.andi %reduce_sum3A_1932, %and3A_1936 : i32
      %broadcast_in_dim3A_1938 = vector.broadcast %and3A_1937 : i32 to vector<16xi32>
      %broadcast_in_dim3A_1939 = vector.broadcast %select_n3A_1884 : i32 to vector<16xi32>
      %gather3A_1940 = tpu.vector_load_idx %arg9[%broadcast_in_dim3A_1939, %iota3A, %broadcast_in_dim3A_1935] : memref<8x32x128xf32, #tpu.memory_space<vmem>>[vector<16xi32>, vector<16xi32>, vector<16xi32>], vector<16xf32>,
      %add3A_1941 = arith.constant 16 : i32
      %add3A_1942 = vector.broadcast %add3A_1941 : i32 to vector<16xi32>
      %add3A_1943 = arith.addi %iota3A, %add3A_1942 : vector<16xi32>
      %gather3A_1944 = tpu.vector_load_idx %arg9[%broadcast_in_dim3A_1939, %add3A_1943, %broadcast_in_dim3A_1935] : memref<8x32x128xf32, #tpu.memory_space<vmem>>[vector<16xi32>, vector<16xi32>, vector<16xi32>], vector<16xf32>,
      %gather3A_1945 = tpu.vector_load_idx %arg10[%broadcast_in_dim3A_1939, %iota3A, %broadcast_in_dim3A_1938] : memref<8x32x128xf32, #tpu.memory_space<vmem>>[vector<16xi32>, vector<16xi32>, vector<16xi32>], vector<16xf32>,
      %add3A_1946 = arith.constant 16 : i32
      %add3A_1947 = vector.broadcast %add3A_1946 : i32 to vector<16xi32>
      %add3A_1948 = arith.addi %iota3A, %add3A_1947 : vector<16xi32>
      %gather3A_1949 = tpu.vector_load_idx %arg10[%broadcast_in_dim3A_1939, %add3A_1948, %broadcast_in_dim3A_1938] : memref<8x32x128xf32, #tpu.memory_space<vmem>>[vector<16xi32>, vector<16xi32>, vector<16xi32>], vector<16xf32>,
      %mul3A_1950 = arith.mulf %gather3A_1940, %gather3A_1945 : vector<16xf32>
      %mul3A_1951 = arith.mulf %gather3A_1944, %gather3A_1949 : vector<16xf32>
      %add3A_1952 = arith.addf %mul3A_1950, %mul3A_1951 : vector<16xf32>
      %reduce_sum3A_1953 = arith.constant true
      %reduce_sum3A_1954 = vector.broadcast %reduce_sum3A_1953 : i1 to vector<16xi1>
      %reduce_sum3A_1955 = tpu.scan <sum>, %add3A_1952 masked %reduce_sum3A_1954 : vector<16xf32>, vector<16xi1> -> vector<16xf32>
      %reduce_sum3A_1956 = vector.extract %reduce_sum3A_1955[15] : f32 from vector<16xf32>
      %eq3A_1957 = arith.constant 11 : i32
      %eq3A_1958 = vector.broadcast %eq3A_1957 : i32 to vector<16xi32>
      %eq3A_1959 = arith.cmpi eq, %iota3A, %eq3A_1958 : vector<16xi32>
      %broadcast_in_dim3A_1960 = vector.broadcast %reduce_sum3A_1956 : f32 to vector<16xf32>
      %select_n3A_1961 = arith.select %eq3A_1959, %broadcast_in_dim3A_1960, %select_n3A_1857 : vector<16xi1>, vector<16xf32>
      %add3A_1962 = arith.constant 8 : i32
      %add3A_1963 = arith.addi %add3A_1868, %add3A_1962 : i32
      %lt3A_1964 = arith.constant 512 : i32
      %lt3A_1965 = arith.cmpi slt, %add3A_1963, %lt3A_1964 : i32
      %convert_element_type3A_1966 = arith.extui %lt3A_1965 : i1 to i32
      %cond3A_1967 = arith.constant 0 : i32
      %cond3A_1968 = arith.cmpi ne, %convert_element_type3A_1966, %cond3A_1967 : i32
      scf.if %cond3A_1968 {
        %eq3A_2388 = arith.constant 3 : i32
        %eq3A_2389 = vector.broadcast %eq3A_2388 : i32 to vector<16xi32>
        %eq3A_2390 = arith.cmpi eq, %iota3A, %eq3A_2389 : vector<16xi32>
        %jit3A_2391 = arith.constant 0 : i32
        %broadcast_in_dim3A_2392 = vector.broadcast %jit3A_2391 : i32 to vector<16xi32>
        %select_n3A_2393 = arith.select %eq3A_2390, %get3A_718, %broadcast_in_dim3A_2392 : vector<16xi1>, vector<16xi32>
        %reduce_sum3A_2394 = arith.constant true
        %reduce_sum3A_2395 = vector.broadcast %reduce_sum3A_2394 : i1 to vector<16xi1>
        %reduce_sum3A_2396 = tpu.scan <sum>, %select_n3A_2393 masked %reduce_sum3A_2395 : vector<16xi32>, vector<16xi1> -> vector<16xi32>
        %reduce_sum3A_2397 = vector.extract %reduce_sum3A_2396[15] : i32 from vector<16xi32>
        %eq3A_2398 = arith.constant 3 : i32
        %eq3A_2399 = vector.broadcast %eq3A_2398 : i32 to vector<16xi32>
        %eq3A_2400 = arith.cmpi eq, %iota3A, %eq3A_2399 : vector<16xi32>
        %jit3A_2401 = arith.constant 0 : i32
        %broadcast_in_dim3A_2402 = vector.broadcast %jit3A_2401 : i32 to vector<16xi32>
        %select_n3A_2403 = arith.select %eq3A_2400, %get3A_721, %broadcast_in_dim3A_2402 : vector<16xi1>, vector<16xi32>
        %reduce_sum3A_2404 = arith.constant true
        %reduce_sum3A_2405 = vector.broadcast %reduce_sum3A_2404 : i1 to vector<16xi1>
        %reduce_sum3A_2406 = tpu.scan <sum>, %select_n3A_2403 masked %reduce_sum3A_2405 : vector<16xi32>, vector<16xi1> -> vector<16xi32>
        %reduce_sum3A_2407 = vector.extract %reduce_sum3A_2406[15] : i32 from vector<16xi32>
        %shift_right_arithmetic3A_2408 = arith.constant 7 : i32
        %shift_right_arithmetic3A_2409 = arith.shrsi %reduce_sum3A_2397, %shift_right_arithmetic3A_2408 : i32
        %mul3A_2410 = arith.constant 128 : i32
        %mul3A_2411 = arith.muli %shift_right_arithmetic3A_2409, %mul3A_2410 : i32
        %multiple_of3A_2412 = tpu.assume_multiple %mul3A_2411, 128 : i32
        %shift_right_arithmetic3A_2413 = arith.constant 7 : i32
        %shift_right_arithmetic3A_2414 = arith.shrsi %reduce_sum3A_2407, %shift_right_arithmetic3A_2413 : i32
        %mul3A_2415 = arith.constant 128 : i32
        %mul3A_2416 = arith.muli %shift_right_arithmetic3A_2414, %mul3A_2415 : i32
        %multiple_of3A_2417 = tpu.assume_multiple %mul3A_2416, 128 : i32
        %dma_start3A_2418 = arith.constant 0 : i32
        %dma_start3A_2419 = arith.constant 0 : i32
        %dma_start3A_2420 = tpu.memref_slice %arg9[%select_n3A_1884, %dma_start3A_2418, %dma_start3A_2419] : memref<8x32x128xf32, #tpu.memory_space<vmem>> -> memref<1x32x128xf32, #tpu.memory_space<vmem>>
        %dma_start3A_2421 = tpu.memref_squeeze %dma_start3A_2420 : memref<1x32x128xf32, #tpu.memory_space<vmem>> -> memref<32x128xf32, #tpu.memory_space<vmem>>
        %dma_start3A_2422 = arith.constant 0 : i32
        %dma_start3A_2423 = tpu.memref_slice %arg4[%dma_start3A_2422, %multiple_of3A_2412] : memref<32x1000000xf32, #tpu.memory_space<hbm>> -> memref<32x128xf32, #tpu.memory_space<hbm>>
        %dma_start3A_2424 = arith.constant 0 : i32
        %dma_start3A_2425 = arith.constant 0 : i32
        %dma_start3A_2426 = tpu.memref_slice %arg9[%select_n3A_1884, %dma_start3A_2424, %dma_start3A_2425] : memref<8x32x128xf32, #tpu.memory_space<vmem>> -> memref<1x32x128xf32, #tpu.memory_space<vmem>>
        %dma_start3A_2427 = tpu.memref_squeeze %dma_start3A_2426 : memref<1x32x128xf32, #tpu.memory_space<vmem>> -> memref<32x128xf32, #tpu.memory_space<vmem>>
        %dma_start3A_2428 = arith.constant 0 : i32
        %dma_start3A_2429 = tpu.memref_slice %arg4[%dma_start3A_2428, %multiple_of3A_2412] : memref<32x1000000xf32, #tpu.memory_space<hbm>> -> memref<32x128xf32, #tpu.memory_space<hbm>>
        tpu.enqueue_dma source(%dma_start3A_2429 : memref<32x128xf32, #tpu.memory_space<hbm>>) target(%dma_start3A_2427 : memref<32x128xf32, #tpu.memory_space<vmem>>) target_semaphore(%arg13 : memref<!tpu.dma_semaphore, #tpu.memory_space<semaphore_mem>>)
        %dma_start3A_2430 = arith.constant 0 : i32
        %dma_start3A_2431 = arith.constant 0 : i32
        %dma_start3A_2432 = tpu.memref_slice %arg10[%select_n3A_1884, %dma_start3A_2430, %dma_start3A_2431] : memref<8x32x128xf32, #tpu.memory_space<vmem>> -> memref<1x32x128xf32, #tpu.memory_space<vmem>>
        %dma_start3A_2433 = tpu.memref_squeeze %dma_start3A_2432 : memref<1x32x128xf32, #tpu.memory_space<vmem>> -> memref<32x128xf32, #tpu.memory_space<vmem>>
        %dma_start3A_2434 = arith.constant 0 : i32
        %dma_start3A_2435 = tpu.memref_slice %arg5[%dma_start3A_2434, %multiple_of3A_2417] : memref<32x1000000xf32, #tpu.memory_space<hbm>> -> memref<32x128xf32, #tpu.memory_space<hbm>>
        %dma_start3A_2436 = arith.constant 0 : i32
        %dma_start3A_2437 = arith.constant 0 : i32
        %dma_start3A_2438 = tpu.memref_slice %arg10[%select_n3A_1884, %dma_start3A_2436, %dma_start3A_2437] : memref<8x32x128xf32, #tpu.memory_space<vmem>> -> memref<1x32x128xf32, #tpu.memory_space<vmem>>
        %dma_start3A_2439 = tpu.memref_squeeze %dma_start3A_2438 : memref<1x32x128xf32, #tpu.memory_space<vmem>> -> memref<32x128xf32, #tpu.memory_space<vmem>>
        %dma_start3A_2440 = arith.constant 0 : i32
        %dma_start3A_2441 = tpu.memref_slice %arg5[%dma_start3A_2440, %multiple_of3A_2417] : memref<32x1000000xf32, #tpu.memory_space<hbm>> -> memref<32x128xf32, #tpu.memory_space<hbm>>
        tpu.enqueue_dma source(%dma_start3A_2441 : memref<32x128xf32, #tpu.memory_space<hbm>>) target(%dma_start3A_2439 : memref<32x128xf32, #tpu.memory_space<vmem>>) target_semaphore(%arg13 : memref<!tpu.dma_semaphore, #tpu.memory_space<semaphore_mem>>)
      } else {
      }
      %mul3A_1969 = arith.constant 16 : i32
      %mul3A_1970 = arith.muli %scan3A_614, %mul3A_1969 : i32
      %add3A_1971 = arith.constant 12 : i32
      %add3A_1972 = arith.addi %mul3A_1970, %add3A_1971 : i32
      %jit3A_1973 = arith.constant 8 : i32
      %eq3A_1974 = arith.constant 0 : i32
      %eq3A_1975 = arith.cmpi eq, %jit3A_1973, %eq3A_1974 : i32
      %jit3A_1976 = arith.constant 1 : i32
      %select_n3A_1977 = arith.select %eq3A_1975, %jit3A_1976, %jit3A_1973 : i32
      %rem3A_1978 = arith.remsi %add3A_1972, %select_n3A_1977 : i32
      %ne3A_1979 = arith.constant 0 : i32
      %ne3A_1980 = arith.cmpi ne, %rem3A_1978, %ne3A_1979 : i32
      %lt3A_1981 = arith.constant 0 : i32
      %lt3A_1982 = arith.cmpi slt, %rem3A_1978, %lt3A_1981 : i32
      %lt3A_1983 = arith.constant 0 : i32
      %lt3A_1984 = arith.cmpi slt, %select_n3A_1977, %lt3A_1983 : i32
      %ne3A_1985 = arith.xori %lt3A_1982, %lt3A_1984 : i1
      %and3A_1986 = arith.andi %ne3A_1985, %ne3A_1980 : i1
      %add3A_1987 = arith.addi %rem3A_1978, %select_n3A_1977 : i32
      %select_n3A_1988 = arith.select %and3A_1986, %add3A_1987, %rem3A_1978 : i32
      %dma_wait3A_1989 = arith.constant 0 : i32
      %dma_wait3A_1990 = arith.constant 0 : i32
      %dma_wait3A_1991 = tpu.memref_slice %arg9[%select_n3A_1988, %dma_wait3A_1989, %dma_wait3A_1990] : memref<8x32x128xf32, #tpu.memory_space<vmem>> -> memref<1x32x128xf32, #tpu.memory_space<vmem>>
      %dma_wait3A_1992 = tpu.memref_squeeze %dma_wait3A_1991 : memref<1x32x128xf32, #tpu.memory_space<vmem>> -> memref<32x128xf32, #tpu.memory_space<vmem>>
      %dma_wait3A_1993 = arith.constant 0 : i32
      %dma_wait3A_1994 = arith.constant 0 : i32
      %dma_wait3A_1995 = tpu.memref_slice %arg4[%dma_wait3A_1993, %dma_wait3A_1994] : memref<32x1000000xf32, #tpu.memory_space<hbm>> -> memref<32x128xf32, #tpu.memory_space<hbm>>
      %dma_wait3A_1996 = arith.constant 0 : i32
      %dma_wait3A_1997 = arith.constant 0 : i32
      %dma_wait3A_1998 = tpu.memref_slice %arg9[%select_n3A_1988, %dma_wait3A_1996, %dma_wait3A_1997] : memref<8x32x128xf32, #tpu.memory_space<vmem>> -> memref<1x32x128xf32, #tpu.memory_space<vmem>>
      %dma_wait3A_1999 = tpu.memref_squeeze %dma_wait3A_1998 : memref<1x32x128xf32, #tpu.memory_space<vmem>> -> memref<32x128xf32, #tpu.memory_space<vmem>>
      %dma_wait3A_2000 = arith.constant 0 : i32
      %dma_wait3A_2001 = arith.constant 0 : i32
      %dma_wait3A_2002 = tpu.memref_slice %arg4[%dma_wait3A_2000, %dma_wait3A_2001] : memref<32x1000000xf32, #tpu.memory_space<hbm>> -> memref<32x128xf32, #tpu.memory_space<hbm>>
      tpu.wait_dma2 semaphore(%arg13 : memref<!tpu.dma_semaphore, #tpu.memory_space<semaphore_mem>>) src(%dma_wait3A_2002 : memref<32x128xf32, #tpu.memory_space<hbm>>) dst(%dma_wait3A_1999 : memref<32x128xf32, #tpu.memory_space<vmem>>)
      %dma_wait3A_2003 = arith.constant 0 : i32
      %dma_wait3A_2004 = arith.constant 0 : i32
      %dma_wait3A_2005 = tpu.memref_slice %arg10[%select_n3A_1988, %dma_wait3A_2003, %dma_wait3A_2004] : memref<8x32x128xf32, #tpu.memory_space<vmem>> -> memref<1x32x128xf32, #tpu.memory_space<vmem>>
      %dma_wait3A_2006 = tpu.memref_squeeze %dma_wait3A_2005 : memref<1x32x128xf32, #tpu.memory_space<vmem>> -> memref<32x128xf32, #tpu.memory_space<vmem>>
      %dma_wait3A_2007 = arith.constant 0 : i32
      %dma_wait3A_2008 = arith.constant 0 : i32
      %dma_wait3A_2009 = tpu.memref_slice %arg5[%dma_wait3A_2007, %dma_wait3A_2008] : memref<32x1000000xf32, #tpu.memory_space<hbm>> -> memref<32x128xf32, #tpu.memory_space<hbm>>
      %dma_wait3A_2010 = arith.constant 0 : i32
      %dma_wait3A_2011 = arith.constant 0 : i32
      %dma_wait3A_2012 = tpu.memref_slice %arg10[%select_n3A_1988, %dma_wait3A_2010, %dma_wait3A_2011] : memref<8x32x128xf32, #tpu.memory_space<vmem>> -> memref<1x32x128xf32, #tpu.memory_space<vmem>>
      %dma_wait3A_2013 = tpu.memref_squeeze %dma_wait3A_2012 : memref<1x32x128xf32, #tpu.memory_space<vmem>> -> memref<32x128xf32, #tpu.memory_space<vmem>>
      %dma_wait3A_2014 = arith.constant 0 : i32
      %dma_wait3A_2015 = arith.constant 0 : i32
      %dma_wait3A_2016 = tpu.memref_slice %arg5[%dma_wait3A_2014, %dma_wait3A_2015] : memref<32x1000000xf32, #tpu.memory_space<hbm>> -> memref<32x128xf32, #tpu.memory_space<hbm>>
      tpu.wait_dma2 semaphore(%arg13 : memref<!tpu.dma_semaphore, #tpu.memory_space<semaphore_mem>>) src(%dma_wait3A_2016 : memref<32x128xf32, #tpu.memory_space<hbm>>) dst(%dma_wait3A_2013 : memref<32x128xf32, #tpu.memory_space<vmem>>)
      %eq3A_2017 = arith.constant 12 : i32
      %eq3A_2018 = vector.broadcast %eq3A_2017 : i32 to vector<16xi32>
      %eq3A_2019 = arith.cmpi eq, %iota3A, %eq3A_2018 : vector<16xi32>
      %jit3A_2020 = arith.constant 0 : i32
      %broadcast_in_dim3A_2021 = vector.broadcast %jit3A_2020 : i32 to vector<16xi32>
      %select_n3A_2022 = arith.select %eq3A_2019, %get3A_652, %broadcast_in_dim3A_2021 : vector<16xi1>, vector<16xi32>
      %reduce_sum3A_2023 = arith.constant true
      %reduce_sum3A_2024 = vector.broadcast %reduce_sum3A_2023 : i1 to vector<16xi1>
      %reduce_sum3A_2025 = tpu.scan <sum>, %select_n3A_2022 masked %reduce_sum3A_2024 : vector<16xi32>, vector<16xi1> -> vector<16xi32>
      %reduce_sum3A_2026 = vector.extract %reduce_sum3A_2025[15] : i32 from vector<16xi32>
      %eq3A_2027 = arith.constant 12 : i32
      %eq3A_2028 = vector.broadcast %eq3A_2027 : i32 to vector<16xi32>
      %eq3A_2029 = arith.cmpi eq, %iota3A, %eq3A_2028 : vector<16xi32>
      %jit3A_2030 = arith.constant 0 : i32
      %broadcast_in_dim3A_2031 = vector.broadcast %jit3A_2030 : i32 to vector<16xi32>
      %select_n3A_2032 = arith.select %eq3A_2029, %get3A_655, %broadcast_in_dim3A_2031 : vector<16xi1>, vector<16xi32>
      %reduce_sum3A_2033 = arith.constant true
      %reduce_sum3A_2034 = vector.broadcast %reduce_sum3A_2033 : i1 to vector<16xi1>
      %reduce_sum3A_2035 = tpu.scan <sum>, %select_n3A_2032 masked %reduce_sum3A_2034 : vector<16xi32>, vector<16xi1> -> vector<16xi32>
      %reduce_sum3A_2036 = vector.extract %reduce_sum3A_2035[15] : i32 from vector<16xi32>
      %and3A_2037 = arith.constant 127 : i32
      %and3A_2038 = arith.andi %reduce_sum3A_2026, %and3A_2037 : i32
      %broadcast_in_dim3A_2039 = vector.broadcast %and3A_2038 : i32 to vector<16xi32>
      %and3A_2040 = arith.constant 127 : i32
      %and3A_2041 = arith.andi %reduce_sum3A_2036, %and3A_2040 : i32
      %broadcast_in_dim3A_2042 = vector.broadcast %and3A_2041 : i32 to vector<16xi32>
      %broadcast_in_dim3A_2043 = vector.broadcast %select_n3A_1988 : i32 to vector<16xi32>
      %gather3A_2044 = tpu.vector_load_idx %arg9[%broadcast_in_dim3A_2043, %iota3A, %broadcast_in_dim3A_2039] : memref<8x32x128xf32, #tpu.memory_space<vmem>>[vector<16xi32>, vector<16xi32>, vector<16xi32>], vector<16xf32>,
      %add3A_2045 = arith.constant 16 : i32
      %add3A_2046 = vector.broadcast %add3A_2045 : i32 to vector<16xi32>
      %add3A_2047 = arith.addi %iota3A, %add3A_2046 : vector<16xi32>
      %gather3A_2048 = tpu.vector_load_idx %arg9[%broadcast_in_dim3A_2043, %add3A_2047, %broadcast_in_dim3A_2039] : memref<8x32x128xf32, #tpu.memory_space<vmem>>[vector<16xi32>, vector<16xi32>, vector<16xi32>], vector<16xf32>,
      %gather3A_2049 = tpu.vector_load_idx %arg10[%broadcast_in_dim3A_2043, %iota3A, %broadcast_in_dim3A_2042] : memref<8x32x128xf32, #tpu.memory_space<vmem>>[vector<16xi32>, vector<16xi32>, vector<16xi32>], vector<16xf32>,
      %add3A_2050 = arith.constant 16 : i32
      %add3A_2051 = vector.broadcast %add3A_2050 : i32 to vector<16xi32>
      %add3A_2052 = arith.addi %iota3A, %add3A_2051 : vector<16xi32>
      %gather3A_2053 = tpu.vector_load_idx %arg10[%broadcast_in_dim3A_2043, %add3A_2052, %broadcast_in_dim3A_2042] : memref<8x32x128xf32, #tpu.memory_space<vmem>>[vector<16xi32>, vector<16xi32>, vector<16xi32>], vector<16xf32>,
      %mul3A_2054 = arith.mulf %gather3A_2044, %gather3A_2049 : vector<16xf32>
      %mul3A_2055 = arith.mulf %gather3A_2048, %gather3A_2053 : vector<16xf32>
      %add3A_2056 = arith.addf %mul3A_2054, %mul3A_2055 : vector<16xf32>
      %reduce_sum3A_2057 = arith.constant true
      %reduce_sum3A_2058 = vector.broadcast %reduce_sum3A_2057 : i1 to vector<16xi1>
      %reduce_sum3A_2059 = tpu.scan <sum>, %add3A_2056 masked %reduce_sum3A_2058 : vector<16xf32>, vector<16xi1> -> vector<16xf32>
      %reduce_sum3A_2060 = vector.extract %reduce_sum3A_2059[15] : f32 from vector<16xf32>
      %eq3A_2061 = arith.constant 12 : i32
      %eq3A_2062 = vector.broadcast %eq3A_2061 : i32 to vector<16xi32>
      %eq3A_2063 = arith.cmpi eq, %iota3A, %eq3A_2062 : vector<16xi32>
      %broadcast_in_dim3A_2064 = vector.broadcast %reduce_sum3A_2060 : f32 to vector<16xf32>
      %select_n3A_2065 = arith.select %eq3A_2063, %broadcast_in_dim3A_2064, %select_n3A_1961 : vector<16xi1>, vector<16xf32>
      %add3A_2066 = arith.constant 8 : i32
      %add3A_2067 = arith.addi %add3A_1972, %add3A_2066 : i32
      %lt3A_2068 = arith.constant 512 : i32
      %lt3A_2069 = arith.cmpi slt, %add3A_2067, %lt3A_2068 : i32
      %convert_element_type3A_2070 = arith.extui %lt3A_2069 : i1 to i32
      %cond3A_2071 = arith.constant 0 : i32
      %cond3A_2072 = arith.cmpi ne, %convert_element_type3A_2070, %cond3A_2071 : i32
      scf.if %cond3A_2072 {
        %eq3A_2388 = arith.constant 4 : i32
        %eq3A_2389 = vector.broadcast %eq3A_2388 : i32 to vector<16xi32>
        %eq3A_2390 = arith.cmpi eq, %iota3A, %eq3A_2389 : vector<16xi32>
        %jit3A_2391 = arith.constant 0 : i32
        %broadcast_in_dim3A_2392 = vector.broadcast %jit3A_2391 : i32 to vector<16xi32>
        %select_n3A_2393 = arith.select %eq3A_2390, %get3A_718, %broadcast_in_dim3A_2392 : vector<16xi1>, vector<16xi32>
        %reduce_sum3A_2394 = arith.constant true
        %reduce_sum3A_2395 = vector.broadcast %reduce_sum3A_2394 : i1 to vector<16xi1>
        %reduce_sum3A_2396 = tpu.scan <sum>, %select_n3A_2393 masked %reduce_sum3A_2395 : vector<16xi32>, vector<16xi1> -> vector<16xi32>
        %reduce_sum3A_2397 = vector.extract %reduce_sum3A_2396[15] : i32 from vector<16xi32>
        %eq3A_2398 = arith.constant 4 : i32
        %eq3A_2399 = vector.broadcast %eq3A_2398 : i32 to vector<16xi32>
        %eq3A_2400 = arith.cmpi eq, %iota3A, %eq3A_2399 : vector<16xi32>
        %jit3A_2401 = arith.constant 0 : i32
        %broadcast_in_dim3A_2402 = vector.broadcast %jit3A_2401 : i32 to vector<16xi32>
        %select_n3A_2403 = arith.select %eq3A_2400, %get3A_721, %broadcast_in_dim3A_2402 : vector<16xi1>, vector<16xi32>
        %reduce_sum3A_2404 = arith.constant true
        %reduce_sum3A_2405 = vector.broadcast %reduce_sum3A_2404 : i1 to vector<16xi1>
        %reduce_sum3A_2406 = tpu.scan <sum>, %select_n3A_2403 masked %reduce_sum3A_2405 : vector<16xi32>, vector<16xi1> -> vector<16xi32>
        %reduce_sum3A_2407 = vector.extract %reduce_sum3A_2406[15] : i32 from vector<16xi32>
        %shift_right_arithmetic3A_2408 = arith.constant 7 : i32
        %shift_right_arithmetic3A_2409 = arith.shrsi %reduce_sum3A_2397, %shift_right_arithmetic3A_2408 : i32
        %mul3A_2410 = arith.constant 128 : i32
        %mul3A_2411 = arith.muli %shift_right_arithmetic3A_2409, %mul3A_2410 : i32
        %multiple_of3A_2412 = tpu.assume_multiple %mul3A_2411, 128 : i32
        %shift_right_arithmetic3A_2413 = arith.constant 7 : i32
        %shift_right_arithmetic3A_2414 = arith.shrsi %reduce_sum3A_2407, %shift_right_arithmetic3A_2413 : i32
        %mul3A_2415 = arith.constant 128 : i32
        %mul3A_2416 = arith.muli %shift_right_arithmetic3A_2414, %mul3A_2415 : i32
        %multiple_of3A_2417 = tpu.assume_multiple %mul3A_2416, 128 : i32
        %dma_start3A_2418 = arith.constant 0 : i32
        %dma_start3A_2419 = arith.constant 0 : i32
        %dma_start3A_2420 = tpu.memref_slice %arg9[%select_n3A_1988, %dma_start3A_2418, %dma_start3A_2419] : memref<8x32x128xf32, #tpu.memory_space<vmem>> -> memref<1x32x128xf32, #tpu.memory_space<vmem>>
        %dma_start3A_2421 = tpu.memref_squeeze %dma_start3A_2420 : memref<1x32x128xf32, #tpu.memory_space<vmem>> -> memref<32x128xf32, #tpu.memory_space<vmem>>
        %dma_start3A_2422 = arith.constant 0 : i32
        %dma_start3A_2423 = tpu.memref_slice %arg4[%dma_start3A_2422, %multiple_of3A_2412] : memref<32x1000000xf32, #tpu.memory_space<hbm>> -> memref<32x128xf32, #tpu.memory_space<hbm>>
        %dma_start3A_2424 = arith.constant 0 : i32
        %dma_start3A_2425 = arith.constant 0 : i32
        %dma_start3A_2426 = tpu.memref_slice %arg9[%select_n3A_1988, %dma_start3A_2424, %dma_start3A_2425] : memref<8x32x128xf32, #tpu.memory_space<vmem>> -> memref<1x32x128xf32, #tpu.memory_space<vmem>>
        %dma_start3A_2427 = tpu.memref_squeeze %dma_start3A_2426 : memref<1x32x128xf32, #tpu.memory_space<vmem>> -> memref<32x128xf32, #tpu.memory_space<vmem>>
        %dma_start3A_2428 = arith.constant 0 : i32
        %dma_start3A_2429 = tpu.memref_slice %arg4[%dma_start3A_2428, %multiple_of3A_2412] : memref<32x1000000xf32, #tpu.memory_space<hbm>> -> memref<32x128xf32, #tpu.memory_space<hbm>>
        tpu.enqueue_dma source(%dma_start3A_2429 : memref<32x128xf32, #tpu.memory_space<hbm>>) target(%dma_start3A_2427 : memref<32x128xf32, #tpu.memory_space<vmem>>) target_semaphore(%arg13 : memref<!tpu.dma_semaphore, #tpu.memory_space<semaphore_mem>>)
        %dma_start3A_2430 = arith.constant 0 : i32
        %dma_start3A_2431 = arith.constant 0 : i32
        %dma_start3A_2432 = tpu.memref_slice %arg10[%select_n3A_1988, %dma_start3A_2430, %dma_start3A_2431] : memref<8x32x128xf32, #tpu.memory_space<vmem>> -> memref<1x32x128xf32, #tpu.memory_space<vmem>>
        %dma_start3A_2433 = tpu.memref_squeeze %dma_start3A_2432 : memref<1x32x128xf32, #tpu.memory_space<vmem>> -> memref<32x128xf32, #tpu.memory_space<vmem>>
        %dma_start3A_2434 = arith.constant 0 : i32
        %dma_start3A_2435 = tpu.memref_slice %arg5[%dma_start3A_2434, %multiple_of3A_2417] : memref<32x1000000xf32, #tpu.memory_space<hbm>> -> memref<32x128xf32, #tpu.memory_space<hbm>>
        %dma_start3A_2436 = arith.constant 0 : i32
        %dma_start3A_2437 = arith.constant 0 : i32
        %dma_start3A_2438 = tpu.memref_slice %arg10[%select_n3A_1988, %dma_start3A_2436, %dma_start3A_2437] : memref<8x32x128xf32, #tpu.memory_space<vmem>> -> memref<1x32x128xf32, #tpu.memory_space<vmem>>
        %dma_start3A_2439 = tpu.memref_squeeze %dma_start3A_2438 : memref<1x32x128xf32, #tpu.memory_space<vmem>> -> memref<32x128xf32, #tpu.memory_space<vmem>>
        %dma_start3A_2440 = arith.constant 0 : i32
        %dma_start3A_2441 = tpu.memref_slice %arg5[%dma_start3A_2440, %multiple_of3A_2417] : memref<32x1000000xf32, #tpu.memory_space<hbm>> -> memref<32x128xf32, #tpu.memory_space<hbm>>
        tpu.enqueue_dma source(%dma_start3A_2441 : memref<32x128xf32, #tpu.memory_space<hbm>>) target(%dma_start3A_2439 : memref<32x128xf32, #tpu.memory_space<vmem>>) target_semaphore(%arg13 : memref<!tpu.dma_semaphore, #tpu.memory_space<semaphore_mem>>)
      } else {
      }
      %mul3A_2073 = arith.constant 16 : i32
      %mul3A_2074 = arith.muli %scan3A_614, %mul3A_2073 : i32
      %add3A_2075 = arith.constant 13 : i32
      %add3A_2076 = arith.addi %mul3A_2074, %add3A_2075 : i32
      %jit3A_2077 = arith.constant 8 : i32
      %eq3A_2078 = arith.constant 0 : i32
      %eq3A_2079 = arith.cmpi eq, %jit3A_2077, %eq3A_2078 : i32
      %jit3A_2080 = arith.constant 1 : i32
      %select_n3A_2081 = arith.select %eq3A_2079, %jit3A_2080, %jit3A_2077 : i32
      %rem3A_2082 = arith.remsi %add3A_2076, %select_n3A_2081 : i32
      %ne3A_2083 = arith.constant 0 : i32
      %ne3A_2084 = arith.cmpi ne, %rem3A_2082, %ne3A_2083 : i32
      %lt3A_2085 = arith.constant 0 : i32
      %lt3A_2086 = arith.cmpi slt, %rem3A_2082, %lt3A_2085 : i32
      %lt3A_2087 = arith.constant 0 : i32
      %lt3A_2088 = arith.cmpi slt, %select_n3A_2081, %lt3A_2087 : i32
      %ne3A_2089 = arith.xori %lt3A_2086, %lt3A_2088 : i1
      %and3A_2090 = arith.andi %ne3A_2089, %ne3A_2084 : i1
      %add3A_2091 = arith.addi %rem3A_2082, %select_n3A_2081 : i32
      %select_n3A_2092 = arith.select %and3A_2090, %add3A_2091, %rem3A_2082 : i32
      %dma_wait3A_2093 = arith.constant 0 : i32
      %dma_wait3A_2094 = arith.constant 0 : i32
      %dma_wait3A_2095 = tpu.memref_slice %arg9[%select_n3A_2092, %dma_wait3A_2093, %dma_wait3A_2094] : memref<8x32x128xf32, #tpu.memory_space<vmem>> -> memref<1x32x128xf32, #tpu.memory_space<vmem>>
      %dma_wait3A_2096 = tpu.memref_squeeze %dma_wait3A_2095 : memref<1x32x128xf32, #tpu.memory_space<vmem>> -> memref<32x128xf32, #tpu.memory_space<vmem>>
      %dma_wait3A_2097 = arith.constant 0 : i32
      %dma_wait3A_2098 = arith.constant 0 : i32
      %dma_wait3A_2099 = tpu.memref_slice %arg4[%dma_wait3A_2097, %dma_wait3A_2098] : memref<32x1000000xf32, #tpu.memory_space<hbm>> -> memref<32x128xf32, #tpu.memory_space<hbm>>
      %dma_wait3A_2100 = arith.constant 0 : i32
      %dma_wait3A_2101 = arith.constant 0 : i32
      %dma_wait3A_2102 = tpu.memref_slice %arg9[%select_n3A_2092, %dma_wait3A_2100, %dma_wait3A_2101] : memref<8x32x128xf32, #tpu.memory_space<vmem>> -> memref<1x32x128xf32, #tpu.memory_space<vmem>>
      %dma_wait3A_2103 = tpu.memref_squeeze %dma_wait3A_2102 : memref<1x32x128xf32, #tpu.memory_space<vmem>> -> memref<32x128xf32, #tpu.memory_space<vmem>>
      %dma_wait3A_2104 = arith.constant 0 : i32
      %dma_wait3A_2105 = arith.constant 0 : i32
      %dma_wait3A_2106 = tpu.memref_slice %arg4[%dma_wait3A_2104, %dma_wait3A_2105] : memref<32x1000000xf32, #tpu.memory_space<hbm>> -> memref<32x128xf32, #tpu.memory_space<hbm>>
      tpu.wait_dma2 semaphore(%arg13 : memref<!tpu.dma_semaphore, #tpu.memory_space<semaphore_mem>>) src(%dma_wait3A_2106 : memref<32x128xf32, #tpu.memory_space<hbm>>) dst(%dma_wait3A_2103 : memref<32x128xf32, #tpu.memory_space<vmem>>)
      %dma_wait3A_2107 = arith.constant 0 : i32
      %dma_wait3A_2108 = arith.constant 0 : i32
      %dma_wait3A_2109 = tpu.memref_slice %arg10[%select_n3A_2092, %dma_wait3A_2107, %dma_wait3A_2108] : memref<8x32x128xf32, #tpu.memory_space<vmem>> -> memref<1x32x128xf32, #tpu.memory_space<vmem>>
      %dma_wait3A_2110 = tpu.memref_squeeze %dma_wait3A_2109 : memref<1x32x128xf32, #tpu.memory_space<vmem>> -> memref<32x128xf32, #tpu.memory_space<vmem>>
      %dma_wait3A_2111 = arith.constant 0 : i32
      %dma_wait3A_2112 = arith.constant 0 : i32
      %dma_wait3A_2113 = tpu.memref_slice %arg5[%dma_wait3A_2111, %dma_wait3A_2112] : memref<32x1000000xf32, #tpu.memory_space<hbm>> -> memref<32x128xf32, #tpu.memory_space<hbm>>
      %dma_wait3A_2114 = arith.constant 0 : i32
      %dma_wait3A_2115 = arith.constant 0 : i32
      %dma_wait3A_2116 = tpu.memref_slice %arg10[%select_n3A_2092, %dma_wait3A_2114, %dma_wait3A_2115] : memref<8x32x128xf32, #tpu.memory_space<vmem>> -> memref<1x32x128xf32, #tpu.memory_space<vmem>>
      %dma_wait3A_2117 = tpu.memref_squeeze %dma_wait3A_2116 : memref<1x32x128xf32, #tpu.memory_space<vmem>> -> memref<32x128xf32, #tpu.memory_space<vmem>>
      %dma_wait3A_2118 = arith.constant 0 : i32
      %dma_wait3A_2119 = arith.constant 0 : i32
      %dma_wait3A_2120 = tpu.memref_slice %arg5[%dma_wait3A_2118, %dma_wait3A_2119] : memref<32x1000000xf32, #tpu.memory_space<hbm>> -> memref<32x128xf32, #tpu.memory_space<hbm>>
      tpu.wait_dma2 semaphore(%arg13 : memref<!tpu.dma_semaphore, #tpu.memory_space<semaphore_mem>>) src(%dma_wait3A_2120 : memref<32x128xf32, #tpu.memory_space<hbm>>) dst(%dma_wait3A_2117 : memref<32x128xf32, #tpu.memory_space<vmem>>)
      %eq3A_2121 = arith.constant 13 : i32
      %eq3A_2122 = vector.broadcast %eq3A_2121 : i32 to vector<16xi32>
      %eq3A_2123 = arith.cmpi eq, %iota3A, %eq3A_2122 : vector<16xi32>
      %jit3A_2124 = arith.constant 0 : i32
      %broadcast_in_dim3A_2125 = vector.broadcast %jit3A_2124 : i32 to vector<16xi32>
      %select_n3A_2126 = arith.select %eq3A_2123, %get3A_652, %broadcast_in_dim3A_2125 : vector<16xi1>, vector<16xi32>
      %reduce_sum3A_2127 = arith.constant true
      %reduce_sum3A_2128 = vector.broadcast %reduce_sum3A_2127 : i1 to vector<16xi1>
      %reduce_sum3A_2129 = tpu.scan <sum>, %select_n3A_2126 masked %reduce_sum3A_2128 : vector<16xi32>, vector<16xi1> -> vector<16xi32>
      %reduce_sum3A_2130 = vector.extract %reduce_sum3A_2129[15] : i32 from vector<16xi32>
      %eq3A_2131 = arith.constant 13 : i32
      %eq3A_2132 = vector.broadcast %eq3A_2131 : i32 to vector<16xi32>
      %eq3A_2133 = arith.cmpi eq, %iota3A, %eq3A_2132 : vector<16xi32>
      %jit3A_2134 = arith.constant 0 : i32
      %broadcast_in_dim3A_2135 = vector.broadcast %jit3A_2134 : i32 to vector<16xi32>
      %select_n3A_2136 = arith.select %eq3A_2133, %get3A_655, %broadcast_in_dim3A_2135 : vector<16xi1>, vector<16xi32>
      %reduce_sum3A_2137 = arith.constant true
      %reduce_sum3A_2138 = vector.broadcast %reduce_sum3A_2137 : i1 to vector<16xi1>
      %reduce_sum3A_2139 = tpu.scan <sum>, %select_n3A_2136 masked %reduce_sum3A_2138 : vector<16xi32>, vector<16xi1> -> vector<16xi32>
      %reduce_sum3A_2140 = vector.extract %reduce_sum3A_2139[15] : i32 from vector<16xi32>
      %and3A_2141 = arith.constant 127 : i32
      %and3A_2142 = arith.andi %reduce_sum3A_2130, %and3A_2141 : i32
      %broadcast_in_dim3A_2143 = vector.broadcast %and3A_2142 : i32 to vector<16xi32>
      %and3A_2144 = arith.constant 127 : i32
      %and3A_2145 = arith.andi %reduce_sum3A_2140, %and3A_2144 : i32
      %broadcast_in_dim3A_2146 = vector.broadcast %and3A_2145 : i32 to vector<16xi32>
      %broadcast_in_dim3A_2147 = vector.broadcast %select_n3A_2092 : i32 to vector<16xi32>
      %gather3A_2148 = tpu.vector_load_idx %arg9[%broadcast_in_dim3A_2147, %iota3A, %broadcast_in_dim3A_2143] : memref<8x32x128xf32, #tpu.memory_space<vmem>>[vector<16xi32>, vector<16xi32>, vector<16xi32>], vector<16xf32>,
      %add3A_2149 = arith.constant 16 : i32
      %add3A_2150 = vector.broadcast %add3A_2149 : i32 to vector<16xi32>
      %add3A_2151 = arith.addi %iota3A, %add3A_2150 : vector<16xi32>
      %gather3A_2152 = tpu.vector_load_idx %arg9[%broadcast_in_dim3A_2147, %add3A_2151, %broadcast_in_dim3A_2143] : memref<8x32x128xf32, #tpu.memory_space<vmem>>[vector<16xi32>, vector<16xi32>, vector<16xi32>], vector<16xf32>,
      %gather3A_2153 = tpu.vector_load_idx %arg10[%broadcast_in_dim3A_2147, %iota3A, %broadcast_in_dim3A_2146] : memref<8x32x128xf32, #tpu.memory_space<vmem>>[vector<16xi32>, vector<16xi32>, vector<16xi32>], vector<16xf32>,
      %add3A_2154 = arith.constant 16 : i32
      %add3A_2155 = vector.broadcast %add3A_2154 : i32 to vector<16xi32>
      %add3A_2156 = arith.addi %iota3A, %add3A_2155 : vector<16xi32>
      %gather3A_2157 = tpu.vector_load_idx %arg10[%broadcast_in_dim3A_2147, %add3A_2156, %broadcast_in_dim3A_2146] : memref<8x32x128xf32, #tpu.memory_space<vmem>>[vector<16xi32>, vector<16xi32>, vector<16xi32>], vector<16xf32>,
      %mul3A_2158 = arith.mulf %gather3A_2148, %gather3A_2153 : vector<16xf32>
      %mul3A_2159 = arith.mulf %gather3A_2152, %gather3A_2157 : vector<16xf32>
      %add3A_2160 = arith.addf %mul3A_2158, %mul3A_2159 : vector<16xf32>
      %reduce_sum3A_2161 = arith.constant true
      %reduce_sum3A_2162 = vector.broadcast %reduce_sum3A_2161 : i1 to vector<16xi1>
      %reduce_sum3A_2163 = tpu.scan <sum>, %add3A_2160 masked %reduce_sum3A_2162 : vector<16xf32>, vector<16xi1> -> vector<16xf32>
      %reduce_sum3A_2164 = vector.extract %reduce_sum3A_2163[15] : f32 from vector<16xf32>
      %eq3A_2165 = arith.constant 13 : i32
      %eq3A_2166 = vector.broadcast %eq3A_2165 : i32 to vector<16xi32>
      %eq3A_2167 = arith.cmpi eq, %iota3A, %eq3A_2166 : vector<16xi32>
      %broadcast_in_dim3A_2168 = vector.broadcast %reduce_sum3A_2164 : f32 to vector<16xf32>
      %select_n3A_2169 = arith.select %eq3A_2167, %broadcast_in_dim3A_2168, %select_n3A_2065 : vector<16xi1>, vector<16xf32>
      %add3A_2170 = arith.constant 8 : i32
      %add3A_2171 = arith.addi %add3A_2076, %add3A_2170 : i32
      %lt3A_2172 = arith.constant 512 : i32
      %lt3A_2173 = arith.cmpi slt, %add3A_2171, %lt3A_2172 : i32
      %convert_element_type3A_2174 = arith.extui %lt3A_2173 : i1 to i32
      %cond3A_2175 = arith.constant 0 : i32
      %cond3A_2176 = arith.cmpi ne, %convert_element_type3A_2174, %cond3A_2175 : i32
      scf.if %cond3A_2176 {
        %eq3A_2388 = arith.constant 5 : i32
        %eq3A_2389 = vector.broadcast %eq3A_2388 : i32 to vector<16xi32>
        %eq3A_2390 = arith.cmpi eq, %iota3A, %eq3A_2389 : vector<16xi32>
        %jit3A_2391 = arith.constant 0 : i32
        %broadcast_in_dim3A_2392 = vector.broadcast %jit3A_2391 : i32 to vector<16xi32>
        %select_n3A_2393 = arith.select %eq3A_2390, %get3A_718, %broadcast_in_dim3A_2392 : vector<16xi1>, vector<16xi32>
        %reduce_sum3A_2394 = arith.constant true
        %reduce_sum3A_2395 = vector.broadcast %reduce_sum3A_2394 : i1 to vector<16xi1>
        %reduce_sum3A_2396 = tpu.scan <sum>, %select_n3A_2393 masked %reduce_sum3A_2395 : vector<16xi32>, vector<16xi1> -> vector<16xi32>
        %reduce_sum3A_2397 = vector.extract %reduce_sum3A_2396[15] : i32 from vector<16xi32>
        %eq3A_2398 = arith.constant 5 : i32
        %eq3A_2399 = vector.broadcast %eq3A_2398 : i32 to vector<16xi32>
        %eq3A_2400 = arith.cmpi eq, %iota3A, %eq3A_2399 : vector<16xi32>
        %jit3A_2401 = arith.constant 0 : i32
        %broadcast_in_dim3A_2402 = vector.broadcast %jit3A_2401 : i32 to vector<16xi32>
        %select_n3A_2403 = arith.select %eq3A_2400, %get3A_721, %broadcast_in_dim3A_2402 : vector<16xi1>, vector<16xi32>
        %reduce_sum3A_2404 = arith.constant true
        %reduce_sum3A_2405 = vector.broadcast %reduce_sum3A_2404 : i1 to vector<16xi1>
        %reduce_sum3A_2406 = tpu.scan <sum>, %select_n3A_2403 masked %reduce_sum3A_2405 : vector<16xi32>, vector<16xi1> -> vector<16xi32>
        %reduce_sum3A_2407 = vector.extract %reduce_sum3A_2406[15] : i32 from vector<16xi32>
        %shift_right_arithmetic3A_2408 = arith.constant 7 : i32
        %shift_right_arithmetic3A_2409 = arith.shrsi %reduce_sum3A_2397, %shift_right_arithmetic3A_2408 : i32
        %mul3A_2410 = arith.constant 128 : i32
        %mul3A_2411 = arith.muli %shift_right_arithmetic3A_2409, %mul3A_2410 : i32
        %multiple_of3A_2412 = tpu.assume_multiple %mul3A_2411, 128 : i32
        %shift_right_arithmetic3A_2413 = arith.constant 7 : i32
        %shift_right_arithmetic3A_2414 = arith.shrsi %reduce_sum3A_2407, %shift_right_arithmetic3A_2413 : i32
        %mul3A_2415 = arith.constant 128 : i32
        %mul3A_2416 = arith.muli %shift_right_arithmetic3A_2414, %mul3A_2415 : i32
        %multiple_of3A_2417 = tpu.assume_multiple %mul3A_2416, 128 : i32
        %dma_start3A_2418 = arith.constant 0 : i32
        %dma_start3A_2419 = arith.constant 0 : i32
        %dma_start3A_2420 = tpu.memref_slice %arg9[%select_n3A_2092, %dma_start3A_2418, %dma_start3A_2419] : memref<8x32x128xf32, #tpu.memory_space<vmem>> -> memref<1x32x128xf32, #tpu.memory_space<vmem>>
        %dma_start3A_2421 = tpu.memref_squeeze %dma_start3A_2420 : memref<1x32x128xf32, #tpu.memory_space<vmem>> -> memref<32x128xf32, #tpu.memory_space<vmem>>
        %dma_start3A_2422 = arith.constant 0 : i32
        %dma_start3A_2423 = tpu.memref_slice %arg4[%dma_start3A_2422, %multiple_of3A_2412] : memref<32x1000000xf32, #tpu.memory_space<hbm>> -> memref<32x128xf32, #tpu.memory_space<hbm>>
        %dma_start3A_2424 = arith.constant 0 : i32
        %dma_start3A_2425 = arith.constant 0 : i32
        %dma_start3A_2426 = tpu.memref_slice %arg9[%select_n3A_2092, %dma_start3A_2424, %dma_start3A_2425] : memref<8x32x128xf32, #tpu.memory_space<vmem>> -> memref<1x32x128xf32, #tpu.memory_space<vmem>>
        %dma_start3A_2427 = tpu.memref_squeeze %dma_start3A_2426 : memref<1x32x128xf32, #tpu.memory_space<vmem>> -> memref<32x128xf32, #tpu.memory_space<vmem>>
        %dma_start3A_2428 = arith.constant 0 : i32
        %dma_start3A_2429 = tpu.memref_slice %arg4[%dma_start3A_2428, %multiple_of3A_2412] : memref<32x1000000xf32, #tpu.memory_space<hbm>> -> memref<32x128xf32, #tpu.memory_space<hbm>>
        tpu.enqueue_dma source(%dma_start3A_2429 : memref<32x128xf32, #tpu.memory_space<hbm>>) target(%dma_start3A_2427 : memref<32x128xf32, #tpu.memory_space<vmem>>) target_semaphore(%arg13 : memref<!tpu.dma_semaphore, #tpu.memory_space<semaphore_mem>>)
        %dma_start3A_2430 = arith.constant 0 : i32
        %dma_start3A_2431 = arith.constant 0 : i32
        %dma_start3A_2432 = tpu.memref_slice %arg10[%select_n3A_2092, %dma_start3A_2430, %dma_start3A_2431] : memref<8x32x128xf32, #tpu.memory_space<vmem>> -> memref<1x32x128xf32, #tpu.memory_space<vmem>>
        %dma_start3A_2433 = tpu.memref_squeeze %dma_start3A_2432 : memref<1x32x128xf32, #tpu.memory_space<vmem>> -> memref<32x128xf32, #tpu.memory_space<vmem>>
        %dma_start3A_2434 = arith.constant 0 : i32
        %dma_start3A_2435 = tpu.memref_slice %arg5[%dma_start3A_2434, %multiple_of3A_2417] : memref<32x1000000xf32, #tpu.memory_space<hbm>> -> memref<32x128xf32, #tpu.memory_space<hbm>>
        %dma_start3A_2436 = arith.constant 0 : i32
        %dma_start3A_2437 = arith.constant 0 : i32
        %dma_start3A_2438 = tpu.memref_slice %arg10[%select_n3A_2092, %dma_start3A_2436, %dma_start3A_2437] : memref<8x32x128xf32, #tpu.memory_space<vmem>> -> memref<1x32x128xf32, #tpu.memory_space<vmem>>
        %dma_start3A_2439 = tpu.memref_squeeze %dma_start3A_2438 : memref<1x32x128xf32, #tpu.memory_space<vmem>> -> memref<32x128xf32, #tpu.memory_space<vmem>>
        %dma_start3A_2440 = arith.constant 0 : i32
        %dma_start3A_2441 = tpu.memref_slice %arg5[%dma_start3A_2440, %multiple_of3A_2417] : memref<32x1000000xf32, #tpu.memory_space<hbm>> -> memref<32x128xf32, #tpu.memory_space<hbm>>
        tpu.enqueue_dma source(%dma_start3A_2441 : memref<32x128xf32, #tpu.memory_space<hbm>>) target(%dma_start3A_2439 : memref<32x128xf32, #tpu.memory_space<vmem>>) target_semaphore(%arg13 : memref<!tpu.dma_semaphore, #tpu.memory_space<semaphore_mem>>)
      } else {
      }
      %mul3A_2177 = arith.constant 16 : i32
      %mul3A_2178 = arith.muli %scan3A_614, %mul3A_2177 : i32
      %add3A_2179 = arith.constant 14 : i32
      %add3A_2180 = arith.addi %mul3A_2178, %add3A_2179 : i32
      %jit3A_2181 = arith.constant 8 : i32
      %eq3A_2182 = arith.constant 0 : i32
      %eq3A_2183 = arith.cmpi eq, %jit3A_2181, %eq3A_2182 : i32
      %jit3A_2184 = arith.constant 1 : i32
      %select_n3A_2185 = arith.select %eq3A_2183, %jit3A_2184, %jit3A_2181 : i32
      %rem3A_2186 = arith.remsi %add3A_2180, %select_n3A_2185 : i32
      %ne3A_2187 = arith.constant 0 : i32
      %ne3A_2188 = arith.cmpi ne, %rem3A_2186, %ne3A_2187 : i32
      %lt3A_2189 = arith.constant 0 : i32
      %lt3A_2190 = arith.cmpi slt, %rem3A_2186, %lt3A_2189 : i32
      %lt3A_2191 = arith.constant 0 : i32
      %lt3A_2192 = arith.cmpi slt, %select_n3A_2185, %lt3A_2191 : i32
      %ne3A_2193 = arith.xori %lt3A_2190, %lt3A_2192 : i1
      %and3A_2194 = arith.andi %ne3A_2193, %ne3A_2188 : i1
      %add3A_2195 = arith.addi %rem3A_2186, %select_n3A_2185 : i32
      %select_n3A_2196 = arith.select %and3A_2194, %add3A_2195, %rem3A_2186 : i32
      %dma_wait3A_2197 = arith.constant 0 : i32
      %dma_wait3A_2198 = arith.constant 0 : i32
      %dma_wait3A_2199 = tpu.memref_slice %arg9[%select_n3A_2196, %dma_wait3A_2197, %dma_wait3A_2198] : memref<8x32x128xf32, #tpu.memory_space<vmem>> -> memref<1x32x128xf32, #tpu.memory_space<vmem>>
      %dma_wait3A_2200 = tpu.memref_squeeze %dma_wait3A_2199 : memref<1x32x128xf32, #tpu.memory_space<vmem>> -> memref<32x128xf32, #tpu.memory_space<vmem>>
      %dma_wait3A_2201 = arith.constant 0 : i32
      %dma_wait3A_2202 = arith.constant 0 : i32
      %dma_wait3A_2203 = tpu.memref_slice %arg4[%dma_wait3A_2201, %dma_wait3A_2202] : memref<32x1000000xf32, #tpu.memory_space<hbm>> -> memref<32x128xf32, #tpu.memory_space<hbm>>
      %dma_wait3A_2204 = arith.constant 0 : i32
      %dma_wait3A_2205 = arith.constant 0 : i32
      %dma_wait3A_2206 = tpu.memref_slice %arg9[%select_n3A_2196, %dma_wait3A_2204, %dma_wait3A_2205] : memref<8x32x128xf32, #tpu.memory_space<vmem>> -> memref<1x32x128xf32, #tpu.memory_space<vmem>>
      %dma_wait3A_2207 = tpu.memref_squeeze %dma_wait3A_2206 : memref<1x32x128xf32, #tpu.memory_space<vmem>> -> memref<32x128xf32, #tpu.memory_space<vmem>>
      %dma_wait3A_2208 = arith.constant 0 : i32
      %dma_wait3A_2209 = arith.constant 0 : i32
      %dma_wait3A_2210 = tpu.memref_slice %arg4[%dma_wait3A_2208, %dma_wait3A_2209] : memref<32x1000000xf32, #tpu.memory_space<hbm>> -> memref<32x128xf32, #tpu.memory_space<hbm>>
      tpu.wait_dma2 semaphore(%arg13 : memref<!tpu.dma_semaphore, #tpu.memory_space<semaphore_mem>>) src(%dma_wait3A_2210 : memref<32x128xf32, #tpu.memory_space<hbm>>) dst(%dma_wait3A_2207 : memref<32x128xf32, #tpu.memory_space<vmem>>)
      %dma_wait3A_2211 = arith.constant 0 : i32
      %dma_wait3A_2212 = arith.constant 0 : i32
      %dma_wait3A_2213 = tpu.memref_slice %arg10[%select_n3A_2196, %dma_wait3A_2211, %dma_wait3A_2212] : memref<8x32x128xf32, #tpu.memory_space<vmem>> -> memref<1x32x128xf32, #tpu.memory_space<vmem>>
      %dma_wait3A_2214 = tpu.memref_squeeze %dma_wait3A_2213 : memref<1x32x128xf32, #tpu.memory_space<vmem>> -> memref<32x128xf32, #tpu.memory_space<vmem>>
      %dma_wait3A_2215 = arith.constant 0 : i32
      %dma_wait3A_2216 = arith.constant 0 : i32
      %dma_wait3A_2217 = tpu.memref_slice %arg5[%dma_wait3A_2215, %dma_wait3A_2216] : memref<32x1000000xf32, #tpu.memory_space<hbm>> -> memref<32x128xf32, #tpu.memory_space<hbm>>
      %dma_wait3A_2218 = arith.constant 0 : i32
      %dma_wait3A_2219 = arith.constant 0 : i32
      %dma_wait3A_2220 = tpu.memref_slice %arg10[%select_n3A_2196, %dma_wait3A_2218, %dma_wait3A_2219] : memref<8x32x128xf32, #tpu.memory_space<vmem>> -> memref<1x32x128xf32, #tpu.memory_space<vmem>>
      %dma_wait3A_2221 = tpu.memref_squeeze %dma_wait3A_2220 : memref<1x32x128xf32, #tpu.memory_space<vmem>> -> memref<32x128xf32, #tpu.memory_space<vmem>>
      %dma_wait3A_2222 = arith.constant 0 : i32
      %dma_wait3A_2223 = arith.constant 0 : i32
      %dma_wait3A_2224 = tpu.memref_slice %arg5[%dma_wait3A_2222, %dma_wait3A_2223] : memref<32x1000000xf32, #tpu.memory_space<hbm>> -> memref<32x128xf32, #tpu.memory_space<hbm>>
      tpu.wait_dma2 semaphore(%arg13 : memref<!tpu.dma_semaphore, #tpu.memory_space<semaphore_mem>>) src(%dma_wait3A_2224 : memref<32x128xf32, #tpu.memory_space<hbm>>) dst(%dma_wait3A_2221 : memref<32x128xf32, #tpu.memory_space<vmem>>)
      %eq3A_2225 = arith.constant 14 : i32
      %eq3A_2226 = vector.broadcast %eq3A_2225 : i32 to vector<16xi32>
      %eq3A_2227 = arith.cmpi eq, %iota3A, %eq3A_2226 : vector<16xi32>
      %jit3A_2228 = arith.constant 0 : i32
      %broadcast_in_dim3A_2229 = vector.broadcast %jit3A_2228 : i32 to vector<16xi32>
      %select_n3A_2230 = arith.select %eq3A_2227, %get3A_652, %broadcast_in_dim3A_2229 : vector<16xi1>, vector<16xi32>
      %reduce_sum3A_2231 = arith.constant true
      %reduce_sum3A_2232 = vector.broadcast %reduce_sum3A_2231 : i1 to vector<16xi1>
      %reduce_sum3A_2233 = tpu.scan <sum>, %select_n3A_2230 masked %reduce_sum3A_2232 : vector<16xi32>, vector<16xi1> -> vector<16xi32>
      %reduce_sum3A_2234 = vector.extract %reduce_sum3A_2233[15] : i32 from vector<16xi32>
      %eq3A_2235 = arith.constant 14 : i32
      %eq3A_2236 = vector.broadcast %eq3A_2235 : i32 to vector<16xi32>
      %eq3A_2237 = arith.cmpi eq, %iota3A, %eq3A_2236 : vector<16xi32>
      %jit3A_2238 = arith.constant 0 : i32
      %broadcast_in_dim3A_2239 = vector.broadcast %jit3A_2238 : i32 to vector<16xi32>
      %select_n3A_2240 = arith.select %eq3A_2237, %get3A_655, %broadcast_in_dim3A_2239 : vector<16xi1>, vector<16xi32>
      %reduce_sum3A_2241 = arith.constant true
      %reduce_sum3A_2242 = vector.broadcast %reduce_sum3A_2241 : i1 to vector<16xi1>
      %reduce_sum3A_2243 = tpu.scan <sum>, %select_n3A_2240 masked %reduce_sum3A_2242 : vector<16xi32>, vector<16xi1> -> vector<16xi32>
      %reduce_sum3A_2244 = vector.extract %reduce_sum3A_2243[15] : i32 from vector<16xi32>
      %and3A_2245 = arith.constant 127 : i32
      %and3A_2246 = arith.andi %reduce_sum3A_2234, %and3A_2245 : i32
      %broadcast_in_dim3A_2247 = vector.broadcast %and3A_2246 : i32 to vector<16xi32>
      %and3A_2248 = arith.constant 127 : i32
      %and3A_2249 = arith.andi %reduce_sum3A_2244, %and3A_2248 : i32
      %broadcast_in_dim3A_2250 = vector.broadcast %and3A_2249 : i32 to vector<16xi32>
      %broadcast_in_dim3A_2251 = vector.broadcast %select_n3A_2196 : i32 to vector<16xi32>
      %gather3A_2252 = tpu.vector_load_idx %arg9[%broadcast_in_dim3A_2251, %iota3A, %broadcast_in_dim3A_2247] : memref<8x32x128xf32, #tpu.memory_space<vmem>>[vector<16xi32>, vector<16xi32>, vector<16xi32>], vector<16xf32>,
      %add3A_2253 = arith.constant 16 : i32
      %add3A_2254 = vector.broadcast %add3A_2253 : i32 to vector<16xi32>
      %add3A_2255 = arith.addi %iota3A, %add3A_2254 : vector<16xi32>
      %gather3A_2256 = tpu.vector_load_idx %arg9[%broadcast_in_dim3A_2251, %add3A_2255, %broadcast_in_dim3A_2247] : memref<8x32x128xf32, #tpu.memory_space<vmem>>[vector<16xi32>, vector<16xi32>, vector<16xi32>], vector<16xf32>,
      %gather3A_2257 = tpu.vector_load_idx %arg10[%broadcast_in_dim3A_2251, %iota3A, %broadcast_in_dim3A_2250] : memref<8x32x128xf32, #tpu.memory_space<vmem>>[vector<16xi32>, vector<16xi32>, vector<16xi32>], vector<16xf32>,
      %add3A_2258 = arith.constant 16 : i32
      %add3A_2259 = vector.broadcast %add3A_2258 : i32 to vector<16xi32>
      %add3A_2260 = arith.addi %iota3A, %add3A_2259 : vector<16xi32>
      %gather3A_2261 = tpu.vector_load_idx %arg10[%broadcast_in_dim3A_2251, %add3A_2260, %broadcast_in_dim3A_2250] : memref<8x32x128xf32, #tpu.memory_space<vmem>>[vector<16xi32>, vector<16xi32>, vector<16xi32>], vector<16xf32>,
      %mul3A_2262 = arith.mulf %gather3A_2252, %gather3A_2257 : vector<16xf32>
      %mul3A_2263 = arith.mulf %gather3A_2256, %gather3A_2261 : vector<16xf32>
      %add3A_2264 = arith.addf %mul3A_2262, %mul3A_2263 : vector<16xf32>
      %reduce_sum3A_2265 = arith.constant true
      %reduce_sum3A_2266 = vector.broadcast %reduce_sum3A_2265 : i1 to vector<16xi1>
      %reduce_sum3A_2267 = tpu.scan <sum>, %add3A_2264 masked %reduce_sum3A_2266 : vector<16xf32>, vector<16xi1> -> vector<16xf32>
      %reduce_sum3A_2268 = vector.extract %reduce_sum3A_2267[15] : f32 from vector<16xf32>
      %eq3A_2269 = arith.constant 14 : i32
      %eq3A_2270 = vector.broadcast %eq3A_2269 : i32 to vector<16xi32>
      %eq3A_2271 = arith.cmpi eq, %iota3A, %eq3A_2270 : vector<16xi32>
      %broadcast_in_dim3A_2272 = vector.broadcast %reduce_sum3A_2268 : f32 to vector<16xf32>
      %select_n3A_2273 = arith.select %eq3A_2271, %broadcast_in_dim3A_2272, %select_n3A_2169 : vector<16xi1>, vector<16xf32>
      %add3A_2274 = arith.constant 8 : i32
      %add3A_2275 = arith.addi %add3A_2180, %add3A_2274 : i32
      %lt3A_2276 = arith.constant 512 : i32
      %lt3A_2277 = arith.cmpi slt, %add3A_2275, %lt3A_2276 : i32
      %convert_element_type3A_2278 = arith.extui %lt3A_2277 : i1 to i32
      %cond3A_2279 = arith.constant 0 : i32
      %cond3A_2280 = arith.cmpi ne, %convert_element_type3A_2278, %cond3A_2279 : i32
      scf.if %cond3A_2280 {
        %eq3A_2388 = arith.constant 6 : i32
        %eq3A_2389 = vector.broadcast %eq3A_2388 : i32 to vector<16xi32>
        %eq3A_2390 = arith.cmpi eq, %iota3A, %eq3A_2389 : vector<16xi32>
        %jit3A_2391 = arith.constant 0 : i32
        %broadcast_in_dim3A_2392 = vector.broadcast %jit3A_2391 : i32 to vector<16xi32>
        %select_n3A_2393 = arith.select %eq3A_2390, %get3A_718, %broadcast_in_dim3A_2392 : vector<16xi1>, vector<16xi32>
        %reduce_sum3A_2394 = arith.constant true
        %reduce_sum3A_2395 = vector.broadcast %reduce_sum3A_2394 : i1 to vector<16xi1>
        %reduce_sum3A_2396 = tpu.scan <sum>, %select_n3A_2393 masked %reduce_sum3A_2395 : vector<16xi32>, vector<16xi1> -> vector<16xi32>
        %reduce_sum3A_2397 = vector.extract %reduce_sum3A_2396[15] : i32 from vector<16xi32>
        %eq3A_2398 = arith.constant 6 : i32
        %eq3A_2399 = vector.broadcast %eq3A_2398 : i32 to vector<16xi32>
        %eq3A_2400 = arith.cmpi eq, %iota3A, %eq3A_2399 : vector<16xi32>
        %jit3A_2401 = arith.constant 0 : i32
        %broadcast_in_dim3A_2402 = vector.broadcast %jit3A_2401 : i32 to vector<16xi32>
        %select_n3A_2403 = arith.select %eq3A_2400, %get3A_721, %broadcast_in_dim3A_2402 : vector<16xi1>, vector<16xi32>
        %reduce_sum3A_2404 = arith.constant true
        %reduce_sum3A_2405 = vector.broadcast %reduce_sum3A_2404 : i1 to vector<16xi1>
        %reduce_sum3A_2406 = tpu.scan <sum>, %select_n3A_2403 masked %reduce_sum3A_2405 : vector<16xi32>, vector<16xi1> -> vector<16xi32>
        %reduce_sum3A_2407 = vector.extract %reduce_sum3A_2406[15] : i32 from vector<16xi32>
        %shift_right_arithmetic3A_2408 = arith.constant 7 : i32
        %shift_right_arithmetic3A_2409 = arith.shrsi %reduce_sum3A_2397, %shift_right_arithmetic3A_2408 : i32
        %mul3A_2410 = arith.constant 128 : i32
        %mul3A_2411 = arith.muli %shift_right_arithmetic3A_2409, %mul3A_2410 : i32
        %multiple_of3A_2412 = tpu.assume_multiple %mul3A_2411, 128 : i32
        %shift_right_arithmetic3A_2413 = arith.constant 7 : i32
        %shift_right_arithmetic3A_2414 = arith.shrsi %reduce_sum3A_2407, %shift_right_arithmetic3A_2413 : i32
        %mul3A_2415 = arith.constant 128 : i32
        %mul3A_2416 = arith.muli %shift_right_arithmetic3A_2414, %mul3A_2415 : i32
        %multiple_of3A_2417 = tpu.assume_multiple %mul3A_2416, 128 : i32
        %dma_start3A_2418 = arith.constant 0 : i32
        %dma_start3A_2419 = arith.constant 0 : i32
        %dma_start3A_2420 = tpu.memref_slice %arg9[%select_n3A_2196, %dma_start3A_2418, %dma_start3A_2419] : memref<8x32x128xf32, #tpu.memory_space<vmem>> -> memref<1x32x128xf32, #tpu.memory_space<vmem>>
        %dma_start3A_2421 = tpu.memref_squeeze %dma_start3A_2420 : memref<1x32x128xf32, #tpu.memory_space<vmem>> -> memref<32x128xf32, #tpu.memory_space<vmem>>
        %dma_start3A_2422 = arith.constant 0 : i32
        %dma_start3A_2423 = tpu.memref_slice %arg4[%dma_start3A_2422, %multiple_of3A_2412] : memref<32x1000000xf32, #tpu.memory_space<hbm>> -> memref<32x128xf32, #tpu.memory_space<hbm>>
        %dma_start3A_2424 = arith.constant 0 : i32
        %dma_start3A_2425 = arith.constant 0 : i32
        %dma_start3A_2426 = tpu.memref_slice %arg9[%select_n3A_2196, %dma_start3A_2424, %dma_start3A_2425] : memref<8x32x128xf32, #tpu.memory_space<vmem>> -> memref<1x32x128xf32, #tpu.memory_space<vmem>>
        %dma_start3A_2427 = tpu.memref_squeeze %dma_start3A_2426 : memref<1x32x128xf32, #tpu.memory_space<vmem>> -> memref<32x128xf32, #tpu.memory_space<vmem>>
        %dma_start3A_2428 = arith.constant 0 : i32
        %dma_start3A_2429 = tpu.memref_slice %arg4[%dma_start3A_2428, %multiple_of3A_2412] : memref<32x1000000xf32, #tpu.memory_space<hbm>> -> memref<32x128xf32, #tpu.memory_space<hbm>>
        tpu.enqueue_dma source(%dma_start3A_2429 : memref<32x128xf32, #tpu.memory_space<hbm>>) target(%dma_start3A_2427 : memref<32x128xf32, #tpu.memory_space<vmem>>) target_semaphore(%arg13 : memref<!tpu.dma_semaphore, #tpu.memory_space<semaphore_mem>>)
        %dma_start3A_2430 = arith.constant 0 : i32
        %dma_start3A_2431 = arith.constant 0 : i32
        %dma_start3A_2432 = tpu.memref_slice %arg10[%select_n3A_2196, %dma_start3A_2430, %dma_start3A_2431] : memref<8x32x128xf32, #tpu.memory_space<vmem>> -> memref<1x32x128xf32, #tpu.memory_space<vmem>>
        %dma_start3A_2433 = tpu.memref_squeeze %dma_start3A_2432 : memref<1x32x128xf32, #tpu.memory_space<vmem>> -> memref<32x128xf32, #tpu.memory_space<vmem>>
        %dma_start3A_2434 = arith.constant 0 : i32
        %dma_start3A_2435 = tpu.memref_slice %arg5[%dma_start3A_2434, %multiple_of3A_2417] : memref<32x1000000xf32, #tpu.memory_space<hbm>> -> memref<32x128xf32, #tpu.memory_space<hbm>>
        %dma_start3A_2436 = arith.constant 0 : i32
        %dma_start3A_2437 = arith.constant 0 : i32
        %dma_start3A_2438 = tpu.memref_slice %arg10[%select_n3A_2196, %dma_start3A_2436, %dma_start3A_2437] : memref<8x32x128xf32, #tpu.memory_space<vmem>> -> memref<1x32x128xf32, #tpu.memory_space<vmem>>
        %dma_start3A_2439 = tpu.memref_squeeze %dma_start3A_2438 : memref<1x32x128xf32, #tpu.memory_space<vmem>> -> memref<32x128xf32, #tpu.memory_space<vmem>>
        %dma_start3A_2440 = arith.constant 0 : i32
        %dma_start3A_2441 = tpu.memref_slice %arg5[%dma_start3A_2440, %multiple_of3A_2417] : memref<32x1000000xf32, #tpu.memory_space<hbm>> -> memref<32x128xf32, #tpu.memory_space<hbm>>
        tpu.enqueue_dma source(%dma_start3A_2441 : memref<32x128xf32, #tpu.memory_space<hbm>>) target(%dma_start3A_2439 : memref<32x128xf32, #tpu.memory_space<vmem>>) target_semaphore(%arg13 : memref<!tpu.dma_semaphore, #tpu.memory_space<semaphore_mem>>)
      } else {
      }
      %mul3A_2281 = arith.constant 16 : i32
      %mul3A_2282 = arith.muli %scan3A_614, %mul3A_2281 : i32
      %add3A_2283 = arith.constant 15 : i32
      %add3A_2284 = arith.addi %mul3A_2282, %add3A_2283 : i32
      %jit3A_2285 = arith.constant 8 : i32
      %eq3A_2286 = arith.constant 0 : i32
      %eq3A_2287 = arith.cmpi eq, %jit3A_2285, %eq3A_2286 : i32
      %jit3A_2288 = arith.constant 1 : i32
      %select_n3A_2289 = arith.select %eq3A_2287, %jit3A_2288, %jit3A_2285 : i32
      %rem3A_2290 = arith.remsi %add3A_2284, %select_n3A_2289 : i32
      %ne3A_2291 = arith.constant 0 : i32
      %ne3A_2292 = arith.cmpi ne, %rem3A_2290, %ne3A_2291 : i32
      %lt3A_2293 = arith.constant 0 : i32
      %lt3A_2294 = arith.cmpi slt, %rem3A_2290, %lt3A_2293 : i32
      %lt3A_2295 = arith.constant 0 : i32
      %lt3A_2296 = arith.cmpi slt, %select_n3A_2289, %lt3A_2295 : i32
      %ne3A_2297 = arith.xori %lt3A_2294, %lt3A_2296 : i1
      %and3A_2298 = arith.andi %ne3A_2297, %ne3A_2292 : i1
      %add3A_2299 = arith.addi %rem3A_2290, %select_n3A_2289 : i32
      %select_n3A_2300 = arith.select %and3A_2298, %add3A_2299, %rem3A_2290 : i32
      %dma_wait3A_2301 = arith.constant 0 : i32
      %dma_wait3A_2302 = arith.constant 0 : i32
      %dma_wait3A_2303 = tpu.memref_slice %arg9[%select_n3A_2300, %dma_wait3A_2301, %dma_wait3A_2302] : memref<8x32x128xf32, #tpu.memory_space<vmem>> -> memref<1x32x128xf32, #tpu.memory_space<vmem>>
      %dma_wait3A_2304 = tpu.memref_squeeze %dma_wait3A_2303 : memref<1x32x128xf32, #tpu.memory_space<vmem>> -> memref<32x128xf32, #tpu.memory_space<vmem>>
      %dma_wait3A_2305 = arith.constant 0 : i32
      %dma_wait3A_2306 = arith.constant 0 : i32
      %dma_wait3A_2307 = tpu.memref_slice %arg4[%dma_wait3A_2305, %dma_wait3A_2306] : memref<32x1000000xf32, #tpu.memory_space<hbm>> -> memref<32x128xf32, #tpu.memory_space<hbm>>
      %dma_wait3A_2308 = arith.constant 0 : i32
      %dma_wait3A_2309 = arith.constant 0 : i32
      %dma_wait3A_2310 = tpu.memref_slice %arg9[%select_n3A_2300, %dma_wait3A_2308, %dma_wait3A_2309] : memref<8x32x128xf32, #tpu.memory_space<vmem>> -> memref<1x32x128xf32, #tpu.memory_space<vmem>>
      %dma_wait3A_2311 = tpu.memref_squeeze %dma_wait3A_2310 : memref<1x32x128xf32, #tpu.memory_space<vmem>> -> memref<32x128xf32, #tpu.memory_space<vmem>>
      %dma_wait3A_2312 = arith.constant 0 : i32
      %dma_wait3A_2313 = arith.constant 0 : i32
      %dma_wait3A_2314 = tpu.memref_slice %arg4[%dma_wait3A_2312, %dma_wait3A_2313] : memref<32x1000000xf32, #tpu.memory_space<hbm>> -> memref<32x128xf32, #tpu.memory_space<hbm>>
      tpu.wait_dma2 semaphore(%arg13 : memref<!tpu.dma_semaphore, #tpu.memory_space<semaphore_mem>>) src(%dma_wait3A_2314 : memref<32x128xf32, #tpu.memory_space<hbm>>) dst(%dma_wait3A_2311 : memref<32x128xf32, #tpu.memory_space<vmem>>)
      %dma_wait3A_2315 = arith.constant 0 : i32
      %dma_wait3A_2316 = arith.constant 0 : i32
      %dma_wait3A_2317 = tpu.memref_slice %arg10[%select_n3A_2300, %dma_wait3A_2315, %dma_wait3A_2316] : memref<8x32x128xf32, #tpu.memory_space<vmem>> -> memref<1x32x128xf32, #tpu.memory_space<vmem>>
      %dma_wait3A_2318 = tpu.memref_squeeze %dma_wait3A_2317 : memref<1x32x128xf32, #tpu.memory_space<vmem>> -> memref<32x128xf32, #tpu.memory_space<vmem>>
      %dma_wait3A_2319 = arith.constant 0 : i32
      %dma_wait3A_2320 = arith.constant 0 : i32
      %dma_wait3A_2321 = tpu.memref_slice %arg5[%dma_wait3A_2319, %dma_wait3A_2320] : memref<32x1000000xf32, #tpu.memory_space<hbm>> -> memref<32x128xf32, #tpu.memory_space<hbm>>
      %dma_wait3A_2322 = arith.constant 0 : i32
      %dma_wait3A_2323 = arith.constant 0 : i32
      %dma_wait3A_2324 = tpu.memref_slice %arg10[%select_n3A_2300, %dma_wait3A_2322, %dma_wait3A_2323] : memref<8x32x128xf32, #tpu.memory_space<vmem>> -> memref<1x32x128xf32, #tpu.memory_space<vmem>>
      %dma_wait3A_2325 = tpu.memref_squeeze %dma_wait3A_2324 : memref<1x32x128xf32, #tpu.memory_space<vmem>> -> memref<32x128xf32, #tpu.memory_space<vmem>>
      %dma_wait3A_2326 = arith.constant 0 : i32
      %dma_wait3A_2327 = arith.constant 0 : i32
      %dma_wait3A_2328 = tpu.memref_slice %arg5[%dma_wait3A_2326, %dma_wait3A_2327] : memref<32x1000000xf32, #tpu.memory_space<hbm>> -> memref<32x128xf32, #tpu.memory_space<hbm>>
      tpu.wait_dma2 semaphore(%arg13 : memref<!tpu.dma_semaphore, #tpu.memory_space<semaphore_mem>>) src(%dma_wait3A_2328 : memref<32x128xf32, #tpu.memory_space<hbm>>) dst(%dma_wait3A_2325 : memref<32x128xf32, #tpu.memory_space<vmem>>)
      %eq3A_2329 = arith.constant 15 : i32
      %eq3A_2330 = vector.broadcast %eq3A_2329 : i32 to vector<16xi32>
      %eq3A_2331 = arith.cmpi eq, %iota3A, %eq3A_2330 : vector<16xi32>
      %jit3A_2332 = arith.constant 0 : i32
      %broadcast_in_dim3A_2333 = vector.broadcast %jit3A_2332 : i32 to vector<16xi32>
      %select_n3A_2334 = arith.select %eq3A_2331, %get3A_652, %broadcast_in_dim3A_2333 : vector<16xi1>, vector<16xi32>
      %reduce_sum3A_2335 = arith.constant true
      %reduce_sum3A_2336 = vector.broadcast %reduce_sum3A_2335 : i1 to vector<16xi1>
      %reduce_sum3A_2337 = tpu.scan <sum>, %select_n3A_2334 masked %reduce_sum3A_2336 : vector<16xi32>, vector<16xi1> -> vector<16xi32>
      %reduce_sum3A_2338 = vector.extract %reduce_sum3A_2337[15] : i32 from vector<16xi32>
      %eq3A_2339 = arith.constant 15 : i32
      %eq3A_2340 = vector.broadcast %eq3A_2339 : i32 to vector<16xi32>
      %eq3A_2341 = arith.cmpi eq, %iota3A, %eq3A_2340 : vector<16xi32>
      %jit3A_2342 = arith.constant 0 : i32
      %broadcast_in_dim3A_2343 = vector.broadcast %jit3A_2342 : i32 to vector<16xi32>
      %select_n3A_2344 = arith.select %eq3A_2341, %get3A_655, %broadcast_in_dim3A_2343 : vector<16xi1>, vector<16xi32>
      %reduce_sum3A_2345 = arith.constant true
      %reduce_sum3A_2346 = vector.broadcast %reduce_sum3A_2345 : i1 to vector<16xi1>
      %reduce_sum3A_2347 = tpu.scan <sum>, %select_n3A_2344 masked %reduce_sum3A_2346 : vector<16xi32>, vector<16xi1> -> vector<16xi32>
      %reduce_sum3A_2348 = vector.extract %reduce_sum3A_2347[15] : i32 from vector<16xi32>
      %and3A_2349 = arith.constant 127 : i32
      %and3A_2350 = arith.andi %reduce_sum3A_2338, %and3A_2349 : i32
      %broadcast_in_dim3A_2351 = vector.broadcast %and3A_2350 : i32 to vector<16xi32>
      %and3A_2352 = arith.constant 127 : i32
      %and3A_2353 = arith.andi %reduce_sum3A_2348, %and3A_2352 : i32
      %broadcast_in_dim3A_2354 = vector.broadcast %and3A_2353 : i32 to vector<16xi32>
      %broadcast_in_dim3A_2355 = vector.broadcast %select_n3A_2300 : i32 to vector<16xi32>
      %gather3A_2356 = tpu.vector_load_idx %arg9[%broadcast_in_dim3A_2355, %iota3A, %broadcast_in_dim3A_2351] : memref<8x32x128xf32, #tpu.memory_space<vmem>>[vector<16xi32>, vector<16xi32>, vector<16xi32>], vector<16xf32>,
      %add3A_2357 = arith.constant 16 : i32
      %add3A_2358 = vector.broadcast %add3A_2357 : i32 to vector<16xi32>
      %add3A_2359 = arith.addi %iota3A, %add3A_2358 : vector<16xi32>
      %gather3A_2360 = tpu.vector_load_idx %arg9[%broadcast_in_dim3A_2355, %add3A_2359, %broadcast_in_dim3A_2351] : memref<8x32x128xf32, #tpu.memory_space<vmem>>[vector<16xi32>, vector<16xi32>, vector<16xi32>], vector<16xf32>,
      %gather3A_2361 = tpu.vector_load_idx %arg10[%broadcast_in_dim3A_2355, %iota3A, %broadcast_in_dim3A_2354] : memref<8x32x128xf32, #tpu.memory_space<vmem>>[vector<16xi32>, vector<16xi32>, vector<16xi32>], vector<16xf32>,
      %add3A_2362 = arith.constant 16 : i32
      %add3A_2363 = vector.broadcast %add3A_2362 : i32 to vector<16xi32>
      %add3A_2364 = arith.addi %iota3A, %add3A_2363 : vector<16xi32>
      %gather3A_2365 = tpu.vector_load_idx %arg10[%broadcast_in_dim3A_2355, %add3A_2364, %broadcast_in_dim3A_2354] : memref<8x32x128xf32, #tpu.memory_space<vmem>>[vector<16xi32>, vector<16xi32>, vector<16xi32>], vector<16xf32>,
      %mul3A_2366 = arith.mulf %gather3A_2356, %gather3A_2361 : vector<16xf32>
      %mul3A_2367 = arith.mulf %gather3A_2360, %gather3A_2365 : vector<16xf32>
      %add3A_2368 = arith.addf %mul3A_2366, %mul3A_2367 : vector<16xf32>
      %reduce_sum3A_2369 = arith.constant true
      %reduce_sum3A_2370 = vector.broadcast %reduce_sum3A_2369 : i1 to vector<16xi1>
      %reduce_sum3A_2371 = tpu.scan <sum>, %add3A_2368 masked %reduce_sum3A_2370 : vector<16xf32>, vector<16xi1> -> vector<16xf32>
      %reduce_sum3A_2372 = vector.extract %reduce_sum3A_2371[15] : f32 from vector<16xf32>
      %eq3A_2373 = arith.constant 15 : i32
      %eq3A_2374 = vector.broadcast %eq3A_2373 : i32 to vector<16xi32>
      %eq3A_2375 = arith.cmpi eq, %iota3A, %eq3A_2374 : vector<16xi32>
      %broadcast_in_dim3A_2376 = vector.broadcast %reduce_sum3A_2372 : f32 to vector<16xf32>
      %select_n3A_2377 = arith.select %eq3A_2375, %broadcast_in_dim3A_2376, %select_n3A_2273 : vector<16xi1>, vector<16xf32>
      %add3A_2378 = arith.constant 8 : i32
      %add3A_2379 = arith.addi %add3A_2284, %add3A_2378 : i32
      %lt3A_2380 = arith.constant 512 : i32
      %lt3A_2381 = arith.cmpi slt, %add3A_2379, %lt3A_2380 : i32
      %convert_element_type3A_2382 = arith.extui %lt3A_2381 : i1 to i32
      %cond3A_2383 = arith.constant 0 : i32
      %cond3A_2384 = arith.cmpi ne, %convert_element_type3A_2382, %cond3A_2383 : i32
      scf.if %cond3A_2384 {
        %eq3A_2388 = arith.constant 7 : i32
        %eq3A_2389 = vector.broadcast %eq3A_2388 : i32 to vector<16xi32>
        %eq3A_2390 = arith.cmpi eq, %iota3A, %eq3A_2389 : vector<16xi32>
        %jit3A_2391 = arith.constant 0 : i32
        %broadcast_in_dim3A_2392 = vector.broadcast %jit3A_2391 : i32 to vector<16xi32>
        %select_n3A_2393 = arith.select %eq3A_2390, %get3A_718, %broadcast_in_dim3A_2392 : vector<16xi1>, vector<16xi32>
        %reduce_sum3A_2394 = arith.constant true
        %reduce_sum3A_2395 = vector.broadcast %reduce_sum3A_2394 : i1 to vector<16xi1>
        %reduce_sum3A_2396 = tpu.scan <sum>, %select_n3A_2393 masked %reduce_sum3A_2395 : vector<16xi32>, vector<16xi1> -> vector<16xi32>
        %reduce_sum3A_2397 = vector.extract %reduce_sum3A_2396[15] : i32 from vector<16xi32>
        %eq3A_2398 = arith.constant 7 : i32
        %eq3A_2399 = vector.broadcast %eq3A_2398 : i32 to vector<16xi32>
        %eq3A_2400 = arith.cmpi eq, %iota3A, %eq3A_2399 : vector<16xi32>
        %jit3A_2401 = arith.constant 0 : i32
        %broadcast_in_dim3A_2402 = vector.broadcast %jit3A_2401 : i32 to vector<16xi32>
        %select_n3A_2403 = arith.select %eq3A_2400, %get3A_721, %broadcast_in_dim3A_2402 : vector<16xi1>, vector<16xi32>
        %reduce_sum3A_2404 = arith.constant true
        %reduce_sum3A_2405 = vector.broadcast %reduce_sum3A_2404 : i1 to vector<16xi1>
        %reduce_sum3A_2406 = tpu.scan <sum>, %select_n3A_2403 masked %reduce_sum3A_2405 : vector<16xi32>, vector<16xi1> -> vector<16xi32>
        %reduce_sum3A_2407 = vector.extract %reduce_sum3A_2406[15] : i32 from vector<16xi32>
        %shift_right_arithmetic3A_2408 = arith.constant 7 : i32
        %shift_right_arithmetic3A_2409 = arith.shrsi %reduce_sum3A_2397, %shift_right_arithmetic3A_2408 : i32
        %mul3A_2410 = arith.constant 128 : i32
        %mul3A_2411 = arith.muli %shift_right_arithmetic3A_2409, %mul3A_2410 : i32
        %multiple_of3A_2412 = tpu.assume_multiple %mul3A_2411, 128 : i32
        %shift_right_arithmetic3A_2413 = arith.constant 7 : i32
        %shift_right_arithmetic3A_2414 = arith.shrsi %reduce_sum3A_2407, %shift_right_arithmetic3A_2413 : i32
        %mul3A_2415 = arith.constant 128 : i32
        %mul3A_2416 = arith.muli %shift_right_arithmetic3A_2414, %mul3A_2415 : i32
        %multiple_of3A_2417 = tpu.assume_multiple %mul3A_2416, 128 : i32
        %dma_start3A_2418 = arith.constant 0 : i32
        %dma_start3A_2419 = arith.constant 0 : i32
        %dma_start3A_2420 = tpu.memref_slice %arg9[%select_n3A_2300, %dma_start3A_2418, %dma_start3A_2419] : memref<8x32x128xf32, #tpu.memory_space<vmem>> -> memref<1x32x128xf32, #tpu.memory_space<vmem>>
        %dma_start3A_2421 = tpu.memref_squeeze %dma_start3A_2420 : memref<1x32x128xf32, #tpu.memory_space<vmem>> -> memref<32x128xf32, #tpu.memory_space<vmem>>
        %dma_start3A_2422 = arith.constant 0 : i32
        %dma_start3A_2423 = tpu.memref_slice %arg4[%dma_start3A_2422, %multiple_of3A_2412] : memref<32x1000000xf32, #tpu.memory_space<hbm>> -> memref<32x128xf32, #tpu.memory_space<hbm>>
        %dma_start3A_2424 = arith.constant 0 : i32
        %dma_start3A_2425 = arith.constant 0 : i32
        %dma_start3A_2426 = tpu.memref_slice %arg9[%select_n3A_2300, %dma_start3A_2424, %dma_start3A_2425] : memref<8x32x128xf32, #tpu.memory_space<vmem>> -> memref<1x32x128xf32, #tpu.memory_space<vmem>>
        %dma_start3A_2427 = tpu.memref_squeeze %dma_start3A_2426 : memref<1x32x128xf32, #tpu.memory_space<vmem>> -> memref<32x128xf32, #tpu.memory_space<vmem>>
        %dma_start3A_2428 = arith.constant 0 : i32
        %dma_start3A_2429 = tpu.memref_slice %arg4[%dma_start3A_2428, %multiple_of3A_2412] : memref<32x1000000xf32, #tpu.memory_space<hbm>> -> memref<32x128xf32, #tpu.memory_space<hbm>>
        tpu.enqueue_dma source(%dma_start3A_2429 : memref<32x128xf32, #tpu.memory_space<hbm>>) target(%dma_start3A_2427 : memref<32x128xf32, #tpu.memory_space<vmem>>) target_semaphore(%arg13 : memref<!tpu.dma_semaphore, #tpu.memory_space<semaphore_mem>>)
        %dma_start3A_2430 = arith.constant 0 : i32
        %dma_start3A_2431 = arith.constant 0 : i32
        %dma_start3A_2432 = tpu.memref_slice %arg10[%select_n3A_2300, %dma_start3A_2430, %dma_start3A_2431] : memref<8x32x128xf32, #tpu.memory_space<vmem>> -> memref<1x32x128xf32, #tpu.memory_space<vmem>>
        %dma_start3A_2433 = tpu.memref_squeeze %dma_start3A_2432 : memref<1x32x128xf32, #tpu.memory_space<vmem>> -> memref<32x128xf32, #tpu.memory_space<vmem>>
        %dma_start3A_2434 = arith.constant 0 : i32
        %dma_start3A_2435 = tpu.memref_slice %arg5[%dma_start3A_2434, %multiple_of3A_2417] : memref<32x1000000xf32, #tpu.memory_space<hbm>> -> memref<32x128xf32, #tpu.memory_space<hbm>>
        %dma_start3A_2436 = arith.constant 0 : i32
        %dma_start3A_2437 = arith.constant 0 : i32
        %dma_start3A_2438 = tpu.memref_slice %arg10[%select_n3A_2300, %dma_start3A_2436, %dma_start3A_2437] : memref<8x32x128xf32, #tpu.memory_space<vmem>> -> memref<1x32x128xf32, #tpu.memory_space<vmem>>
        %dma_start3A_2439 = tpu.memref_squeeze %dma_start3A_2438 : memref<1x32x128xf32, #tpu.memory_space<vmem>> -> memref<32x128xf32, #tpu.memory_space<vmem>>
        %dma_start3A_2440 = arith.constant 0 : i32
        %dma_start3A_2441 = tpu.memref_slice %arg5[%dma_start3A_2440, %multiple_of3A_2417] : memref<32x1000000xf32, #tpu.memory_space<hbm>> -> memref<32x128xf32, #tpu.memory_space<hbm>>
        tpu.enqueue_dma source(%dma_start3A_2441 : memref<32x128xf32, #tpu.memory_space<hbm>>) target(%dma_start3A_2439 : memref<32x128xf32, #tpu.memory_space<vmem>>) target_semaphore(%arg13 : memref<!tpu.dma_semaphore, #tpu.memory_space<semaphore_mem>>)
      } else {
      }
      %mul3A_2385 = arith.constant 16 : i32
      %mul3A_2386 = arith.muli %scan3A_614, %mul3A_2385 : i32
      %swap3A = arith.index_cast %mul3A_2386 : i32 to index
      %swap3A_2387 = tpu.vector_load %arg11[%swap3A] {strides = array<i32>} : memref<512xf32, #tpu.memory_space<vmem>>, vector<16xf32>,
      tpu.vector_store %arg11[%swap3A], %select_n3A_2377 {strides = array<i32>} : memref<512xf32, #tpu.memory_space<vmem>>, vector<16xf32>,
    }
    %scan3A_613 = arith.constant 32 : i32
    "tpu.region"() ({
      %run_scoped3A = tpu.sem_alloc : memref<!tpu.dma_semaphore, #tpu.memory_space<semaphore_mem>>
      %dma_start3A_614 = tpu.memref_slice %arg6[%mul3A_2] : memref<16384xf32, #tpu.memory_space<hbm>> -> memref<512xf32, #tpu.memory_space<hbm>>
      %dma_start3A_615 = tpu.memref_slice %arg6[%mul3A_2] : memref<16384xf32, #tpu.memory_space<hbm>> -> memref<512xf32, #tpu.memory_space<hbm>>
      tpu.enqueue_dma source(%arg11 : memref<512xf32, #tpu.memory_space<vmem>>) target(%dma_start3A_615 : memref<512xf32, #tpu.memory_space<hbm>>) target_semaphore(%run_scoped3A : memref<!tpu.dma_semaphore, #tpu.memory_space<semaphore_mem>>)
      %dma_wait3A_616 = tpu.memref_slice %arg6[%mul3A_2] : memref<16384xf32, #tpu.memory_space<hbm>> -> memref<512xf32, #tpu.memory_space<hbm>>
      %dma_wait3A_617 = tpu.memref_slice %arg6[%mul3A_2] : memref<16384xf32, #tpu.memory_space<hbm>> -> memref<512xf32, #tpu.memory_space<hbm>>
      tpu.wait_dma2 semaphore(%run_scoped3A : memref<!tpu.dma_semaphore, #tpu.memory_space<semaphore_mem>>) src(%arg11 : memref<512xf32, #tpu.memory_space<vmem>>) dst(%dma_wait3A_617 : memref<512xf32, #tpu.memory_space<hbm>>)
      tpu.yield
    }) : () -> ()
    return
  }
}

</mosaic_0001>

<sc_bundles>
// kernel: kernel.3.cloned.1.call-start
scs
__scs_entry_jumppad:
0x0: {  	(pc) =	sbr.rel $0x88, $3  }
0x1: {  	(tag) =	ssettag $0x0;
	lr =	simm.s32 $0x1  }
0x2: {  	[smem:$0x3F9D] =	sst lr;
	_ =	strace $0xD0000000  }
0x3: {  	_ = 	snop  }
0x4: {  	_ = 	snop  }
0x5: {  	_ = 	snop  }
0x6: {  	_ = 	snop  }
0x7: {  	_ = 	snop  }
__scs_overlays_trampoline_lowered:
0x8: {  	[smem:$0x3FAC] =	sst s0  }
0x9: {  	[smem:$0x3FAD] =	sst s1  }
0xa: {  	[smem:$0x3FAE] =	sst s2  }
0xb: {  	[smem:$0x3FAF] =	sst s3  }
0xc: {  	[smem:$0x3FB0] =	sst s4  }
0xd: {  	[smem:$0x3FB1] =	sst s5  }
0xe: {  	[smem:$0x3FB2] =	sst s6  }
0xf: {  	[smem:$0x3FB3] =	sst s7  }
0x10: {  	[smem:$0x3FB4] =	sst s8  }
0x11: {  	[smem:$0x3FB5] =	sst s9;
	s0 =	simm.s32 @!p0 $0x0  }
0x12: {  	s1 =	sld [smem:$0x3F9B];
	s0 =	simm.s32 @p0 $0x1  }
0x13: {  	[smem:$0x3FB6] =	sst s0;
	s0 =	simm.s32 @!p1 $0x0  }
0x14: {  	s2 =	sld [smem:$0x3F9A];
	s0 =	simm.s32 @p1 $0x1  }
0x15: {  	[smem:$0x3FB7] =	sst s0;
	s0 =	simm.s32 @!p2 $0x0  }
0x16: {  	s3 =	sld [smem:$0x3FDB];
	s0 =	simm.s32 @p2 $0x1  }
0x17: {  	s4 =	simm.s32 $0x1BF5;
	[smem:$0x3FB9] =	sst s0  }
0x18: {  	s0 =	sld [smem:$0x3F9C];
	_ =	swait.ge [sflag:s4], $0x0  }
0x19: {  	s7 =	sld [smem:$0x3F9D]  }
0x1a: {  	s8 =	sadd.s32 $0xFFFFE003, lr  }
0x1b: {  	s9 =	sadd.s32 $0xFFFFFEF7, lr;
	s5 =	simm.s32 $0xFFFFFFFF;
	p2 =	slt.u32 s8, $0xFFFFF086  }
0x1c: {  	p1 =	slt.u32 s9, $0xF7A;
	s5 =	simm.s32 @!p2 $0x0  }
0x1d: {  	s5 =	simm.s32 @p1 $0x1;
	p0 =	seq.s32 s7, s2  }
0x1e: {  	s7 =	smul.u32 @!p0 $0xF7A, s2;
	p2 =	seq.s32 @!p0 s5, $0x0  }
0x1f: {  	s9 =	smul.u32 $0xF7A, s1;
	s8 =	simm.s32 @!p0 $0x1BF5;
	p2 =	por !p2, p0  }
0x20: {  	[sflag:s8] =	ssyncset.s32 @!p0 $0xFFFFF086;
	s6 =	sadd.s32 @!p0 s3, s7;
	s7 =	simm.s32 @!p0 $0x108  }
0x21: {  	s3 =	sadd.s32 s3, s9;
	s6 =	sadd.s32 @!p0 $0x88, s6;
	s7 =	simm.s32 @p2 $0x1082  }
0x22: {  	[simem:s7], [sflag:s8] =	dma.local @!p0 [hbm:s6], $0xF7A  }
0x23: {  	s9 =	sor.u32 $0xD0000000, s2;
	s6 =	simm.s32 $0x108;
	_ =	swait.ge @!p0 [sflag:s8], $0x0  }
0x24: {  	s3 =	sadd.s32 $0x88, s3;
	s6 =	simm.s32 @!p1 $0x1082;
	[sflag:s4] =	ssyncset.s32 $0xFFFFF086  }
0x25: {  	[simem:s6], [sflag:s4] =	dma.local [hbm:s3], $0xF7A  }
0x26: {  	[smem:$0x3F9D] =	sst s1;
	(tag) =	ssettag s2;
	_ =	strace s9  }
0x27: {  	s1 =	sld [smem:$0x3FAD]  }
0x28: {  	s2 =	sld [smem:$0x3FAE]  }
0x29: {  	s4 =	sld [smem:$0x3FB0]  }
0x2a: {  	p0 =	seq.s32 s5, $0x0;
	s5 =	sld [smem:$0x3FB1]  }
0x2b: {  	s6 =	sld [smem:$0x3FB2]  }
0x2c: {  	s7 =	sld [smem:$0x3FB3]  }
0x2d: {  	s3 =	simm.s32 $0x108;
	s8 =	sld [smem:$0x3FB4]  }
0x2e: {  	s3 =	simm.s32 @!p0 $0x1082;
	s9 =	sld [smem:$0x3FB5]  }
0x2f: {  	lr =	sadd.s32 s0, s3;
	s0 =	sld [smem:$0x3FAC]  }
0x30: {  	s3 =	sld [smem:$0x3FAF]  }
0x31: {  	[smem:$0x3FB8] =	sst s10  }
0x32: {  	s10 =	sld [smem:$0x3FB6];
	_ =	sdelay $0x3  }
0x33: {  	p0 =	seq.s32 s10, $0x1;
	s10 =	sld [smem:$0x3FB8];
	_ =	sdelay $0x3  }
0x34: {  	[smem:$0x3FB8] =	sst s10  }
0x35: {  	s10 =	sld [smem:$0x3FB7];
	_ =	sdelay $0x3  }
0x36: {  	p1 =	seq.s32 s10, $0x1;
	s10 =	sld [smem:$0x3FB8];
	_ =	sdelay $0x3  }
0x37: {  	[smem:$0x3FB8] =	sst s10  }
0x38: {  	s10 =	sld [smem:$0x3FB9]  }
0x39: {  	_ = 	snop;
	(pc) =	sbr.ind lr, $3  }
0x3a: {  	_ = 	snop  }
0x3b: {  	_ = 	snop  }
0x3c: {  	p2 =	seq.s32 s10, $0x1;
	s10 =	sld [smem:$0x3FB8]  }
0x3d: {  	_ =	shalt  }
0x3e: {  	_ =	shalt  }
0x3f: {  	_ =	shalt  }
0x40: {  	_ =	shalt  }
0x41: {  	_ =	shalt  }
0x42: {  	_ =	shalt  }
0x43: {  	_ =	shalt  }
0x44: {  	_ =	shalt  }
0x45: {  	_ =	shalt  }
0x46: {  	_ =	shalt  }
0x47: {  	_ =	shalt  }
0x48: {  	_ =	shalt  }
0x49: {  	_ =	shalt  }
0x4a: {  	_ =	shalt  }
0x4b: {  	_ =	shalt  }
0x4c: {  	_ =	shalt  }
0x4d: {  	_ =	shalt  }
0x4e: {  	_ =	shalt  }
0x4f: {  	_ =	shalt  }
0x50: {  	_ =	shalt  }
0x51: {  	_ =	shalt  }
0x52: {  	_ =	shalt  }
0x53: {  	_ =	shalt  }
0x54: {  	_ =	shalt  }
0x55: {  	_ =	shalt  }
0x56: {  	_ =	shalt  }
0x57: {  	_ =	shalt  }
0x58: {  	_ =	shalt  }
0x59: {  	_ =	shalt  }
0x5a: {  	_ =	shalt  }
0x5b: {  	_ =	shalt  }
0x5c: {  	_ =	shalt  }
0x5d: {  	_ =	shalt  }
0x5e: {  	_ =	shalt  }
0x5f: {  	_ =	shalt  }
0x60: {  	_ =	shalt  }
0x61: {  	_ =	shalt  }
0x62: {  	_ =	shalt  }
0x63: {  	_ =	shalt  }
0x64: {  	_ =	shalt  }
0x65: {  	_ =	shalt  }
0x66: {  	_ =	shalt  }
0x67: {  	_ =	shalt  }
0x68: {  	_ =	shalt  }
0x69: {  	_ =	shalt  }
0x6a: {  	_ =	shalt  }
0x6b: {  	_ =	shalt  }
0x6c: {  	_ =	shalt  }
0x6d: {  	_ =	shalt  }
0x6e: {  	_ =	shalt  }
0x6f: {  	_ =	shalt  }
0x70: {  	_ =	shalt  }
0x71: {  	_ =	shalt  }
0x72: {  	_ =	shalt  }
0x73: {  	_ =	shalt  }
0x74: {  	_ =	shalt  }
0x75: {  	_ =	shalt  }
0x76: {  	_ =	shalt  }
0x77: {  	_ =	shalt  }
0x78: {  	_ =	shalt  }
0x79: {  	_ =	shalt  }
0x7a: {  	_ =	shalt  }
0x7b: {  	_ =	shalt  }
0x7c: {  	_ =	shalt  }
0x7d: {  	_ =	shalt  }
0x7e: {  	_ =	shalt  }
0x7f: {  	_ =	shalt  }
0x80: {  	_ =	shalt  }
0x81: {  	_ =	shalt  }
0x82: {  	_ =	shalt  }
0x83: {  	_ =	shalt  }
0x84: {  	_ =	shalt  }
0x85: {  	_ =	shalt  }
0x86: {  	_ =	shalt  }
0x87: {  	_ =	shalt  }
.Lfunc_end0:
.L_simem_size_0:
called_computation_lowered:
.L_overlay_start_0:
0x88: {  	s2 =	sld [smem:$0x3FD9]  }
0x89: {  	s3 =	sld [smem:$0x3FFE];
	_ =	sdelay $0x1  }
0x8a: {  	s1 =	srdreg.scid  }
0x8b: {  	s0 =	sand.u32 $0x1, s1  }
0x8c: {  	s18 =	sshll.u32 s0, $0xA;
	s2 =	sadd.s32 s3, s2  }
0x8d: {  	s2 =	sadd.s32 s2, s18  }
0x8e: {  	[smem:$0x3FC4] =	sst s2  }
0x8f: {  	_ = 	snop  }
0x90: {  	s2 =	sld [smem:$0x3FC9]  }
0x91: {  	s19 =	sld [smem:$0x3FC8]  }
0x92: {  	s4 =	sld [smem:$0x3FC7]  }
0x93: {  	s5 =	sld [smem:$0x3FC6]  }
0x94: {  	s6 =	sld [smem:$0x3FD0];
	(tm) =	ssettm $0x1  }
0x95: {  	s7 =	sld [smem:$0x3FFB];
	_ =	sdelay $0x3  }
0x96: {  	_ =	strace s7  }
0x97: {  	s7 =	sld [smem:$0x3FFC];
	_ =	sdelay $0x3  }
0x98: {  	_ =	strace s7  }
0x99: {  	s7 =	sld [smem:$0x3FFD];
	_ =	sdelay $0x3  }
0x9a: {  	_ =	strace s7  }
0x9b: {  	_ =	strace $0x8FFFFFFF  }
0x9c: {  	s20 =	sld [smem:$0x3FDB];
	_ =	sdelay $0x1  }
0x9d: {  	s8 =	simm.s32 $_scs_section_size  }
0x9e: {  	s9 =	simm.s32 $_size__tile_overlayer_lowered;
	s10 =	simm.s32 $_tile_overlayer_lowered  }
0x9f: {  	s23 =	simm.s32 $0x1BFF;
	s22 =	sshll.u32 s10, $0x1;
	s7 =	sadd.s32 s8, s20  }
0xa0: {  	s11 =	simm.s32 $0x0;
	s21 =	sshll.u32 s9, $0x1;
	s9 =	sadd.s32 s22, s7  }
0xa1: {  	[timem:s11], [sflag:s23] =	dma.local [hbm:s9], s21  }
0xa2: {  	_ =	swait.ge [sflag:s23], s21  }
0xa3: {  	s8 =	ssub.s32 $0x0, s21;
	[sflag:s23] =	ssyncset.done $0x0  }
0xa4: {  	[sflag:s23] =	ssyncadd.s32 s8;
	_ =	sdelay $0x1  }
0xa5: {  	s24 =	simm.s32 $0x1B8B  }
0xa6: {  	_ =	swait.ge [sflag:s24], $0x1  }
0xa7: {  	[sflag:s24] =	ssyncset.done $0x0  }
0xa8: {  	s25 =	simm.s32 $0x1B8E;
	[sflag:s24] =	ssyncadd.s32 $0xFFFFFFFF  }
0xa9: {  	s26 =	simm.s32 $execute0_lowered;
	[smem:$0x3FD2] =	sst s25  }
0xaa: {  	s8 =	sshll.u32 s26, $0x1;
	_ =	strace $0x80000046;
	[dreg:$0x1] =	wrdreg $0xFFFFFFFF  }
0xab: {  	s28 =	simm.s32 $_size_execute0_lowered;
	s7 =	sadd.s32 s7, s8;
	[dreg:$0x0] =	wrdreg $0x0  }
0xac: {  	s8 =	sshll.u32 s28, $0x1;
	[dreg:$0x2] =	wrdreg s7  }
0xad: {  	[dreg:$0x3] =	wrdreg s8  }
0xae: {  	[dreg:$0x4] =	wrdreg $0xC0  }
0xaf: {  	_ =	task [dreg:s11], $0x5FFFF  }
0xb0: {  	[dreg:$0x1] =	wrdreg $0xFFFFFFFF  }
0xb1: {  	[dreg:$0x0] =	wrdreg $0x60  }
0xb2: {  	[dreg:$0x2] =	wrdreg s2  }
0xb3: {  	[dreg:$0x3] =	wrdreg s19  }
0xb4: {  	[dreg:$0x4] =	wrdreg s4  }
0xb5: {  	[dreg:$0x5] =	wrdreg s5  }
0xb6: {  	[dreg:$0x6] =	wrdreg s6  }
0xb7: {  	[dreg:$0x7] =	wrdreg $0x9  }
0xb8: {  	_ =	task.clear_ibuf [dreg:s11], $0x8FFFF;
	_ =	strace $0x90000046  }
0xb9: {  	s29 =	simm.s32 $0x9;
	_ =	strace $0x80000048  }
0xba: {  	_ =	swait.ge [sflag:s29], $0x1  }
0xbb: {  	[sflag:s29] =	ssyncadd.s32 $0xFFFFFFFF  }
0xbc: {  	_ =	strace $0x90000048  }
0xbd: {  	_ =	sfence  }
0xbe: {  	s30 =	sld [smem:$0x0];
	_ =	sdelay $0x2  }
0xbf: {  	s31 =	sshll.u32 s1, $0xD;
	s1 =	sshrl.u32 s1, $0x2  }
0xc0: {  	s3 =	sand.u32 $0x4000, s31;
	s1 =	sadd.s32 s1, s30  }
0xc1: {  	s0 =	sor.u32 s3, s0;
	s1 =	sshll.u32 s1, $0x11  }
0xc2: {  	s0 =	sor.u32 s1, s0  }
0xc3: {  	s0 =	sadd.s32 $0x8F2B, s0  }
0xc4: {  	[sflag:s0] =	ssyncadd.remote.s32 $0x1  }
0xc5: {  	_ =	sfence.sel $0xFFFF  }
0xc6: {  	[dreg:$0x0] =	wrdreg $0xFFFFFFFF;
	(pc) =	sbr.abs _section_cstart, $3  }
0xc7: {  	[dreg:$0x1] =	wrdreg $0xFFFFFFFF  }
0xc8: {  	_ =	task.clear_ibuf [dreg:s11], $0x2FFFF;
	_ =	strace $0x9FFFFFFF  }
0xc9: {  	(tm) =	ssettm $0x7FFFFFFF  }
tec
execute0_lowered:
.L_overlay_start_1:
0x0: {  	(tag) =	ssettag $0x1  }
0x1: {  	s0 =	rddreg [dreg:$0x0]  }
0x2: {  	s3 =	rddreg [dreg:$0x1]  }
0x3: {  	s1 =	rddreg [dreg:$0x2]  }
0x4: {  	s2 =	rddreg [dreg:$0x3]  }
0x5: {  	s4 =	rddreg [dreg:$0x4];
	s9 =	simm.s32 $0x0;
	s5 =	srdreg.scid  }
0x6: {  	s7 =	stileid.u32;
	s21 =	simm.s32 $0x1;
	s5 =	sand.u32 $0x1, s5  }
0x7: {  	s7 =	sshll.u32 s7, $0x7;
	s6 =	ssub.s32 $0x2, s5;
	s5 =	sshll.u32 s5, $0x6  }
0x8: {  	vm0 =	vmmov $0x1;
	s19 =	simm.s32 $0x7400;
	[smem:$0x7FF] =	sst s9;
	s5 =	sor.u32 s5, s7  }
0x9: {  	v0 =	vlaneseq.u32;
	vm1 =	vcmask $0x308;
	vm2 =	vcmask $0x70C;
	s20 =	simm.s32 $0xF400;
	_ =	strace $0x80000047;
	s7 =	sadd.s32 s0, s5  }
0xa: {  	vm3 =	vcmask $0xB10;
	vm4 =	vcmask $0xF14;
	vm5 =	vcmask $0x1318;
	s8 =	sshrl.u32 s6, $0x1;
	s23 =	sadd.s32 s3, s5;
	[dreg:$0x6] =	wrdreg s7  }
0xb: {  	vm6 =	vcmask $0x171C;
	vm7 =	vcmask $0x1B20;
	vm8 =	vmmov $0x3;
	s22 =	sor.u32 $0x10, s5;
	s30 =	sadd.s32 s4, s5;
	[dreg:$0x7] =	wrdreg s23  }
0xc: {  	v6 =	vimm.s32 $0x0;
	vm12 =	vmmov $0x7;
	vm13 =	vcmask $0x2B30;
	s6 =	ssub.s32 s6, s8;
	s24 =	sadd.s32 s0, s22;
	[dreg:$0xe] =	wrdreg s30  }
0xd: {  	vm14 =	vmmov $0xf;
	vm15 =	vcmask $0x2F34;
	v0 =	vmul.u32 $0x80, v0;
	s25 =	sor.u32 $0x20, s5;
	s7 =	sadd.s32 s3, s22;
	[dreg:$0x8] =	wrdreg s24  }
0xe: {  	vm9 =	vcmask $0x373C;
	v6 =	vsel vm8, $0xFFFFFFFF, v6;
	vm8 =	vcmask $0x3338;
	s28 =	sor.u32 $0x30, s5;
	s26 =	sadd.s32 s0, s25;
	[dreg:$0x9] =	wrdreg s7  }
.Ltmp0:
0xf: {  	v1 =	vor.u32 $0x800, v0;
	v2 =	vor.u32 $0x1000, v0;
	v3 =	vor.u32 $0x1800, v0;
	s8 =	sadd.s32 s3, s25;
	[dreg:$0xa] =	wrdreg s26;
	(pc) =	sbr.rel .LBB2_1-.Ltmp0, $4  }
0x10: {  	[tilespmem:$0x1FFF0] =	vst v6;
	v4 =	vor.u32 $0x2000, v0;
	v5 =	vor.u32 $0x2800, v0;
	v6 =	vor.u32 $0x3000, v0;
	s5 =	simm.s32 $0x2;
	s0 =	sadd.s32 s0, s28;
	[dreg:$0xb] =	wrdreg s8  }
0x11: {  	v7 =	vor.u32 $0x3800, v0;
	v8 =	vor.u32 $0x4000, v0;
	v9 =	vor.u32 $0x4800, v0;
	s4 =	simm.s32 $0x0;
	s29 =	sadd.s32 s3, s28;
	[dreg:$0xc] =	wrdreg s0  }
0x12: {  	v10 =	vor.u32 $0x5000, v0;
	v11 =	vor.u32 $0x5800, v0;
	v12 =	vor.u32 $0x6000, v0;
	s31 =	smax.u32 s6, $0x1;
	s22 =	simm.s32 $0x7A1400;
	[dreg:$0xd] =	wrdreg s29  }
0x13: {  	v13 =	vor.u32 $0x6800, v0;
	v14 =	vor.u32 $0x7000, v0;
	v15 =	vor.u32 $0x7800, v0;
	s23 =	simm.s32 $0x400;
	[dreg:$0xf] =	wrdreg s31;
	s24 =	simm.s32 $0x8400  }
.LBB2_3:
0x14: {  	[tilespmem:$0x105F0] =	vst v18  }
.LBB2_5:
0x15: {  	s9 =	simm.s32 $0x0  }
0x16: {  	s0 =	rddreg [dreg:$0xe];
	s3 =	simm.s32 $0x10400;
	s30 =	simm.s32 $0x3  }
0x17: {  	[hbm4b:s0+s9] =	stream.linear.scatter [tilespmem:s3], [sflag:$0x3], $0x200, $0x38;
	[tilespmem:$0x10600] =	vst v63  }
0x18: {  	_ =	swait.ge [sflag:s30], $0x200  }
0x19: {  	s4 =	rddreg [dreg:$0x10]  }
0x1a: {  	s31 =	rddreg [dreg:$0xf];
	s4 =	sadd.s32 $0x1, s4  }
0x1b: {  	p0 =	sne.s32 s4, s31  }
.Ltmp1:
0x1c: {  	_ = 	snop;
	(pc) =	sbr.rel @!p0 .LBB2_6-.Ltmp1, $3  }
0x1d: {  	_ =	sdelay $0x1  }
0x1e: {  	[sflag:s30] =	ssyncset.done $0x0  }
0x1f: {  	[sflag:s30] =	ssyncadd.s32 $0xFFFFFE00  }
.LBB2_1:
0x20: {  	[dreg:$0x10] =	wrdreg s4  }
0x21: {  	s0 =	rddreg [dreg:$0x6]  }
0x22: {  	[tilespmem:s9], [sflag:$0x1] =	stream.linear.gather [hbm4b:s0+s9], $0x80, $0x38;
	[tilespmem:$0x10600] =	vst v63  }
0x23: {  	s8 =	simm.s32 $0x200;
	s25 =	rddreg [dreg:$0x7]  }
0x24: {  	[tilespmem:s8], [sflag:$0x1] =	stream.linear.gather [hbm4b:s25+s9], $0x80, $0x38;
	[tilespmem:$0x10600] =	vst v63  }
0x25: {  	s26 =	rddreg [dreg:$0x8];
	s3 =	simm.s32 $0x80  }
0x26: {  	[tilespmem:s3], [sflag:$0x1] =	stream.linear.gather [hbm4b:s26+s9], $0x80, $0x38;
	[tilespmem:$0x10600] =	vst v63  }
0x27: {  	s28 =	rddreg [dreg:$0x9];
	s29 =	simm.s32 $0x280  }
0x28: {  	[tilespmem:s29], [sflag:$0x1] =	stream.linear.gather [hbm4b:s28+s9], $0x80, $0x38;
	[tilespmem:$0x10600] =	vst v63  }
0x29: {  	s30 =	rddreg [dreg:$0xa];
	s31 =	simm.s32 $0x100  }
0x2a: {  	[tilespmem:s31], [sflag:$0x1] =	stream.linear.gather [hbm4b:s30+s9], $0x80, $0x38;
	[tilespmem:$0x10600] =	vst v63  }
0x2b: {  	s4 =	rddreg [dreg:$0xb];
	s6 =	simm.s32 $0x300  }
0x2c: {  	[tilespmem:s6], [sflag:$0x1] =	stream.linear.gather [hbm4b:s4+s9], $0x80, $0x38;
	[tilespmem:$0x10600] =	vst v63  }
0x2d: {  	s7 =	rddreg [dreg:$0xc];
	s10 =	simm.s32 $0x180  }
0x2e: {  	[tilespmem:s10], [sflag:$0x1] =	stream.linear.gather [hbm4b:s7+s9], $0x80, $0x38;
	[tilespmem:$0x10600] =	vst v63  }
0x2f: {  	s11 =	rddreg [dreg:$0xd];
	s12 =	simm.s32 $0x380  }
0x30: {  	[tilespmem:s12], [sflag:$0x1] =	stream.linear.gather [hbm4b:s11+s9], $0x80, $0x38;
	[tilespmem:$0x10600] =	vst v63  }
0x31: {  	_ =	swait.ge [sflag:s21], $0x80  }
0x32: {  	[sflag:s21] =	ssyncset.done $0x0  }
0x33: {  	[sflag:s21] =	ssyncadd.s32 $0xFFFFFF80  }
0x34: {  	_ =	swait.ge [sflag:s21], $0x80  }
0x35: {  	[sflag:s21] =	ssyncset.done $0x0  }
0x36: {  	[sflag:s21] =	ssyncadd.s32 $0xFFFFFF80  }
0x37: {  	_ =	swait.ge [sflag:s21], $0x80  }
0x38: {  	[sflag:s21] =	ssyncset.done $0x0  }
0x39: {  	[sflag:s21] =	ssyncadd.s32 $0xFFFFFF80  }
0x3a: {  	_ =	swait.ge [sflag:s21], $0x80  }
0x3b: {  	[sflag:s21] =	ssyncset.done $0x0  }
0x3c: {  	[sflag:s21] =	ssyncadd.s32 $0xFFFFFF80  }
0x3d: {  	_ =	swait.ge [sflag:s21], $0x80  }
0x3e: {  	[sflag:s21] =	ssyncset.done $0x0  }
0x3f: {  	[sflag:s21] =	ssyncadd.s32 $0xFFFFFF80  }
0x40: {  	_ =	swait.ge [sflag:s21], $0x80  }
0x41: {  	[sflag:s21] =	ssyncset.done $0x0  }
0x42: {  	[sflag:s21] =	ssyncadd.s32 $0xFFFFFF80  }
0x43: {  	_ =	swait.ge [sflag:s21], $0x80  }
0x44: {  	[sflag:s21] =	ssyncset.done $0x0  }
0x45: {  	[sflag:s21] =	ssyncadd.s32 $0xFFFFFF80  }
0x46: {  	_ =	swait.ge [sflag:s21], $0x80  }
0x47: {  	[sflag:s21] =	ssyncset.done $0x0  }
0x48: {  	[sflag:s21] =	ssyncadd.s32 $0xFFFFFF80  }
0x49: {  	v16 =	vld [tilespmem:$0x0];
	_ =	sdelay $0x1  }
0x4a: {  	v17 =	vld [tilespmem:$0x200];
	_ =	sdelay $0x2  }
0x4b: {  	v18 =	vnsel vm0, $0x0, v16  }
0x4c: {  	(xrf0) =	vadd.scan.msk.s32 $0xffff, v18  }
0x4d: {  	v39 =	vnsel vm0, $0x0, v17  }
0x4e: {  	(xrf0) =	vadd.scan.msk.s32 $0xffff, v39;
	_ =	sdelay $0x3  }
0x4f: {  	v40, _, _ =	vpop (xrf0)  }
0x50: {  	(v2sf) =	vpush v40, $0xF  }
0x51: {  	v41 =	vsel vm1, $0x0, v16;
	v42, _, _ =	vpop (xrf0)  }
0x52: {  	v43 =	vsel vm1, $0x0, v17;
	(xrf0) =	vadd.scan.msk.s32 $0xffff, v41;
	(v2sf) =	vpush v42, $0xF  }
0x53: {  	(xrf0) =	vadd.scan.msk.s32 $0xffff, v43;
	_ =	sdelay $0x3  }
0x54: {  	v45 =	vsel vm2, $0x0, v16  }
0x55: {  	v44, _, _ =	vpop (xrf0);
	(xrf0) =	vadd.scan.msk.s32 $0xffff, v45  }
0x56: {  	v47 =	vsel vm2, $0x0, v17;
	(v2sf) =	vpush v44, $0xF;
	v46, _, _ =	vpop (xrf0)  }
0x57: {  	(xrf0) =	vadd.scan.msk.s32 $0xffff, v47;
	(v2sf) =	vpush v46, $0xF;
	_ =	sdelay $0x3  }
0x58: {  	v49 =	vsel vm3, $0x0, v16;
	v48, _, _ =	vpop (xrf0)  }
0x59: {  	(xrf0) =	vadd.scan.msk.s32 $0xffff, v49;
	s13 =	spop (v2sf);
	(v2sf) =	vpush v48, $0xF  }
0x5a: {  	v50, _, _ =	vpop (xrf0)  }
0x5b: {  	v51 =	vsel vm3, $0x0, v17;
	s14 =	spop (v2sf);
	(v2sf) =	vpush v50, $0xF  }
0x5c: {  	(xrf0) =	vadd.scan.msk.s32 $0xffff, v51;
	s0 =	sand.u32 $0xFFFFF80, s13  }
0x5d: {  	s0 =	sadd.s32 s1, s0  }
0x5e: {  	v53 =	vsel vm4, $0x0, v16;
	[tilespmem:s23], [sflag:$0x2] =	stream.strided.gather [hbm4b:s0+s23], $0x1000, s22, s23, $0x38;
	[tilespmem:$0x10600] =	vst v63  }
0x5f: {  	v52, _, _ =	vpop (xrf0);
	(xrf0) =	vadd.scan.msk.s32 $0xffff, v53;
	s0 =	sand.u32 $0xFFFFF80, s14  }
0x60: {  	(v2sf) =	vpush v52, $0xF;
	s0 =	sadd.s32 s2, s0  }
0x61: {  	[tilespmem:s24], [sflag:$0x2] =	stream.strided.gather [hbm4b:s0+s23], $0x1000, s22, s23, $0x38;
	[tilespmem:$0x10600] =	vst v63  }
0x62: {  	v55 =	vsel vm4, $0x0, v17;
	v54, _, _ =	vpop (xrf0);
	s15 =	spop (v2sf)  }
0x63: {  	(xrf0) =	vadd.scan.msk.s32 $0xffff, v55;
	s17 =	spop (v2sf);
	(v2sf) =	vpush v54, $0xF  }
0x64: {  	v57 =	vsel vm5, $0x0, v16;
	s0 =	sand.u32 $0xFFFFF80, s15  }
0x65: {  	s16 =	simm.s32 $0x1400;
	s0 =	sadd.s32 s1, s0;
	v56, _, _ =	vpop (xrf0);
	(xrf0) =	vadd.scan.msk.s32 $0xffff, v57  }
0x66: {  	[tilespmem:s16], [sflag:$0x2] =	stream.strided.gather [hbm4b:s0+s23], $0x1000, s22, s23, $0x38;
	[tilespmem:$0x10600] =	vst v63  }
0x67: {  	v58 =	vsel vm5, $0x0, v17;
	s0 =	sand.u32 $0xFFFFF80, s17  }
0x68: {  	s18 =	simm.s32 $0x9400;
	(xrf0) =	vadd.scan.msk.s32 $0xffff, v58;
	s0 =	sadd.s32 s2, s0;
	s25 =	spop (v2sf);
	(v2sf) =	vpush v56, $0xF  }
0x69: {  	v19, _, _ =	vpop (xrf0);
	[tilespmem:s18], [sflag:$0x2] =	stream.strided.gather [hbm4b:s0+s23], $0x1000, s22, s23, $0x38;
	[tilespmem:$0x10600] =	vst v63  }
0x6a: {  	v59 =	vsel vm6, $0x0, v16;
	s28 =	spop (v2sf);
	(v2sf) =	vpush v19, $0xF  }
0x6b: {  	(xrf0) =	vadd.scan.msk.s32 $0xffff, v59;
	s0 =	sand.u32 $0xFFFFF80, s25  }
0x6c: {  	s26 =	simm.s32 $0x2400;
	v60, _, _ =	vpop (xrf0);
	s0 =	sadd.s32 s1, s0  }
0x6d: {  	(v2sf) =	vpush v60, $0xF;
	[tilespmem:s26], [sflag:$0x2] =	stream.strided.gather [hbm4b:s0+s23], $0x1000, s22, s23, $0x38;
	[tilespmem:$0x10600] =	vst v63  }
0x6e: {  	v61 =	vsel vm6, $0x0, v17;
	s0 =	sand.u32 $0xFFFFF80, s28  }
0x6f: {  	s29 =	simm.s32 $0xA400;
	(xrf0) =	vadd.scan.msk.s32 $0xffff, v61;
	v62, _, _ =	vpop (xrf0);
	s30 =	spop (v2sf);
	s0 =	sadd.s32 s2, s0  }
0x70: {  	(v2sf) =	vpush v62, $0xF;
	[tilespmem:s29], [sflag:$0x2] =	stream.strided.gather [hbm4b:s0+s23], $0x1000, s22, s23, $0x38;
	[tilespmem:$0x10600] =	vst v63  }
0x71: {  	v63, _, _ =	vpop (xrf0);
	s0 =	sand.u32 $0xFFFFF80, s30  }
0x72: {  	s31 =	simm.s32 $0x3400;
	s0 =	sadd.s32 s1, s0;
	s3 =	spop (v2sf);
	(v2sf) =	vpush v63, $0xF  }
0x73: {  	v16 =	vsel vm7, $0x0, v16;
	[tilespmem:s31], [sflag:$0x2] =	stream.strided.gather [hbm4b:s0+s23], $0x1000, s22, s23, $0x38;
	[tilespmem:$0x10600] =	vst v63  }
0x74: {  	(xrf0) =	vadd.scan.msk.s32 $0xffff, v16;
	s0 =	sand.u32 $0xFFFFF80, s3  }
0x75: {  	s4 =	simm.s32 $0xB400;
	s0 =	sadd.s32 s2, s0  }
0x76: {  	v16, _, _ =	vpop (xrf0);
	[tilespmem:s4], [sflag:$0x2] =	stream.strided.gather [hbm4b:s0+s23], $0x1000, s22, s23, $0x38;
	[tilespmem:$0x10600] =	vst v63  }
0x77: {  	s6 =	spop (v2sf);
	(v2sf) =	vpush v16, $0xF;
	v16 =	vsel vm7, $0x0, v17  }
0x78: {  	s0 =	sand.u32 $0xFFFFF80, s6;
	(xrf0) =	vadd.scan.msk.s32 $0xffff, v16  }
0x79: {  	s7 =	simm.s32 $0x4400;
	s9 =	spop (v2sf);
	s0 =	sadd.s32 s1, s0  }
0x7a: {  	v16, _, _ =	vpop (xrf0);
	[tilespmem:s7], [sflag:$0x2] =	stream.strided.gather [hbm4b:s0+s23], $0x1000, s22, s23, $0x38;
	[tilespmem:$0x10600] =	vst v63  }
0x7b: {  	s0 =	sand.u32 $0xFFFFF80, s9;
	(v2sf) =	vpush v16, $0xF  }
0x7c: {  	s10 =	simm.s32 $0xC400;
	s11 =	spop (v2sf);
	s0 =	sadd.s32 s2, s0  }
0x7d: {  	[tilespmem:s10], [sflag:$0x2] =	stream.strided.gather [hbm4b:s0+s23], $0x1000, s22, s23, $0x38;
	[tilespmem:$0x10600] =	vst v63  }
0x7e: {  	s0 =	sand.u32 $0xFFFFF80, s11;
	v16, _, _ =	vpop (xrf0)  }
0x7f: {  	s13 =	simm.s32 $0x5400;
	s12 =	spop (v2sf);
	s0 =	sadd.s32 s1, s0;
	(v2sf) =	vpush v16, $0xF  }
0x80: {  	[tilespmem:s13], [sflag:$0x2] =	stream.strided.gather [hbm4b:s0+s23], $0x1000, s22, s23, $0x38;
	[tilespmem:$0x10600] =	vst v63  }
0x81: {  	s14 =	sand.u32 $0xFFFFF80, s12;
	s15 =	spop (v2sf)  }
0x82: {  	s16 =	simm.s32 $0xD400;
	s0 =	sadd.s32 s2, s14;
	s17 =	sand.u32 $0xFFFFF80, s15  }
0x83: {  	[tilespmem:s16], [sflag:$0x2] =	stream.strided.gather [hbm4b:s0+s23], $0x1000, s22, s23, $0x38;
	[tilespmem:$0x10600] =	vst v63  }
0x84: {  	s25 =	simm.s32 $0x6400;
	s0 =	sadd.s32 s1, s17  }
0x85: {  	[tilespmem:s25], [sflag:$0x2] =	stream.strided.gather [hbm4b:s0+s23], $0x1000, s22, s23, $0x38;
	[tilespmem:$0x10600] =	vst v63  }
0x86: {  	s18 =	spop (v2sf)  }
0x87: {  	s26 =	sand.u32 $0xFFFFF80, s18  }
0x88: {  	s29 =	simm.s32 $0xE400;
	s0 =	sadd.s32 s2, s26  }
0x89: {  	[tilespmem:s29], [sflag:$0x2] =	stream.strided.gather [hbm4b:s0+s23], $0x1000, s22, s23, $0x38;
	[tilespmem:$0x10600] =	vst v63  }
0x8a: {  	s28 =	spop (v2sf)  }
0x8b: {  	s30 =	sand.u32 $0xFFFFF80, s28  }
0x8c: {  	s0 =	sadd.s32 s1, s30  }
0x8d: {  	[tilespmem:s19], [sflag:$0x2] =	stream.strided.gather [hbm4b:s0+s23], $0x1000, s22, s23, $0x38;
	[tilespmem:$0x10600] =	vst v63  }
0x8e: {  	s31 =	spop (v2sf)  }
0x8f: {  	s9 =	simm.s32 $0x10;
	s0 =	sand.u32 $0xFFFFF80, s31  }
0x90: {  	s10 =	simm.s32 $0x10400;
	s11 =	simm.s32 $0x0;
	s0 =	sadd.s32 s2, s0  }
0x91: {  	[tilespmem:s20], [sflag:$0x2] =	stream.strided.gather [hbm4b:s0+s23], $0x1000, s22, s23, $0x38;
	[tilespmem:$0x10600] =	vst v63  }
.LBB2_2:
0x92: {  	v26 =	vld [tilespmem:s11+$0x0]  }
0x93: {  	v25 =	vld [tilespmem:s8+$0x0];
	s0 =	sand.u32 $0x1F0, s9  }
0x94: {  	v17 =	vld [tilespmem:s0+$0x0]  }
0x95: {  	v16 =	vld [tilespmem:s0+$0x200];
	_ =	swait.ge [sflag:s5], $0x1000  }
0x96: {  	[sflag:s5] =	ssyncset.done $0x0  }
0x97: {  	[sflag:s5] =	ssyncadd.s32 $0xFFFFF000  }
0x98: {  	_ =	swait.ge [sflag:s5], $0x1000;
	v18 =	vnsel vm0, $0x0, v26  }
0x99: {  	(xrf0) =	vadd.scan.msk.s32 $0xffff, v18  }
0x9a: {  	v18 =	vnsel vm0, $0x0, v25  }
0x9b: {  	(xrf0) =	vadd.scan.msk.s32 $0xffff, v18;
	_ =	sdelay $0x3  }
0x9c: {  	v18, _, _ =	vpop (xrf0)  }
0x9d: {  	(v2sf) =	vpush v18, $0xF  }
0x9e: {  	v18, _, _ =	vpop (xrf0)  }
0x9f: {  	(v2sf) =	vpush v18, $0xF;
	_ =	sdelay $0xb  }
0xa0: {  	vm10 =	vcmask $0x1F24  }
0xa1: {  	v18 =	vsel vm10, $0x0, v26;
	s12 =	spop (v2sf)  }
0xa2: {  	(xrf0) =	vadd.scan.msk.s32 $0xffff, v18;
	s0 =	sand.u32 $0x7F, s12  }
0xa3: {  	v20 =	vsel vm10, $0x0, v25;
	s3 =	spop (v2sf);
	v18 =	vor.u32 s0, v0  }
0xa4: {  	(xrf0) =	vadd.scan.msk.s32 $0xffff, v20;
	s3 =	sand.u32 $0x7F, s3;
	v19 =	vor.u32 s0, v1  }
0xa5: {  	v21 =	vor.u32 s3, v0  }
0xa6: {  	[sflag:s5] =	ssyncset.done $0x0;
	v20 =	vor.u32 s3, v1  }
0xa7: {  	[sflag:s5] =	ssyncadd.s32 $0xFFFFF000  }
0xa8: {  	v22, _, _ =	vpop (xrf0);
	v18 =	vld.idx.msk [tilespmem:v18+s23+$0x0], $0xffff  }
0xa9: {  	(v2sf) =	vpush v22, $0xF;
	v19 =	vld.idx.msk [tilespmem:v19+s23+$0x0], $0xffff  }
0xaa: {  	v32, _, _ =	vpop (xrf0);
	v21 =	vld.idx.msk [tilespmem:v21+s24+$0x0], $0xffff  }
0xab: {  	(v2sf) =	vpush v32, $0xF;
	v20 =	vld.idx.msk [tilespmem:v20+s24+$0x0], $0xffff;
	_ =	sdelay $0x4  }
0xac: {  	v18 =	vmul.f32 v21, v18;
	v19 =	vmul.f32 v20, v19;
	_ =	sdelay $0x1  }
0xad: {  	v18 =	vadd.f32 v19, v18;
	_ =	sdelay $0x1  }
0xae: {  	(xrf2) =	vadd.scan.msk.f32 $0xffff, v18;
	_ =	sdelay $0x3  }
0xaf: {  	s12 =	spop (v2sf)  }
0xb0: {  	s13 =	sand.u32 $0xFFFFF80, s12  }
0xb1: {  	s0 =	sadd.s32 s1, s13;
	s13 =	spop (v2sf)  }
0xb2: {  	[tilespmem:s23], [sflag:$0x2] =	stream.strided.gather [hbm4b:s0+s23], $0x1000, s22, s23, $0x38;
	[tilespmem:$0x10600] =	vst v63  }
0xb3: {  	s14 =	sand.u32 $0xFFFFF80, s13  }
0xb4: {  	s0 =	sadd.s32 s2, s14  }
0xb5: {  	[tilespmem:s24], [sflag:$0x2] =	stream.strided.gather [hbm4b:s0+s23], $0x1000, s22, s23, $0x38;
	v18, _, _ =	vpop (xrf2);
	[tilespmem:$0x10600] =	vst v63  }
0xb6: {  	_ =	swait.ge [sflag:s5], $0x1000  }
0xb7: {  	[sflag:s5] =	ssyncset.done $0x0  }
0xb8: {  	[sflag:s5] =	ssyncadd.s32 $0xFFFFF000  }
0xb9: {  	v19 =	vsel vm1, $0x0, v26;
	_ =	swait.ge [sflag:s5], $0x1000  }
0xba: {  	(xrf0) =	vadd.scan.msk.s32 $0xffff, v19  }
0xbb: {  	v19 =	vsel vm1, $0x0, v25  }
0xbc: {  	(xrf0) =	vadd.scan.msk.s32 $0xffff, v19;
	_ =	sdelay $0x3  }
0xbd: {  	v19, _, _ =	vpop (xrf0)  }
0xbe: {  	(v2sf) =	vpush v19, $0xF  }
0xbf: {  	v19, _, _ =	vpop (xrf0)  }
0xc0: {  	(v2sf) =	vpush v19, $0xF;
	_ =	sdelay $0xc  }
0xc1: {  	vm10 =	vcmask $0x2328;
	s15 =	spop (v2sf)  }
0xc2: {  	v19 =	vsel vm10, $0x0, v26;
	s0 =	sand.u32 $0x7F, s15  }
0xc3: {  	v33 =	vsel vm10, $0x0, v25;
	(xrf0) =	vadd.scan.msk.s32 $0xffff, v19;
	s16 =	spop (v2sf);
	v19 =	vor.u32 s0, v2  }
0xc4: {  	(xrf0) =	vadd.scan.msk.s32 $0xffff, v33;
	s3 =	sand.u32 $0x7F, s16;
	v20 =	vor.u32 s0, v3  }
0xc5: {  	v34 =	vor.u32 s3, v2  }
0xc6: {  	[sflag:s5] =	ssyncset.done $0x0;
	v35 =	vor.u32 s3, v3  }
0xc7: {  	[sflag:s5] =	ssyncadd.s32 $0xFFFFF000  }
0xc8: {  	v19 =	vld.idx.msk [tilespmem:v19+s23+$0x0], $0xffff  }
0xc9: {  	v23, _, _ =	vpop (xrf0);
	v20 =	vld.idx.msk [tilespmem:v20+s23+$0x0], $0xffff  }
0xca: {  	v36, _, _ =	vpop (xrf0);
	(v2sf) =	vpush v23, $0xF;
	v22 =	vld.idx.msk [tilespmem:v34+s24+$0x0], $0xffff  }
0xcb: {  	(v2sf) =	vpush v36, $0xF;
	v21 =	vld.idx.msk [tilespmem:v35+s24+$0x0], $0xffff;
	_ =	sdelay $0x4  }
0xcc: {  	v19 =	vmul.f32 v22, v19;
	v20 =	vmul.f32 v21, v20;
	_ =	sdelay $0x1  }
0xcd: {  	v19 =	vadd.f32 v20, v19;
	_ =	sdelay $0x1  }
0xce: {  	(xrf2) =	vadd.scan.msk.f32 $0xffff, v19;
	_ =	sdelay $0x4  }
0xcf: {  	s14 =	spop (v2sf)  }
0xd0: {  	s17 =	sand.u32 $0xFFFFF80, s14;
	s6 =	spop (v2sf)  }
0xd1: {  	s18 =	simm.s32 $0x1400;
	s0 =	sadd.s32 s1, s17;
	s25 =	sand.u32 $0xFFFFF80, s6  }
0xd2: {  	[tilespmem:s18], [sflag:$0x2] =	stream.strided.gather [hbm4b:s0+s23], $0x1000, s22, s23, $0x38;
	[tilespmem:$0x10600] =	vst v63  }
0xd3: {  	s26 =	simm.s32 $0x9400;
	s0 =	sadd.s32 s2, s25  }
0xd4: {  	[tilespmem:s26], [sflag:$0x2] =	stream.strided.gather [hbm4b:s0+s23], $0x1000, s22, s23, $0x38;
	v19, _, _ =	vpop (xrf2);
	[tilespmem:$0x10600] =	vst v63  }
0xd5: {  	_ =	swait.ge [sflag:s5], $0x1000  }
0xd6: {  	[sflag:s5] =	ssyncset.done $0x0  }
0xd7: {  	[sflag:s5] =	ssyncadd.s32 $0xFFFFF000  }
0xd8: {  	v20 =	vsel vm2, $0x0, v26;
	_ =	swait.ge [sflag:s5], $0x1000  }
0xd9: {  	(xrf0) =	vadd.scan.msk.s32 $0xffff, v20  }
0xda: {  	v20 =	vsel vm2, $0x0, v25  }
0xdb: {  	(xrf0) =	vadd.scan.msk.s32 $0xffff, v20;
	_ =	sdelay $0x3  }
0xdc: {  	v20, _, _ =	vpop (xrf0)  }
0xdd: {  	(v2sf) =	vpush v20, $0xF  }
0xde: {  	v20, _, _ =	vpop (xrf0)  }
0xdf: {  	(v2sf) =	vpush v20, $0xF;
	_ =	sdelay $0xc  }
0xe0: {  	vm10 =	vcmask $0x272C;
	s28 =	spop (v2sf)  }
0xe1: {  	v20 =	vsel vm10, $0x0, v26;
	s0 =	sand.u32 $0x7F, s28  }
0xe2: {  	v38 =	vsel vm10, $0x0, v25;
	(xrf0) =	vadd.scan.msk.s32 $0xffff, v20;
	s29 =	spop (v2sf);
	v20 =	vor.u32 s0, v4  }
0xe3: {  	(xrf0) =	vadd.scan.msk.s32 $0xffff, v38;
	s3 =	sand.u32 $0x7F, s29;
	v37 =	vor.u32 s0, v5  }
0xe4: {  	v39 =	vor.u32 s3, v4  }
0xe5: {  	[sflag:s5] =	ssyncset.done $0x0;
	v40 =	vor.u32 s3, v5  }
0xe6: {  	[sflag:s5] =	ssyncadd.s32 $0xFFFFF000  }
0xe7: {  	v20 =	vld.idx.msk [tilespmem:v20+s23+$0x0], $0xffff  }
0xe8: {  	v24, _, _ =	vpop (xrf0);
	v21 =	vld.idx.msk [tilespmem:v37+s23+$0x0], $0xffff  }
0xe9: {  	v41, _, _ =	vpop (xrf0);
	(v2sf) =	vpush v24, $0xF;
	v23 =	vld.idx.msk [tilespmem:v39+s24+$0x0], $0xffff  }
0xea: {  	(v2sf) =	vpush v41, $0xF;
	v22 =	vld.idx.msk [tilespmem:v40+s24+$0x0], $0xffff;
	_ =	sdelay $0x4  }
0xeb: {  	v20 =	vmul.f32 v23, v20;
	v21 =	vmul.f32 v22, v21;
	_ =	sdelay $0x1  }
0xec: {  	v20 =	vadd.f32 v21, v20;
	_ =	sdelay $0x1  }
0xed: {  	(xrf2) =	vadd.scan.msk.f32 $0xffff, v20;
	_ =	sdelay $0x4  }
0xee: {  	s4 =	spop (v2sf)  }
0xef: {  	s30 =	sand.u32 $0xFFFFF80, s4;
	s7 =	spop (v2sf)  }
0xf0: {  	s31 =	simm.s32 $0x2400;
	s0 =	sadd.s32 s1, s30;
	s3 =	sand.u32 $0xFFFFF80, s7  }
0xf1: {  	[tilespmem:s31], [sflag:$0x2] =	stream.strided.gather [hbm4b:s0+s23], $0x1000, s22, s23, $0x38;
	[tilespmem:$0x10600] =	vst v63  }
0xf2: {  	s15 =	simm.s32 $0xA400;
	s0 =	sadd.s32 s2, s3  }
0xf3: {  	[tilespmem:s15], [sflag:$0x2] =	stream.strided.gather [hbm4b:s0+s23], $0x1000, s22, s23, $0x38;
	v20, _, _ =	vpop (xrf2);
	[tilespmem:$0x10600] =	vst v63  }
0xf4: {  	_ =	swait.ge [sflag:s5], $0x1000  }
0xf5: {  	[sflag:s5] =	ssyncset.done $0x0  }
0xf6: {  	[sflag:s5] =	ssyncadd.s32 $0xFFFFF000  }
0xf7: {  	v42 =	vsel vm3, $0x0, v26;
	_ =	swait.ge [sflag:s5], $0x1000  }
0xf8: {  	(xrf0) =	vadd.scan.msk.s32 $0xffff, v42  }
0xf9: {  	v43 =	vsel vm3, $0x0, v25  }
0xfa: {  	(xrf0) =	vadd.scan.msk.s32 $0xffff, v43;
	_ =	sdelay $0x3  }
0xfb: {  	v44, _, _ =	vpop (xrf0)  }
0xfc: {  	(v2sf) =	vpush v44, $0xF  }
0xfd: {  	v45, _, _ =	vpop (xrf0)  }
0xfe: {  	(v2sf) =	vpush v45, $0xF;
	_ =	sdelay $0xb  }
0xff: {  	v46 =	vsel vm13, $0x0, v26  }
0x100: {  	(xrf0) =	vadd.scan.msk.s32 $0xffff, v46;
	s16 =	spop (v2sf)  }
0x101: {  	s0 =	sand.u32 $0x7F, s16  }
0x102: {  	s17 =	spop (v2sf);
	v47 =	vor.u32 s0, v6  }
0x103: {  	v49 =	vsel vm13, $0x0, v25;
	s3 =	sand.u32 $0x7F, s17;
	v48 =	vor.u32 s0, v7  }
0x104: {  	(xrf0) =	vadd.scan.msk.s32 $0xffff, v49;
	v50 =	vor.u32 s3, v6  }
0x105: {  	[sflag:s5] =	ssyncset.done $0x0;
	v51 =	vor.u32 s3, v7  }
0x106: {  	[sflag:s5] =	ssyncadd.s32 $0xFFFFF000;
	v27, _, _ =	vpop (xrf0)  }
0x107: {  	(v2sf) =	vpush v27, $0xF;
	v21 =	vld.idx.msk [tilespmem:v47+s23+$0x0], $0xffff  }
0x108: {  	v22 =	vld.idx.msk [tilespmem:v48+s23+$0x0], $0xffff  }
0x109: {  	v24 =	vld.idx.msk [tilespmem:v50+s24+$0x0], $0xffff  }
0x10a: {  	v52, _, _ =	vpop (xrf0);
	v23 =	vld.idx.msk [tilespmem:v51+s24+$0x0], $0xffff  }
0x10b: {  	(v2sf) =	vpush v52, $0xF;
	_ =	sdelay $0x3  }
0x10c: {  	v21 =	vmul.f32 v24, v21;
	v22 =	vmul.f32 v23, v22;
	_ =	sdelay $0x1  }
0x10d: {  	v21 =	vadd.f32 v22, v21;
	_ =	sdelay $0x1  }
0x10e: {  	(xrf2) =	vadd.scan.msk.f32 $0xffff, v21;
	_ =	sdelay $0x2  }
0x10f: {  	s25 =	spop (v2sf)  }
0x110: {  	s18 =	sand.u32 $0xFFFFF80, s25  }
0x111: {  	s26 =	simm.s32 $0x3400;
	s0 =	sadd.s32 s1, s18  }
0x112: {  	[tilespmem:s26], [sflag:$0x2] =	stream.strided.gather [hbm4b:s0+s23], $0x1000, s22, s23, $0x38;
	[tilespmem:$0x10600] =	vst v63  }
0x113: {  	s26 =	spop (v2sf)  }
0x114: {  	s28 =	sand.u32 $0xFFFFF80, s26  }
0x115: {  	s29 =	simm.s32 $0xB400;
	s0 =	sadd.s32 s2, s28  }
0x116: {  	[tilespmem:s29], [sflag:$0x2] =	stream.strided.gather [hbm4b:s0+s23], $0x1000, s22, s23, $0x38;
	v21, _, _ =	vpop (xrf2);
	[tilespmem:$0x10600] =	vst v63  }
0x117: {  	_ =	swait.ge [sflag:s5], $0x1000  }
0x118: {  	[sflag:s5] =	ssyncset.done $0x0  }
0x119: {  	[sflag:s5] =	ssyncadd.s32 $0xFFFFF000  }
0x11a: {  	v53 =	vsel vm4, $0x0, v26;
	_ =	swait.ge [sflag:s5], $0x1000  }
0x11b: {  	(xrf0) =	vadd.scan.msk.s32 $0xffff, v53  }
0x11c: {  	v54 =	vsel vm4, $0x0, v25  }
0x11d: {  	(xrf0) =	vadd.scan.msk.s32 $0xffff, v54;
	_ =	sdelay $0x3  }
0x11e: {  	v55, _, _ =	vpop (xrf0)  }
0x11f: {  	(v2sf) =	vpush v55, $0xF  }
0x120: {  	v56, _, _ =	vpop (xrf0)  }
0x121: {  	(v2sf) =	vpush v56, $0xF;
	_ =	sdelay $0xc  }
0x122: {  	s30 =	spop (v2sf)  }
0x123: {  	v57 =	vsel vm15, $0x0, v26;
	s0 =	sand.u32 $0x7F, s30  }
0x124: {  	v60 =	vsel vm15, $0x0, v25;
	(xrf0) =	vadd.scan.msk.s32 $0xffff, v57;
	s31 =	spop (v2sf);
	v58 =	vor.u32 s0, v8  }
0x125: {  	(xrf0) =	vadd.scan.msk.s32 $0xffff, v60;
	s3 =	sand.u32 $0x7F, s31;
	v59 =	vor.u32 s0, v9  }
0x126: {  	v61 =	vor.u32 s3, v8  }
0x127: {  	[sflag:s5] =	ssyncset.done $0x0;
	v62 =	vor.u32 s3, v9  }
0x128: {  	[sflag:s5] =	ssyncadd.s32 $0xFFFFF000  }
0x129: {  	v22 =	vld.idx.msk [tilespmem:v58+s23+$0x0], $0xffff  }
0x12a: {  	v28, _, _ =	vpop (xrf0);
	v23 =	vld.idx.msk [tilespmem:v59+s23+$0x0], $0xffff  }
0x12b: {  	v63, _, _ =	vpop (xrf0);
	(v2sf) =	vpush v28, $0xF;
	v27 =	vld.idx.msk [tilespmem:v61+s24+$0x0], $0xffff  }
0x12c: {  	(v2sf) =	vpush v63, $0xF;
	v24 =	vld.idx.msk [tilespmem:v62+s24+$0x0], $0xffff;
	_ =	sdelay $0x4  }
0x12d: {  	v22 =	vmul.f32 v27, v22;
	v23 =	vmul.f32 v24, v23;
	_ =	sdelay $0x1  }
0x12e: {  	v22 =	vadd.f32 v23, v22;
	_ =	sdelay $0x1  }
0x12f: {  	(xrf2) =	vadd.scan.msk.f32 $0xffff, v22;
	_ =	sdelay $0x4  }
0x130: {  	s28 =	spop (v2sf)  }
0x131: {  	s15 =	sand.u32 $0xFFFFF80, s28;
	s29 =	spop (v2sf)  }
0x132: {  	s16 =	simm.s32 $0x4400;
	s0 =	sadd.s32 s1, s15;
	s17 =	sand.u32 $0xFFFFF80, s29  }
0x133: {  	[tilespmem:s16], [sflag:$0x2] =	stream.strided.gather [hbm4b:s0+s23], $0x1000, s22, s23, $0x38;
	[tilespmem:$0x10600] =	vst v63  }
0x134: {  	s18 =	simm.s32 $0xC400;
	s0 =	sadd.s32 s2, s17  }
0x135: {  	[tilespmem:s18], [sflag:$0x2] =	stream.strided.gather [hbm4b:s0+s23], $0x1000, s22, s23, $0x38;
	v22, _, _ =	vpop (xrf2);
	[tilespmem:$0x10600] =	vst v63  }
0x136: {  	_ =	swait.ge [sflag:s5], $0x1000  }
0x137: {  	[sflag:s5] =	ssyncset.done $0x0  }
0x138: {  	[sflag:s5] =	ssyncadd.s32 $0xFFFFF000  }
0x139: {  	v28 =	vsel vm5, $0x0, v26;
	_ =	swait.ge [sflag:s5], $0x1000  }
0x13a: {  	(xrf0) =	vadd.scan.msk.s32 $0xffff, v28  }
0x13b: {  	v29 =	vsel vm5, $0x0, v25  }
0x13c: {  	(xrf0) =	vadd.scan.msk.s32 $0xffff, v29;
	_ =	sdelay $0x3  }
0x13d: {  	v30, _, _ =	vpop (xrf0)  }
0x13e: {  	(v2sf) =	vpush v30, $0xF  }
0x13f: {  	v31, _, _ =	vpop (xrf0)  }
0x140: {  	(v2sf) =	vpush v31, $0xF;
	_ =	sdelay $0xc  }
0x141: {  	s30 =	spop (v2sf)  }
0x142: {  	v32 =	vsel vm8, $0x0, v26;
	s0 =	sand.u32 $0x7F, s30  }
0x143: {  	v35 =	vsel vm8, $0x0, v25;
	(xrf0) =	vadd.scan.msk.s32 $0xffff, v32;
	s31 =	spop (v2sf);
	v33 =	vor.u32 s0, v10  }
0x144: {  	(xrf0) =	vadd.scan.msk.s32 $0xffff, v35;
	s3 =	sand.u32 $0x7F, s31;
	v34 =	vor.u32 s0, v11  }
0x145: {  	v36 =	vor.u32 s3, v10  }
0x146: {  	[sflag:s5] =	ssyncset.done $0x0;
	v37 =	vor.u32 s3, v11  }
0x147: {  	[sflag:s5] =	ssyncadd.s32 $0xFFFFF000  }
0x148: {  	v23 =	vld.idx.msk [tilespmem:v33+s23+$0x0], $0xffff  }
0x149: {  	v29, _, _ =	vpop (xrf0);
	v24 =	vld.idx.msk [tilespmem:v34+s23+$0x0], $0xffff  }
0x14a: {  	v38, _, _ =	vpop (xrf0);
	(v2sf) =	vpush v29, $0xF;
	v28 =	vld.idx.msk [tilespmem:v36+s24+$0x0], $0xffff  }
0x14b: {  	(v2sf) =	vpush v38, $0xF;
	v27 =	vld.idx.msk [tilespmem:v37+s24+$0x0], $0xffff;
	_ =	sdelay $0x4  }
0x14c: {  	v23 =	vmul.f32 v28, v23;
	v24 =	vmul.f32 v27, v24;
	_ =	sdelay $0x1  }
0x14d: {  	v23 =	vadd.f32 v24, v23;
	_ =	sdelay $0x1  }
0x14e: {  	(xrf2) =	vadd.scan.msk.f32 $0xffff, v23;
	_ =	sdelay $0x4  }
0x14f: {  	s30 =	spop (v2sf)  }
0x150: {  	s15 =	sand.u32 $0xFFFFF80, s30;
	s31 =	spop (v2sf)  }
0x151: {  	s16 =	simm.s32 $0x5400;
	s0 =	sadd.s32 s1, s15;
	s17 =	sand.u32 $0xFFFFF80, s31  }
0x152: {  	[tilespmem:s16], [sflag:$0x2] =	stream.strided.gather [hbm4b:s0+s23], $0x1000, s22, s23, $0x38;
	[tilespmem:$0x10600] =	vst v63  }
0x153: {  	s18 =	simm.s32 $0xD400;
	s0 =	sadd.s32 s2, s17  }
0x154: {  	[tilespmem:s18], [sflag:$0x2] =	stream.strided.gather [hbm4b:s0+s23], $0x1000, s22, s23, $0x38;
	v23, _, _ =	vpop (xrf2);
	[tilespmem:$0x10600] =	vst v63  }
0x155: {  	_ =	swait.ge [sflag:s5], $0x1000  }
0x156: {  	[sflag:s5] =	ssyncset.done $0x0  }
0x157: {  	[sflag:s5] =	ssyncadd.s32 $0xFFFFF000  }
0x158: {  	v39 =	vsel vm6, $0x0, v26;
	_ =	swait.ge [sflag:s5], $0x1000  }
0x159: {  	(xrf0) =	vadd.scan.msk.s32 $0xffff, v39  }
0x15a: {  	v40 =	vsel vm6, $0x0, v25  }
0x15b: {  	(xrf0) =	vadd.scan.msk.s32 $0xffff, v40;
	_ =	sdelay $0x3  }
0x15c: {  	v41, _, _ =	vpop (xrf0)  }
0x15d: {  	(v2sf) =	vpush v41, $0xF  }
0x15e: {  	v42, _, _ =	vpop (xrf0)  }
0x15f: {  	(v2sf) =	vpush v42, $0xF;
	_ =	sdelay $0xb  }
0x160: {  	v43 =	vsel vm9, $0x0, v26  }
0x161: {  	(xrf0) =	vadd.scan.msk.s32 $0xffff, v43;
	s15 =	spop (v2sf)  }
0x162: {  	s0 =	sand.u32 $0x7F, s15  }
0x163: {  	s16 =	spop (v2sf);
	v44 =	vor.u32 s0, v12  }
0x164: {  	v46 =	vsel vm9, $0x0, v25;
	s3 =	sand.u32 $0x7F, s16;
	v45 =	vor.u32 s0, v13  }
0x165: {  	(xrf0) =	vadd.scan.msk.s32 $0xffff, v46;
	v47 =	vor.u32 s3, v12  }
0x166: {  	[sflag:s5] =	ssyncset.done $0x0;
	v48 =	vor.u32 s3, v13  }
0x167: {  	[sflag:s5] =	ssyncadd.s32 $0xFFFFF000;
	v30, _, _ =	vpop (xrf0)  }
0x168: {  	(v2sf) =	vpush v30, $0xF;
	v24 =	vld.idx.msk [tilespmem:v44+s23+$0x0], $0xffff  }
0x169: {  	v27 =	vld.idx.msk [tilespmem:v45+s23+$0x0], $0xffff  }
0x16a: {  	v29 =	vld.idx.msk [tilespmem:v47+s24+$0x0], $0xffff  }
0x16b: {  	v49, _, _ =	vpop (xrf0);
	v28 =	vld.idx.msk [tilespmem:v48+s24+$0x0], $0xffff  }
0x16c: {  	(v2sf) =	vpush v49, $0xF;
	_ =	sdelay $0x3  }
0x16d: {  	v24 =	vmul.f32 v29, v24;
	v27 =	vmul.f32 v28, v27;
	_ =	sdelay $0x1  }
0x16e: {  	v24 =	vadd.f32 v27, v24;
	_ =	sdelay $0x1  }
0x16f: {  	(xrf2) =	vadd.scan.msk.f32 $0xffff, v24;
	_ =	sdelay $0x2  }
0x170: {  	s0 =	spop (v2sf)  }
0x171: {  	s17 =	sand.u32 $0xFFFFF80, s0  }
0x172: {  	s15 =	simm.s32 $0x6400;
	s3 =	sadd.s32 s1, s17  }
0x173: {  	[tilespmem:s15], [sflag:$0x2] =	stream.strided.gather [hbm4b:s3+s23], $0x1000, s22, s23, $0x38;
	[tilespmem:$0x10600] =	vst v63  }
0x174: {  	s3 =	spop (v2sf)  }
0x175: {  	s18 =	sand.u32 $0xFFFFF80, s3  }
0x176: {  	s16 =	simm.s32 $0xE400;
	s15 =	sadd.s32 s2, s18  }
0x177: {  	[tilespmem:s16], [sflag:$0x2] =	stream.strided.gather [hbm4b:s15+s23], $0x1000, s22, s23, $0x38;
	v24, _, _ =	vpop (xrf2);
	[tilespmem:$0x10600] =	vst v63  }
0x178: {  	_ =	swait.ge [sflag:s5], $0x1000  }
0x179: {  	[sflag:s5] =	ssyncset.done $0x0  }
0x17a: {  	[sflag:s5] =	ssyncadd.s32 $0xFFFFF000  }
0x17b: {  	v50 =	vsel vm7, $0x0, v26;
	_ =	swait.ge [sflag:s5], $0x1000  }
0x17c: {  	(xrf0) =	vadd.scan.msk.s32 $0xffff, v50  }
0x17d: {  	v51 =	vsel vm7, $0x0, v25  }
0x17e: {  	(xrf0) =	vadd.scan.msk.s32 $0xffff, v51;
	_ =	sdelay $0x3  }
0x17f: {  	v52, _, _ =	vpop (xrf0)  }
0x180: {  	(v2sf) =	vpush v52, $0xF  }
0x181: {  	v53, _, _ =	vpop (xrf0)  }
0x182: {  	(v2sf) =	vpush v53, $0xF;
	_ =	sdelay $0xa  }
0x183: {  	vm10 =	vmmov $0x7fff  }
0x184: {  	v26 =	vsel vm10, $0x0, v26  }
0x185: {  	(xrf0) =	vadd.scan.msk.s32 $0xffff, v26;
	s16 =	spop (v2sf)  }
0x186: {  	s15 =	sand.u32 $0x7F, s16  }
0x187: {  	s17 =	spop (v2sf);
	v54 =	vor.u32 s15, v14  }
0x188: {  	v25 =	vsel vm10, $0x0, v25;
	s16 =	sand.u32 $0x7F, s17;
	v55 =	vor.u32 s15, v15  }
0x189: {  	(xrf0) =	vadd.scan.msk.s32 $0xffff, v25;
	v56 =	vor.u32 s16, v14  }
0x18a: {  	[sflag:s5] =	ssyncset.done $0x0;
	v57 =	vor.u32 s16, v15  }
0x18b: {  	[sflag:s5] =	ssyncadd.s32 $0xFFFFF000;
	v58, _, _ =	vpop (xrf0)  }
0x18c: {  	(v2sf) =	vpush v58, $0xF;
	v26 =	vld.idx.msk [tilespmem:v54+s23+$0x0], $0xffff  }
0x18d: {  	v27 =	vld.idx.msk [tilespmem:v55+s23+$0x0], $0xffff  }
0x18e: {  	v28 =	vld.idx.msk [tilespmem:v56+s24+$0x0], $0xffff  }
0x18f: {  	v59, _, _ =	vpop (xrf0);
	v25 =	vld.idx.msk [tilespmem:v57+s24+$0x0], $0xffff  }
0x190: {  	(v2sf) =	vpush v59, $0xF;
	_ =	sdelay $0x3  }
0x191: {  	v26 =	vmul.f32 v28, v26;
	v25 =	vmul.f32 v25, v27;
	_ =	sdelay $0x1  }
0x192: {  	v25 =	vadd.f32 v25, v26;
	_ =	sdelay $0x1  }
0x193: {  	(xrf2) =	vadd.scan.msk.f32 $0xffff, v25;
	_ =	sdelay $0x2  }
0x194: {  	s15 =	spop (v2sf)  }
0x195: {  	s18 =	sand.u32 $0xFFFFF80, s15  }
0x196: {  	s16 =	sadd.s32 s1, s18  }
0x197: {  	[tilespmem:s19], [sflag:$0x2] =	stream.strided.gather [hbm4b:s16+s23], $0x1000, s22, s23, $0x38;
	[tilespmem:$0x10600] =	vst v63  }
0x198: {  	s16 =	spop (v2sf)  }
0x199: {  	s17 =	sand.u32 $0xFFFFF80, s16  }
0x19a: {  	s17 =	sadd.s32 s2, s17  }
0x19b: {  	[tilespmem:s20], [sflag:$0x2] =	stream.strided.gather [hbm4b:s17+s23], $0x1000, s22, s23, $0x38;
	v25, _, _ =	vpop (xrf2);
	[tilespmem:$0x10600] =	vst v63  }
0x19c: {  	_ =	swait.ge [sflag:s5], $0x1000  }
0x19d: {  	p0 =	seq.s32 s9, $0x200;
	[sflag:s5] =	ssyncset.done $0x0  }
0x19e: {  	vm11 =	vmmov @!p0 $0x1;
	[sflag:s5] =	ssyncadd.s32 $0xFFFFF000  }
0x19f: {  	v26 =	vnsel @!p0 vm11, $0x0, v17;
	_ =	swait.ge [sflag:s5], $0x1000  }
0x1a0: {  	(xrf0) =	vadd.scan.msk.s32 @!p0 $0xffff, v26  }
0x1a1: {  	s12 =	sand.u32 $0x7F, s12  }
0x1a2: {  	v60 =	vor.u32 s12, v0  }
0x1a3: {  	s13 =	sand.u32 $0x7F, s13;
	v61 =	vor.u32 s12, v1;
	v28 =	vnsel @!p0 vm11, $0x0, v16  }
0x1a4: {  	v62 =	vor.u32 s13, v0;
	(xrf0) =	vadd.scan.msk.s32 @!p0 $0xffff, v28  }
0x1a5: {  	v63 =	vor.u32 s13, v1;
	[sflag:s5] =	ssyncset.done $0x0  }
0x1a6: {  	[sflag:s5] =	ssyncadd.s32 $0xFFFFF000;
	v30, _, _ =	vpop @!p0 (xrf0)  }
0x1a7: {  	v26 =	vld.idx.msk [tilespmem:v60+s23+$0x0], $0xffff;
	(v2sf) =	vpush @!p0 v30, $0xF  }
0x1a8: {  	v27 =	vld.idx.msk [tilespmem:v61+s23+$0x0], $0xffff  }
0x1a9: {  	v29 =	vld.idx.msk [tilespmem:v62+s24+$0x0], $0xffff  }
0x1aa: {  	v28 =	vld.idx.msk [tilespmem:v63+s24+$0x0], $0xffff;
	v30, _, _ =	vpop @!p0 (xrf0)  }
0x1ab: {  	(v2sf) =	vpush @!p0 v30, $0xF;
	_ =	sdelay $0x3  }
0x1ac: {  	v26 =	vmul.f32 v29, v26;
	v27 =	vmul.f32 v28, v27;
	_ =	sdelay $0x1  }
0x1ad: {  	v26 =	vadd.f32 v27, v26;
	_ =	sdelay $0x1  }
0x1ae: {  	(xrf2) =	vadd.scan.msk.f32 $0xffff, v26;
	_ =	sdelay $0x2  }
0x1af: {  	s12 =	spop @!p0 (v2sf)  }
0x1b0: {  	s12 =	sand.u32 @!p0 $0xFFFFF80, s12  }
0x1b1: {  	s13 =	simm.s32 @!p0 $0x400;
	s17 =	sadd.s32 @!p0 s1, s12;
	s12 =	simm.s32 @!p0 $0x7A1400  }
0x1b2: {  	[tilespmem:s13], [sflag:$0x2] =	stream.strided.gather @!p0 [hbm4b:s17+s13], $0x1000, s12, s13, $0x38;
	[tilespmem:$0x10600] =	vst v63  }
0x1b3: {  	s17 =	spop @!p0 (v2sf)  }
0x1b4: {  	s17 =	sand.u32 @!p0 $0xFFFFF80, s17  }
0x1b5: {  	s18 =	simm.s32 @!p0 $0x8400;
	s17 =	sadd.s32 @!p0 s2, s17  }
0x1b6: {  	v26, _, _ =	vpop (xrf2);
	[tilespmem:s18], [sflag:$0x2] =	stream.strided.gather @!p0 [hbm4b:s17+s13], $0x1000, s12, s13, $0x38;
	[tilespmem:$0x10600] =	vst v63  }
0x1b7: {  	_ =	swait.ge [sflag:s5], $0x1000  }
0x1b8: {  	[sflag:s5] =	ssyncset.done $0x0  }
0x1b9: {  	vm11 =	vcmask @!p0 $0x308;
	[sflag:s5] =	ssyncadd.s32 $0xFFFFF000  }
0x1ba: {  	v27 =	vsel @!p0 vm11, $0x0, v17;
	_ =	swait.ge [sflag:s5], $0x1000  }
0x1bb: {  	(xrf0) =	vadd.scan.msk.s32 @!p0 $0xffff, v27  }
0x1bc: {  	s14 =	sand.u32 $0x7F, s14  }
0x1bd: {  	v33 =	vor.u32 s14, v2  }
0x1be: {  	s6 =	sand.u32 $0x7F, s6;
	v34 =	vor.u32 s14, v3;
	v29 =	vsel @!p0 vm11, $0x0, v16  }
0x1bf: {  	v35 =	vor.u32 s6, v2;
	(xrf0) =	vadd.scan.msk.s32 @!p0 $0xffff, v29  }
0x1c0: {  	v36 =	vor.u32 s6, v3;
	[sflag:s5] =	ssyncset.done $0x0  }
0x1c1: {  	[sflag:s5] =	ssyncadd.s32 $0xFFFFF000;
	v31, _, _ =	vpop @!p0 (xrf0)  }
0x1c2: {  	v27 =	vld.idx.msk [tilespmem:v33+s23+$0x0], $0xffff;
	(v2sf) =	vpush @!p0 v31, $0xF  }
0x1c3: {  	v28 =	vld.idx.msk [tilespmem:v34+s23+$0x0], $0xffff  }
0x1c4: {  	v30 =	vld.idx.msk [tilespmem:v35+s24+$0x0], $0xffff  }
0x1c5: {  	v29 =	vld.idx.msk [tilespmem:v36+s24+$0x0], $0xffff;
	v31, _, _ =	vpop @!p0 (xrf0)  }
0x1c6: {  	(v2sf) =	vpush @!p0 v31, $0xF;
	_ =	sdelay $0x3  }
0x1c7: {  	v27 =	vmul.f32 v30, v27;
	v28 =	vmul.f32 v29, v28;
	_ =	sdelay $0x1  }
0x1c8: {  	v27 =	vadd.f32 v28, v27;
	_ =	sdelay $0x1  }
0x1c9: {  	(xrf2) =	vadd.scan.msk.f32 $0xffff, v27;
	_ =	sdelay $0x2  }
0x1ca: {  	s6 =	spop @!p0 (v2sf)  }
0x1cb: {  	s6 =	sand.u32 @!p0 $0xFFFFF80, s6  }
0x1cc: {  	s14 =	simm.s32 @!p0 $0x1400;
	s6 =	sadd.s32 @!p0 s1, s6  }
0x1cd: {  	[tilespmem:s14], [sflag:$0x2] =	stream.strided.gather @!p0 [hbm4b:s6+s13], $0x1000, s12, s13, $0x38;
	[tilespmem:$0x10600] =	vst v63  }
0x1ce: {  	s6 =	spop @!p0 (v2sf)  }
0x1cf: {  	s6 =	sand.u32 @!p0 $0xFFFFF80, s6  }
0x1d0: {  	s14 =	simm.s32 @!p0 $0x9400;
	s6 =	sadd.s32 @!p0 s2, s6  }
0x1d1: {  	v27, _, _ =	vpop (xrf2);
	[tilespmem:s14], [sflag:$0x2] =	stream.strided.gather @!p0 [hbm4b:s6+s13], $0x1000, s12, s13, $0x38;
	[tilespmem:$0x10600] =	vst v63  }
0x1d2: {  	_ =	swait.ge [sflag:s5], $0x1000  }
0x1d3: {  	[sflag:s5] =	ssyncset.done $0x0  }
0x1d4: {  	vm11 =	vcmask @!p0 $0x70C;
	[sflag:s5] =	ssyncadd.s32 $0xFFFFF000  }
0x1d5: {  	v28 =	vsel @!p0 vm11, $0x0, v17;
	_ =	swait.ge [sflag:s5], $0x1000  }
0x1d6: {  	(xrf0) =	vadd.scan.msk.s32 @!p0 $0xffff, v28  }
0x1d7: {  	s4 =	sand.u32 $0x7F, s4  }
0x1d8: {  	v37 =	vor.u32 s4, v4  }
0x1d9: {  	v38 =	vor.u32 s4, v5;
	v30 =	vsel @!p0 vm11, $0x0, v16;
	s14 =	sand.u32 $0x7F, s7  }
0x1da: {  	v39 =	vor.u32 s14, v4;
	(xrf0) =	vadd.scan.msk.s32 @!p0 $0xffff, v30  }
0x1db: {  	v40 =	vor.u32 s14, v5;
	[sflag:s5] =	ssyncset.done $0x0  }
0x1dc: {  	[sflag:s5] =	ssyncadd.s32 $0xFFFFF000;
	v32, _, _ =	vpop @!p0 (xrf0)  }
0x1dd: {  	v28 =	vld.idx.msk [tilespmem:v37+s23+$0x0], $0xffff;
	(v2sf) =	vpush @!p0 v32, $0xF  }
0x1de: {  	v29 =	vld.idx.msk [tilespmem:v38+s23+$0x0], $0xffff  }
0x1df: {  	v31 =	vld.idx.msk [tilespmem:v39+s24+$0x0], $0xffff  }
0x1e0: {  	v30 =	vld.idx.msk [tilespmem:v40+s24+$0x0], $0xffff;
	v32, _, _ =	vpop @!p0 (xrf0)  }
0x1e1: {  	(v2sf) =	vpush @!p0 v32, $0xF;
	_ =	sdelay $0x3  }
0x1e2: {  	v28 =	vmul.f32 v31, v28;
	v29 =	vmul.f32 v30, v29;
	_ =	sdelay $0x1  }
0x1e3: {  	v28 =	vadd.f32 v29, v28;
	_ =	sdelay $0x1  }
0x1e4: {  	(xrf2) =	vadd.scan.msk.f32 $0xffff, v28;
	_ =	sdelay $0x2  }
0x1e5: {  	s4 =	spop @!p0 (v2sf)  }
0x1e6: {  	s4 =	sand.u32 @!p0 $0xFFFFF80, s4  }
0x1e7: {  	s6 =	simm.s32 @!p0 $0x2400;
	s4 =	sadd.s32 @!p0 s1, s4  }
0x1e8: {  	[tilespmem:s6], [sflag:$0x2] =	stream.strided.gather @!p0 [hbm4b:s4+s13], $0x1000, s12, s13, $0x38;
	[tilespmem:$0x10600] =	vst v63  }
0x1e9: {  	s4 =	spop @!p0 (v2sf)  }
0x1ea: {  	s4 =	sand.u32 @!p0 $0xFFFFF80, s4  }
0x1eb: {  	s6 =	simm.s32 @!p0 $0xA400;
	s4 =	sadd.s32 @!p0 s2, s4  }
0x1ec: {  	v28, _, _ =	vpop (xrf2);
	[tilespmem:s6], [sflag:$0x2] =	stream.strided.gather @!p0 [hbm4b:s4+s13], $0x1000, s12, s13, $0x38;
	[tilespmem:$0x10600] =	vst v63  }
0x1ed: {  	_ =	swait.ge [sflag:s5], $0x1000  }
0x1ee: {  	[sflag:s5] =	ssyncset.done $0x0  }
0x1ef: {  	vm11 =	vcmask @!p0 $0xB10;
	[sflag:s5] =	ssyncadd.s32 $0xFFFFF000  }
0x1f0: {  	v29 =	vsel @!p0 vm11, $0x0, v17;
	_ =	swait.ge [sflag:s5], $0x1000  }
0x1f1: {  	(xrf0) =	vadd.scan.msk.s32 @!p0 $0xffff, v29  }
0x1f2: {  	s17 =	sand.u32 $0x7F, s25  }
0x1f3: {  	v41 =	vor.u32 s17, v6  }
0x1f4: {  	s18 =	sand.u32 $0x7F, s26;
	v42 =	vor.u32 s17, v7;
	v31 =	vsel @!p0 vm11, $0x0, v16  }
0x1f5: {  	v43 =	vor.u32 s18, v6;
	(xrf0) =	vadd.scan.msk.s32 @!p0 $0xffff, v31  }
0x1f6: {  	v44 =	vor.u32 s18, v7;
	[sflag:s5] =	ssyncset.done $0x0  }
0x1f7: {  	[sflag:s5] =	ssyncadd.s32 $0xFFFFF000;
	v33, _, _ =	vpop @!p0 (xrf0)  }
0x1f8: {  	v29 =	vld.idx.msk [tilespmem:v41+s23+$0x0], $0xffff;
	(v2sf) =	vpush @!p0 v33, $0xF  }
0x1f9: {  	v30 =	vld.idx.msk [tilespmem:v42+s23+$0x0], $0xffff  }
0x1fa: {  	v32 =	vld.idx.msk [tilespmem:v43+s24+$0x0], $0xffff  }
0x1fb: {  	v31 =	vld.idx.msk [tilespmem:v44+s24+$0x0], $0xffff;
	v33, _, _ =	vpop @!p0 (xrf0)  }
0x1fc: {  	(v2sf) =	vpush @!p0 v33, $0xF;
	_ =	sdelay $0x3  }
0x1fd: {  	v29 =	vmul.f32 v32, v29;
	v30 =	vmul.f32 v31, v30;
	_ =	sdelay $0x1  }
0x1fe: {  	v29 =	vadd.f32 v30, v29;
	_ =	sdelay $0x1  }
0x1ff: {  	(xrf2) =	vadd.scan.msk.f32 $0xffff, v29;
	_ =	sdelay $0x2  }
0x200: {  	s4 =	spop @!p0 (v2sf)  }
0x201: {  	s4 =	sand.u32 @!p0 $0xFFFFF80, s4  }
0x202: {  	s6 =	simm.s32 @!p0 $0x3400;
	s4 =	sadd.s32 @!p0 s1, s4  }
0x203: {  	[tilespmem:s6], [sflag:$0x2] =	stream.strided.gather @!p0 [hbm4b:s4+s13], $0x1000, s12, s13, $0x38;
	[tilespmem:$0x10600] =	vst v63  }
0x204: {  	s4 =	spop @!p0 (v2sf)  }
0x205: {  	s4 =	sand.u32 @!p0 $0xFFFFF80, s4  }
0x206: {  	s6 =	simm.s32 @!p0 $0xB400;
	s4 =	sadd.s32 @!p0 s2, s4  }
0x207: {  	v29, _, _ =	vpop (xrf2);
	[tilespmem:s6], [sflag:$0x2] =	stream.strided.gather @!p0 [hbm4b:s4+s13], $0x1000, s12, s13, $0x38;
	[tilespmem:$0x10600] =	vst v63  }
0x208: {  	_ =	swait.ge [sflag:s5], $0x1000  }
0x209: {  	[sflag:s5] =	ssyncset.done $0x0  }
0x20a: {  	vm11 =	vcmask @!p0 $0xF14;
	[sflag:s5] =	ssyncadd.s32 $0xFFFFF000  }
0x20b: {  	v30 =	vsel @!p0 vm11, $0x0, v17;
	_ =	swait.ge [sflag:s5], $0x1000  }
0x20c: {  	(xrf0) =	vadd.scan.msk.s32 @!p0 $0xffff, v30  }
0x20d: {  	s25 =	sand.u32 $0x7F, s28  }
0x20e: {  	v45 =	vor.u32 s25, v8  }
0x20f: {  	s26 =	sand.u32 $0x7F, s29;
	v46 =	vor.u32 s25, v9;
	v32 =	vsel @!p0 vm11, $0x0, v16  }
0x210: {  	v47 =	vor.u32 s26, v8;
	(xrf0) =	vadd.scan.msk.s32 @!p0 $0xffff, v32  }
0x211: {  	v48 =	vor.u32 s26, v9;
	[sflag:s5] =	ssyncset.done $0x0  }
0x212: {  	[sflag:s5] =	ssyncadd.s32 $0xFFFFF000;
	v34, _, _ =	vpop @!p0 (xrf0)  }
0x213: {  	v30 =	vld.idx.msk [tilespmem:v45+s23+$0x0], $0xffff;
	(v2sf) =	vpush @!p0 v34, $0xF  }
0x214: {  	v31 =	vld.idx.msk [tilespmem:v46+s23+$0x0], $0xffff  }
0x215: {  	v33 =	vld.idx.msk [tilespmem:v47+s24+$0x0], $0xffff  }
0x216: {  	v32 =	vld.idx.msk [tilespmem:v48+s24+$0x0], $0xffff;
	v34, _, _ =	vpop @!p0 (xrf0)  }
0x217: {  	(v2sf) =	vpush @!p0 v34, $0xF;
	_ =	sdelay $0x3  }
0x218: {  	v30 =	vmul.f32 v33, v30;
	v31 =	vmul.f32 v32, v31;
	_ =	sdelay $0x1  }
0x219: {  	v30 =	vadd.f32 v31, v30;
	_ =	sdelay $0x1  }
0x21a: {  	(xrf2) =	vadd.scan.msk.f32 $0xffff, v30;
	_ =	sdelay $0x2  }
0x21b: {  	s4 =	spop @!p0 (v2sf)  }
0x21c: {  	s4 =	sand.u32 @!p0 $0xFFFFF80, s4  }
0x21d: {  	s6 =	simm.s32 @!p0 $0x4400;
	s4 =	sadd.s32 @!p0 s1, s4  }
0x21e: {  	[tilespmem:s6], [sflag:$0x2] =	stream.strided.gather @!p0 [hbm4b:s4+s13], $0x1000, s12, s13, $0x38;
	[tilespmem:$0x10600] =	vst v63  }
0x21f: {  	s4 =	spop @!p0 (v2sf)  }
0x220: {  	s4 =	sand.u32 @!p0 $0xFFFFF80, s4  }
0x221: {  	s6 =	simm.s32 @!p0 $0xC400;
	s4 =	sadd.s32 @!p0 s2, s4  }
0x222: {  	v30, _, _ =	vpop (xrf2);
	[tilespmem:s6], [sflag:$0x2] =	stream.strided.gather @!p0 [hbm4b:s4+s13], $0x1000, s12, s13, $0x38;
	[tilespmem:$0x10600] =	vst v63  }
0x223: {  	_ =	swait.ge [sflag:s5], $0x1000  }
0x224: {  	[sflag:s5] =	ssyncset.done $0x0  }
0x225: {  	vm11 =	vcmask @!p0 $0x1318;
	[sflag:s5] =	ssyncadd.s32 $0xFFFFF000  }
0x226: {  	v31 =	vsel @!p0 vm11, $0x0, v17;
	_ =	swait.ge [sflag:s5], $0x1000  }
0x227: {  	(xrf0) =	vadd.scan.msk.s32 @!p0 $0xffff, v31  }
0x228: {  	s28 =	sand.u32 $0x7F, s30  }
0x229: {  	v49 =	vor.u32 s28, v10  }
0x22a: {  	s29 =	sand.u32 $0x7F, s31;
	v50 =	vor.u32 s28, v11;
	v33 =	vsel @!p0 vm11, $0x0, v16  }
0x22b: {  	v51 =	vor.u32 s29, v10;
	(xrf0) =	vadd.scan.msk.s32 @!p0 $0xffff, v33  }
0x22c: {  	v52 =	vor.u32 s29, v11;
	[sflag:s5] =	ssyncset.done $0x0  }
0x22d: {  	[sflag:s5] =	ssyncadd.s32 $0xFFFFF000;
	v35, _, _ =	vpop @!p0 (xrf0)  }
0x22e: {  	v31 =	vld.idx.msk [tilespmem:v49+s23+$0x0], $0xffff;
	(v2sf) =	vpush @!p0 v35, $0xF  }
0x22f: {  	v32 =	vld.idx.msk [tilespmem:v50+s23+$0x0], $0xffff  }
0x230: {  	v34 =	vld.idx.msk [tilespmem:v51+s24+$0x0], $0xffff  }
0x231: {  	v33 =	vld.idx.msk [tilespmem:v52+s24+$0x0], $0xffff;
	v35, _, _ =	vpop @!p0 (xrf0)  }
0x232: {  	(v2sf) =	vpush @!p0 v35, $0xF;
	_ =	sdelay $0x3  }
0x233: {  	v31 =	vmul.f32 v34, v31;
	v32 =	vmul.f32 v33, v32;
	_ =	sdelay $0x1  }
0x234: {  	v31 =	vadd.f32 v32, v31;
	_ =	sdelay $0x1  }
0x235: {  	(xrf2) =	vadd.scan.msk.f32 $0xffff, v31;
	_ =	sdelay $0x2  }
0x236: {  	s4 =	spop @!p0 (v2sf)  }
0x237: {  	s4 =	sand.u32 @!p0 $0xFFFFF80, s4  }
0x238: {  	s6 =	simm.s32 @!p0 $0x5400;
	s4 =	sadd.s32 @!p0 s1, s4  }
0x239: {  	[tilespmem:s6], [sflag:$0x2] =	stream.strided.gather @!p0 [hbm4b:s4+s13], $0x1000, s12, s13, $0x38;
	[tilespmem:$0x10600] =	vst v63  }
0x23a: {  	s4 =	spop @!p0 (v2sf)  }
0x23b: {  	s4 =	sand.u32 @!p0 $0xFFFFF80, s4  }
0x23c: {  	s6 =	simm.s32 @!p0 $0xD400;
	s4 =	sadd.s32 @!p0 s2, s4  }
0x23d: {  	v31, _, _ =	vpop (xrf2);
	[tilespmem:s6], [sflag:$0x2] =	stream.strided.gather @!p0 [hbm4b:s4+s13], $0x1000, s12, s13, $0x38;
	[tilespmem:$0x10600] =	vst v63  }
0x23e: {  	_ =	swait.ge [sflag:s5], $0x1000  }
0x23f: {  	[sflag:s5] =	ssyncset.done $0x0  }
0x240: {  	vm11 =	vcmask @!p0 $0x171C;
	[sflag:s5] =	ssyncadd.s32 $0xFFFFF000  }
0x241: {  	v32 =	vsel @!p0 vm11, $0x0, v17;
	_ =	swait.ge [sflag:s5], $0x1000  }
0x242: {  	(xrf0) =	vadd.scan.msk.s32 @!p0 $0xffff, v32  }
0x243: {  	s0 =	sand.u32 $0x7F, s0  }
0x244: {  	v53 =	vor.u32 s0, v12  }
0x245: {  	s3 =	sand.u32 $0x7F, s3;
	v54 =	vor.u32 s0, v13;
	v34 =	vsel @!p0 vm11, $0x0, v16  }
0x246: {  	v55 =	vor.u32 s3, v12;
	(xrf0) =	vadd.scan.msk.s32 @!p0 $0xffff, v34  }
0x247: {  	v56 =	vor.u32 s3, v13;
	[sflag:s5] =	ssyncset.done $0x0  }
0x248: {  	[sflag:s5] =	ssyncadd.s32 $0xFFFFF000;
	v36, _, _ =	vpop @!p0 (xrf0)  }
0x249: {  	v32 =	vld.idx.msk [tilespmem:v53+s23+$0x0], $0xffff;
	(v2sf) =	vpush @!p0 v36, $0xF  }
0x24a: {  	v33 =	vld.idx.msk [tilespmem:v54+s23+$0x0], $0xffff  }
0x24b: {  	v35 =	vld.idx.msk [tilespmem:v55+s24+$0x0], $0xffff  }
0x24c: {  	v34 =	vld.idx.msk [tilespmem:v56+s24+$0x0], $0xffff;
	v36, _, _ =	vpop @!p0 (xrf0)  }
0x24d: {  	(v2sf) =	vpush @!p0 v36, $0xF;
	_ =	sdelay $0x3  }
0x24e: {  	v32 =	vmul.f32 v35, v32;
	v33 =	vmul.f32 v34, v33;
	_ =	sdelay $0x1  }
0x24f: {  	v32 =	vadd.f32 v33, v32;
	_ =	sdelay $0x1  }
0x250: {  	(xrf2) =	vadd.scan.msk.f32 $0xffff, v32;
	_ =	sdelay $0x2  }
0x251: {  	s0 =	spop @!p0 (v2sf)  }
0x252: {  	s0 =	sand.u32 @!p0 $0xFFFFF80, s0  }
0x253: {  	s3 =	simm.s32 @!p0 $0x6400;
	s0 =	sadd.s32 @!p0 s1, s0  }
0x254: {  	[tilespmem:s3], [sflag:$0x2] =	stream.strided.gather @!p0 [hbm4b:s0+s13], $0x1000, s12, s13, $0x38;
	[tilespmem:$0x10600] =	vst v63  }
0x255: {  	s0 =	spop @!p0 (v2sf)  }
0x256: {  	s0 =	sand.u32 @!p0 $0xFFFFF80, s0  }
0x257: {  	s3 =	simm.s32 @!p0 $0xE400;
	s0 =	sadd.s32 @!p0 s2, s0  }
0x258: {  	v32, _, _ =	vpop (xrf2);
	[tilespmem:s3], [sflag:$0x2] =	stream.strided.gather @!p0 [hbm4b:s0+s13], $0x1000, s12, s13, $0x38;
	[tilespmem:$0x10600] =	vst v63  }
0x259: {  	s30 =	sand.u32 $0x7F, s15;
	_ =	swait.ge [sflag:s5], $0x1000  }
0x25a: {  	s31 =	sand.u32 $0x7F, s16;
	v57 =	vor.u32 s30, v14;
	[sflag:s5] =	ssyncset.done $0x0  }
0x25b: {  	v58 =	vor.u32 s31, v14;
	[sflag:s5] =	ssyncadd.s32 $0xFFFFF000  }
0x25c: {  	v59 =	vor.u32 s30, v15;
	_ =	swait.ge [sflag:s5], $0x1000  }
0x25d: {  	v60 =	vor.u32 s31, v15;
	[sflag:s5] =	ssyncset.done $0x0  }
0x25e: {  	[sflag:s5] =	ssyncadd.s32 $0xFFFFF000  }
0x25f: {  	v33 =	vld.idx.msk [tilespmem:v57+s23+$0x0], $0xffff  }
0x260: {  	v34 =	vld.idx.msk [tilespmem:v58+s24+$0x0], $0xffff  }
0x261: {  	v35 =	vld.idx.msk [tilespmem:v59+s23+$0x0], $0xffff  }
0x262: {  	v36 =	vld.idx.msk [tilespmem:v60+s24+$0x0], $0xffff  }
0x263: {  	v62 =	vld [tilespmem:$0x1FFF0];
	_ =	sdelay $0x1  }
0x264: {  	v18 =	vbroadcast v18, $0xF  }
0x265: {  	v19 =	vbroadcast v19, $0xF;
	v20 =	vbroadcast v20, $0xF  }
0x266: {  	v33 =	vmul.f32 v34, v33;
	v61 =	vmul.f32 v36, v35  }
0x267: {  	v18 =	vsel vm0, v18, v19;
	v19 =	vbroadcast v21, $0xF;
	vm11 =	vnez.u8 v62  }
0x268: {  	v63 =	vbroadcast v22, $0xF;
	v18 =	vsel vm11, v18, v20;
	v20 =	vadd.f32 v61, v33  }
0x269: {  	v18 =	vsel vm12, v18, v19;
	v19 =	vbroadcast v23, $0xF  }
0x26a: {  	vm11 =	vmmov $0x1f;
	v18 =	vsel vm14, v18, v63;
	(xrf2) =	vadd.scan.msk.f32 $0xffff, v20;
	v20 =	vbroadcast v24, $0xF  }
0x26b: {  	v18 =	vsel vm11, v18, v19;
	vm11 =	vmmov $0x3f;
	v19 =	vbroadcast v25, $0xF  }
0x26c: {  	v18 =	vsel vm11, v18, v20;
	vm11 =	vmmov $0x7f;
	v20 =	vbroadcast v26, $0xF  }
0x26d: {  	v18 =	vsel vm11, v18, v19;
	vm11 =	vmmov $0xff;
	v19 =	vbroadcast v27, $0xF  }
0x26e: {  	v18 =	vsel vm11, v18, v20;
	v20 =	vbroadcast v28, $0xF;
	vm11 =	vcmask $0x2724  }
0x26f: {  	v18 =	vsel vm11, v19, v18;
	v19 =	vbroadcast v29, $0xF;
	vm11 =	vcmask $0x2B28  }
0x270: {  	v18 =	vsel vm11, v20, v18;
	vm11 =	vcmask $0x2F2C  }
0x271: {  	p0 =	sne.s32 s9, $0x200;
	v20 =	vbroadcast v30, $0xF;
	v18 =	vsel vm11, v19, v18;
	v19 =	vbroadcast v31, $0xF  }
.Ltmp2:
0x272: {  	vm11 =	vcmask $0x3330;
	(pc) =	sbr.rel @!p0 .LBB2_3-.Ltmp2, $4  }
0x273: {  	v18 =	vsel vm11, v20, v18;
	v20 =	vbroadcast v32, $0xF;
	vm11 =	vcmask $0x3734  }
0x274: {  	v18 =	vsel vm11, v19, v18;
	vm11 =	vcmask $0x3B38  }
0x275: {  	v18 =	vsel vm11, v20, v18;
	v19, _, _ =	vpop (xrf2)  }
0x276: {  	v18 =	vsel vm10, v18, v19  }
0x277: {  	v17 =	vsel vm7, $0x0, v17  }
0x278: {  	(xrf0) =	vadd.scan.msk.s32 $0xffff, v17;
	_ =	sdelay $0x2  }
0x279: {  	v16 =	vsel vm7, $0x0, v16  }
0x27a: {  	(xrf0) =	vadd.scan.msk.s32 $0xffff, v16;
	_ =	sdelay $0x1  }
0x27b: {  	v16, _, _ =	vpop (xrf0)  }
0x27c: {  	(v2sf) =	vpush v16, $0xF;
	_ =	sdelay $0x2  }
0x27d: {  	v16, _, _ =	vpop (xrf0)  }
0x27e: {  	(v2sf) =	vpush v16, $0xF;
	_ =	sdelay $0xa  }
0x27f: {  	s0 =	spop (v2sf)  }
0x280: {  	s9 =	sadd.s32 $0x10, s9;
	s0 =	sand.u32 $0xFFFFF80, s0  }
0x281: {  	p0 =	sne.s32 s9, $0x210;
	s0 =	sadd.s32 s1, s0  }
0x282: {  	[tilespmem:s19], [sflag:$0x2] =	stream.strided.gather [hbm4b:s0+s23], $0x1000, s22, s23, $0x38;
	[tilespmem:$0x10600] =	vst v63  }
.Ltmp3:
0x283: {  	s31 =	spop (v2sf);
	(pc) =	sbr.rel @p0 .LBB2_2-.Ltmp3, $4  }
.Ltmp4:
0x284: {  	s0 =	sand.u32 $0xFFFFF80, s31;
	(pc) =	sbr.rel @!p0 .LBB2_5-.Ltmp4, $4  }
0x285: {  	s0 =	sadd.s32 s2, s0  }
0x286: {  	[tilespmem:s20], [sflag:$0x2] =	stream.strided.gather [hbm4b:s0+s23], $0x1000, s22, s23, $0x38;
	[tilespmem:$0x10600] =	vst v63  }
0x287: {  	s11 =	sadd.s32 $0x10, s11;
	s8 =	sadd.s32 $0x10, s8;
	[tilespmem:s10+$0x0] =	vst v18;
	s10 =	sadd.s32 $0x10, s10  }
0x288: {  	_ = 	snop  }
.LBB2_6:
0x289: {  	_ =	sfence.sel $0x180000  }
0x28a: {  	[bflag:$0x0] =	sbarrier.arrive $0xFFFF  }
0x28b: {  	_ =	strace $0x90000047  }
0x28c: {  	s0 =	stileid.u32;
	[bflag:$0x2] =	sbarrier.arrive $0xFFFF  }
0x28d: {  	p0 =	sne.s32 s0, $0x0;
	s0 =	rddreg [dreg:$0x5]  }
0x28e: {  	s0 =	sadd.s32 @!p0 $0x100000, s0  }
0x28f: {  	[sflag:s0] =	ssyncadd.tile.s32 @!p0 $0x1;
	_ =	shalt  }
.Lfunc_end2:
_tile_overlayer_lowered:
.L_overlay_start_2:
0x290: {  	(tag) =	ssettag $0x2  }
0x291: {  	s0 =	rddreg [dreg:$0x0];
	s2 =	stileid.u32  }
0x292: {  	s1 =	rddreg [dreg:$0x1];
	p0 =	sne.s32 s2, $0x0  }
0x293: {  	s3 =	rddreg [dreg:$0x2];
	[bflag:$0x3] =	sbarrier.arrive $0xFFFF;
	s2 =	simm.s32 @!p0 $0x1C03  }
0x294: {  	[timem:s3], [sflag:s2] =	dma.local @!p0 [hbm:s0], s1  }
0x295: {  	s0 =	simm.s32 @!p0 $0x3  }
0x296: {  	_ =	swait.ge @!p0 [sflag:s0], s1  }
0x297: {  	s1 =	ssub.s32 @!p0 $0x0, s1;
	[sflag:s0] =	ssyncset.done @!p0 $0x0  }
0x298: {  	[sflag:s0] =	ssyncadd.s32 @!p0 s1  }
0x299: {  	[bflag:$0x3] =	sbarrier.arrive $0xFFFF  }
0x29a: {  	_ =	shalt  }

</sc_bundles>
